<compile_context>
chip_gen: v7x
topology: tpu7x:2x2x1
jax: 0.10.2.dev20260603
libtpu: 0.0.44.dev20260713+nightly
codegen_flags: <defaults>
</compile_context>

<pallas_src>
import functools

import jax
import jax.numpy as jnp
from jax import lax
from jax.experimental import pallas as pl
from jax.experimental.pallas import tpu as pltpu
from jax.experimental.pallas import tpu_sc as plsc

T = 2048
H = 768
E = 64
I = 768
BLK = 128
L = 12288
NB = L // BLK
NPAIR = 2 * T
Z_COEF = 0.001
LB_COEF = 0.01

NW = 32
TPW = T // NW


def _router_body(x_ref, rw_ref, destA_ref, destB_ref, wA_ref, wB_ref,
                 be_ref, nused_ref, aux_ref):
    logits = jnp.dot(x_ref[...], rw_ref[...],
                     preferred_element_type=jnp.float32)
    m = jnp.max(logits, axis=1, keepdims=True)
    ex = jnp.exp(logits - m)
    s = jnp.sum(ex, axis=1, keepdims=True)
    probs = ex / s

    iotaE = lax.broadcasted_iota(jnp.int32, (T, E), 1)
    l1 = jnp.max(logits, axis=1, keepdims=True)
    a1 = jnp.min(jnp.where(logits == l1, iotaE, E), axis=1, keepdims=True)
    logits_m = jnp.where(iotaE == a1, -jnp.inf, logits)
    l2 = jnp.max(logits_m, axis=1, keepdims=True)
    a2 = jnp.min(jnp.where(logits_m == l2, iotaE, E), axis=1, keepdims=True)

    ohA = (iotaE == a1).astype(jnp.float32)
    ohB = (iotaE == a2).astype(jnp.float32)
    p1 = jnp.sum(ohA * probs, axis=1, keepdims=True)
    p2 = jnp.sum(ohB * probs, axis=1, keepdims=True)
    wsum = p1 + p2
    ones16 = jnp.ones((1, 16), jnp.float32)
    wA_ref[...] = (p1 / wsum) * ones16
    wB_ref[...] = (p2 / wsum) * ones16
    counts = jnp.sum(ohA, axis=0, keepdims=True) + jnp.sum(ohB, axis=0,
                                                           keepdims=True)
    pc = jnp.floor((counts + (BLK - 1)) * (1.0 / BLK)).astype(jnp.float32)
    pc = pc * BLK
    c64 = pc
    sh = 1
    while sh < E:
        c64 = c64 + jnp.concatenate(
            [jnp.zeros((1, sh), jnp.float32), c64[:, :E - sh]], axis=1)
        sh *= 2
    off = c64 - pc

    oh = jnp.concatenate([ohA, ohB], axis=0)
    c = oh
    sh = 1
    while sh < NPAIR:
        c = c + jnp.concatenate(
            [jnp.zeros((sh, E), jnp.float32), c[:NPAIR - sh]], axis=0)
        sh *= 2
    cex = c - oh
    dest = jnp.sum((cex + off) * oh, axis=1, keepdims=True)
    desti = dest.astype(jnp.int32)
    destA_ref[...] = desti[:T]
    destB_ref[...] = desti[T:]

    row_start = lax.broadcasted_iota(jnp.int32, (NB, E), 0).astype(
        jnp.float32) * BLK
    ind = jnp.logical_and(row_start >= off, row_start < off + pc)
    lane_e = lax.broadcasted_iota(jnp.int32, (NB, E), 1).astype(jnp.float32)
    be_raw = jnp.sum(jnp.where(ind, lane_e, 0.0), axis=1, keepdims=True)
    used = jnp.sum(ind.astype(jnp.float32), axis=1, keepdims=True) > 0
    e_last = jnp.max(jnp.where(counts > 0,
                               lax.broadcasted_iota(jnp.int32, (1, E), 1)
                               .astype(jnp.float32), -1.0))
    be_ref[...] = jnp.where(used, be_raw, e_last).astype(jnp.int32)
    nused_ref[...] = (jnp.sum(pc, axis=1, keepdims=True)
                      * (1.0 / BLK)).astype(jnp.int32)

    lse = m + jnp.log(s)
    z_loss = Z_COEF * jnp.mean(lse * lse)
    util = counts * (1.0 / T)
    mean_prob = jnp.sum(probs, axis=0, keepdims=True) * (1.0 / T)
    lb_loss = LB_COEF * jnp.sum(util * mean_prob)
    aux_ref[...] = jnp.full((1, 1), 0.0) + z_loss + lb_loss


_router = pl.pallas_call(
    _router_body,
    out_shape=[
        jax.ShapeDtypeStruct((T, 1), jnp.int32),
        jax.ShapeDtypeStruct((T, 1), jnp.int32),
        jax.ShapeDtypeStruct((T, 16), jnp.float32),
        jax.ShapeDtypeStruct((T, 16), jnp.float32),
        jax.ShapeDtypeStruct((NB, 1), jnp.int32),
        jax.ShapeDtypeStruct((1, 1), jnp.int32),
        jax.ShapeDtypeStruct((1, 1), jnp.float32),
    ],
)


def _gmm_body(be_ref, nu_ref, x_ref, g_ref, u_ref, d_ref, o_ref):
    i = pl.program_id(0)

    @pl.when(i < nu_ref[0])
    def _():
        xv = x_ref[...]
        g = jnp.dot(xv, g_ref[0], preferred_element_type=jnp.float32)
        u = jnp.dot(xv, u_ref[0], preferred_element_type=jnp.float32)
        h = (g / (1.0 + jnp.exp(-g))) * u
        o_ref[...] = jnp.dot(h, d_ref[0], preferred_element_type=jnp.float32)


_gmm = pl.pallas_call(
    _gmm_body,
    grid_spec=pltpu.PrefetchScalarGridSpec(
        num_scalar_prefetch=2,
        grid=(NB,),
        in_specs=[
            pl.BlockSpec((BLK, H),
                         lambda i, be, nu: (jnp.minimum(i, nu[0] - 1), 0)),
            pl.BlockSpec((1, H, I), lambda i, be, nu: (be[i], 0, 0)),
            pl.BlockSpec((1, H, I), lambda i, be, nu: (be[i], 0, 0)),
            pl.BlockSpec((1, I, H), lambda i, be, nu: (be[i], 0, 0)),
        ],
        out_specs=pl.BlockSpec(
            (BLK, H), lambda i, be, nu: (jnp.minimum(i, nu[0] - 1), 0)),
    ),
    out_shape=jax.ShapeDtypeStruct((L, H), jnp.float32),
)

@functools.lru_cache(maxsize=1)
def _sc_kernels():
    mesh = plsc.VectorSubcoreMesh(core_axis_name="c", subcore_axis_name="s")

    @functools.partial(
        pl.kernel,
        out_type=jax.ShapeDtypeStruct((L, H), jnp.float32),
        mesh=mesh,
        scratch_types=[
            pltpu.VMEM((TPW, H), jnp.float32),
            pltpu.VMEM((TPW,), jnp.int32),
            pltpu.VMEM((TPW,), jnp.int32),
            pltpu.SemaphoreType.DMA,
            pltpu.SemaphoreType.DMA,
        ],
    )
    def dispatch(x_hbm, destA_hbm, destB_hbm, out_hbm, rows_v, idxA_v,
                 idxB_v, semA, semB):
        wid = lax.axis_index("s") * 2 + lax.axis_index("c")
        base = wid * TPW
        pltpu.sync_copy(x_hbm.at[pl.ds(base, TPW)], rows_v)
        pltpu.sync_copy(destA_hbm.at[pl.ds(base, TPW)], idxA_v)
        pltpu.sync_copy(destB_hbm.at[pl.ds(base, TPW)], idxB_v)
        cpA = pltpu.async_copy(rows_v, out_hbm.at[idxA_v], semA)
        cpB = pltpu.async_copy(rows_v, out_hbm.at[idxB_v], semB)
        cpA.wait()
        cpB.wait()

    HLF = TPW // 2

    @functools.partial(
        pl.kernel,
        out_type=jax.ShapeDtypeStruct((T, H), jnp.float32),
        mesh=mesh,
        scratch_types=[
            pltpu.VMEM((TPW, H), jnp.float32),
            pltpu.VMEM((TPW, H), jnp.float32),
            pltpu.VMEM((TPW,), jnp.int32),
            pltpu.VMEM((TPW,), jnp.int32),
            pltpu.VMEM((TPW, 16), jnp.float32),
            pltpu.VMEM((TPW, 16), jnp.float32),
            pltpu.SemaphoreType.DMA,
            pltpu.SemaphoreType.DMA,
        ],
    )
    def combine(y_hbm, destA_hbm, destB_hbm, wA_hbm, wB_hbm, out_hbm,
                bufA, bufB, idxA_v, idxB_v, wa_v, wb_v, semA, semB):
        wid = lax.axis_index("s") * 2 + lax.axis_index("c")
        base = wid * TPW
        pltpu.sync_copy(destA_hbm.at[pl.ds(base, TPW)], idxA_v)
        pltpu.sync_copy(destB_hbm.at[pl.ds(base, TPW)], idxB_v)
        pltpu.sync_copy(wA_hbm.at[pl.ds(base, TPW)], wa_v)
        pltpu.sync_copy(wB_hbm.at[pl.ds(base, TPW)], wb_v)
        cps = []
        for h0, sem in ((0, semA), (HLF, semB)):
            cps.append(pltpu.async_copy(
                y_hbm.at[idxA_v.at[pl.ds(h0, HLF)]],
                bufA.at[pl.ds(h0, HLF)], sem))
            cps.append(pltpu.async_copy(
                y_hbm.at[idxB_v.at[pl.ds(h0, HLF)]],
                bufB.at[pl.ds(h0, HLF)], sem))

        def row_body(t, carry):
            wa_s = wa_v[t, :]
            wb_s = wb_v[t, :]
            for j in range(H // 16):
                a = bufA[t, pl.ds(j * 16, 16)]
                b = bufB[t, pl.ds(j * 16, 16)]
                bufA[t, pl.ds(j * 16, 16)] = a * wa_s + b * wb_s
            return carry

        cps[0].wait()
        cps[1].wait()
        lax.fori_loop(0, HLF, row_body, 0)
        wb_out = pltpu.async_copy(bufA.at[pl.ds(0, HLF)],
                                  out_hbm.at[pl.ds(base, HLF)], semA)
        cps[2].wait()
        cps[3].wait()
        lax.fori_loop(HLF, TPW, row_body, 0)
        wb_out.wait()
        pltpu.sync_copy(bufA.at[pl.ds(HLF, HLF)],
                        out_hbm.at[pl.ds(base + HLF, HLF)])

    return dispatch, combine


def kernel(hidden_states, router_w, gate_w, up_w, down_w):
    b, s, h = hidden_states.shape
    x = hidden_states.reshape(T, H)
    destA2, destB2, wA2, wB2, be2, nused2, aux2 = _router(x, router_w)
    destA = destA2.reshape(T)
    destB = destB2.reshape(T)
    be = be2.reshape(NB)
    nused = nused2.reshape(1)

    dispatch, combine = _sc_kernels()
    sorted_x = dispatch(x, destA, destB)
    y = _gmm(be, nused, sorted_x, gate_w, up_w, down_w)
    out = combine(y, destA, destB, wA2, wB2)
    return out.reshape(b, s, h), aux2.reshape(())

# --- scband reference (transcript-rebuilt; emitter-appended) ---
"""Pipeline reference for scband-mo-elayer-7267084665018 (READ-ONLY COPY).

The authoritative reference and input builder live on the scoring server;
editing this copy changes nothing except your own understanding.
"""

import jax, jax.numpy as jnp
import numpy as np
from jax.scipy.special import logsumexp

B, S, H = 1, 2048, 768
E = 64
K = 2
I = 768  # expert_intermediate_size overrides intermediate_size
Z_COEF = 0.001
LB_COEF = 0.01


def setup_inputs(seed: int = 0) -> dict:
    key = jax.random.key(seed)
    k0, k1, k2, k3, k4 = jax.random.split(key, 5)
    scale = 0.02
    return {
        "hidden_states": jax.random.normal(k0, (B, S, H), dtype=jnp.float32),
        "router_w": jax.random.normal(k1, (H, E), dtype=jnp.float32) * scale,
        "gate_w": jax.random.normal(k2, (E, H, I), dtype=jnp.float32) * scale,
        "up_w": jax.random.normal(k3, (E, H, I), dtype=jnp.float32) * scale,
        "down_w": jax.random.normal(k4, (E, I, H), dtype=jnp.float32) * scale,
    }


def reference(hidden_states, router_w, gate_w, up_w, down_w):
    b, s, h = hidden_states.shape
    # Router
    router_logits = hidden_states @ router_w  # [B, S, E]
    router_probs = jax.nn.softmax(router_logits.astype(jnp.float32), axis=-1)
    expert_weights, expert_indices = jax.lax.top_k(router_probs, K)  # [B,S,K]
    expert_weights = expert_weights / expert_weights.sum(axis=-1, keepdims=True)

    x = hidden_states.reshape(-1, h)            # [T, H]
    ew = expert_weights.reshape(-1, K)           # [T, K]
    ei = expert_indices.reshape(-1, K)           # [T, K]

    onehot = jax.nn.one_hot(ei, E, dtype=jnp.float32)      # [T, K, E]
    # combined per-expert weight per token (0 if expert not selected)
    w_all = (ew[..., None] * onehot).sum(axis=1)            # [T, E]
    expert_mask = (onehot.sum(axis=1) > 0).astype(jnp.float32)  # [T, E]

    output = jnp.zeros_like(x)
    for e in range(E):
        gate = jax.nn.silu(x @ gate_w[e])
        up = x @ up_w[e]
        expert_out = (gate * up) @ down_w[e]
        output = output + expert_out * w_all[:, e:e + 1]
    output = output.reshape(b, s, h)

    # Aux losses
    z_loss = Z_COEF * jnp.mean(jnp.square(logsumexp(router_logits, axis=-1)))
    expert_utilization = expert_mask.sum(axis=0) / (b * s)
    expert_prob = jax.nn.softmax(router_logits, axis=-1).mean(axis=(0, 1))
    lb_loss = LB_COEF * (expert_utilization * expert_prob).sum()
    aux_loss = z_loss + lb_loss
    return output, aux_loss

if __name__ == "__main__":
    import jax
    _d = setup_inputs()
    print(jax.jit(kernel)(*tuple(_d.values())))

</pallas_src>

<mosaic_0001>
#map = affine_map<(d0, d1) -> (0, 0)>
#map1 = affine_map<(d0, d1) -> (0)>
module attributes {stable_mosaic.version = 14 : i64} {
  func.func @combine(%arg0: i32, %arg1: i32, %arg2: memref<12288x768xf32, #tpu.memory_space<hbm>>, %arg3: memref<2048xi32, #tpu.memory_space<hbm>>, %arg4: memref<2048xi32, #tpu.memory_space<hbm>>, %arg5: memref<2048x16xf32, #tpu.memory_space<hbm>>, %arg6: memref<2048x16xf32, #tpu.memory_space<hbm>>, %arg7: memref<2048x768xf32, #tpu.memory_space<hbm>>, %arg8: memref<64x768xf32, #tpu.memory_space<vmem>>, %arg9: memref<64x768xf32, #tpu.memory_space<vmem>>, %arg10: memref<64xi32, #tpu.memory_space<vmem>>, %arg11: memref<64xi32, #tpu.memory_space<vmem>>, %arg12: memref<64x16xf32, #tpu.memory_space<vmem>>, %arg13: memref<64x16xf32, #tpu.memory_space<vmem>>, %arg14: memref<!tpu.dma_semaphore, #tpu.memory_space<semaphore_mem>>, %arg15: memref<!tpu.dma_semaphore, #tpu.memory_space<semaphore_mem>>) attributes {dimension_semantics = [#tpu.dimension_semantics<core_parallel>, #tpu.dimension_semantics<subcore_parallel>], iteration_bounds = array<i64: 2, 16>, scalar_prefetch = 0 : i64, scratch_operands = 8 : i64, tpu.core_type = #tpu.core_type<sc_vector_subcore>, window_params = [{transform_indices = #map}, {transform_indices = #map1}, {transform_indices = #map1}, {transform_indices = #map}, {transform_indices = #map}, {transform_indices = #map}]} {
    %mul3A = arith.constant 2 : i32
    %mul3A_0 = arith.muli %arg1, %mul3A : i32
    %add3A = arith.addi %mul3A_0, %arg0 : i32
    %mul3A_1 = arith.constant 64 : i32
    %mul3A_2 = arith.muli %add3A, %mul3A_1 : i32
    "tpu.region"() ({
      %run_scoped3A = tpu.sem_alloc : memref<!tpu.dma_semaphore, #tpu.memory_space<semaphore_mem>>
      %dma_start3A_98 = tpu.memref_slice %arg3[%mul3A_2] : memref<2048xi32, #tpu.memory_space<hbm>> -> memref<64xi32, #tpu.memory_space<hbm>>
      %dma_start3A_99 = tpu.memref_slice %arg3[%mul3A_2] : memref<2048xi32, #tpu.memory_space<hbm>> -> memref<64xi32, #tpu.memory_space<hbm>>
      tpu.enqueue_dma source(%dma_start3A_99 : memref<64xi32, #tpu.memory_space<hbm>>) target(%arg10 : memref<64xi32, #tpu.memory_space<vmem>>) target_semaphore(%run_scoped3A : memref<!tpu.dma_semaphore, #tpu.memory_space<semaphore_mem>>)
      %dma_wait3A_100 = tpu.memref_slice %arg3[%mul3A_2] : memref<2048xi32, #tpu.memory_space<hbm>> -> memref<64xi32, #tpu.memory_space<hbm>>
      %dma_wait3A_101 = tpu.memref_slice %arg3[%mul3A_2] : memref<2048xi32, #tpu.memory_space<hbm>> -> memref<64xi32, #tpu.memory_space<hbm>>
      tpu.wait_dma2 semaphore(%run_scoped3A : memref<!tpu.dma_semaphore, #tpu.memory_space<semaphore_mem>>) src(%dma_wait3A_101 : memref<64xi32, #tpu.memory_space<hbm>>) dst(%arg10 : memref<64xi32, #tpu.memory_space<vmem>>)
      tpu.yield
    }) : () -> ()
    "tpu.region"() ({
      %run_scoped3A = tpu.sem_alloc : memref<!tpu.dma_semaphore, #tpu.memory_space<semaphore_mem>>
      %dma_start3A_98 = tpu.memref_slice %arg4[%mul3A_2] : memref<2048xi32, #tpu.memory_space<hbm>> -> memref<64xi32, #tpu.memory_space<hbm>>
      %dma_start3A_99 = tpu.memref_slice %arg4[%mul3A_2] : memref<2048xi32, #tpu.memory_space<hbm>> -> memref<64xi32, #tpu.memory_space<hbm>>
      tpu.enqueue_dma source(%dma_start3A_99 : memref<64xi32, #tpu.memory_space<hbm>>) target(%arg11 : memref<64xi32, #tpu.memory_space<vmem>>) target_semaphore(%run_scoped3A : memref<!tpu.dma_semaphore, #tpu.memory_space<semaphore_mem>>)
      %dma_wait3A_100 = tpu.memref_slice %arg4[%mul3A_2] : memref<2048xi32, #tpu.memory_space<hbm>> -> memref<64xi32, #tpu.memory_space<hbm>>
      %dma_wait3A_101 = tpu.memref_slice %arg4[%mul3A_2] : memref<2048xi32, #tpu.memory_space<hbm>> -> memref<64xi32, #tpu.memory_space<hbm>>
      tpu.wait_dma2 semaphore(%run_scoped3A : memref<!tpu.dma_semaphore, #tpu.memory_space<semaphore_mem>>) src(%dma_wait3A_101 : memref<64xi32, #tpu.memory_space<hbm>>) dst(%arg11 : memref<64xi32, #tpu.memory_space<vmem>>)
      tpu.yield
    }) : () -> ()
    "tpu.region"() ({
      %run_scoped3A = tpu.sem_alloc : memref<!tpu.dma_semaphore, #tpu.memory_space<semaphore_mem>>
      %dma_start3A_98 = arith.constant 0 : i32
      %dma_start3A_99 = tpu.memref_slice %arg5[%mul3A_2, %dma_start3A_98] : memref<2048x16xf32, #tpu.memory_space<hbm>> -> memref<64x16xf32, #tpu.memory_space<hbm>>
      %dma_start3A_100 = arith.constant 0 : i32
      %dma_start3A_101 = tpu.memref_slice %arg5[%mul3A_2, %dma_start3A_100] : memref<2048x16xf32, #tpu.memory_space<hbm>> -> memref<64x16xf32, #tpu.memory_space<hbm>>
      tpu.enqueue_dma source(%dma_start3A_101 : memref<64x16xf32, #tpu.memory_space<hbm>>) target(%arg12 : memref<64x16xf32, #tpu.memory_space<vmem>>) target_semaphore(%run_scoped3A : memref<!tpu.dma_semaphore, #tpu.memory_space<semaphore_mem>>)
      %dma_wait3A_102 = arith.constant 0 : i32
      %dma_wait3A_103 = tpu.memref_slice %arg5[%mul3A_2, %dma_wait3A_102] : memref<2048x16xf32, #tpu.memory_space<hbm>> -> memref<64x16xf32, #tpu.memory_space<hbm>>
      %dma_wait3A_104 = arith.constant 0 : i32
      %dma_wait3A_105 = tpu.memref_slice %arg5[%mul3A_2, %dma_wait3A_104] : memref<2048x16xf32, #tpu.memory_space<hbm>> -> memref<64x16xf32, #tpu.memory_space<hbm>>
      tpu.wait_dma2 semaphore(%run_scoped3A : memref<!tpu.dma_semaphore, #tpu.memory_space<semaphore_mem>>) src(%dma_wait3A_105 : memref<64x16xf32, #tpu.memory_space<hbm>>) dst(%arg12 : memref<64x16xf32, #tpu.memory_space<vmem>>)
      tpu.yield
    }) : () -> ()
    "tpu.region"() ({
      %run_scoped3A = tpu.sem_alloc : memref<!tpu.dma_semaphore, #tpu.memory_space<semaphore_mem>>
      %dma_start3A_98 = arith.constant 0 : i32
      %dma_start3A_99 = tpu.memref_slice %arg6[%mul3A_2, %dma_start3A_98] : memref<2048x16xf32, #tpu.memory_space<hbm>> -> memref<64x16xf32, #tpu.memory_space<hbm>>
      %dma_start3A_100 = arith.constant 0 : i32
      %dma_start3A_101 = tpu.memref_slice %arg6[%mul3A_2, %dma_start3A_100] : memref<2048x16xf32, #tpu.memory_space<hbm>> -> memref<64x16xf32, #tpu.memory_space<hbm>>
      tpu.enqueue_dma source(%dma_start3A_101 : memref<64x16xf32, #tpu.memory_space<hbm>>) target(%arg13 : memref<64x16xf32, #tpu.memory_space<vmem>>) target_semaphore(%run_scoped3A : memref<!tpu.dma_semaphore, #tpu.memory_space<semaphore_mem>>)
      %dma_wait3A_102 = arith.constant 0 : i32
      %dma_wait3A_103 = tpu.memref_slice %arg6[%mul3A_2, %dma_wait3A_102] : memref<2048x16xf32, #tpu.memory_space<hbm>> -> memref<64x16xf32, #tpu.memory_space<hbm>>
      %dma_wait3A_104 = arith.constant 0 : i32
      %dma_wait3A_105 = tpu.memref_slice %arg6[%mul3A_2, %dma_wait3A_104] : memref<2048x16xf32, #tpu.memory_space<hbm>> -> memref<64x16xf32, #tpu.memory_space<hbm>>
      tpu.wait_dma2 semaphore(%run_scoped3A : memref<!tpu.dma_semaphore, #tpu.memory_space<semaphore_mem>>) src(%dma_wait3A_105 : memref<64x16xf32, #tpu.memory_space<hbm>>) dst(%arg13 : memref<64x16xf32, #tpu.memory_space<vmem>>)
      tpu.yield
    }) : () -> ()
    %dma_start3A = arith.constant 0 : i32
    %dma_start3A_3 = arith.constant 0 : i32
    %dma_start3A_4 = tpu.memref_slice %arg8[%dma_start3A, %dma_start3A_3] : memref<64x768xf32, #tpu.memory_space<vmem>> -> memref<32x768xf32, #tpu.memory_space<vmem>>
    %dma_start3A_5 = arith.constant 0 : i32
    %dma_start3A_6 = tpu.memref_slice %arg10[%dma_start3A_5] : memref<64xi32, #tpu.memory_space<vmem>> -> memref<32xi32, #tpu.memory_space<vmem>>
    %dma_start3A_7 = arith.constant 0 : i32
    %dma_start3A_8 = arith.constant 0 : i32
    %dma_start3A_9 = tpu.memref_slice %arg2[%dma_start3A_7, %dma_start3A_8] : memref<12288x768xf32, #tpu.memory_space<hbm>> -> memref<12288x768xf32, #tpu.memory_space<hbm>>
    tpu.enqueue_indirect_dma source(%dma_start3A_9 : memref<12288x768xf32, #tpu.memory_space<hbm>>) target(%dma_start3A_4 : memref<32x768xf32, #tpu.memory_space<vmem>>) offsets(%dma_start3A_6 : memref<32xi32, #tpu.memory_space<vmem>>) semaphore(%arg14 : memref<!tpu.dma_semaphore, #tpu.memory_space<semaphore_mem>>)
    %dma_start3A_10 = arith.constant 0 : i32
    %dma_start3A_11 = arith.constant 0 : i32
    %dma_start3A_12 = tpu.memref_slice %arg9[%dma_start3A_10, %dma_start3A_11] : memref<64x768xf32, #tpu.memory_space<vmem>> -> memref<32x768xf32, #tpu.memory_space<vmem>>
    %dma_start3A_13 = arith.constant 0 : i32
    %dma_start3A_14 = tpu.memref_slice %arg11[%dma_start3A_13] : memref<64xi32, #tpu.memory_space<vmem>> -> memref<32xi32, #tpu.memory_space<vmem>>
    %dma_start3A_15 = arith.constant 0 : i32
    %dma_start3A_16 = arith.constant 0 : i32
    %dma_start3A_17 = tpu.memref_slice %arg2[%dma_start3A_15, %dma_start3A_16] : memref<12288x768xf32, #tpu.memory_space<hbm>> -> memref<12288x768xf32, #tpu.memory_space<hbm>>
    tpu.enqueue_indirect_dma source(%dma_start3A_17 : memref<12288x768xf32, #tpu.memory_space<hbm>>) target(%dma_start3A_12 : memref<32x768xf32, #tpu.memory_space<vmem>>) offsets(%dma_start3A_14 : memref<32xi32, #tpu.memory_space<vmem>>) semaphore(%arg14 : memref<!tpu.dma_semaphore, #tpu.memory_space<semaphore_mem>>)
    %dma_start3A_18 = arith.constant 32 : i32
    %dma_start3A_19 = arith.constant 0 : i32
    %dma_start3A_20 = tpu.memref_slice %arg8[%dma_start3A_18, %dma_start3A_19] : memref<64x768xf32, #tpu.memory_space<vmem>> -> memref<32x768xf32, #tpu.memory_space<vmem>>
    %dma_start3A_21 = arith.constant 32 : i32
    %dma_start3A_22 = tpu.memref_slice %arg10[%dma_start3A_21] : memref<64xi32, #tpu.memory_space<vmem>> -> memref<32xi32, #tpu.memory_space<vmem>>
    %dma_start3A_23 = arith.constant 0 : i32
    %dma_start3A_24 = arith.constant 0 : i32
    %dma_start3A_25 = tpu.memref_slice %arg2[%dma_start3A_23, %dma_start3A_24] : memref<12288x768xf32, #tpu.memory_space<hbm>> -> memref<12288x768xf32, #tpu.memory_space<hbm>>
    tpu.enqueue_indirect_dma source(%dma_start3A_25 : memref<12288x768xf32, #tpu.memory_space<hbm>>) target(%dma_start3A_20 : memref<32x768xf32, #tpu.memory_space<vmem>>) offsets(%dma_start3A_22 : memref<32xi32, #tpu.memory_space<vmem>>) semaphore(%arg15 : memref<!tpu.dma_semaphore, #tpu.memory_space<semaphore_mem>>)
    %dma_start3A_26 = arith.constant 32 : i32
    %dma_start3A_27 = arith.constant 0 : i32
    %dma_start3A_28 = tpu.memref_slice %arg9[%dma_start3A_26, %dma_start3A_27] : memref<64x768xf32, #tpu.memory_space<vmem>> -> memref<32x768xf32, #tpu.memory_space<vmem>>
    %dma_start3A_29 = arith.constant 32 : i32
    %dma_start3A_30 = tpu.memref_slice %arg11[%dma_start3A_29] : memref<64xi32, #tpu.memory_space<vmem>> -> memref<32xi32, #tpu.memory_space<vmem>>
    %dma_start3A_31 = arith.constant 0 : i32
    %dma_start3A_32 = arith.constant 0 : i32
    %dma_start3A_33 = tpu.memref_slice %arg2[%dma_start3A_31, %dma_start3A_32] : memref<12288x768xf32, #tpu.memory_space<hbm>> -> memref<12288x768xf32, #tpu.memory_space<hbm>>
    tpu.enqueue_indirect_dma source(%dma_start3A_33 : memref<12288x768xf32, #tpu.memory_space<hbm>>) target(%dma_start3A_28 : memref<32x768xf32, #tpu.memory_space<vmem>>) offsets(%dma_start3A_30 : memref<32xi32, #tpu.memory_space<vmem>>) semaphore(%arg15 : memref<!tpu.dma_semaphore, #tpu.memory_space<semaphore_mem>>)
    %dma_wait3A = arith.constant 0 : i32
    %dma_wait3A_34 = arith.constant 0 : i32
    %dma_wait3A_35 = tpu.memref_slice %arg8[%dma_wait3A, %dma_wait3A_34] : memref<64x768xf32, #tpu.memory_space<vmem>> -> memref<32x768xf32, #tpu.memory_space<vmem>>
    %dma_wait3A_36 = arith.constant 0 : i32
    %dma_wait3A_37 = tpu.memref_slice %arg10[%dma_wait3A_36] : memref<64xi32, #tpu.memory_space<vmem>> -> memref<32xi32, #tpu.memory_space<vmem>>
    %dma_wait3A_38 = arith.constant 0 : i32
    %dma_wait3A_39 = arith.constant 0 : i32
    %dma_wait3A_40 = tpu.memref_slice %arg2[%dma_wait3A_38, %dma_wait3A_39] : memref<12288x768xf32, #tpu.memory_space<hbm>> -> memref<12288x768xf32, #tpu.memory_space<hbm>>
    tpu.wait_indirect_dma semaphore(%arg14 : memref<!tpu.dma_semaphore, #tpu.memory_space<semaphore_mem>>) src(%dma_wait3A_40 : memref<12288x768xf32, #tpu.memory_space<hbm>>) dst(%dma_wait3A_35 : memref<32x768xf32, #tpu.memory_space<vmem>>)
    %dma_wait3A_41 = arith.constant 0 : i32
    %dma_wait3A_42 = arith.constant 0 : i32
    %dma_wait3A_43 = tpu.memref_slice %arg9[%dma_wait3A_41, %dma_wait3A_42] : memref<64x768xf32, #tpu.memory_space<vmem>> -> memref<32x768xf32, #tpu.memory_space<vmem>>
    %dma_wait3A_44 = arith.constant 0 : i32
    %dma_wait3A_45 = tpu.memref_slice %arg11[%dma_wait3A_44] : memref<64xi32, #tpu.memory_space<vmem>> -> memref<32xi32, #tpu.memory_space<vmem>>
    %dma_wait3A_46 = arith.constant 0 : i32
    %dma_wait3A_47 = arith.constant 0 : i32
    %dma_wait3A_48 = tpu.memref_slice %arg2[%dma_wait3A_46, %dma_wait3A_47] : memref<12288x768xf32, #tpu.memory_space<hbm>> -> memref<12288x768xf32, #tpu.memory_space<hbm>>
    tpu.wait_indirect_dma semaphore(%arg14 : memref<!tpu.dma_semaphore, #tpu.memory_space<semaphore_mem>>) src(%dma_wait3A_48 : memref<12288x768xf32, #tpu.memory_space<hbm>>) dst(%dma_wait3A_43 : memref<32x768xf32, #tpu.memory_space<vmem>>)
    %scan3A = arith.constant 0 : i32
    %scan3A_49 = arith.constant 0 : i32
    %scan3A_50 = arith.constant 32 : i32
    %scan3A_51 = arith.addi %scan3A_49, %scan3A_50 : i32
    %scan3A_52 = arith.constant 1 : i32
    scf.for %scan3A_98 = %scan3A_49 to %scan3A_51 step %scan3A_52  : i32 {
      %get3A = arith.index_cast %scan3A_98 : i32 to index
      %get3A_99 = arith.constant 0 : index
      %get3A_100 = tpu.vector_load %arg12[%get3A, %get3A_99] {strides = array<i32>} : memref<64x16xf32, #tpu.memory_space<vmem>>, vector<1x16xf32>,
      %get3A_101 = vector.shape_cast %get3A_100 : vector<1x16xf32> to vector<16xf32>
      %get3A_102 = arith.index_cast %scan3A_98 : i32 to index
      %get3A_103 = arith.constant 0 : index
      %get3A_104 = tpu.vector_load %arg13[%get3A_102, %get3A_103] {strides = array<i32>} : memref<64x16xf32, #tpu.memory_space<vmem>>, vector<1x16xf32>,
      %get3A_105 = vector.shape_cast %get3A_104 : vector<1x16xf32> to vector<16xf32>
      %get3A_106 = arith.index_cast %scan3A_98 : i32 to index
      %get3A_107 = arith.constant 0 : index
      %get3A_108 = tpu.vector_load %arg8[%get3A_106, %get3A_107] {strides = array<i32>} : memref<64x768xf32, #tpu.memory_space<vmem>>, vector<1x16xf32>,
      %get3A_109 = vector.shape_cast %get3A_108 : vector<1x16xf32> to vector<16xf32>
      %get3A_110 = arith.index_cast %scan3A_98 : i32 to index
      %get3A_111 = arith.constant 0 : index
      %get3A_112 = tpu.vector_load %arg9[%get3A_110, %get3A_111] {strides = array<i32>} : memref<64x768xf32, #tpu.memory_space<vmem>>, vector<1x16xf32>,
      %get3A_113 = vector.shape_cast %get3A_112 : vector<1x16xf32> to vector<16xf32>
      %mul3A_114 = arith.mulf %get3A_109, %get3A_101 : vector<16xf32>
      %mul3A_115 = arith.mulf %get3A_113, %get3A_105 : vector<16xf32>
      %add3A_116 = arith.addf %mul3A_114, %mul3A_115 : vector<16xf32>
      %swap3A = arith.index_cast %scan3A_98 : i32 to index
      %swap3A_117 = arith.constant 0 : index
      %swap3A_118 = tpu.vector_load %arg8[%swap3A, %swap3A_117] {strides = array<i32>} : memref<64x768xf32, #tpu.memory_space<vmem>>, vector<1x16xf32>,
      %swap3A_119 = vector.shape_cast %swap3A_118 : vector<1x16xf32> to vector<16xf32>
      %swap3A_120 = vector.shape_cast %add3A_116 : vector<16xf32> to vector<1x16xf32>
      tpu.vector_store %arg8[%swap3A, %swap3A_117], %swap3A_120 {strides = array<i32>} : memref<64x768xf32, #tpu.memory_space<vmem>>, vector<1x16xf32>,
      %get3A_121 = arith.index_cast %scan3A_98 : i32 to index
      %get3A_122 = arith.constant 16 : index
      %get3A_123 = tpu.vector_load %arg8[%get3A_121, %get3A_122] {strides = array<i32>} : memref<64x768xf32, #tpu.memory_space<vmem>>, vector<1x16xf32>,
      %get3A_124 = vector.shape_cast %get3A_123 : vector<1x16xf32> to vector<16xf32>
      %get3A_125 = arith.index_cast %scan3A_98 : i32 to index
      %get3A_126 = arith.constant 16 : index
      %get3A_127 = tpu.vector_load %arg9[%get3A_125, %get3A_126] {strides = array<i32>} : memref<64x768xf32, #tpu.memory_space<vmem>>, vector<1x16xf32>,
      %get3A_128 = vector.shape_cast %get3A_127 : vector<1x16xf32> to vector<16xf32>
      %mul3A_129 = arith.mulf %get3A_124, %get3A_101 : vector<16xf32>
      %mul3A_130 = arith.mulf %get3A_128, %get3A_105 : vector<16xf32>
      %add3A_131 = arith.addf %mul3A_129, %mul3A_130 : vector<16xf32>
      %swap3A_132 = arith.index_cast %scan3A_98 : i32 to index
      %swap3A_133 = arith.constant 16 : index
      %swap3A_134 = tpu.vector_load %arg8[%swap3A_132, %swap3A_133] {strides = array<i32>} : memref<64x768xf32, #tpu.memory_space<vmem>>, vector<1x16xf32>,
      %swap3A_135 = vector.shape_cast %swap3A_134 : vector<1x16xf32> to vector<16xf32>
      %swap3A_136 = vector.shape_cast %add3A_131 : vector<16xf32> to vector<1x16xf32>
      tpu.vector_store %arg8[%swap3A_132, %swap3A_133], %swap3A_136 {strides = array<i32>} : memref<64x768xf32, #tpu.memory_space<vmem>>, vector<1x16xf32>,
      %get3A_137 = arith.index_cast %scan3A_98 : i32 to index
      %get3A_138 = arith.constant 32 : index
      %get3A_139 = tpu.vector_load %arg8[%get3A_137, %get3A_138] {strides = array<i32>} : memref<64x768xf32, #tpu.memory_space<vmem>>, vector<1x16xf32>,
      %get3A_140 = vector.shape_cast %get3A_139 : vector<1x16xf32> to vector<16xf32>
      %get3A_141 = arith.index_cast %scan3A_98 : i32 to index
      %get3A_142 = arith.constant 32 : index
      %get3A_143 = tpu.vector_load %arg9[%get3A_141, %get3A_142] {strides = array<i32>} : memref<64x768xf32, #tpu.memory_space<vmem>>, vector<1x16xf32>,
      %get3A_144 = vector.shape_cast %get3A_143 : vector<1x16xf32> to vector<16xf32>
      %mul3A_145 = arith.mulf %get3A_140, %get3A_101 : vector<16xf32>
      %mul3A_146 = arith.mulf %get3A_144, %get3A_105 : vector<16xf32>
      %add3A_147 = arith.addf %mul3A_145, %mul3A_146 : vector<16xf32>
      %swap3A_148 = arith.index_cast %scan3A_98 : i32 to index
      %swap3A_149 = arith.constant 32 : index
      %swap3A_150 = tpu.vector_load %arg8[%swap3A_148, %swap3A_149] {strides = array<i32>} : memref<64x768xf32, #tpu.memory_space<vmem>>, vector<1x16xf32>,
      %swap3A_151 = vector.shape_cast %swap3A_150 : vector<1x16xf32> to vector<16xf32>
      %swap3A_152 = vector.shape_cast %add3A_147 : vector<16xf32> to vector<1x16xf32>
      tpu.vector_store %arg8[%swap3A_148, %swap3A_149], %swap3A_152 {strides = array<i32>} : memref<64x768xf32, #tpu.memory_space<vmem>>, vector<1x16xf32>,
      %get3A_153 = arith.index_cast %scan3A_98 : i32 to index
      %get3A_154 = arith.constant 48 : index
      %get3A_155 = tpu.vector_load %arg8[%get3A_153, %get3A_154] {strides = array<i32>} : memref<64x768xf32, #tpu.memory_space<vmem>>, vector<1x16xf32>,
      %get3A_156 = vector.shape_cast %get3A_155 : vector<1x16xf32> to vector<16xf32>
      %get3A_157 = arith.index_cast %scan3A_98 : i32 to index
      %get3A_158 = arith.constant 48 : index
      %get3A_159 = tpu.vector_load %arg9[%get3A_157, %get3A_158] {strides = array<i32>} : memref<64x768xf32, #tpu.memory_space<vmem>>, vector<1x16xf32>,
      %get3A_160 = vector.shape_cast %get3A_159 : vector<1x16xf32> to vector<16xf32>
      %mul3A_161 = arith.mulf %get3A_156, %get3A_101 : vector<16xf32>
      %mul3A_162 = arith.mulf %get3A_160, %get3A_105 : vector<16xf32>
      %add3A_163 = arith.addf %mul3A_161, %mul3A_162 : vector<16xf32>
      %swap3A_164 = arith.index_cast %scan3A_98 : i32 to index
      %swap3A_165 = arith.constant 48 : index
      %swap3A_166 = tpu.vector_load %arg8[%swap3A_164, %swap3A_165] {strides = array<i32>} : memref<64x768xf32, #tpu.memory_space<vmem>>, vector<1x16xf32>,
      %swap3A_167 = vector.shape_cast %swap3A_166 : vector<1x16xf32> to vector<16xf32>
      %swap3A_168 = vector.shape_cast %add3A_163 : vector<16xf32> to vector<1x16xf32>
      tpu.vector_store %arg8[%swap3A_164, %swap3A_165], %swap3A_168 {strides = array<i32>} : memref<64x768xf32, #tpu.memory_space<vmem>>, vector<1x16xf32>,
      %get3A_169 = arith.index_cast %scan3A_98 : i32 to index
      %get3A_170 = arith.constant 64 : index
      %get3A_171 = tpu.vector_load %arg8[%get3A_169, %get3A_170] {strides = array<i32>} : memref<64x768xf32, #tpu.memory_space<vmem>>, vector<1x16xf32>,
      %get3A_172 = vector.shape_cast %get3A_171 : vector<1x16xf32> to vector<16xf32>
      %get3A_173 = arith.index_cast %scan3A_98 : i32 to index
      %get3A_174 = arith.constant 64 : index
      %get3A_175 = tpu.vector_load %arg9[%get3A_173, %get3A_174] {strides = array<i32>} : memref<64x768xf32, #tpu.memory_space<vmem>>, vector<1x16xf32>,
      %get3A_176 = vector.shape_cast %get3A_175 : vector<1x16xf32> to vector<16xf32>
      %mul3A_177 = arith.mulf %get3A_172, %get3A_101 : vector<16xf32>
      %mul3A_178 = arith.mulf %get3A_176, %get3A_105 : vector<16xf32>
      %add3A_179 = arith.addf %mul3A_177, %mul3A_178 : vector<16xf32>
      %swap3A_180 = arith.index_cast %scan3A_98 : i32 to index
      %swap3A_181 = arith.constant 64 : index
      %swap3A_182 = tpu.vector_load %arg8[%swap3A_180, %swap3A_181] {strides = array<i32>} : memref<64x768xf32, #tpu.memory_space<vmem>>, vector<1x16xf32>,
      %swap3A_183 = vector.shape_cast %swap3A_182 : vector<1x16xf32> to vector<16xf32>
      %swap3A_184 = vector.shape_cast %add3A_179 : vector<16xf32> to vector<1x16xf32>
      tpu.vector_store %arg8[%swap3A_180, %swap3A_181], %swap3A_184 {strides = array<i32>} : memref<64x768xf32, #tpu.memory_space<vmem>>, vector<1x16xf32>,
      %get3A_185 = arith.index_cast %scan3A_98 : i32 to index
      %get3A_186 = arith.constant 80 : index
      %get3A_187 = tpu.vector_load %arg8[%get3A_185, %get3A_186] {strides = array<i32>} : memref<64x768xf32, #tpu.memory_space<vmem>>, vector<1x16xf32>,
      %get3A_188 = vector.shape_cast %get3A_187 : vector<1x16xf32> to vector<16xf32>
      %get3A_189 = arith.index_cast %scan3A_98 : i32 to index
      %get3A_190 = arith.constant 80 : index
      %get3A_191 = tpu.vector_load %arg9[%get3A_189, %get3A_190] {strides = array<i32>} : memref<64x768xf32, #tpu.memory_space<vmem>>, vector<1x16xf32>,
      %get3A_192 = vector.shape_cast %get3A_191 : vector<1x16xf32> to vector<16xf32>
      %mul3A_193 = arith.mulf %get3A_188, %get3A_101 : vector<16xf32>
      %mul3A_194 = arith.mulf %get3A_192, %get3A_105 : vector<16xf32>
      %add3A_195 = arith.addf %mul3A_193, %mul3A_194 : vector<16xf32>
      %swap3A_196 = arith.index_cast %scan3A_98 : i32 to index
      %swap3A_197 = arith.constant 80 : index
      %swap3A_198 = tpu.vector_load %arg8[%swap3A_196, %swap3A_197] {strides = array<i32>} : memref<64x768xf32, #tpu.memory_space<vmem>>, vector<1x16xf32>,
      %swap3A_199 = vector.shape_cast %swap3A_198 : vector<1x16xf32> to vector<16xf32>
      %swap3A_200 = vector.shape_cast %add3A_195 : vector<16xf32> to vector<1x16xf32>
      tpu.vector_store %arg8[%swap3A_196, %swap3A_197], %swap3A_200 {strides = array<i32>} : memref<64x768xf32, #tpu.memory_space<vmem>>, vector<1x16xf32>,
      %get3A_201 = arith.index_cast %scan3A_98 : i32 to index
      %get3A_202 = arith.constant 96 : index
      %get3A_203 = tpu.vector_load %arg8[%get3A_201, %get3A_202] {strides = array<i32>} : memref<64x768xf32, #tpu.memory_space<vmem>>, vector<1x16xf32>,
      %get3A_204 = vector.shape_cast %get3A_203 : vector<1x16xf32> to vector<16xf32>
      %get3A_205 = arith.index_cast %scan3A_98 : i32 to index
      %get3A_206 = arith.constant 96 : index
      %get3A_207 = tpu.vector_load %arg9[%get3A_205, %get3A_206] {strides = array<i32>} : memref<64x768xf32, #tpu.memory_space<vmem>>, vector<1x16xf32>,
      %get3A_208 = vector.shape_cast %get3A_207 : vector<1x16xf32> to vector<16xf32>
      %mul3A_209 = arith.mulf %get3A_204, %get3A_101 : vector<16xf32>
      %mul3A_210 = arith.mulf %get3A_208, %get3A_105 : vector<16xf32>
      %add3A_211 = arith.addf %mul3A_209, %mul3A_210 : vector<16xf32>
      %swap3A_212 = arith.index_cast %scan3A_98 : i32 to index
      %swap3A_213 = arith.constant 96 : index
      %swap3A_214 = tpu.vector_load %arg8[%swap3A_212, %swap3A_213] {strides = array<i32>} : memref<64x768xf32, #tpu.memory_space<vmem>>, vector<1x16xf32>,
      %swap3A_215 = vector.shape_cast %swap3A_214 : vector<1x16xf32> to vector<16xf32>
      %swap3A_216 = vector.shape_cast %add3A_211 : vector<16xf32> to vector<1x16xf32>
      tpu.vector_store %arg8[%swap3A_212, %swap3A_213], %swap3A_216 {strides = array<i32>} : memref<64x768xf32, #tpu.memory_space<vmem>>, vector<1x16xf32>,
      %get3A_217 = arith.index_cast %scan3A_98 : i32 to index
      %get3A_218 = arith.constant 112 : index
      %get3A_219 = tpu.vector_load %arg8[%get3A_217, %get3A_218] {strides = array<i32>} : memref<64x768xf32, #tpu.memory_space<vmem>>, vector<1x16xf32>,
      %get3A_220 = vector.shape_cast %get3A_219 : vector<1x16xf32> to vector<16xf32>
      %get3A_221 = arith.index_cast %scan3A_98 : i32 to index
      %get3A_222 = arith.constant 112 : index
      %get3A_223 = tpu.vector_load %arg9[%get3A_221, %get3A_222] {strides = array<i32>} : memref<64x768xf32, #tpu.memory_space<vmem>>, vector<1x16xf32>,
      %get3A_224 = vector.shape_cast %get3A_223 : vector<1x16xf32> to vector<16xf32>
      %mul3A_225 = arith.mulf %get3A_220, %get3A_101 : vector<16xf32>
      %mul3A_226 = arith.mulf %get3A_224, %get3A_105 : vector<16xf32>
      %add3A_227 = arith.addf %mul3A_225, %mul3A_226 : vector<16xf32>
      %swap3A_228 = arith.index_cast %scan3A_98 : i32 to index
      %swap3A_229 = arith.constant 112 : index
      %swap3A_230 = tpu.vector_load %arg8[%swap3A_228, %swap3A_229] {strides = array<i32>} : memref<64x768xf32, #tpu.memory_space<vmem>>, vector<1x16xf32>,
      %swap3A_231 = vector.shape_cast %swap3A_230 : vector<1x16xf32> to vector<16xf32>
      %swap3A_232 = vector.shape_cast %add3A_227 : vector<16xf32> to vector<1x16xf32>
      tpu.vector_store %arg8[%swap3A_228, %swap3A_229], %swap3A_232 {strides = array<i32>} : memref<64x768xf32, #tpu.memory_space<vmem>>, vector<1x16xf32>,
      %get3A_233 = arith.index_cast %scan3A_98 : i32 to index
      %get3A_234 = arith.constant 128 : index
      %get3A_235 = tpu.vector_load %arg8[%get3A_233, %get3A_234] {strides = array<i32>} : memref<64x768xf32, #tpu.memory_space<vmem>>, vector<1x16xf32>,
      %get3A_236 = vector.shape_cast %get3A_235 : vector<1x16xf32> to vector<16xf32>
      %get3A_237 = arith.index_cast %scan3A_98 : i32 to index
      %get3A_238 = arith.constant 128 : index
      %get3A_239 = tpu.vector_load %arg9[%get3A_237, %get3A_238] {strides = array<i32>} : memref<64x768xf32, #tpu.memory_space<vmem>>, vector<1x16xf32>,
      %get3A_240 = vector.shape_cast %get3A_239 : vector<1x16xf32> to vector<16xf32>
      %mul3A_241 = arith.mulf %get3A_236, %get3A_101 : vector<16xf32>
      %mul3A_242 = arith.mulf %get3A_240, %get3A_105 : vector<16xf32>
      %add3A_243 = arith.addf %mul3A_241, %mul3A_242 : vector<16xf32>
      %swap3A_244 = arith.index_cast %scan3A_98 : i32 to index
      %swap3A_245 = arith.constant 128 : index
      %swap3A_246 = tpu.vector_load %arg8[%swap3A_244, %swap3A_245] {strides = array<i32>} : memref<64x768xf32, #tpu.memory_space<vmem>>, vector<1x16xf32>,
      %swap3A_247 = vector.shape_cast %swap3A_246 : vector<1x16xf32> to vector<16xf32>
      %swap3A_248 = vector.shape_cast %add3A_243 : vector<16xf32> to vector<1x16xf32>
      tpu.vector_store %arg8[%swap3A_244, %swap3A_245], %swap3A_248 {strides = array<i32>} : memref<64x768xf32, #tpu.memory_space<vmem>>, vector<1x16xf32>,
      %get3A_249 = arith.index_cast %scan3A_98 : i32 to index
      %get3A_250 = arith.constant 144 : index
      %get3A_251 = tpu.vector_load %arg8[%get3A_249, %get3A_250] {strides = array<i32>} : memref<64x768xf32, #tpu.memory_space<vmem>>, vector<1x16xf32>,
      %get3A_252 = vector.shape_cast %get3A_251 : vector<1x16xf32> to vector<16xf32>
      %get3A_253 = arith.index_cast %scan3A_98 : i32 to index
      %get3A_254 = arith.constant 144 : index
      %get3A_255 = tpu.vector_load %arg9[%get3A_253, %get3A_254] {strides = array<i32>} : memref<64x768xf32, #tpu.memory_space<vmem>>, vector<1x16xf32>,
      %get3A_256 = vector.shape_cast %get3A_255 : vector<1x16xf32> to vector<16xf32>
      %mul3A_257 = arith.mulf %get3A_252, %get3A_101 : vector<16xf32>
      %mul3A_258 = arith.mulf %get3A_256, %get3A_105 : vector<16xf32>
      %add3A_259 = arith.addf %mul3A_257, %mul3A_258 : vector<16xf32>
      %swap3A_260 = arith.index_cast %scan3A_98 : i32 to index
      %swap3A_261 = arith.constant 144 : index
      %swap3A_262 = tpu.vector_load %arg8[%swap3A_260, %swap3A_261] {strides = array<i32>} : memref<64x768xf32, #tpu.memory_space<vmem>>, vector<1x16xf32>,
      %swap3A_263 = vector.shape_cast %swap3A_262 : vector<1x16xf32> to vector<16xf32>
      %swap3A_264 = vector.shape_cast %add3A_259 : vector<16xf32> to vector<1x16xf32>
      tpu.vector_store %arg8[%swap3A_260, %swap3A_261], %swap3A_264 {strides = array<i32>} : memref<64x768xf32, #tpu.memory_space<vmem>>, vector<1x16xf32>,
      %get3A_265 = arith.index_cast %scan3A_98 : i32 to index
      %get3A_266 = arith.constant 160 : index
      %get3A_267 = tpu.vector_load %arg8[%get3A_265, %get3A_266] {strides = array<i32>} : memref<64x768xf32, #tpu.memory_space<vmem>>, vector<1x16xf32>,
      %get3A_268 = vector.shape_cast %get3A_267 : vector<1x16xf32> to vector<16xf32>
      %get3A_269 = arith.index_cast %scan3A_98 : i32 to index
      %get3A_270 = arith.constant 160 : index
      %get3A_271 = tpu.vector_load %arg9[%get3A_269, %get3A_270] {strides = array<i32>} : memref<64x768xf32, #tpu.memory_space<vmem>>, vector<1x16xf32>,
      %get3A_272 = vector.shape_cast %get3A_271 : vector<1x16xf32> to vector<16xf32>
      %mul3A_273 = arith.mulf %get3A_268, %get3A_101 : vector<16xf32>
      %mul3A_274 = arith.mulf %get3A_272, %get3A_105 : vector<16xf32>
      %add3A_275 = arith.addf %mul3A_273, %mul3A_274 : vector<16xf32>
      %swap3A_276 = arith.index_cast %scan3A_98 : i32 to index
      %swap3A_277 = arith.constant 160 : index
      %swap3A_278 = tpu.vector_load %arg8[%swap3A_276, %swap3A_277] {strides = array<i32>} : memref<64x768xf32, #tpu.memory_space<vmem>>, vector<1x16xf32>,
      %swap3A_279 = vector.shape_cast %swap3A_278 : vector<1x16xf32> to vector<16xf32>
      %swap3A_280 = vector.shape_cast %add3A_275 : vector<16xf32> to vector<1x16xf32>
      tpu.vector_store %arg8[%swap3A_276, %swap3A_277], %swap3A_280 {strides = array<i32>} : memref<64x768xf32, #tpu.memory_space<vmem>>, vector<1x16xf32>,
      %get3A_281 = arith.index_cast %scan3A_98 : i32 to index
      %get3A_282 = arith.constant 176 : index
      %get3A_283 = tpu.vector_load %arg8[%get3A_281, %get3A_282] {strides = array<i32>} : memref<64x768xf32, #tpu.memory_space<vmem>>, vector<1x16xf32>,
      %get3A_284 = vector.shape_cast %get3A_283 : vector<1x16xf32> to vector<16xf32>
      %get3A_285 = arith.index_cast %scan3A_98 : i32 to index
      %get3A_286 = arith.constant 176 : index
      %get3A_287 = tpu.vector_load %arg9[%get3A_285, %get3A_286] {strides = array<i32>} : memref<64x768xf32, #tpu.memory_space<vmem>>, vector<1x16xf32>,
      %get3A_288 = vector.shape_cast %get3A_287 : vector<1x16xf32> to vector<16xf32>
      %mul3A_289 = arith.mulf %get3A_284, %get3A_101 : vector<16xf32>
      %mul3A_290 = arith.mulf %get3A_288, %get3A_105 : vector<16xf32>
      %add3A_291 = arith.addf %mul3A_289, %mul3A_290 : vector<16xf32>
      %swap3A_292 = arith.index_cast %scan3A_98 : i32 to index
      %swap3A_293 = arith.constant 176 : index
      %swap3A_294 = tpu.vector_load %arg8[%swap3A_292, %swap3A_293] {strides = array<i32>} : memref<64x768xf32, #tpu.memory_space<vmem>>, vector<1x16xf32>,
      %swap3A_295 = vector.shape_cast %swap3A_294 : vector<1x16xf32> to vector<16xf32>
      %swap3A_296 = vector.shape_cast %add3A_291 : vector<16xf32> to vector<1x16xf32>
      tpu.vector_store %arg8[%swap3A_292, %swap3A_293], %swap3A_296 {strides = array<i32>} : memref<64x768xf32, #tpu.memory_space<vmem>>, vector<1x16xf32>,
      %get3A_297 = arith.index_cast %scan3A_98 : i32 to index
      %get3A_298 = arith.constant 192 : index
      %get3A_299 = tpu.vector_load %arg8[%get3A_297, %get3A_298] {strides = array<i32>} : memref<64x768xf32, #tpu.memory_space<vmem>>, vector<1x16xf32>,
      %get3A_300 = vector.shape_cast %get3A_299 : vector<1x16xf32> to vector<16xf32>
      %get3A_301 = arith.index_cast %scan3A_98 : i32 to index
      %get3A_302 = arith.constant 192 : index
      %get3A_303 = tpu.vector_load %arg9[%get3A_301, %get3A_302] {strides = array<i32>} : memref<64x768xf32, #tpu.memory_space<vmem>>, vector<1x16xf32>,
      %get3A_304 = vector.shape_cast %get3A_303 : vector<1x16xf32> to vector<16xf32>
      %mul3A_305 = arith.mulf %get3A_300, %get3A_101 : vector<16xf32>
      %mul3A_306 = arith.mulf %get3A_304, %get3A_105 : vector<16xf32>
      %add3A_307 = arith.addf %mul3A_305, %mul3A_306 : vector<16xf32>
      %swap3A_308 = arith.index_cast %scan3A_98 : i32 to index
      %swap3A_309 = arith.constant 192 : index
      %swap3A_310 = tpu.vector_load %arg8[%swap3A_308, %swap3A_309] {strides = array<i32>} : memref<64x768xf32, #tpu.memory_space<vmem>>, vector<1x16xf32>,
      %swap3A_311 = vector.shape_cast %swap3A_310 : vector<1x16xf32> to vector<16xf32>
      %swap3A_312 = vector.shape_cast %add3A_307 : vector<16xf32> to vector<1x16xf32>
      tpu.vector_store %arg8[%swap3A_308, %swap3A_309], %swap3A_312 {strides = array<i32>} : memref<64x768xf32, #tpu.memory_space<vmem>>, vector<1x16xf32>,
      %get3A_313 = arith.index_cast %scan3A_98 : i32 to index
      %get3A_314 = arith.constant 208 : index
      %get3A_315 = tpu.vector_load %arg8[%get3A_313, %get3A_314] {strides = array<i32>} : memref<64x768xf32, #tpu.memory_space<vmem>>, vector<1x16xf32>,
      %get3A_316 = vector.shape_cast %get3A_315 : vector<1x16xf32> to vector<16xf32>
      %get3A_317 = arith.index_cast %scan3A_98 : i32 to index
      %get3A_318 = arith.constant 208 : index
      %get3A_319 = tpu.vector_load %arg9[%get3A_317, %get3A_318] {strides = array<i32>} : memref<64x768xf32, #tpu.memory_space<vmem>>, vector<1x16xf32>,
      %get3A_320 = vector.shape_cast %get3A_319 : vector<1x16xf32> to vector<16xf32>
      %mul3A_321 = arith.mulf %get3A_316, %get3A_101 : vector<16xf32>
      %mul3A_322 = arith.mulf %get3A_320, %get3A_105 : vector<16xf32>
      %add3A_323 = arith.addf %mul3A_321, %mul3A_322 : vector<16xf32>
      %swap3A_324 = arith.index_cast %scan3A_98 : i32 to index
      %swap3A_325 = arith.constant 208 : index
      %swap3A_326 = tpu.vector_load %arg8[%swap3A_324, %swap3A_325] {strides = array<i32>} : memref<64x768xf32, #tpu.memory_space<vmem>>, vector<1x16xf32>,
      %swap3A_327 = vector.shape_cast %swap3A_326 : vector<1x16xf32> to vector<16xf32>
      %swap3A_328 = vector.shape_cast %add3A_323 : vector<16xf32> to vector<1x16xf32>
      tpu.vector_store %arg8[%swap3A_324, %swap3A_325], %swap3A_328 {strides = array<i32>} : memref<64x768xf32, #tpu.memory_space<vmem>>, vector<1x16xf32>,
      %get3A_329 = arith.index_cast %scan3A_98 : i32 to index
      %get3A_330 = arith.constant 224 : index
      %get3A_331 = tpu.vector_load %arg8[%get3A_329, %get3A_330] {strides = array<i32>} : memref<64x768xf32, #tpu.memory_space<vmem>>, vector<1x16xf32>,
      %get3A_332 = vector.shape_cast %get3A_331 : vector<1x16xf32> to vector<16xf32>
      %get3A_333 = arith.index_cast %scan3A_98 : i32 to index
      %get3A_334 = arith.constant 224 : index
      %get3A_335 = tpu.vector_load %arg9[%get3A_333, %get3A_334] {strides = array<i32>} : memref<64x768xf32, #tpu.memory_space<vmem>>, vector<1x16xf32>,
      %get3A_336 = vector.shape_cast %get3A_335 : vector<1x16xf32> to vector<16xf32>
      %mul3A_337 = arith.mulf %get3A_332, %get3A_101 : vector<16xf32>
      %mul3A_338 = arith.mulf %get3A_336, %get3A_105 : vector<16xf32>
      %add3A_339 = arith.addf %mul3A_337, %mul3A_338 : vector<16xf32>
      %swap3A_340 = arith.index_cast %scan3A_98 : i32 to index
      %swap3A_341 = arith.constant 224 : index
      %swap3A_342 = tpu.vector_load %arg8[%swap3A_340, %swap3A_341] {strides = array<i32>} : memref<64x768xf32, #tpu.memory_space<vmem>>, vector<1x16xf32>,
      %swap3A_343 = vector.shape_cast %swap3A_342 : vector<1x16xf32> to vector<16xf32>
      %swap3A_344 = vector.shape_cast %add3A_339 : vector<16xf32> to vector<1x16xf32>
      tpu.vector_store %arg8[%swap3A_340, %swap3A_341], %swap3A_344 {strides = array<i32>} : memref<64x768xf32, #tpu.memory_space<vmem>>, vector<1x16xf32>,
      %get3A_345 = arith.index_cast %scan3A_98 : i32 to index
      %get3A_346 = arith.constant 240 : index
      %get3A_347 = tpu.vector_load %arg8[%get3A_345, %get3A_346] {strides = array<i32>} : memref<64x768xf32, #tpu.memory_space<vmem>>, vector<1x16xf32>,
      %get3A_348 = vector.shape_cast %get3A_347 : vector<1x16xf32> to vector<16xf32>
      %get3A_349 = arith.index_cast %scan3A_98 : i32 to index
      %get3A_350 = arith.constant 240 : index
      %get3A_351 = tpu.vector_load %arg9[%get3A_349, %get3A_350] {strides = array<i32>} : memref<64x768xf32, #tpu.memory_space<vmem>>, vector<1x16xf32>,
      %get3A_352 = vector.shape_cast %get3A_351 : vector<1x16xf32> to vector<16xf32>
      %mul3A_353 = arith.mulf %get3A_348, %get3A_101 : vector<16xf32>
      %mul3A_354 = arith.mulf %get3A_352, %get3A_105 : vector<16xf32>
      %add3A_355 = arith.addf %mul3A_353, %mul3A_354 : vector<16xf32>
      %swap3A_356 = arith.index_cast %scan3A_98 : i32 to index
      %swap3A_357 = arith.constant 240 : index
      %swap3A_358 = tpu.vector_load %arg8[%swap3A_356, %swap3A_357] {strides = array<i32>} : memref<64x768xf32, #tpu.memory_space<vmem>>, vector<1x16xf32>,
      %swap3A_359 = vector.shape_cast %swap3A_358 : vector<1x16xf32> to vector<16xf32>
      %swap3A_360 = vector.shape_cast %add3A_355 : vector<16xf32> to vector<1x16xf32>
      tpu.vector_store %arg8[%swap3A_356, %swap3A_357], %swap3A_360 {strides = array<i32>} : memref<64x768xf32, #tpu.memory_space<vmem>>, vector<1x16xf32>,
      %get3A_361 = arith.index_cast %scan3A_98 : i32 to index
      %get3A_362 = arith.constant 256 : index
      %get3A_363 = tpu.vector_load %arg8[%get3A_361, %get3A_362] {strides = array<i32>} : memref<64x768xf32, #tpu.memory_space<vmem>>, vector<1x16xf32>,
      %get3A_364 = vector.shape_cast %get3A_363 : vector<1x16xf32> to vector<16xf32>
      %get3A_365 = arith.index_cast %scan3A_98 : i32 to index
      %get3A_366 = arith.constant 256 : index
      %get3A_367 = tpu.vector_load %arg9[%get3A_365, %get3A_366] {strides = array<i32>} : memref<64x768xf32, #tpu.memory_space<vmem>>, vector<1x16xf32>,
      %get3A_368 = vector.shape_cast %get3A_367 : vector<1x16xf32> to vector<16xf32>
      %mul3A_369 = arith.mulf %get3A_364, %get3A_101 : vector<16xf32>
      %mul3A_370 = arith.mulf %get3A_368, %get3A_105 : vector<16xf32>
      %add3A_371 = arith.addf %mul3A_369, %mul3A_370 : vector<16xf32>
      %swap3A_372 = arith.index_cast %scan3A_98 : i32 to index
      %swap3A_373 = arith.constant 256 : index
      %swap3A_374 = tpu.vector_load %arg8[%swap3A_372, %swap3A_373] {strides = array<i32>} : memref<64x768xf32, #tpu.memory_space<vmem>>, vector<1x16xf32>,
      %swap3A_375 = vector.shape_cast %swap3A_374 : vector<1x16xf32> to vector<16xf32>
      %swap3A_376 = vector.shape_cast %add3A_371 : vector<16xf32> to vector<1x16xf32>
      tpu.vector_store %arg8[%swap3A_372, %swap3A_373], %swap3A_376 {strides = array<i32>} : memref<64x768xf32, #tpu.memory_space<vmem>>, vector<1x16xf32>,
      %get3A_377 = arith.index_cast %scan3A_98 : i32 to index
      %get3A_378 = arith.constant 272 : index
      %get3A_379 = tpu.vector_load %arg8[%get3A_377, %get3A_378] {strides = array<i32>} : memref<64x768xf32, #tpu.memory_space<vmem>>, vector<1x16xf32>,
      %get3A_380 = vector.shape_cast %get3A_379 : vector<1x16xf32> to vector<16xf32>
      %get3A_381 = arith.index_cast %scan3A_98 : i32 to index
      %get3A_382 = arith.constant 272 : index
      %get3A_383 = tpu.vector_load %arg9[%get3A_381, %get3A_382] {strides = array<i32>} : memref<64x768xf32, #tpu.memory_space<vmem>>, vector<1x16xf32>,
      %get3A_384 = vector.shape_cast %get3A_383 : vector<1x16xf32> to vector<16xf32>
      %mul3A_385 = arith.mulf %get3A_380, %get3A_101 : vector<16xf32>
      %mul3A_386 = arith.mulf %get3A_384, %get3A_105 : vector<16xf32>
      %add3A_387 = arith.addf %mul3A_385, %mul3A_386 : vector<16xf32>
      %swap3A_388 = arith.index_cast %scan3A_98 : i32 to index
      %swap3A_389 = arith.constant 272 : index
      %swap3A_390 = tpu.vector_load %arg8[%swap3A_388, %swap3A_389] {strides = array<i32>} : memref<64x768xf32, #tpu.memory_space<vmem>>, vector<1x16xf32>,
      %swap3A_391 = vector.shape_cast %swap3A_390 : vector<1x16xf32> to vector<16xf32>
      %swap3A_392 = vector.shape_cast %add3A_387 : vector<16xf32> to vector<1x16xf32>
      tpu.vector_store %arg8[%swap3A_388, %swap3A_389], %swap3A_392 {strides = array<i32>} : memref<64x768xf32, #tpu.memory_space<vmem>>, vector<1x16xf32>,
      %get3A_393 = arith.index_cast %scan3A_98 : i32 to index
      %get3A_394 = arith.constant 288 : index
      %get3A_395 = tpu.vector_load %arg8[%get3A_393, %get3A_394] {strides = array<i32>} : memref<64x768xf32, #tpu.memory_space<vmem>>, vector<1x16xf32>,
      %get3A_396 = vector.shape_cast %get3A_395 : vector<1x16xf32> to vector<16xf32>
      %get3A_397 = arith.index_cast %scan3A_98 : i32 to index
      %get3A_398 = arith.constant 288 : index
      %get3A_399 = tpu.vector_load %arg9[%get3A_397, %get3A_398] {strides = array<i32>} : memref<64x768xf32, #tpu.memory_space<vmem>>, vector<1x16xf32>,
      %get3A_400 = vector.shape_cast %get3A_399 : vector<1x16xf32> to vector<16xf32>
      %mul3A_401 = arith.mulf %get3A_396, %get3A_101 : vector<16xf32>
      %mul3A_402 = arith.mulf %get3A_400, %get3A_105 : vector<16xf32>
      %add3A_403 = arith.addf %mul3A_401, %mul3A_402 : vector<16xf32>
      %swap3A_404 = arith.index_cast %scan3A_98 : i32 to index
      %swap3A_405 = arith.constant 288 : index
      %swap3A_406 = tpu.vector_load %arg8[%swap3A_404, %swap3A_405] {strides = array<i32>} : memref<64x768xf32, #tpu.memory_space<vmem>>, vector<1x16xf32>,
      %swap3A_407 = vector.shape_cast %swap3A_406 : vector<1x16xf32> to vector<16xf32>
      %swap3A_408 = vector.shape_cast %add3A_403 : vector<16xf32> to vector<1x16xf32>
      tpu.vector_store %arg8[%swap3A_404, %swap3A_405], %swap3A_408 {strides = array<i32>} : memref<64x768xf32, #tpu.memory_space<vmem>>, vector<1x16xf32>,
      %get3A_409 = arith.index_cast %scan3A_98 : i32 to index
      %get3A_410 = arith.constant 304 : index
      %get3A_411 = tpu.vector_load %arg8[%get3A_409, %get3A_410] {strides = array<i32>} : memref<64x768xf32, #tpu.memory_space<vmem>>, vector<1x16xf32>,
      %get3A_412 = vector.shape_cast %get3A_411 : vector<1x16xf32> to vector<16xf32>
      %get3A_413 = arith.index_cast %scan3A_98 : i32 to index
      %get3A_414 = arith.constant 304 : index
      %get3A_415 = tpu.vector_load %arg9[%get3A_413, %get3A_414] {strides = array<i32>} : memref<64x768xf32, #tpu.memory_space<vmem>>, vector<1x16xf32>,
      %get3A_416 = vector.shape_cast %get3A_415 : vector<1x16xf32> to vector<16xf32>
      %mul3A_417 = arith.mulf %get3A_412, %get3A_101 : vector<16xf32>
      %mul3A_418 = arith.mulf %get3A_416, %get3A_105 : vector<16xf32>
      %add3A_419 = arith.addf %mul3A_417, %mul3A_418 : vector<16xf32>
      %swap3A_420 = arith.index_cast %scan3A_98 : i32 to index
      %swap3A_421 = arith.constant 304 : index
      %swap3A_422 = tpu.vector_load %arg8[%swap3A_420, %swap3A_421] {strides = array<i32>} : memref<64x768xf32, #tpu.memory_space<vmem>>, vector<1x16xf32>,
      %swap3A_423 = vector.shape_cast %swap3A_422 : vector<1x16xf32> to vector<16xf32>
      %swap3A_424 = vector.shape_cast %add3A_419 : vector<16xf32> to vector<1x16xf32>
      tpu.vector_store %arg8[%swap3A_420, %swap3A_421], %swap3A_424 {strides = array<i32>} : memref<64x768xf32, #tpu.memory_space<vmem>>, vector<1x16xf32>,
      %get3A_425 = arith.index_cast %scan3A_98 : i32 to index
      %get3A_426 = arith.constant 320 : index
      %get3A_427 = tpu.vector_load %arg8[%get3A_425, %get3A_426] {strides = array<i32>} : memref<64x768xf32, #tpu.memory_space<vmem>>, vector<1x16xf32>,
      %get3A_428 = vector.shape_cast %get3A_427 : vector<1x16xf32> to vector<16xf32>
      %get3A_429 = arith.index_cast %scan3A_98 : i32 to index
      %get3A_430 = arith.constant 320 : index
      %get3A_431 = tpu.vector_load %arg9[%get3A_429, %get3A_430] {strides = array<i32>} : memref<64x768xf32, #tpu.memory_space<vmem>>, vector<1x16xf32>,
      %get3A_432 = vector.shape_cast %get3A_431 : vector<1x16xf32> to vector<16xf32>
      %mul3A_433 = arith.mulf %get3A_428, %get3A_101 : vector<16xf32>
      %mul3A_434 = arith.mulf %get3A_432, %get3A_105 : vector<16xf32>
      %add3A_435 = arith.addf %mul3A_433, %mul3A_434 : vector<16xf32>
      %swap3A_436 = arith.index_cast %scan3A_98 : i32 to index
      %swap3A_437 = arith.constant 320 : index
      %swap3A_438 = tpu.vector_load %arg8[%swap3A_436, %swap3A_437] {strides = array<i32>} : memref<64x768xf32, #tpu.memory_space<vmem>>, vector<1x16xf32>,
      %swap3A_439 = vector.shape_cast %swap3A_438 : vector<1x16xf32> to vector<16xf32>
      %swap3A_440 = vector.shape_cast %add3A_435 : vector<16xf32> to vector<1x16xf32>
      tpu.vector_store %arg8[%swap3A_436, %swap3A_437], %swap3A_440 {strides = array<i32>} : memref<64x768xf32, #tpu.memory_space<vmem>>, vector<1x16xf32>,
      %get3A_441 = arith.index_cast %scan3A_98 : i32 to index
      %get3A_442 = arith.constant 336 : index
      %get3A_443 = tpu.vector_load %arg8[%get3A_441, %get3A_442] {strides = array<i32>} : memref<64x768xf32, #tpu.memory_space<vmem>>, vector<1x16xf32>,
      %get3A_444 = vector.shape_cast %get3A_443 : vector<1x16xf32> to vector<16xf32>
      %get3A_445 = arith.index_cast %scan3A_98 : i32 to index
      %get3A_446 = arith.constant 336 : index
      %get3A_447 = tpu.vector_load %arg9[%get3A_445, %get3A_446] {strides = array<i32>} : memref<64x768xf32, #tpu.memory_space<vmem>>, vector<1x16xf32>,
      %get3A_448 = vector.shape_cast %get3A_447 : vector<1x16xf32> to vector<16xf32>
      %mul3A_449 = arith.mulf %get3A_444, %get3A_101 : vector<16xf32>
      %mul3A_450 = arith.mulf %get3A_448, %get3A_105 : vector<16xf32>
      %add3A_451 = arith.addf %mul3A_449, %mul3A_450 : vector<16xf32>
      %swap3A_452 = arith.index_cast %scan3A_98 : i32 to index
      %swap3A_453 = arith.constant 336 : index
      %swap3A_454 = tpu.vector_load %arg8[%swap3A_452, %swap3A_453] {strides = array<i32>} : memref<64x768xf32, #tpu.memory_space<vmem>>, vector<1x16xf32>,
      %swap3A_455 = vector.shape_cast %swap3A_454 : vector<1x16xf32> to vector<16xf32>
      %swap3A_456 = vector.shape_cast %add3A_451 : vector<16xf32> to vector<1x16xf32>
      tpu.vector_store %arg8[%swap3A_452, %swap3A_453], %swap3A_456 {strides = array<i32>} : memref<64x768xf32, #tpu.memory_space<vmem>>, vector<1x16xf32>,
      %get3A_457 = arith.index_cast %scan3A_98 : i32 to index
      %get3A_458 = arith.constant 352 : index
      %get3A_459 = tpu.vector_load %arg8[%get3A_457, %get3A_458] {strides = array<i32>} : memref<64x768xf32, #tpu.memory_space<vmem>>, vector<1x16xf32>,
      %get3A_460 = vector.shape_cast %get3A_459 : vector<1x16xf32> to vector<16xf32>
      %get3A_461 = arith.index_cast %scan3A_98 : i32 to index
      %get3A_462 = arith.constant 352 : index
      %get3A_463 = tpu.vector_load %arg9[%get3A_461, %get3A_462] {strides = array<i32>} : memref<64x768xf32, #tpu.memory_space<vmem>>, vector<1x16xf32>,
      %get3A_464 = vector.shape_cast %get3A_463 : vector<1x16xf32> to vector<16xf32>
      %mul3A_465 = arith.mulf %get3A_460, %get3A_101 : vector<16xf32>
      %mul3A_466 = arith.mulf %get3A_464, %get3A_105 : vector<16xf32>
      %add3A_467 = arith.addf %mul3A_465, %mul3A_466 : vector<16xf32>
      %swap3A_468 = arith.index_cast %scan3A_98 : i32 to index
      %swap3A_469 = arith.constant 352 : index
      %swap3A_470 = tpu.vector_load %arg8[%swap3A_468, %swap3A_469] {strides = array<i32>} : memref<64x768xf32, #tpu.memory_space<vmem>>, vector<1x16xf32>,
      %swap3A_471 = vector.shape_cast %swap3A_470 : vector<1x16xf32> to vector<16xf32>
      %swap3A_472 = vector.shape_cast %add3A_467 : vector<16xf32> to vector<1x16xf32>
      tpu.vector_store %arg8[%swap3A_468, %swap3A_469], %swap3A_472 {strides = array<i32>} : memref<64x768xf32, #tpu.memory_space<vmem>>, vector<1x16xf32>,
      %get3A_473 = arith.index_cast %scan3A_98 : i32 to index
      %get3A_474 = arith.constant 368 : index
      %get3A_475 = tpu.vector_load %arg8[%get3A_473, %get3A_474] {strides = array<i32>} : memref<64x768xf32, #tpu.memory_space<vmem>>, vector<1x16xf32>,
      %get3A_476 = vector.shape_cast %get3A_475 : vector<1x16xf32> to vector<16xf32>
      %get3A_477 = arith.index_cast %scan3A_98 : i32 to index
      %get3A_478 = arith.constant 368 : index
      %get3A_479 = tpu.vector_load %arg9[%get3A_477, %get3A_478] {strides = array<i32>} : memref<64x768xf32, #tpu.memory_space<vmem>>, vector<1x16xf32>,
      %get3A_480 = vector.shape_cast %get3A_479 : vector<1x16xf32> to vector<16xf32>
      %mul3A_481 = arith.mulf %get3A_476, %get3A_101 : vector<16xf32>
      %mul3A_482 = arith.mulf %get3A_480, %get3A_105 : vector<16xf32>
      %add3A_483 = arith.addf %mul3A_481, %mul3A_482 : vector<16xf32>
      %swap3A_484 = arith.index_cast %scan3A_98 : i32 to index
      %swap3A_485 = arith.constant 368 : index
      %swap3A_486 = tpu.vector_load %arg8[%swap3A_484, %swap3A_485] {strides = array<i32>} : memref<64x768xf32, #tpu.memory_space<vmem>>, vector<1x16xf32>,
      %swap3A_487 = vector.shape_cast %swap3A_486 : vector<1x16xf32> to vector<16xf32>
      %swap3A_488 = vector.shape_cast %add3A_483 : vector<16xf32> to vector<1x16xf32>
      tpu.vector_store %arg8[%swap3A_484, %swap3A_485], %swap3A_488 {strides = array<i32>} : memref<64x768xf32, #tpu.memory_space<vmem>>, vector<1x16xf32>,
      %get3A_489 = arith.index_cast %scan3A_98 : i32 to index
      %get3A_490 = arith.constant 384 : index
      %get3A_491 = tpu.vector_load %arg8[%get3A_489, %get3A_490] {strides = array<i32>} : memref<64x768xf32, #tpu.memory_space<vmem>>, vector<1x16xf32>,
      %get3A_492 = vector.shape_cast %get3A_491 : vector<1x16xf32> to vector<16xf32>
      %get3A_493 = arith.index_cast %scan3A_98 : i32 to index
      %get3A_494 = arith.constant 384 : index
      %get3A_495 = tpu.vector_load %arg9[%get3A_493, %get3A_494] {strides = array<i32>} : memref<64x768xf32, #tpu.memory_space<vmem>>, vector<1x16xf32>,
      %get3A_496 = vector.shape_cast %get3A_495 : vector<1x16xf32> to vector<16xf32>
      %mul3A_497 = arith.mulf %get3A_492, %get3A_101 : vector<16xf32>
      %mul3A_498 = arith.mulf %get3A_496, %get3A_105 : vector<16xf32>
      %add3A_499 = arith.addf %mul3A_497, %mul3A_498 : vector<16xf32>
      %swap3A_500 = arith.index_cast %scan3A_98 : i32 to index
      %swap3A_501 = arith.constant 384 : index
      %swap3A_502 = tpu.vector_load %arg8[%swap3A_500, %swap3A_501] {strides = array<i32>} : memref<64x768xf32, #tpu.memory_space<vmem>>, vector<1x16xf32>,
      %swap3A_503 = vector.shape_cast %swap3A_502 : vector<1x16xf32> to vector<16xf32>
      %swap3A_504 = vector.shape_cast %add3A_499 : vector<16xf32> to vector<1x16xf32>
      tpu.vector_store %arg8[%swap3A_500, %swap3A_501], %swap3A_504 {strides = array<i32>} : memref<64x768xf32, #tpu.memory_space<vmem>>, vector<1x16xf32>,
      %get3A_505 = arith.index_cast %scan3A_98 : i32 to index
      %get3A_506 = arith.constant 400 : index
      %get3A_507 = tpu.vector_load %arg8[%get3A_505, %get3A_506] {strides = array<i32>} : memref<64x768xf32, #tpu.memory_space<vmem>>, vector<1x16xf32>,
      %get3A_508 = vector.shape_cast %get3A_507 : vector<1x16xf32> to vector<16xf32>
      %get3A_509 = arith.index_cast %scan3A_98 : i32 to index
      %get3A_510 = arith.constant 400 : index
      %get3A_511 = tpu.vector_load %arg9[%get3A_509, %get3A_510] {strides = array<i32>} : memref<64x768xf32, #tpu.memory_space<vmem>>, vector<1x16xf32>,
      %get3A_512 = vector.shape_cast %get3A_511 : vector<1x16xf32> to vector<16xf32>
      %mul3A_513 = arith.mulf %get3A_508, %get3A_101 : vector<16xf32>
      %mul3A_514 = arith.mulf %get3A_512, %get3A_105 : vector<16xf32>
      %add3A_515 = arith.addf %mul3A_513, %mul3A_514 : vector<16xf32>
      %swap3A_516 = arith.index_cast %scan3A_98 : i32 to index
      %swap3A_517 = arith.constant 400 : index
      %swap3A_518 = tpu.vector_load %arg8[%swap3A_516, %swap3A_517] {strides = array<i32>} : memref<64x768xf32, #tpu.memory_space<vmem>>, vector<1x16xf32>,
      %swap3A_519 = vector.shape_cast %swap3A_518 : vector<1x16xf32> to vector<16xf32>
      %swap3A_520 = vector.shape_cast %add3A_515 : vector<16xf32> to vector<1x16xf32>
      tpu.vector_store %arg8[%swap3A_516, %swap3A_517], %swap3A_520 {strides = array<i32>} : memref<64x768xf32, #tpu.memory_space<vmem>>, vector<1x16xf32>,
      %get3A_521 = arith.index_cast %scan3A_98 : i32 to index
      %get3A_522 = arith.constant 416 : index
      %get3A_523 = tpu.vector_load %arg8[%get3A_521, %get3A_522] {strides = array<i32>} : memref<64x768xf32, #tpu.memory_space<vmem>>, vector<1x16xf32>,
      %get3A_524 = vector.shape_cast %get3A_523 : vector<1x16xf32> to vector<16xf32>
      %get3A_525 = arith.index_cast %scan3A_98 : i32 to index
      %get3A_526 = arith.constant 416 : index
      %get3A_527 = tpu.vector_load %arg9[%get3A_525, %get3A_526] {strides = array<i32>} : memref<64x768xf32, #tpu.memory_space<vmem>>, vector<1x16xf32>,
      %get3A_528 = vector.shape_cast %get3A_527 : vector<1x16xf32> to vector<16xf32>
      %mul3A_529 = arith.mulf %get3A_524, %get3A_101 : vector<16xf32>
      %mul3A_530 = arith.mulf %get3A_528, %get3A_105 : vector<16xf32>
      %add3A_531 = arith.addf %mul3A_529, %mul3A_530 : vector<16xf32>
      %swap3A_532 = arith.index_cast %scan3A_98 : i32 to index
      %swap3A_533 = arith.constant 416 : index
      %swap3A_534 = tpu.vector_load %arg8[%swap3A_532, %swap3A_533] {strides = array<i32>} : memref<64x768xf32, #tpu.memory_space<vmem>>, vector<1x16xf32>,
      %swap3A_535 = vector.shape_cast %swap3A_534 : vector<1x16xf32> to vector<16xf32>
      %swap3A_536 = vector.shape_cast %add3A_531 : vector<16xf32> to vector<1x16xf32>
      tpu.vector_store %arg8[%swap3A_532, %swap3A_533], %swap3A_536 {strides = array<i32>} : memref<64x768xf32, #tpu.memory_space<vmem>>, vector<1x16xf32>,
      %get3A_537 = arith.index_cast %scan3A_98 : i32 to index
      %get3A_538 = arith.constant 432 : index
      %get3A_539 = tpu.vector_load %arg8[%get3A_537, %get3A_538] {strides = array<i32>} : memref<64x768xf32, #tpu.memory_space<vmem>>, vector<1x16xf32>,
      %get3A_540 = vector.shape_cast %get3A_539 : vector<1x16xf32> to vector<16xf32>
      %get3A_541 = arith.index_cast %scan3A_98 : i32 to index
      %get3A_542 = arith.constant 432 : index
      %get3A_543 = tpu.vector_load %arg9[%get3A_541, %get3A_542] {strides = array<i32>} : memref<64x768xf32, #tpu.memory_space<vmem>>, vector<1x16xf32>,
      %get3A_544 = vector.shape_cast %get3A_543 : vector<1x16xf32> to vector<16xf32>
      %mul3A_545 = arith.mulf %get3A_540, %get3A_101 : vector<16xf32>
      %mul3A_546 = arith.mulf %get3A_544, %get3A_105 : vector<16xf32>
      %add3A_547 = arith.addf %mul3A_545, %mul3A_546 : vector<16xf32>
      %swap3A_548 = arith.index_cast %scan3A_98 : i32 to index
      %swap3A_549 = arith.constant 432 : index
      %swap3A_550 = tpu.vector_load %arg8[%swap3A_548, %swap3A_549] {strides = array<i32>} : memref<64x768xf32, #tpu.memory_space<vmem>>, vector<1x16xf32>,
      %swap3A_551 = vector.shape_cast %swap3A_550 : vector<1x16xf32> to vector<16xf32>
      %swap3A_552 = vector.shape_cast %add3A_547 : vector<16xf32> to vector<1x16xf32>
      tpu.vector_store %arg8[%swap3A_548, %swap3A_549], %swap3A_552 {strides = array<i32>} : memref<64x768xf32, #tpu.memory_space<vmem>>, vector<1x16xf32>,
      %get3A_553 = arith.index_cast %scan3A_98 : i32 to index
      %get3A_554 = arith.constant 448 : index
      %get3A_555 = tpu.vector_load %arg8[%get3A_553, %get3A_554] {strides = array<i32>} : memref<64x768xf32, #tpu.memory_space<vmem>>, vector<1x16xf32>,
      %get3A_556 = vector.shape_cast %get3A_555 : vector<1x16xf32> to vector<16xf32>
      %get3A_557 = arith.index_cast %scan3A_98 : i32 to index
      %get3A_558 = arith.constant 448 : index
      %get3A_559 = tpu.vector_load %arg9[%get3A_557, %get3A_558] {strides = array<i32>} : memref<64x768xf32, #tpu.memory_space<vmem>>, vector<1x16xf32>,
      %get3A_560 = vector.shape_cast %get3A_559 : vector<1x16xf32> to vector<16xf32>
      %mul3A_561 = arith.mulf %get3A_556, %get3A_101 : vector<16xf32>
      %mul3A_562 = arith.mulf %get3A_560, %get3A_105 : vector<16xf32>
      %add3A_563 = arith.addf %mul3A_561, %mul3A_562 : vector<16xf32>
      %swap3A_564 = arith.index_cast %scan3A_98 : i32 to index
      %swap3A_565 = arith.constant 448 : index
      %swap3A_566 = tpu.vector_load %arg8[%swap3A_564, %swap3A_565] {strides = array<i32>} : memref<64x768xf32, #tpu.memory_space<vmem>>, vector<1x16xf32>,
      %swap3A_567 = vector.shape_cast %swap3A_566 : vector<1x16xf32> to vector<16xf32>
      %swap3A_568 = vector.shape_cast %add3A_563 : vector<16xf32> to vector<1x16xf32>
      tpu.vector_store %arg8[%swap3A_564, %swap3A_565], %swap3A_568 {strides = array<i32>} : memref<64x768xf32, #tpu.memory_space<vmem>>, vector<1x16xf32>,
      %get3A_569 = arith.index_cast %scan3A_98 : i32 to index
      %get3A_570 = arith.constant 464 : index
      %get3A_571 = tpu.vector_load %arg8[%get3A_569, %get3A_570] {strides = array<i32>} : memref<64x768xf32, #tpu.memory_space<vmem>>, vector<1x16xf32>,
      %get3A_572 = vector.shape_cast %get3A_571 : vector<1x16xf32> to vector<16xf32>
      %get3A_573 = arith.index_cast %scan3A_98 : i32 to index
      %get3A_574 = arith.constant 464 : index
      %get3A_575 = tpu.vector_load %arg9[%get3A_573, %get3A_574] {strides = array<i32>} : memref<64x768xf32, #tpu.memory_space<vmem>>, vector<1x16xf32>,
      %get3A_576 = vector.shape_cast %get3A_575 : vector<1x16xf32> to vector<16xf32>
      %mul3A_577 = arith.mulf %get3A_572, %get3A_101 : vector<16xf32>
      %mul3A_578 = arith.mulf %get3A_576, %get3A_105 : vector<16xf32>
      %add3A_579 = arith.addf %mul3A_577, %mul3A_578 : vector<16xf32>
      %swap3A_580 = arith.index_cast %scan3A_98 : i32 to index
      %swap3A_581 = arith.constant 464 : index
      %swap3A_582 = tpu.vector_load %arg8[%swap3A_580, %swap3A_581] {strides = array<i32>} : memref<64x768xf32, #tpu.memory_space<vmem>>, vector<1x16xf32>,
      %swap3A_583 = vector.shape_cast %swap3A_582 : vector<1x16xf32> to vector<16xf32>
      %swap3A_584 = vector.shape_cast %add3A_579 : vector<16xf32> to vector<1x16xf32>
      tpu.vector_store %arg8[%swap3A_580, %swap3A_581], %swap3A_584 {strides = array<i32>} : memref<64x768xf32, #tpu.memory_space<vmem>>, vector<1x16xf32>,
      %get3A_585 = arith.index_cast %scan3A_98 : i32 to index
      %get3A_586 = arith.constant 480 : index
      %get3A_587 = tpu.vector_load %arg8[%get3A_585, %get3A_586] {strides = array<i32>} : memref<64x768xf32, #tpu.memory_space<vmem>>, vector<1x16xf32>,
      %get3A_588 = vector.shape_cast %get3A_587 : vector<1x16xf32> to vector<16xf32>
      %get3A_589 = arith.index_cast %scan3A_98 : i32 to index
      %get3A_590 = arith.constant 480 : index
      %get3A_591 = tpu.vector_load %arg9[%get3A_589, %get3A_590] {strides = array<i32>} : memref<64x768xf32, #tpu.memory_space<vmem>>, vector<1x16xf32>,
      %get3A_592 = vector.shape_cast %get3A_591 : vector<1x16xf32> to vector<16xf32>
      %mul3A_593 = arith.mulf %get3A_588, %get3A_101 : vector<16xf32>
      %mul3A_594 = arith.mulf %get3A_592, %get3A_105 : vector<16xf32>
      %add3A_595 = arith.addf %mul3A_593, %mul3A_594 : vector<16xf32>
      %swap3A_596 = arith.index_cast %scan3A_98 : i32 to index
      %swap3A_597 = arith.constant 480 : index
      %swap3A_598 = tpu.vector_load %arg8[%swap3A_596, %swap3A_597] {strides = array<i32>} : memref<64x768xf32, #tpu.memory_space<vmem>>, vector<1x16xf32>,
      %swap3A_599 = vector.shape_cast %swap3A_598 : vector<1x16xf32> to vector<16xf32>
      %swap3A_600 = vector.shape_cast %add3A_595 : vector<16xf32> to vector<1x16xf32>
      tpu.vector_store %arg8[%swap3A_596, %swap3A_597], %swap3A_600 {strides = array<i32>} : memref<64x768xf32, #tpu.memory_space<vmem>>, vector<1x16xf32>,
      %get3A_601 = arith.index_cast %scan3A_98 : i32 to index
      %get3A_602 = arith.constant 496 : index
      %get3A_603 = tpu.vector_load %arg8[%get3A_601, %get3A_602] {strides = array<i32>} : memref<64x768xf32, #tpu.memory_space<vmem>>, vector<1x16xf32>,
      %get3A_604 = vector.shape_cast %get3A_603 : vector<1x16xf32> to vector<16xf32>
      %get3A_605 = arith.index_cast %scan3A_98 : i32 to index
      %get3A_606 = arith.constant 496 : index
      %get3A_607 = tpu.vector_load %arg9[%get3A_605, %get3A_606] {strides = array<i32>} : memref<64x768xf32, #tpu.memory_space<vmem>>, vector<1x16xf32>,
      %get3A_608 = vector.shape_cast %get3A_607 : vector<1x16xf32> to vector<16xf32>
      %mul3A_609 = arith.mulf %get3A_604, %get3A_101 : vector<16xf32>
      %mul3A_610 = arith.mulf %get3A_608, %get3A_105 : vector<16xf32>
      %add3A_611 = arith.addf %mul3A_609, %mul3A_610 : vector<16xf32>
      %swap3A_612 = arith.index_cast %scan3A_98 : i32 to index
      %swap3A_613 = arith.constant 496 : index
      %swap3A_614 = tpu.vector_load %arg8[%swap3A_612, %swap3A_613] {strides = array<i32>} : memref<64x768xf32, #tpu.memory_space<vmem>>, vector<1x16xf32>,
      %swap3A_615 = vector.shape_cast %swap3A_614 : vector<1x16xf32> to vector<16xf32>
      %swap3A_616 = vector.shape_cast %add3A_611 : vector<16xf32> to vector<1x16xf32>
      tpu.vector_store %arg8[%swap3A_612, %swap3A_613], %swap3A_616 {strides = array<i32>} : memref<64x768xf32, #tpu.memory_space<vmem>>, vector<1x16xf32>,
      %get3A_617 = arith.index_cast %scan3A_98 : i32 to index
      %get3A_618 = arith.constant 512 : index
      %get3A_619 = tpu.vector_load %arg8[%get3A_617, %get3A_618] {strides = array<i32>} : memref<64x768xf32, #tpu.memory_space<vmem>>, vector<1x16xf32>,
      %get3A_620 = vector.shape_cast %get3A_619 : vector<1x16xf32> to vector<16xf32>
      %get3A_621 = arith.index_cast %scan3A_98 : i32 to index
      %get3A_622 = arith.constant 512 : index
      %get3A_623 = tpu.vector_load %arg9[%get3A_621, %get3A_622] {strides = array<i32>} : memref<64x768xf32, #tpu.memory_space<vmem>>, vector<1x16xf32>,
      %get3A_624 = vector.shape_cast %get3A_623 : vector<1x16xf32> to vector<16xf32>
      %mul3A_625 = arith.mulf %get3A_620, %get3A_101 : vector<16xf32>
      %mul3A_626 = arith.mulf %get3A_624, %get3A_105 : vector<16xf32>
      %add3A_627 = arith.addf %mul3A_625, %mul3A_626 : vector<16xf32>
      %swap3A_628 = arith.index_cast %scan3A_98 : i32 to index
      %swap3A_629 = arith.constant 512 : index
      %swap3A_630 = tpu.vector_load %arg8[%swap3A_628, %swap3A_629] {strides = array<i32>} : memref<64x768xf32, #tpu.memory_space<vmem>>, vector<1x16xf32>,
      %swap3A_631 = vector.shape_cast %swap3A_630 : vector<1x16xf32> to vector<16xf32>
      %swap3A_632 = vector.shape_cast %add3A_627 : vector<16xf32> to vector<1x16xf32>
      tpu.vector_store %arg8[%swap3A_628, %swap3A_629], %swap3A_632 {strides = array<i32>} : memref<64x768xf32, #tpu.memory_space<vmem>>, vector<1x16xf32>,
      %get3A_633 = arith.index_cast %scan3A_98 : i32 to index
      %get3A_634 = arith.constant 528 : index
      %get3A_635 = tpu.vector_load %arg8[%get3A_633, %get3A_634] {strides = array<i32>} : memref<64x768xf32, #tpu.memory_space<vmem>>, vector<1x16xf32>,
      %get3A_636 = vector.shape_cast %get3A_635 : vector<1x16xf32> to vector<16xf32>
      %get3A_637 = arith.index_cast %scan3A_98 : i32 to index
      %get3A_638 = arith.constant 528 : index
      %get3A_639 = tpu.vector_load %arg9[%get3A_637, %get3A_638] {strides = array<i32>} : memref<64x768xf32, #tpu.memory_space<vmem>>, vector<1x16xf32>,
      %get3A_640 = vector.shape_cast %get3A_639 : vector<1x16xf32> to vector<16xf32>
      %mul3A_641 = arith.mulf %get3A_636, %get3A_101 : vector<16xf32>
      %mul3A_642 = arith.mulf %get3A_640, %get3A_105 : vector<16xf32>
      %add3A_643 = arith.addf %mul3A_641, %mul3A_642 : vector<16xf32>
      %swap3A_644 = arith.index_cast %scan3A_98 : i32 to index
      %swap3A_645 = arith.constant 528 : index
      %swap3A_646 = tpu.vector_load %arg8[%swap3A_644, %swap3A_645] {strides = array<i32>} : memref<64x768xf32, #tpu.memory_space<vmem>>, vector<1x16xf32>,
      %swap3A_647 = vector.shape_cast %swap3A_646 : vector<1x16xf32> to vector<16xf32>
      %swap3A_648 = vector.shape_cast %add3A_643 : vector<16xf32> to vector<1x16xf32>
      tpu.vector_store %arg8[%swap3A_644, %swap3A_645], %swap3A_648 {strides = array<i32>} : memref<64x768xf32, #tpu.memory_space<vmem>>, vector<1x16xf32>,
      %get3A_649 = arith.index_cast %scan3A_98 : i32 to index
      %get3A_650 = arith.constant 544 : index
      %get3A_651 = tpu.vector_load %arg8[%get3A_649, %get3A_650] {strides = array<i32>} : memref<64x768xf32, #tpu.memory_space<vmem>>, vector<1x16xf32>,
      %get3A_652 = vector.shape_cast %get3A_651 : vector<1x16xf32> to vector<16xf32>
      %get3A_653 = arith.index_cast %scan3A_98 : i32 to index
      %get3A_654 = arith.constant 544 : index
      %get3A_655 = tpu.vector_load %arg9[%get3A_653, %get3A_654] {strides = array<i32>} : memref<64x768xf32, #tpu.memory_space<vmem>>, vector<1x16xf32>,
      %get3A_656 = vector.shape_cast %get3A_655 : vector<1x16xf32> to vector<16xf32>
      %mul3A_657 = arith.mulf %get3A_652, %get3A_101 : vector<16xf32>
      %mul3A_658 = arith.mulf %get3A_656, %get3A_105 : vector<16xf32>
      %add3A_659 = arith.addf %mul3A_657, %mul3A_658 : vector<16xf32>
      %swap3A_660 = arith.index_cast %scan3A_98 : i32 to index
      %swap3A_661 = arith.constant 544 : index
      %swap3A_662 = tpu.vector_load %arg8[%swap3A_660, %swap3A_661] {strides = array<i32>} : memref<64x768xf32, #tpu.memory_space<vmem>>, vector<1x16xf32>,
      %swap3A_663 = vector.shape_cast %swap3A_662 : vector<1x16xf32> to vector<16xf32>
      %swap3A_664 = vector.shape_cast %add3A_659 : vector<16xf32> to vector<1x16xf32>
      tpu.vector_store %arg8[%swap3A_660, %swap3A_661], %swap3A_664 {strides = array<i32>} : memref<64x768xf32, #tpu.memory_space<vmem>>, vector<1x16xf32>,
      %get3A_665 = arith.index_cast %scan3A_98 : i32 to index
      %get3A_666 = arith.constant 560 : index
      %get3A_667 = tpu.vector_load %arg8[%get3A_665, %get3A_666] {strides = array<i32>} : memref<64x768xf32, #tpu.memory_space<vmem>>, vector<1x16xf32>,
      %get3A_668 = vector.shape_cast %get3A_667 : vector<1x16xf32> to vector<16xf32>
      %get3A_669 = arith.index_cast %scan3A_98 : i32 to index
      %get3A_670 = arith.constant 560 : index
      %get3A_671 = tpu.vector_load %arg9[%get3A_669, %get3A_670] {strides = array<i32>} : memref<64x768xf32, #tpu.memory_space<vmem>>, vector<1x16xf32>,
      %get3A_672 = vector.shape_cast %get3A_671 : vector<1x16xf32> to vector<16xf32>
      %mul3A_673 = arith.mulf %get3A_668, %get3A_101 : vector<16xf32>
      %mul3A_674 = arith.mulf %get3A_672, %get3A_105 : vector<16xf32>
      %add3A_675 = arith.addf %mul3A_673, %mul3A_674 : vector<16xf32>
      %swap3A_676 = arith.index_cast %scan3A_98 : i32 to index
      %swap3A_677 = arith.constant 560 : index
      %swap3A_678 = tpu.vector_load %arg8[%swap3A_676, %swap3A_677] {strides = array<i32>} : memref<64x768xf32, #tpu.memory_space<vmem>>, vector<1x16xf32>,
      %swap3A_679 = vector.shape_cast %swap3A_678 : vector<1x16xf32> to vector<16xf32>
      %swap3A_680 = vector.shape_cast %add3A_675 : vector<16xf32> to vector<1x16xf32>
      tpu.vector_store %arg8[%swap3A_676, %swap3A_677], %swap3A_680 {strides = array<i32>} : memref<64x768xf32, #tpu.memory_space<vmem>>, vector<1x16xf32>,
      %get3A_681 = arith.index_cast %scan3A_98 : i32 to index
      %get3A_682 = arith.constant 576 : index
      %get3A_683 = tpu.vector_load %arg8[%get3A_681, %get3A_682] {strides = array<i32>} : memref<64x768xf32, #tpu.memory_space<vmem>>, vector<1x16xf32>,
      %get3A_684 = vector.shape_cast %get3A_683 : vector<1x16xf32> to vector<16xf32>
      %get3A_685 = arith.index_cast %scan3A_98 : i32 to index
      %get3A_686 = arith.constant 576 : index
      %get3A_687 = tpu.vector_load %arg9[%get3A_685, %get3A_686] {strides = array<i32>} : memref<64x768xf32, #tpu.memory_space<vmem>>, vector<1x16xf32>,
      %get3A_688 = vector.shape_cast %get3A_687 : vector<1x16xf32> to vector<16xf32>
      %mul3A_689 = arith.mulf %get3A_684, %get3A_101 : vector<16xf32>
      %mul3A_690 = arith.mulf %get3A_688, %get3A_105 : vector<16xf32>
      %add3A_691 = arith.addf %mul3A_689, %mul3A_690 : vector<16xf32>
      %swap3A_692 = arith.index_cast %scan3A_98 : i32 to index
      %swap3A_693 = arith.constant 576 : index
      %swap3A_694 = tpu.vector_load %arg8[%swap3A_692, %swap3A_693] {strides = array<i32>} : memref<64x768xf32, #tpu.memory_space<vmem>>, vector<1x16xf32>,
      %swap3A_695 = vector.shape_cast %swap3A_694 : vector<1x16xf32> to vector<16xf32>
      %swap3A_696 = vector.shape_cast %add3A_691 : vector<16xf32> to vector<1x16xf32>
      tpu.vector_store %arg8[%swap3A_692, %swap3A_693], %swap3A_696 {strides = array<i32>} : memref<64x768xf32, #tpu.memory_space<vmem>>, vector<1x16xf32>,
      %get3A_697 = arith.index_cast %scan3A_98 : i32 to index
      %get3A_698 = arith.constant 592 : index
      %get3A_699 = tpu.vector_load %arg8[%get3A_697, %get3A_698] {strides = array<i32>} : memref<64x768xf32, #tpu.memory_space<vmem>>, vector<1x16xf32>,
      %get3A_700 = vector.shape_cast %get3A_699 : vector<1x16xf32> to vector<16xf32>
      %get3A_701 = arith.index_cast %scan3A_98 : i32 to index
      %get3A_702 = arith.constant 592 : index
      %get3A_703 = tpu.vector_load %arg9[%get3A_701, %get3A_702] {strides = array<i32>} : memref<64x768xf32, #tpu.memory_space<vmem>>, vector<1x16xf32>,
      %get3A_704 = vector.shape_cast %get3A_703 : vector<1x16xf32> to vector<16xf32>
      %mul3A_705 = arith.mulf %get3A_700, %get3A_101 : vector<16xf32>
      %mul3A_706 = arith.mulf %get3A_704, %get3A_105 : vector<16xf32>
      %add3A_707 = arith.addf %mul3A_705, %mul3A_706 : vector<16xf32>
      %swap3A_708 = arith.index_cast %scan3A_98 : i32 to index
      %swap3A_709 = arith.constant 592 : index
      %swap3A_710 = tpu.vector_load %arg8[%swap3A_708, %swap3A_709] {strides = array<i32>} : memref<64x768xf32, #tpu.memory_space<vmem>>, vector<1x16xf32>,
      %swap3A_711 = vector.shape_cast %swap3A_710 : vector<1x16xf32> to vector<16xf32>
      %swap3A_712 = vector.shape_cast %add3A_707 : vector<16xf32> to vector<1x16xf32>
      tpu.vector_store %arg8[%swap3A_708, %swap3A_709], %swap3A_712 {strides = array<i32>} : memref<64x768xf32, #tpu.memory_space<vmem>>, vector<1x16xf32>,
      %get3A_713 = arith.index_cast %scan3A_98 : i32 to index
      %get3A_714 = arith.constant 608 : index
      %get3A_715 = tpu.vector_load %arg8[%get3A_713, %get3A_714] {strides = array<i32>} : memref<64x768xf32, #tpu.memory_space<vmem>>, vector<1x16xf32>,
      %get3A_716 = vector.shape_cast %get3A_715 : vector<1x16xf32> to vector<16xf32>
      %get3A_717 = arith.index_cast %scan3A_98 : i32 to index
      %get3A_718 = arith.constant 608 : index
      %get3A_719 = tpu.vector_load %arg9[%get3A_717, %get3A_718] {strides = array<i32>} : memref<64x768xf32, #tpu.memory_space<vmem>>, vector<1x16xf32>,
      %get3A_720 = vector.shape_cast %get3A_719 : vector<1x16xf32> to vector<16xf32>
      %mul3A_721 = arith.mulf %get3A_716, %get3A_101 : vector<16xf32>
      %mul3A_722 = arith.mulf %get3A_720, %get3A_105 : vector<16xf32>
      %add3A_723 = arith.addf %mul3A_721, %mul3A_722 : vector<16xf32>
      %swap3A_724 = arith.index_cast %scan3A_98 : i32 to index
      %swap3A_725 = arith.constant 608 : index
      %swap3A_726 = tpu.vector_load %arg8[%swap3A_724, %swap3A_725] {strides = array<i32>} : memref<64x768xf32, #tpu.memory_space<vmem>>, vector<1x16xf32>,
      %swap3A_727 = vector.shape_cast %swap3A_726 : vector<1x16xf32> to vector<16xf32>
      %swap3A_728 = vector.shape_cast %add3A_723 : vector<16xf32> to vector<1x16xf32>
      tpu.vector_store %arg8[%swap3A_724, %swap3A_725], %swap3A_728 {strides = array<i32>} : memref<64x768xf32, #tpu.memory_space<vmem>>, vector<1x16xf32>,
      %get3A_729 = arith.index_cast %scan3A_98 : i32 to index
      %get3A_730 = arith.constant 624 : index
      %get3A_731 = tpu.vector_load %arg8[%get3A_729, %get3A_730] {strides = array<i32>} : memref<64x768xf32, #tpu.memory_space<vmem>>, vector<1x16xf32>,
      %get3A_732 = vector.shape_cast %get3A_731 : vector<1x16xf32> to vector<16xf32>
      %get3A_733 = arith.index_cast %scan3A_98 : i32 to index
      %get3A_734 = arith.constant 624 : index
      %get3A_735 = tpu.vector_load %arg9[%get3A_733, %get3A_734] {strides = array<i32>} : memref<64x768xf32, #tpu.memory_space<vmem>>, vector<1x16xf32>,
      %get3A_736 = vector.shape_cast %get3A_735 : vector<1x16xf32> to vector<16xf32>
      %mul3A_737 = arith.mulf %get3A_732, %get3A_101 : vector<16xf32>
      %mul3A_738 = arith.mulf %get3A_736, %get3A_105 : vector<16xf32>
      %add3A_739 = arith.addf %mul3A_737, %mul3A_738 : vector<16xf32>
      %swap3A_740 = arith.index_cast %scan3A_98 : i32 to index
      %swap3A_741 = arith.constant 624 : index
      %swap3A_742 = tpu.vector_load %arg8[%swap3A_740, %swap3A_741] {strides = array<i32>} : memref<64x768xf32, #tpu.memory_space<vmem>>, vector<1x16xf32>,
      %swap3A_743 = vector.shape_cast %swap3A_742 : vector<1x16xf32> to vector<16xf32>
      %swap3A_744 = vector.shape_cast %add3A_739 : vector<16xf32> to vector<1x16xf32>
      tpu.vector_store %arg8[%swap3A_740, %swap3A_741], %swap3A_744 {strides = array<i32>} : memref<64x768xf32, #tpu.memory_space<vmem>>, vector<1x16xf32>,
      %get3A_745 = arith.index_cast %scan3A_98 : i32 to index
      %get3A_746 = arith.constant 640 : index
      %get3A_747 = tpu.vector_load %arg8[%get3A_745, %get3A_746] {strides = array<i32>} : memref<64x768xf32, #tpu.memory_space<vmem>>, vector<1x16xf32>,
      %get3A_748 = vector.shape_cast %get3A_747 : vector<1x16xf32> to vector<16xf32>
      %get3A_749 = arith.index_cast %scan3A_98 : i32 to index
      %get3A_750 = arith.constant 640 : index
      %get3A_751 = tpu.vector_load %arg9[%get3A_749, %get3A_750] {strides = array<i32>} : memref<64x768xf32, #tpu.memory_space<vmem>>, vector<1x16xf32>,
      %get3A_752 = vector.shape_cast %get3A_751 : vector<1x16xf32> to vector<16xf32>
      %mul3A_753 = arith.mulf %get3A_748, %get3A_101 : vector<16xf32>
      %mul3A_754 = arith.mulf %get3A_752, %get3A_105 : vector<16xf32>
      %add3A_755 = arith.addf %mul3A_753, %mul3A_754 : vector<16xf32>
      %swap3A_756 = arith.index_cast %scan3A_98 : i32 to index
      %swap3A_757 = arith.constant 640 : index
      %swap3A_758 = tpu.vector_load %arg8[%swap3A_756, %swap3A_757] {strides = array<i32>} : memref<64x768xf32, #tpu.memory_space<vmem>>, vector<1x16xf32>,
      %swap3A_759 = vector.shape_cast %swap3A_758 : vector<1x16xf32> to vector<16xf32>
      %swap3A_760 = vector.shape_cast %add3A_755 : vector<16xf32> to vector<1x16xf32>
      tpu.vector_store %arg8[%swap3A_756, %swap3A_757], %swap3A_760 {strides = array<i32>} : memref<64x768xf32, #tpu.memory_space<vmem>>, vector<1x16xf32>,
      %get3A_761 = arith.index_cast %scan3A_98 : i32 to index
      %get3A_762 = arith.constant 656 : index
      %get3A_763 = tpu.vector_load %arg8[%get3A_761, %get3A_762] {strides = array<i32>} : memref<64x768xf32, #tpu.memory_space<vmem>>, vector<1x16xf32>,
      %get3A_764 = vector.shape_cast %get3A_763 : vector<1x16xf32> to vector<16xf32>
      %get3A_765 = arith.index_cast %scan3A_98 : i32 to index
      %get3A_766 = arith.constant 656 : index
      %get3A_767 = tpu.vector_load %arg9[%get3A_765, %get3A_766] {strides = array<i32>} : memref<64x768xf32, #tpu.memory_space<vmem>>, vector<1x16xf32>,
      %get3A_768 = vector.shape_cast %get3A_767 : vector<1x16xf32> to vector<16xf32>
      %mul3A_769 = arith.mulf %get3A_764, %get3A_101 : vector<16xf32>
      %mul3A_770 = arith.mulf %get3A_768, %get3A_105 : vector<16xf32>
      %add3A_771 = arith.addf %mul3A_769, %mul3A_770 : vector<16xf32>
      %swap3A_772 = arith.index_cast %scan3A_98 : i32 to index
      %swap3A_773 = arith.constant 656 : index
      %swap3A_774 = tpu.vector_load %arg8[%swap3A_772, %swap3A_773] {strides = array<i32>} : memref<64x768xf32, #tpu.memory_space<vmem>>, vector<1x16xf32>,
      %swap3A_775 = vector.shape_cast %swap3A_774 : vector<1x16xf32> to vector<16xf32>
      %swap3A_776 = vector.shape_cast %add3A_771 : vector<16xf32> to vector<1x16xf32>
      tpu.vector_store %arg8[%swap3A_772, %swap3A_773], %swap3A_776 {strides = array<i32>} : memref<64x768xf32, #tpu.memory_space<vmem>>, vector<1x16xf32>,
      %get3A_777 = arith.index_cast %scan3A_98 : i32 to index
      %get3A_778 = arith.constant 672 : index
      %get3A_779 = tpu.vector_load %arg8[%get3A_777, %get3A_778] {strides = array<i32>} : memref<64x768xf32, #tpu.memory_space<vmem>>, vector<1x16xf32>,
      %get3A_780 = vector.shape_cast %get3A_779 : vector<1x16xf32> to vector<16xf32>
      %get3A_781 = arith.index_cast %scan3A_98 : i32 to index
      %get3A_782 = arith.constant 672 : index
      %get3A_783 = tpu.vector_load %arg9[%get3A_781, %get3A_782] {strides = array<i32>} : memref<64x768xf32, #tpu.memory_space<vmem>>, vector<1x16xf32>,
      %get3A_784 = vector.shape_cast %get3A_783 : vector<1x16xf32> to vector<16xf32>
      %mul3A_785 = arith.mulf %get3A_780, %get3A_101 : vector<16xf32>
      %mul3A_786 = arith.mulf %get3A_784, %get3A_105 : vector<16xf32>
      %add3A_787 = arith.addf %mul3A_785, %mul3A_786 : vector<16xf32>
      %swap3A_788 = arith.index_cast %scan3A_98 : i32 to index
      %swap3A_789 = arith.constant 672 : index
      %swap3A_790 = tpu.vector_load %arg8[%swap3A_788, %swap3A_789] {strides = array<i32>} : memref<64x768xf32, #tpu.memory_space<vmem>>, vector<1x16xf32>,
      %swap3A_791 = vector.shape_cast %swap3A_790 : vector<1x16xf32> to vector<16xf32>
      %swap3A_792 = vector.shape_cast %add3A_787 : vector<16xf32> to vector<1x16xf32>
      tpu.vector_store %arg8[%swap3A_788, %swap3A_789], %swap3A_792 {strides = array<i32>} : memref<64x768xf32, #tpu.memory_space<vmem>>, vector<1x16xf32>,
      %get3A_793 = arith.index_cast %scan3A_98 : i32 to index
      %get3A_794 = arith.constant 688 : index
      %get3A_795 = tpu.vector_load %arg8[%get3A_793, %get3A_794] {strides = array<i32>} : memref<64x768xf32, #tpu.memory_space<vmem>>, vector<1x16xf32>,
      %get3A_796 = vector.shape_cast %get3A_795 : vector<1x16xf32> to vector<16xf32>
      %get3A_797 = arith.index_cast %scan3A_98 : i32 to index
      %get3A_798 = arith.constant 688 : index
      %get3A_799 = tpu.vector_load %arg9[%get3A_797, %get3A_798] {strides = array<i32>} : memref<64x768xf32, #tpu.memory_space<vmem>>, vector<1x16xf32>,
      %get3A_800 = vector.shape_cast %get3A_799 : vector<1x16xf32> to vector<16xf32>
      %mul3A_801 = arith.mulf %get3A_796, %get3A_101 : vector<16xf32>
      %mul3A_802 = arith.mulf %get3A_800, %get3A_105 : vector<16xf32>
      %add3A_803 = arith.addf %mul3A_801, %mul3A_802 : vector<16xf32>
      %swap3A_804 = arith.index_cast %scan3A_98 : i32 to index
      %swap3A_805 = arith.constant 688 : index
      %swap3A_806 = tpu.vector_load %arg8[%swap3A_804, %swap3A_805] {strides = array<i32>} : memref<64x768xf32, #tpu.memory_space<vmem>>, vector<1x16xf32>,
      %swap3A_807 = vector.shape_cast %swap3A_806 : vector<1x16xf32> to vector<16xf32>
      %swap3A_808 = vector.shape_cast %add3A_803 : vector<16xf32> to vector<1x16xf32>
      tpu.vector_store %arg8[%swap3A_804, %swap3A_805], %swap3A_808 {strides = array<i32>} : memref<64x768xf32, #tpu.memory_space<vmem>>, vector<1x16xf32>,
      %get3A_809 = arith.index_cast %scan3A_98 : i32 to index
      %get3A_810 = arith.constant 704 : index
      %get3A_811 = tpu.vector_load %arg8[%get3A_809, %get3A_810] {strides = array<i32>} : memref<64x768xf32, #tpu.memory_space<vmem>>, vector<1x16xf32>,
      %get3A_812 = vector.shape_cast %get3A_811 : vector<1x16xf32> to vector<16xf32>
      %get3A_813 = arith.index_cast %scan3A_98 : i32 to index
      %get3A_814 = arith.constant 704 : index
      %get3A_815 = tpu.vector_load %arg9[%get3A_813, %get3A_814] {strides = array<i32>} : memref<64x768xf32, #tpu.memory_space<vmem>>, vector<1x16xf32>,
      %get3A_816 = vector.shape_cast %get3A_815 : vector<1x16xf32> to vector<16xf32>
      %mul3A_817 = arith.mulf %get3A_812, %get3A_101 : vector<16xf32>
      %mul3A_818 = arith.mulf %get3A_816, %get3A_105 : vector<16xf32>
      %add3A_819 = arith.addf %mul3A_817, %mul3A_818 : vector<16xf32>
      %swap3A_820 = arith.index_cast %scan3A_98 : i32 to index
      %swap3A_821 = arith.constant 704 : index
      %swap3A_822 = tpu.vector_load %arg8[%swap3A_820, %swap3A_821] {strides = array<i32>} : memref<64x768xf32, #tpu.memory_space<vmem>>, vector<1x16xf32>,
      %swap3A_823 = vector.shape_cast %swap3A_822 : vector<1x16xf32> to vector<16xf32>
      %swap3A_824 = vector.shape_cast %add3A_819 : vector<16xf32> to vector<1x16xf32>
      tpu.vector_store %arg8[%swap3A_820, %swap3A_821], %swap3A_824 {strides = array<i32>} : memref<64x768xf32, #tpu.memory_space<vmem>>, vector<1x16xf32>,
      %get3A_825 = arith.index_cast %scan3A_98 : i32 to index
      %get3A_826 = arith.constant 720 : index
      %get3A_827 = tpu.vector_load %arg8[%get3A_825, %get3A_826] {strides = array<i32>} : memref<64x768xf32, #tpu.memory_space<vmem>>, vector<1x16xf32>,
      %get3A_828 = vector.shape_cast %get3A_827 : vector<1x16xf32> to vector<16xf32>
      %get3A_829 = arith.index_cast %scan3A_98 : i32 to index
      %get3A_830 = arith.constant 720 : index
      %get3A_831 = tpu.vector_load %arg9[%get3A_829, %get3A_830] {strides = array<i32>} : memref<64x768xf32, #tpu.memory_space<vmem>>, vector<1x16xf32>,
      %get3A_832 = vector.shape_cast %get3A_831 : vector<1x16xf32> to vector<16xf32>
      %mul3A_833 = arith.mulf %get3A_828, %get3A_101 : vector<16xf32>
      %mul3A_834 = arith.mulf %get3A_832, %get3A_105 : vector<16xf32>
      %add3A_835 = arith.addf %mul3A_833, %mul3A_834 : vector<16xf32>
      %swap3A_836 = arith.index_cast %scan3A_98 : i32 to index
      %swap3A_837 = arith.constant 720 : index
      %swap3A_838 = tpu.vector_load %arg8[%swap3A_836, %swap3A_837] {strides = array<i32>} : memref<64x768xf32, #tpu.memory_space<vmem>>, vector<1x16xf32>,
      %swap3A_839 = vector.shape_cast %swap3A_838 : vector<1x16xf32> to vector<16xf32>
      %swap3A_840 = vector.shape_cast %add3A_835 : vector<16xf32> to vector<1x16xf32>
      tpu.vector_store %arg8[%swap3A_836, %swap3A_837], %swap3A_840 {strides = array<i32>} : memref<64x768xf32, #tpu.memory_space<vmem>>, vector<1x16xf32>,
      %get3A_841 = arith.index_cast %scan3A_98 : i32 to index
      %get3A_842 = arith.constant 736 : index
      %get3A_843 = tpu.vector_load %arg8[%get3A_841, %get3A_842] {strides = array<i32>} : memref<64x768xf32, #tpu.memory_space<vmem>>, vector<1x16xf32>,
      %get3A_844 = vector.shape_cast %get3A_843 : vector<1x16xf32> to vector<16xf32>
      %get3A_845 = arith.index_cast %scan3A_98 : i32 to index
      %get3A_846 = arith.constant 736 : index
      %get3A_847 = tpu.vector_load %arg9[%get3A_845, %get3A_846] {strides = array<i32>} : memref<64x768xf32, #tpu.memory_space<vmem>>, vector<1x16xf32>,
      %get3A_848 = vector.shape_cast %get3A_847 : vector<1x16xf32> to vector<16xf32>
      %mul3A_849 = arith.mulf %get3A_844, %get3A_101 : vector<16xf32>
      %mul3A_850 = arith.mulf %get3A_848, %get3A_105 : vector<16xf32>
      %add3A_851 = arith.addf %mul3A_849, %mul3A_850 : vector<16xf32>
      %swap3A_852 = arith.index_cast %scan3A_98 : i32 to index
      %swap3A_853 = arith.constant 736 : index
      %swap3A_854 = tpu.vector_load %arg8[%swap3A_852, %swap3A_853] {strides = array<i32>} : memref<64x768xf32, #tpu.memory_space<vmem>>, vector<1x16xf32>,
      %swap3A_855 = vector.shape_cast %swap3A_854 : vector<1x16xf32> to vector<16xf32>
      %swap3A_856 = vector.shape_cast %add3A_851 : vector<16xf32> to vector<1x16xf32>
      tpu.vector_store %arg8[%swap3A_852, %swap3A_853], %swap3A_856 {strides = array<i32>} : memref<64x768xf32, #tpu.memory_space<vmem>>, vector<1x16xf32>,
      %get3A_857 = arith.index_cast %scan3A_98 : i32 to index
      %get3A_858 = arith.constant 752 : index
      %get3A_859 = tpu.vector_load %arg8[%get3A_857, %get3A_858] {strides = array<i32>} : memref<64x768xf32, #tpu.memory_space<vmem>>, vector<1x16xf32>,
      %get3A_860 = vector.shape_cast %get3A_859 : vector<1x16xf32> to vector<16xf32>
      %get3A_861 = arith.index_cast %scan3A_98 : i32 to index
      %get3A_862 = arith.constant 752 : index
      %get3A_863 = tpu.vector_load %arg9[%get3A_861, %get3A_862] {strides = array<i32>} : memref<64x768xf32, #tpu.memory_space<vmem>>, vector<1x16xf32>,
      %get3A_864 = vector.shape_cast %get3A_863 : vector<1x16xf32> to vector<16xf32>
      %mul3A_865 = arith.mulf %get3A_860, %get3A_101 : vector<16xf32>
      %mul3A_866 = arith.mulf %get3A_864, %get3A_105 : vector<16xf32>
      %add3A_867 = arith.addf %mul3A_865, %mul3A_866 : vector<16xf32>
      %swap3A_868 = arith.index_cast %scan3A_98 : i32 to index
      %swap3A_869 = arith.constant 752 : index
      %swap3A_870 = tpu.vector_load %arg8[%swap3A_868, %swap3A_869] {strides = array<i32>} : memref<64x768xf32, #tpu.memory_space<vmem>>, vector<1x16xf32>,
      %swap3A_871 = vector.shape_cast %swap3A_870 : vector<1x16xf32> to vector<16xf32>
      %swap3A_872 = vector.shape_cast %add3A_867 : vector<16xf32> to vector<1x16xf32>
      tpu.vector_store %arg8[%swap3A_868, %swap3A_869], %swap3A_872 {strides = array<i32>} : memref<64x768xf32, #tpu.memory_space<vmem>>, vector<1x16xf32>,
    }
    %scan3A_53 = arith.constant 32 : i32
    %dma_start3A_54 = arith.constant 0 : i32
    %dma_start3A_55 = arith.constant 0 : i32
    %dma_start3A_56 = tpu.memref_slice %arg8[%dma_start3A_54, %dma_start3A_55] : memref<64x768xf32, #tpu.memory_space<vmem>> -> memref<32x768xf32, #tpu.memory_space<vmem>>
    %dma_start3A_57 = arith.constant 0 : i32
    %dma_start3A_58 = tpu.memref_slice %arg7[%mul3A_2, %dma_start3A_57] : memref<2048x768xf32, #tpu.memory_space<hbm>> -> memref<32x768xf32, #tpu.memory_space<hbm>>
    %dma_start3A_59 = arith.constant 0 : i32
    %dma_start3A_60 = tpu.memref_slice %arg7[%mul3A_2, %dma_start3A_59] : memref<2048x768xf32, #tpu.memory_space<hbm>> -> memref<32x768xf32, #tpu.memory_space<hbm>>
    %dma_start3A_61 = arith.constant 0 : i32
    %dma_start3A_62 = arith.constant 0 : i32
    %dma_start3A_63 = tpu.memref_slice %arg8[%dma_start3A_61, %dma_start3A_62] : memref<64x768xf32, #tpu.memory_space<vmem>> -> memref<32x768xf32, #tpu.memory_space<vmem>>
    tpu.enqueue_dma source(%dma_start3A_63 : memref<32x768xf32, #tpu.memory_space<vmem>>) target(%dma_start3A_60 : memref<32x768xf32, #tpu.memory_space<hbm>>) target_semaphore(%arg14 : memref<!tpu.dma_semaphore, #tpu.memory_space<semaphore_mem>>)
    %dma_wait3A_64 = arith.constant 32 : i32
    %dma_wait3A_65 = arith.constant 0 : i32
    %dma_wait3A_66 = tpu.memref_slice %arg8[%dma_wait3A_64, %dma_wait3A_65] : memref<64x768xf32, #tpu.memory_space<vmem>> -> memref<32x768xf32, #tpu.memory_space<vmem>>
    %dma_wait3A_67 = arith.constant 32 : i32
    %dma_wait3A_68 = tpu.memref_slice %arg10[%dma_wait3A_67] : memref<64xi32, #tpu.memory_space<vmem>> -> memref<32xi32, #tpu.memory_space<vmem>>
    %dma_wait3A_69 = arith.constant 0 : i32
    %dma_wait3A_70 = arith.constant 0 : i32
    %dma_wait3A_71 = tpu.memref_slice %arg2[%dma_wait3A_69, %dma_wait3A_70] : memref<12288x768xf32, #tpu.memory_space<hbm>> -> memref<12288x768xf32, #tpu.memory_space<hbm>>
    tpu.wait_indirect_dma semaphore(%arg15 : memref<!tpu.dma_semaphore, #tpu.memory_space<semaphore_mem>>) src(%dma_wait3A_71 : memref<12288x768xf32, #tpu.memory_space<hbm>>) dst(%dma_wait3A_66 : memref<32x768xf32, #tpu.memory_space<vmem>>)
    %dma_wait3A_72 = arith.constant 32 : i32
    %dma_wait3A_73 = arith.constant 0 : i32
    %dma_wait3A_74 = tpu.memref_slice %arg9[%dma_wait3A_72, %dma_wait3A_73] : memref<64x768xf32, #tpu.memory_space<vmem>> -> memref<32x768xf32, #tpu.memory_space<vmem>>
    %dma_wait3A_75 = arith.constant 32 : i32
    %dma_wait3A_76 = tpu.memref_slice %arg11[%dma_wait3A_75] : memref<64xi32, #tpu.memory_space<vmem>> -> memref<32xi32, #tpu.memory_space<vmem>>
    %dma_wait3A_77 = arith.constant 0 : i32
    %dma_wait3A_78 = arith.constant 0 : i32
    %dma_wait3A_79 = tpu.memref_slice %arg2[%dma_wait3A_77, %dma_wait3A_78] : memref<12288x768xf32, #tpu.memory_space<hbm>> -> memref<12288x768xf32, #tpu.memory_space<hbm>>
    tpu.wait_indirect_dma semaphore(%arg15 : memref<!tpu.dma_semaphore, #tpu.memory_space<semaphore_mem>>) src(%dma_wait3A_79 : memref<12288x768xf32, #tpu.memory_space<hbm>>) dst(%dma_wait3A_74 : memref<32x768xf32, #tpu.memory_space<vmem>>)
    %scan3A_80 = arith.constant 0 : i32
    %scan3A_81 = arith.constant 32 : i32
    %scan3A_82 = arith.constant 32 : i32
    %scan3A_83 = arith.addi %scan3A_81, %scan3A_82 : i32
    %scan3A_84 = arith.constant 1 : i32
    scf.for %scan3A_98 = %scan3A_81 to %scan3A_83 step %scan3A_84  : i32 {
      %get3A = arith.index_cast %scan3A_98 : i32 to index
      %get3A_99 = arith.constant 0 : index
      %get3A_100 = tpu.vector_load %arg12[%get3A, %get3A_99] {strides = array<i32>} : memref<64x16xf32, #tpu.memory_space<vmem>>, vector<1x16xf32>,
      %get3A_101 = vector.shape_cast %get3A_100 : vector<1x16xf32> to vector<16xf32>
      %get3A_102 = arith.index_cast %scan3A_98 : i32 to index
      %get3A_103 = arith.constant 0 : index
      %get3A_104 = tpu.vector_load %arg13[%get3A_102, %get3A_103] {strides = array<i32>} : memref<64x16xf32, #tpu.memory_space<vmem>>, vector<1x16xf32>,
      %get3A_105 = vector.shape_cast %get3A_104 : vector<1x16xf32> to vector<16xf32>
      %get3A_106 = arith.index_cast %scan3A_98 : i32 to index
      %get3A_107 = arith.constant 0 : index
      %get3A_108 = tpu.vector_load %arg8[%get3A_106, %get3A_107] {strides = array<i32>} : memref<64x768xf32, #tpu.memory_space<vmem>>, vector<1x16xf32>,
      %get3A_109 = vector.shape_cast %get3A_108 : vector<1x16xf32> to vector<16xf32>
      %get3A_110 = arith.index_cast %scan3A_98 : i32 to index
      %get3A_111 = arith.constant 0 : index
      %get3A_112 = tpu.vector_load %arg9[%get3A_110, %get3A_111] {strides = array<i32>} : memref<64x768xf32, #tpu.memory_space<vmem>>, vector<1x16xf32>,
      %get3A_113 = vector.shape_cast %get3A_112 : vector<1x16xf32> to vector<16xf32>
      %mul3A_114 = arith.mulf %get3A_109, %get3A_101 : vector<16xf32>
      %mul3A_115 = arith.mulf %get3A_113, %get3A_105 : vector<16xf32>
      %add3A_116 = arith.addf %mul3A_114, %mul3A_115 : vector<16xf32>
      %swap3A = arith.index_cast %scan3A_98 : i32 to index
      %swap3A_117 = arith.constant 0 : index
      %swap3A_118 = tpu.vector_load %arg8[%swap3A, %swap3A_117] {strides = array<i32>} : memref<64x768xf32, #tpu.memory_space<vmem>>, vector<1x16xf32>,
      %swap3A_119 = vector.shape_cast %swap3A_118 : vector<1x16xf32> to vector<16xf32>
      %swap3A_120 = vector.shape_cast %add3A_116 : vector<16xf32> to vector<1x16xf32>
      tpu.vector_store %arg8[%swap3A, %swap3A_117], %swap3A_120 {strides = array<i32>} : memref<64x768xf32, #tpu.memory_space<vmem>>, vector<1x16xf32>,
      %get3A_121 = arith.index_cast %scan3A_98 : i32 to index
      %get3A_122 = arith.constant 16 : index
      %get3A_123 = tpu.vector_load %arg8[%get3A_121, %get3A_122] {strides = array<i32>} : memref<64x768xf32, #tpu.memory_space<vmem>>, vector<1x16xf32>,
      %get3A_124 = vector.shape_cast %get3A_123 : vector<1x16xf32> to vector<16xf32>
      %get3A_125 = arith.index_cast %scan3A_98 : i32 to index
      %get3A_126 = arith.constant 16 : index
      %get3A_127 = tpu.vector_load %arg9[%get3A_125, %get3A_126] {strides = array<i32>} : memref<64x768xf32, #tpu.memory_space<vmem>>, vector<1x16xf32>,
      %get3A_128 = vector.shape_cast %get3A_127 : vector<1x16xf32> to vector<16xf32>
      %mul3A_129 = arith.mulf %get3A_124, %get3A_101 : vector<16xf32>
      %mul3A_130 = arith.mulf %get3A_128, %get3A_105 : vector<16xf32>
      %add3A_131 = arith.addf %mul3A_129, %mul3A_130 : vector<16xf32>
      %swap3A_132 = arith.index_cast %scan3A_98 : i32 to index
      %swap3A_133 = arith.constant 16 : index
      %swap3A_134 = tpu.vector_load %arg8[%swap3A_132, %swap3A_133] {strides = array<i32>} : memref<64x768xf32, #tpu.memory_space<vmem>>, vector<1x16xf32>,
      %swap3A_135 = vector.shape_cast %swap3A_134 : vector<1x16xf32> to vector<16xf32>
      %swap3A_136 = vector.shape_cast %add3A_131 : vector<16xf32> to vector<1x16xf32>
      tpu.vector_store %arg8[%swap3A_132, %swap3A_133], %swap3A_136 {strides = array<i32>} : memref<64x768xf32, #tpu.memory_space<vmem>>, vector<1x16xf32>,
      %get3A_137 = arith.index_cast %scan3A_98 : i32 to index
      %get3A_138 = arith.constant 32 : index
      %get3A_139 = tpu.vector_load %arg8[%get3A_137, %get3A_138] {strides = array<i32>} : memref<64x768xf32, #tpu.memory_space<vmem>>, vector<1x16xf32>,
      %get3A_140 = vector.shape_cast %get3A_139 : vector<1x16xf32> to vector<16xf32>
      %get3A_141 = arith.index_cast %scan3A_98 : i32 to index
      %get3A_142 = arith.constant 32 : index
      %get3A_143 = tpu.vector_load %arg9[%get3A_141, %get3A_142] {strides = array<i32>} : memref<64x768xf32, #tpu.memory_space<vmem>>, vector<1x16xf32>,
      %get3A_144 = vector.shape_cast %get3A_143 : vector<1x16xf32> to vector<16xf32>
      %mul3A_145 = arith.mulf %get3A_140, %get3A_101 : vector<16xf32>
      %mul3A_146 = arith.mulf %get3A_144, %get3A_105 : vector<16xf32>
      %add3A_147 = arith.addf %mul3A_145, %mul3A_146 : vector<16xf32>
      %swap3A_148 = arith.index_cast %scan3A_98 : i32 to index
      %swap3A_149 = arith.constant 32 : index
      %swap3A_150 = tpu.vector_load %arg8[%swap3A_148, %swap3A_149] {strides = array<i32>} : memref<64x768xf32, #tpu.memory_space<vmem>>, vector<1x16xf32>,
      %swap3A_151 = vector.shape_cast %swap3A_150 : vector<1x16xf32> to vector<16xf32>
      %swap3A_152 = vector.shape_cast %add3A_147 : vector<16xf32> to vector<1x16xf32>
      tpu.vector_store %arg8[%swap3A_148, %swap3A_149], %swap3A_152 {strides = array<i32>} : memref<64x768xf32, #tpu.memory_space<vmem>>, vector<1x16xf32>,
      %get3A_153 = arith.index_cast %scan3A_98 : i32 to index
      %get3A_154 = arith.constant 48 : index
      %get3A_155 = tpu.vector_load %arg8[%get3A_153, %get3A_154] {strides = array<i32>} : memref<64x768xf32, #tpu.memory_space<vmem>>, vector<1x16xf32>,
      %get3A_156 = vector.shape_cast %get3A_155 : vector<1x16xf32> to vector<16xf32>
      %get3A_157 = arith.index_cast %scan3A_98 : i32 to index
      %get3A_158 = arith.constant 48 : index
      %get3A_159 = tpu.vector_load %arg9[%get3A_157, %get3A_158] {strides = array<i32>} : memref<64x768xf32, #tpu.memory_space<vmem>>, vector<1x16xf32>,
      %get3A_160 = vector.shape_cast %get3A_159 : vector<1x16xf32> to vector<16xf32>
      %mul3A_161 = arith.mulf %get3A_156, %get3A_101 : vector<16xf32>
      %mul3A_162 = arith.mulf %get3A_160, %get3A_105 : vector<16xf32>
      %add3A_163 = arith.addf %mul3A_161, %mul3A_162 : vector<16xf32>
      %swap3A_164 = arith.index_cast %scan3A_98 : i32 to index
      %swap3A_165 = arith.constant 48 : index
      %swap3A_166 = tpu.vector_load %arg8[%swap3A_164, %swap3A_165] {strides = array<i32>} : memref<64x768xf32, #tpu.memory_space<vmem>>, vector<1x16xf32>,
      %swap3A_167 = vector.shape_cast %swap3A_166 : vector<1x16xf32> to vector<16xf32>
      %swap3A_168 = vector.shape_cast %add3A_163 : vector<16xf32> to vector<1x16xf32>
      tpu.vector_store %arg8[%swap3A_164, %swap3A_165], %swap3A_168 {strides = array<i32>} : memref<64x768xf32, #tpu.memory_space<vmem>>, vector<1x16xf32>,
      %get3A_169 = arith.index_cast %scan3A_98 : i32 to index
      %get3A_170 = arith.constant 64 : index
      %get3A_171 = tpu.vector_load %arg8[%get3A_169, %get3A_170] {strides = array<i32>} : memref<64x768xf32, #tpu.memory_space<vmem>>, vector<1x16xf32>,
      %get3A_172 = vector.shape_cast %get3A_171 : vector<1x16xf32> to vector<16xf32>
      %get3A_173 = arith.index_cast %scan3A_98 : i32 to index
      %get3A_174 = arith.constant 64 : index
      %get3A_175 = tpu.vector_load %arg9[%get3A_173, %get3A_174] {strides = array<i32>} : memref<64x768xf32, #tpu.memory_space<vmem>>, vector<1x16xf32>,
      %get3A_176 = vector.shape_cast %get3A_175 : vector<1x16xf32> to vector<16xf32>
      %mul3A_177 = arith.mulf %get3A_172, %get3A_101 : vector<16xf32>
      %mul3A_178 = arith.mulf %get3A_176, %get3A_105 : vector<16xf32>
      %add3A_179 = arith.addf %mul3A_177, %mul3A_178 : vector<16xf32>
      %swap3A_180 = arith.index_cast %scan3A_98 : i32 to index
      %swap3A_181 = arith.constant 64 : index
      %swap3A_182 = tpu.vector_load %arg8[%swap3A_180, %swap3A_181] {strides = array<i32>} : memref<64x768xf32, #tpu.memory_space<vmem>>, vector<1x16xf32>,
      %swap3A_183 = vector.shape_cast %swap3A_182 : vector<1x16xf32> to vector<16xf32>
      %swap3A_184 = vector.shape_cast %add3A_179 : vector<16xf32> to vector<1x16xf32>
      tpu.vector_store %arg8[%swap3A_180, %swap3A_181], %swap3A_184 {strides = array<i32>} : memref<64x768xf32, #tpu.memory_space<vmem>>, vector<1x16xf32>,
      %get3A_185 = arith.index_cast %scan3A_98 : i32 to index
      %get3A_186 = arith.constant 80 : index
      %get3A_187 = tpu.vector_load %arg8[%get3A_185, %get3A_186] {strides = array<i32>} : memref<64x768xf32, #tpu.memory_space<vmem>>, vector<1x16xf32>,
      %get3A_188 = vector.shape_cast %get3A_187 : vector<1x16xf32> to vector<16xf32>
      %get3A_189 = arith.index_cast %scan3A_98 : i32 to index
      %get3A_190 = arith.constant 80 : index
      %get3A_191 = tpu.vector_load %arg9[%get3A_189, %get3A_190] {strides = array<i32>} : memref<64x768xf32, #tpu.memory_space<vmem>>, vector<1x16xf32>,
      %get3A_192 = vector.shape_cast %get3A_191 : vector<1x16xf32> to vector<16xf32>
      %mul3A_193 = arith.mulf %get3A_188, %get3A_101 : vector<16xf32>
      %mul3A_194 = arith.mulf %get3A_192, %get3A_105 : vector<16xf32>
      %add3A_195 = arith.addf %mul3A_193, %mul3A_194 : vector<16xf32>
      %swap3A_196 = arith.index_cast %scan3A_98 : i32 to index
      %swap3A_197 = arith.constant 80 : index
      %swap3A_198 = tpu.vector_load %arg8[%swap3A_196, %swap3A_197] {strides = array<i32>} : memref<64x768xf32, #tpu.memory_space<vmem>>, vector<1x16xf32>,
      %swap3A_199 = vector.shape_cast %swap3A_198 : vector<1x16xf32> to vector<16xf32>
      %swap3A_200 = vector.shape_cast %add3A_195 : vector<16xf32> to vector<1x16xf32>
      tpu.vector_store %arg8[%swap3A_196, %swap3A_197], %swap3A_200 {strides = array<i32>} : memref<64x768xf32, #tpu.memory_space<vmem>>, vector<1x16xf32>,
      %get3A_201 = arith.index_cast %scan3A_98 : i32 to index
      %get3A_202 = arith.constant 96 : index
      %get3A_203 = tpu.vector_load %arg8[%get3A_201, %get3A_202] {strides = array<i32>} : memref<64x768xf32, #tpu.memory_space<vmem>>, vector<1x16xf32>,
      %get3A_204 = vector.shape_cast %get3A_203 : vector<1x16xf32> to vector<16xf32>
      %get3A_205 = arith.index_cast %scan3A_98 : i32 to index
      %get3A_206 = arith.constant 96 : index
      %get3A_207 = tpu.vector_load %arg9[%get3A_205, %get3A_206] {strides = array<i32>} : memref<64x768xf32, #tpu.memory_space<vmem>>, vector<1x16xf32>,
      %get3A_208 = vector.shape_cast %get3A_207 : vector<1x16xf32> to vector<16xf32>
      %mul3A_209 = arith.mulf %get3A_204, %get3A_101 : vector<16xf32>
      %mul3A_210 = arith.mulf %get3A_208, %get3A_105 : vector<16xf32>
      %add3A_211 = arith.addf %mul3A_209, %mul3A_210 : vector<16xf32>
      %swap3A_212 = arith.index_cast %scan3A_98 : i32 to index
      %swap3A_213 = arith.constant 96 : index
      %swap3A_214 = tpu.vector_load %arg8[%swap3A_212, %swap3A_213] {strides = array<i32>} : memref<64x768xf32, #tpu.memory_space<vmem>>, vector<1x16xf32>,
      %swap3A_215 = vector.shape_cast %swap3A_214 : vector<1x16xf32> to vector<16xf32>
      %swap3A_216 = vector.shape_cast %add3A_211 : vector<16xf32> to vector<1x16xf32>
      tpu.vector_store %arg8[%swap3A_212, %swap3A_213], %swap3A_216 {strides = array<i32>} : memref<64x768xf32, #tpu.memory_space<vmem>>, vector<1x16xf32>,
      %get3A_217 = arith.index_cast %scan3A_98 : i32 to index
      %get3A_218 = arith.constant 112 : index
      %get3A_219 = tpu.vector_load %arg8[%get3A_217, %get3A_218] {strides = array<i32>} : memref<64x768xf32, #tpu.memory_space<vmem>>, vector<1x16xf32>,
      %get3A_220 = vector.shape_cast %get3A_219 : vector<1x16xf32> to vector<16xf32>
      %get3A_221 = arith.index_cast %scan3A_98 : i32 to index
      %get3A_222 = arith.constant 112 : index
      %get3A_223 = tpu.vector_load %arg9[%get3A_221, %get3A_222] {strides = array<i32>} : memref<64x768xf32, #tpu.memory_space<vmem>>, vector<1x16xf32>,
      %get3A_224 = vector.shape_cast %get3A_223 : vector<1x16xf32> to vector<16xf32>
      %mul3A_225 = arith.mulf %get3A_220, %get3A_101 : vector<16xf32>
      %mul3A_226 = arith.mulf %get3A_224, %get3A_105 : vector<16xf32>
      %add3A_227 = arith.addf %mul3A_225, %mul3A_226 : vector<16xf32>
      %swap3A_228 = arith.index_cast %scan3A_98 : i32 to index
      %swap3A_229 = arith.constant 112 : index
      %swap3A_230 = tpu.vector_load %arg8[%swap3A_228, %swap3A_229] {strides = array<i32>} : memref<64x768xf32, #tpu.memory_space<vmem>>, vector<1x16xf32>,
      %swap3A_231 = vector.shape_cast %swap3A_230 : vector<1x16xf32> to vector<16xf32>
      %swap3A_232 = vector.shape_cast %add3A_227 : vector<16xf32> to vector<1x16xf32>
      tpu.vector_store %arg8[%swap3A_228, %swap3A_229], %swap3A_232 {strides = array<i32>} : memref<64x768xf32, #tpu.memory_space<vmem>>, vector<1x16xf32>,
      %get3A_233 = arith.index_cast %scan3A_98 : i32 to index
      %get3A_234 = arith.constant 128 : index
      %get3A_235 = tpu.vector_load %arg8[%get3A_233, %get3A_234] {strides = array<i32>} : memref<64x768xf32, #tpu.memory_space<vmem>>, vector<1x16xf32>,
      %get3A_236 = vector.shape_cast %get3A_235 : vector<1x16xf32> to vector<16xf32>
      %get3A_237 = arith.index_cast %scan3A_98 : i32 to index
      %get3A_238 = arith.constant 128 : index
      %get3A_239 = tpu.vector_load %arg9[%get3A_237, %get3A_238] {strides = array<i32>} : memref<64x768xf32, #tpu.memory_space<vmem>>, vector<1x16xf32>,
      %get3A_240 = vector.shape_cast %get3A_239 : vector<1x16xf32> to vector<16xf32>
      %mul3A_241 = arith.mulf %get3A_236, %get3A_101 : vector<16xf32>
      %mul3A_242 = arith.mulf %get3A_240, %get3A_105 : vector<16xf32>
      %add3A_243 = arith.addf %mul3A_241, %mul3A_242 : vector<16xf32>
      %swap3A_244 = arith.index_cast %scan3A_98 : i32 to index
      %swap3A_245 = arith.constant 128 : index
      %swap3A_246 = tpu.vector_load %arg8[%swap3A_244, %swap3A_245] {strides = array<i32>} : memref<64x768xf32, #tpu.memory_space<vmem>>, vector<1x16xf32>,
      %swap3A_247 = vector.shape_cast %swap3A_246 : vector<1x16xf32> to vector<16xf32>
      %swap3A_248 = vector.shape_cast %add3A_243 : vector<16xf32> to vector<1x16xf32>
      tpu.vector_store %arg8[%swap3A_244, %swap3A_245], %swap3A_248 {strides = array<i32>} : memref<64x768xf32, #tpu.memory_space<vmem>>, vector<1x16xf32>,
      %get3A_249 = arith.index_cast %scan3A_98 : i32 to index
      %get3A_250 = arith.constant 144 : index
      %get3A_251 = tpu.vector_load %arg8[%get3A_249, %get3A_250] {strides = array<i32>} : memref<64x768xf32, #tpu.memory_space<vmem>>, vector<1x16xf32>,
      %get3A_252 = vector.shape_cast %get3A_251 : vector<1x16xf32> to vector<16xf32>
      %get3A_253 = arith.index_cast %scan3A_98 : i32 to index
      %get3A_254 = arith.constant 144 : index
      %get3A_255 = tpu.vector_load %arg9[%get3A_253, %get3A_254] {strides = array<i32>} : memref<64x768xf32, #tpu.memory_space<vmem>>, vector<1x16xf32>,
      %get3A_256 = vector.shape_cast %get3A_255 : vector<1x16xf32> to vector<16xf32>
      %mul3A_257 = arith.mulf %get3A_252, %get3A_101 : vector<16xf32>
      %mul3A_258 = arith.mulf %get3A_256, %get3A_105 : vector<16xf32>
      %add3A_259 = arith.addf %mul3A_257, %mul3A_258 : vector<16xf32>
      %swap3A_260 = arith.index_cast %scan3A_98 : i32 to index
      %swap3A_261 = arith.constant 144 : index
      %swap3A_262 = tpu.vector_load %arg8[%swap3A_260, %swap3A_261] {strides = array<i32>} : memref<64x768xf32, #tpu.memory_space<vmem>>, vector<1x16xf32>,
      %swap3A_263 = vector.shape_cast %swap3A_262 : vector<1x16xf32> to vector<16xf32>
      %swap3A_264 = vector.shape_cast %add3A_259 : vector<16xf32> to vector<1x16xf32>
      tpu.vector_store %arg8[%swap3A_260, %swap3A_261], %swap3A_264 {strides = array<i32>} : memref<64x768xf32, #tpu.memory_space<vmem>>, vector<1x16xf32>,
      %get3A_265 = arith.index_cast %scan3A_98 : i32 to index
      %get3A_266 = arith.constant 160 : index
      %get3A_267 = tpu.vector_load %arg8[%get3A_265, %get3A_266] {strides = array<i32>} : memref<64x768xf32, #tpu.memory_space<vmem>>, vector<1x16xf32>,
      %get3A_268 = vector.shape_cast %get3A_267 : vector<1x16xf32> to vector<16xf32>
      %get3A_269 = arith.index_cast %scan3A_98 : i32 to index
      %get3A_270 = arith.constant 160 : index
      %get3A_271 = tpu.vector_load %arg9[%get3A_269, %get3A_270] {strides = array<i32>} : memref<64x768xf32, #tpu.memory_space<vmem>>, vector<1x16xf32>,
      %get3A_272 = vector.shape_cast %get3A_271 : vector<1x16xf32> to vector<16xf32>
      %mul3A_273 = arith.mulf %get3A_268, %get3A_101 : vector<16xf32>
      %mul3A_274 = arith.mulf %get3A_272, %get3A_105 : vector<16xf32>
      %add3A_275 = arith.addf %mul3A_273, %mul3A_274 : vector<16xf32>
      %swap3A_276 = arith.index_cast %scan3A_98 : i32 to index
      %swap3A_277 = arith.constant 160 : index
      %swap3A_278 = tpu.vector_load %arg8[%swap3A_276, %swap3A_277] {strides = array<i32>} : memref<64x768xf32, #tpu.memory_space<vmem>>, vector<1x16xf32>,
      %swap3A_279 = vector.shape_cast %swap3A_278 : vector<1x16xf32> to vector<16xf32>
      %swap3A_280 = vector.shape_cast %add3A_275 : vector<16xf32> to vector<1x16xf32>
      tpu.vector_store %arg8[%swap3A_276, %swap3A_277], %swap3A_280 {strides = array<i32>} : memref<64x768xf32, #tpu.memory_space<vmem>>, vector<1x16xf32>,
      %get3A_281 = arith.index_cast %scan3A_98 : i32 to index
      %get3A_282 = arith.constant 176 : index
      %get3A_283 = tpu.vector_load %arg8[%get3A_281, %get3A_282] {strides = array<i32>} : memref<64x768xf32, #tpu.memory_space<vmem>>, vector<1x16xf32>,
      %get3A_284 = vector.shape_cast %get3A_283 : vector<1x16xf32> to vector<16xf32>
      %get3A_285 = arith.index_cast %scan3A_98 : i32 to index
      %get3A_286 = arith.constant 176 : index
      %get3A_287 = tpu.vector_load %arg9[%get3A_285, %get3A_286] {strides = array<i32>} : memref<64x768xf32, #tpu.memory_space<vmem>>, vector<1x16xf32>,
      %get3A_288 = vector.shape_cast %get3A_287 : vector<1x16xf32> to vector<16xf32>
      %mul3A_289 = arith.mulf %get3A_284, %get3A_101 : vector<16xf32>
      %mul3A_290 = arith.mulf %get3A_288, %get3A_105 : vector<16xf32>
      %add3A_291 = arith.addf %mul3A_289, %mul3A_290 : vector<16xf32>
      %swap3A_292 = arith.index_cast %scan3A_98 : i32 to index
      %swap3A_293 = arith.constant 176 : index
      %swap3A_294 = tpu.vector_load %arg8[%swap3A_292, %swap3A_293] {strides = array<i32>} : memref<64x768xf32, #tpu.memory_space<vmem>>, vector<1x16xf32>,
      %swap3A_295 = vector.shape_cast %swap3A_294 : vector<1x16xf32> to vector<16xf32>
      %swap3A_296 = vector.shape_cast %add3A_291 : vector<16xf32> to vector<1x16xf32>
      tpu.vector_store %arg8[%swap3A_292, %swap3A_293], %swap3A_296 {strides = array<i32>} : memref<64x768xf32, #tpu.memory_space<vmem>>, vector<1x16xf32>,
      %get3A_297 = arith.index_cast %scan3A_98 : i32 to index
      %get3A_298 = arith.constant 192 : index
      %get3A_299 = tpu.vector_load %arg8[%get3A_297, %get3A_298] {strides = array<i32>} : memref<64x768xf32, #tpu.memory_space<vmem>>, vector<1x16xf32>,
      %get3A_300 = vector.shape_cast %get3A_299 : vector<1x16xf32> to vector<16xf32>
      %get3A_301 = arith.index_cast %scan3A_98 : i32 to index
      %get3A_302 = arith.constant 192 : index
      %get3A_303 = tpu.vector_load %arg9[%get3A_301, %get3A_302] {strides = array<i32>} : memref<64x768xf32, #tpu.memory_space<vmem>>, vector<1x16xf32>,
      %get3A_304 = vector.shape_cast %get3A_303 : vector<1x16xf32> to vector<16xf32>
      %mul3A_305 = arith.mulf %get3A_300, %get3A_101 : vector<16xf32>
      %mul3A_306 = arith.mulf %get3A_304, %get3A_105 : vector<16xf32>
      %add3A_307 = arith.addf %mul3A_305, %mul3A_306 : vector<16xf32>
      %swap3A_308 = arith.index_cast %scan3A_98 : i32 to index
      %swap3A_309 = arith.constant 192 : index
      %swap3A_310 = tpu.vector_load %arg8[%swap3A_308, %swap3A_309] {strides = array<i32>} : memref<64x768xf32, #tpu.memory_space<vmem>>, vector<1x16xf32>,
      %swap3A_311 = vector.shape_cast %swap3A_310 : vector<1x16xf32> to vector<16xf32>
      %swap3A_312 = vector.shape_cast %add3A_307 : vector<16xf32> to vector<1x16xf32>
      tpu.vector_store %arg8[%swap3A_308, %swap3A_309], %swap3A_312 {strides = array<i32>} : memref<64x768xf32, #tpu.memory_space<vmem>>, vector<1x16xf32>,
      %get3A_313 = arith.index_cast %scan3A_98 : i32 to index
      %get3A_314 = arith.constant 208 : index
      %get3A_315 = tpu.vector_load %arg8[%get3A_313, %get3A_314] {strides = array<i32>} : memref<64x768xf32, #tpu.memory_space<vmem>>, vector<1x16xf32>,
      %get3A_316 = vector.shape_cast %get3A_315 : vector<1x16xf32> to vector<16xf32>
      %get3A_317 = arith.index_cast %scan3A_98 : i32 to index
      %get3A_318 = arith.constant 208 : index
      %get3A_319 = tpu.vector_load %arg9[%get3A_317, %get3A_318] {strides = array<i32>} : memref<64x768xf32, #tpu.memory_space<vmem>>, vector<1x16xf32>,
      %get3A_320 = vector.shape_cast %get3A_319 : vector<1x16xf32> to vector<16xf32>
      %mul3A_321 = arith.mulf %get3A_316, %get3A_101 : vector<16xf32>
      %mul3A_322 = arith.mulf %get3A_320, %get3A_105 : vector<16xf32>
      %add3A_323 = arith.addf %mul3A_321, %mul3A_322 : vector<16xf32>
      %swap3A_324 = arith.index_cast %scan3A_98 : i32 to index
      %swap3A_325 = arith.constant 208 : index
      %swap3A_326 = tpu.vector_load %arg8[%swap3A_324, %swap3A_325] {strides = array<i32>} : memref<64x768xf32, #tpu.memory_space<vmem>>, vector<1x16xf32>,
      %swap3A_327 = vector.shape_cast %swap3A_326 : vector<1x16xf32> to vector<16xf32>
      %swap3A_328 = vector.shape_cast %add3A_323 : vector<16xf32> to vector<1x16xf32>
      tpu.vector_store %arg8[%swap3A_324, %swap3A_325], %swap3A_328 {strides = array<i32>} : memref<64x768xf32, #tpu.memory_space<vmem>>, vector<1x16xf32>,
      %get3A_329 = arith.index_cast %scan3A_98 : i32 to index
      %get3A_330 = arith.constant 224 : index
      %get3A_331 = tpu.vector_load %arg8[%get3A_329, %get3A_330] {strides = array<i32>} : memref<64x768xf32, #tpu.memory_space<vmem>>, vector<1x16xf32>,
      %get3A_332 = vector.shape_cast %get3A_331 : vector<1x16xf32> to vector<16xf32>
      %get3A_333 = arith.index_cast %scan3A_98 : i32 to index
      %get3A_334 = arith.constant 224 : index
      %get3A_335 = tpu.vector_load %arg9[%get3A_333, %get3A_334] {strides = array<i32>} : memref<64x768xf32, #tpu.memory_space<vmem>>, vector<1x16xf32>,
      %get3A_336 = vector.shape_cast %get3A_335 : vector<1x16xf32> to vector<16xf32>
      %mul3A_337 = arith.mulf %get3A_332, %get3A_101 : vector<16xf32>
      %mul3A_338 = arith.mulf %get3A_336, %get3A_105 : vector<16xf32>
      %add3A_339 = arith.addf %mul3A_337, %mul3A_338 : vector<16xf32>
      %swap3A_340 = arith.index_cast %scan3A_98 : i32 to index
      %swap3A_341 = arith.constant 224 : index
      %swap3A_342 = tpu.vector_load %arg8[%swap3A_340, %swap3A_341] {strides = array<i32>} : memref<64x768xf32, #tpu.memory_space<vmem>>, vector<1x16xf32>,
      %swap3A_343 = vector.shape_cast %swap3A_342 : vector<1x16xf32> to vector<16xf32>
      %swap3A_344 = vector.shape_cast %add3A_339 : vector<16xf32> to vector<1x16xf32>
      tpu.vector_store %arg8[%swap3A_340, %swap3A_341], %swap3A_344 {strides = array<i32>} : memref<64x768xf32, #tpu.memory_space<vmem>>, vector<1x16xf32>,
      %get3A_345 = arith.index_cast %scan3A_98 : i32 to index
      %get3A_346 = arith.constant 240 : index
      %get3A_347 = tpu.vector_load %arg8[%get3A_345, %get3A_346] {strides = array<i32>} : memref<64x768xf32, #tpu.memory_space<vmem>>, vector<1x16xf32>,
      %get3A_348 = vector.shape_cast %get3A_347 : vector<1x16xf32> to vector<16xf32>
      %get3A_349 = arith.index_cast %scan3A_98 : i32 to index
      %get3A_350 = arith.constant 240 : index
      %get3A_351 = tpu.vector_load %arg9[%get3A_349, %get3A_350] {strides = array<i32>} : memref<64x768xf32, #tpu.memory_space<vmem>>, vector<1x16xf32>,
      %get3A_352 = vector.shape_cast %get3A_351 : vector<1x16xf32> to vector<16xf32>
      %mul3A_353 = arith.mulf %get3A_348, %get3A_101 : vector<16xf32>
      %mul3A_354 = arith.mulf %get3A_352, %get3A_105 : vector<16xf32>
      %add3A_355 = arith.addf %mul3A_353, %mul3A_354 : vector<16xf32>
      %swap3A_356 = arith.index_cast %scan3A_98 : i32 to index
      %swap3A_357 = arith.constant 240 : index
      %swap3A_358 = tpu.vector_load %arg8[%swap3A_356, %swap3A_357] {strides = array<i32>} : memref<64x768xf32, #tpu.memory_space<vmem>>, vector<1x16xf32>,
      %swap3A_359 = vector.shape_cast %swap3A_358 : vector<1x16xf32> to vector<16xf32>
      %swap3A_360 = vector.shape_cast %add3A_355 : vector<16xf32> to vector<1x16xf32>
      tpu.vector_store %arg8[%swap3A_356, %swap3A_357], %swap3A_360 {strides = array<i32>} : memref<64x768xf32, #tpu.memory_space<vmem>>, vector<1x16xf32>,
      %get3A_361 = arith.index_cast %scan3A_98 : i32 to index
      %get3A_362 = arith.constant 256 : index
      %get3A_363 = tpu.vector_load %arg8[%get3A_361, %get3A_362] {strides = array<i32>} : memref<64x768xf32, #tpu.memory_space<vmem>>, vector<1x16xf32>,
      %get3A_364 = vector.shape_cast %get3A_363 : vector<1x16xf32> to vector<16xf32>
      %get3A_365 = arith.index_cast %scan3A_98 : i32 to index
      %get3A_366 = arith.constant 256 : index
      %get3A_367 = tpu.vector_load %arg9[%get3A_365, %get3A_366] {strides = array<i32>} : memref<64x768xf32, #tpu.memory_space<vmem>>, vector<1x16xf32>,
      %get3A_368 = vector.shape_cast %get3A_367 : vector<1x16xf32> to vector<16xf32>
      %mul3A_369 = arith.mulf %get3A_364, %get3A_101 : vector<16xf32>
      %mul3A_370 = arith.mulf %get3A_368, %get3A_105 : vector<16xf32>
      %add3A_371 = arith.addf %mul3A_369, %mul3A_370 : vector<16xf32>
      %swap3A_372 = arith.index_cast %scan3A_98 : i32 to index
      %swap3A_373 = arith.constant 256 : index
      %swap3A_374 = tpu.vector_load %arg8[%swap3A_372, %swap3A_373] {strides = array<i32>} : memref<64x768xf32, #tpu.memory_space<vmem>>, vector<1x16xf32>,
      %swap3A_375 = vector.shape_cast %swap3A_374 : vector<1x16xf32> to vector<16xf32>
      %swap3A_376 = vector.shape_cast %add3A_371 : vector<16xf32> to vector<1x16xf32>
      tpu.vector_store %arg8[%swap3A_372, %swap3A_373], %swap3A_376 {strides = array<i32>} : memref<64x768xf32, #tpu.memory_space<vmem>>, vector<1x16xf32>,
      %get3A_377 = arith.index_cast %scan3A_98 : i32 to index
      %get3A_378 = arith.constant 272 : index
      %get3A_379 = tpu.vector_load %arg8[%get3A_377, %get3A_378] {strides = array<i32>} : memref<64x768xf32, #tpu.memory_space<vmem>>, vector<1x16xf32>,
      %get3A_380 = vector.shape_cast %get3A_379 : vector<1x16xf32> to vector<16xf32>
      %get3A_381 = arith.index_cast %scan3A_98 : i32 to index
      %get3A_382 = arith.constant 272 : index
      %get3A_383 = tpu.vector_load %arg9[%get3A_381, %get3A_382] {strides = array<i32>} : memref<64x768xf32, #tpu.memory_space<vmem>>, vector<1x16xf32>,
      %get3A_384 = vector.shape_cast %get3A_383 : vector<1x16xf32> to vector<16xf32>
      %mul3A_385 = arith.mulf %get3A_380, %get3A_101 : vector<16xf32>
      %mul3A_386 = arith.mulf %get3A_384, %get3A_105 : vector<16xf32>
      %add3A_387 = arith.addf %mul3A_385, %mul3A_386 : vector<16xf32>
      %swap3A_388 = arith.index_cast %scan3A_98 : i32 to index
      %swap3A_389 = arith.constant 272 : index
      %swap3A_390 = tpu.vector_load %arg8[%swap3A_388, %swap3A_389] {strides = array<i32>} : memref<64x768xf32, #tpu.memory_space<vmem>>, vector<1x16xf32>,
      %swap3A_391 = vector.shape_cast %swap3A_390 : vector<1x16xf32> to vector<16xf32>
      %swap3A_392 = vector.shape_cast %add3A_387 : vector<16xf32> to vector<1x16xf32>
      tpu.vector_store %arg8[%swap3A_388, %swap3A_389], %swap3A_392 {strides = array<i32>} : memref<64x768xf32, #tpu.memory_space<vmem>>, vector<1x16xf32>,
      %get3A_393 = arith.index_cast %scan3A_98 : i32 to index
      %get3A_394 = arith.constant 288 : index
      %get3A_395 = tpu.vector_load %arg8[%get3A_393, %get3A_394] {strides = array<i32>} : memref<64x768xf32, #tpu.memory_space<vmem>>, vector<1x16xf32>,
      %get3A_396 = vector.shape_cast %get3A_395 : vector<1x16xf32> to vector<16xf32>
      %get3A_397 = arith.index_cast %scan3A_98 : i32 to index
      %get3A_398 = arith.constant 288 : index
      %get3A_399 = tpu.vector_load %arg9[%get3A_397, %get3A_398] {strides = array<i32>} : memref<64x768xf32, #tpu.memory_space<vmem>>, vector<1x16xf32>,
      %get3A_400 = vector.shape_cast %get3A_399 : vector<1x16xf32> to vector<16xf32>
      %mul3A_401 = arith.mulf %get3A_396, %get3A_101 : vector<16xf32>
      %mul3A_402 = arith.mulf %get3A_400, %get3A_105 : vector<16xf32>
      %add3A_403 = arith.addf %mul3A_401, %mul3A_402 : vector<16xf32>
      %swap3A_404 = arith.index_cast %scan3A_98 : i32 to index
      %swap3A_405 = arith.constant 288 : index
      %swap3A_406 = tpu.vector_load %arg8[%swap3A_404, %swap3A_405] {strides = array<i32>} : memref<64x768xf32, #tpu.memory_space<vmem>>, vector<1x16xf32>,
      %swap3A_407 = vector.shape_cast %swap3A_406 : vector<1x16xf32> to vector<16xf32>
      %swap3A_408 = vector.shape_cast %add3A_403 : vector<16xf32> to vector<1x16xf32>
      tpu.vector_store %arg8[%swap3A_404, %swap3A_405], %swap3A_408 {strides = array<i32>} : memref<64x768xf32, #tpu.memory_space<vmem>>, vector<1x16xf32>,
      %get3A_409 = arith.index_cast %scan3A_98 : i32 to index
      %get3A_410 = arith.constant 304 : index
      %get3A_411 = tpu.vector_load %arg8[%get3A_409, %get3A_410] {strides = array<i32>} : memref<64x768xf32, #tpu.memory_space<vmem>>, vector<1x16xf32>,
      %get3A_412 = vector.shape_cast %get3A_411 : vector<1x16xf32> to vector<16xf32>
      %get3A_413 = arith.index_cast %scan3A_98 : i32 to index
      %get3A_414 = arith.constant 304 : index
      %get3A_415 = tpu.vector_load %arg9[%get3A_413, %get3A_414] {strides = array<i32>} : memref<64x768xf32, #tpu.memory_space<vmem>>, vector<1x16xf32>,
      %get3A_416 = vector.shape_cast %get3A_415 : vector<1x16xf32> to vector<16xf32>
      %mul3A_417 = arith.mulf %get3A_412, %get3A_101 : vector<16xf32>
      %mul3A_418 = arith.mulf %get3A_416, %get3A_105 : vector<16xf32>
      %add3A_419 = arith.addf %mul3A_417, %mul3A_418 : vector<16xf32>
      %swap3A_420 = arith.index_cast %scan3A_98 : i32 to index
      %swap3A_421 = arith.constant 304 : index
      %swap3A_422 = tpu.vector_load %arg8[%swap3A_420, %swap3A_421] {strides = array<i32>} : memref<64x768xf32, #tpu.memory_space<vmem>>, vector<1x16xf32>,
      %swap3A_423 = vector.shape_cast %swap3A_422 : vector<1x16xf32> to vector<16xf32>
      %swap3A_424 = vector.shape_cast %add3A_419 : vector<16xf32> to vector<1x16xf32>
      tpu.vector_store %arg8[%swap3A_420, %swap3A_421], %swap3A_424 {strides = array<i32>} : memref<64x768xf32, #tpu.memory_space<vmem>>, vector<1x16xf32>,
      %get3A_425 = arith.index_cast %scan3A_98 : i32 to index
      %get3A_426 = arith.constant 320 : index
      %get3A_427 = tpu.vector_load %arg8[%get3A_425, %get3A_426] {strides = array<i32>} : memref<64x768xf32, #tpu.memory_space<vmem>>, vector<1x16xf32>,
      %get3A_428 = vector.shape_cast %get3A_427 : vector<1x16xf32> to vector<16xf32>
      %get3A_429 = arith.index_cast %scan3A_98 : i32 to index
      %get3A_430 = arith.constant 320 : index
      %get3A_431 = tpu.vector_load %arg9[%get3A_429, %get3A_430] {strides = array<i32>} : memref<64x768xf32, #tpu.memory_space<vmem>>, vector<1x16xf32>,
      %get3A_432 = vector.shape_cast %get3A_431 : vector<1x16xf32> to vector<16xf32>
      %mul3A_433 = arith.mulf %get3A_428, %get3A_101 : vector<16xf32>
      %mul3A_434 = arith.mulf %get3A_432, %get3A_105 : vector<16xf32>
      %add3A_435 = arith.addf %mul3A_433, %mul3A_434 : vector<16xf32>
      %swap3A_436 = arith.index_cast %scan3A_98 : i32 to index
      %swap3A_437 = arith.constant 320 : index
      %swap3A_438 = tpu.vector_load %arg8[%swap3A_436, %swap3A_437] {strides = array<i32>} : memref<64x768xf32, #tpu.memory_space<vmem>>, vector<1x16xf32>,
      %swap3A_439 = vector.shape_cast %swap3A_438 : vector<1x16xf32> to vector<16xf32>
      %swap3A_440 = vector.shape_cast %add3A_435 : vector<16xf32> to vector<1x16xf32>
      tpu.vector_store %arg8[%swap3A_436, %swap3A_437], %swap3A_440 {strides = array<i32>} : memref<64x768xf32, #tpu.memory_space<vmem>>, vector<1x16xf32>,
      %get3A_441 = arith.index_cast %scan3A_98 : i32 to index
      %get3A_442 = arith.constant 336 : index
      %get3A_443 = tpu.vector_load %arg8[%get3A_441, %get3A_442] {strides = array<i32>} : memref<64x768xf32, #tpu.memory_space<vmem>>, vector<1x16xf32>,
      %get3A_444 = vector.shape_cast %get3A_443 : vector<1x16xf32> to vector<16xf32>
      %get3A_445 = arith.index_cast %scan3A_98 : i32 to index
      %get3A_446 = arith.constant 336 : index
      %get3A_447 = tpu.vector_load %arg9[%get3A_445, %get3A_446] {strides = array<i32>} : memref<64x768xf32, #tpu.memory_space<vmem>>, vector<1x16xf32>,
      %get3A_448 = vector.shape_cast %get3A_447 : vector<1x16xf32> to vector<16xf32>
      %mul3A_449 = arith.mulf %get3A_444, %get3A_101 : vector<16xf32>
      %mul3A_450 = arith.mulf %get3A_448, %get3A_105 : vector<16xf32>
      %add3A_451 = arith.addf %mul3A_449, %mul3A_450 : vector<16xf32>
      %swap3A_452 = arith.index_cast %scan3A_98 : i32 to index
      %swap3A_453 = arith.constant 336 : index
      %swap3A_454 = tpu.vector_load %arg8[%swap3A_452, %swap3A_453] {strides = array<i32>} : memref<64x768xf32, #tpu.memory_space<vmem>>, vector<1x16xf32>,
      %swap3A_455 = vector.shape_cast %swap3A_454 : vector<1x16xf32> to vector<16xf32>
      %swap3A_456 = vector.shape_cast %add3A_451 : vector<16xf32> to vector<1x16xf32>
      tpu.vector_store %arg8[%swap3A_452, %swap3A_453], %swap3A_456 {strides = array<i32>} : memref<64x768xf32, #tpu.memory_space<vmem>>, vector<1x16xf32>,
      %get3A_457 = arith.index_cast %scan3A_98 : i32 to index
      %get3A_458 = arith.constant 352 : index
      %get3A_459 = tpu.vector_load %arg8[%get3A_457, %get3A_458] {strides = array<i32>} : memref<64x768xf32, #tpu.memory_space<vmem>>, vector<1x16xf32>,
      %get3A_460 = vector.shape_cast %get3A_459 : vector<1x16xf32> to vector<16xf32>
      %get3A_461 = arith.index_cast %scan3A_98 : i32 to index
      %get3A_462 = arith.constant 352 : index
      %get3A_463 = tpu.vector_load %arg9[%get3A_461, %get3A_462] {strides = array<i32>} : memref<64x768xf32, #tpu.memory_space<vmem>>, vector<1x16xf32>,
      %get3A_464 = vector.shape_cast %get3A_463 : vector<1x16xf32> to vector<16xf32>
      %mul3A_465 = arith.mulf %get3A_460, %get3A_101 : vector<16xf32>
      %mul3A_466 = arith.mulf %get3A_464, %get3A_105 : vector<16xf32>
      %add3A_467 = arith.addf %mul3A_465, %mul3A_466 : vector<16xf32>
      %swap3A_468 = arith.index_cast %scan3A_98 : i32 to index
      %swap3A_469 = arith.constant 352 : index
      %swap3A_470 = tpu.vector_load %arg8[%swap3A_468, %swap3A_469] {strides = array<i32>} : memref<64x768xf32, #tpu.memory_space<vmem>>, vector<1x16xf32>,
      %swap3A_471 = vector.shape_cast %swap3A_470 : vector<1x16xf32> to vector<16xf32>
      %swap3A_472 = vector.shape_cast %add3A_467 : vector<16xf32> to vector<1x16xf32>
      tpu.vector_store %arg8[%swap3A_468, %swap3A_469], %swap3A_472 {strides = array<i32>} : memref<64x768xf32, #tpu.memory_space<vmem>>, vector<1x16xf32>,
      %get3A_473 = arith.index_cast %scan3A_98 : i32 to index
      %get3A_474 = arith.constant 368 : index
      %get3A_475 = tpu.vector_load %arg8[%get3A_473, %get3A_474] {strides = array<i32>} : memref<64x768xf32, #tpu.memory_space<vmem>>, vector<1x16xf32>,
      %get3A_476 = vector.shape_cast %get3A_475 : vector<1x16xf32> to vector<16xf32>
      %get3A_477 = arith.index_cast %scan3A_98 : i32 to index
      %get3A_478 = arith.constant 368 : index
      %get3A_479 = tpu.vector_load %arg9[%get3A_477, %get3A_478] {strides = array<i32>} : memref<64x768xf32, #tpu.memory_space<vmem>>, vector<1x16xf32>,
      %get3A_480 = vector.shape_cast %get3A_479 : vector<1x16xf32> to vector<16xf32>
      %mul3A_481 = arith.mulf %get3A_476, %get3A_101 : vector<16xf32>
      %mul3A_482 = arith.mulf %get3A_480, %get3A_105 : vector<16xf32>
      %add3A_483 = arith.addf %mul3A_481, %mul3A_482 : vector<16xf32>
      %swap3A_484 = arith.index_cast %scan3A_98 : i32 to index
      %swap3A_485 = arith.constant 368 : index
      %swap3A_486 = tpu.vector_load %arg8[%swap3A_484, %swap3A_485] {strides = array<i32>} : memref<64x768xf32, #tpu.memory_space<vmem>>, vector<1x16xf32>,
      %swap3A_487 = vector.shape_cast %swap3A_486 : vector<1x16xf32> to vector<16xf32>
      %swap3A_488 = vector.shape_cast %add3A_483 : vector<16xf32> to vector<1x16xf32>
      tpu.vector_store %arg8[%swap3A_484, %swap3A_485], %swap3A_488 {strides = array<i32>} : memref<64x768xf32, #tpu.memory_space<vmem>>, vector<1x16xf32>,
      %get3A_489 = arith.index_cast %scan3A_98 : i32 to index
      %get3A_490 = arith.constant 384 : index
      %get3A_491 = tpu.vector_load %arg8[%get3A_489, %get3A_490] {strides = array<i32>} : memref<64x768xf32, #tpu.memory_space<vmem>>, vector<1x16xf32>,
      %get3A_492 = vector.shape_cast %get3A_491 : vector<1x16xf32> to vector<16xf32>
      %get3A_493 = arith.index_cast %scan3A_98 : i32 to index
      %get3A_494 = arith.constant 384 : index
      %get3A_495 = tpu.vector_load %arg9[%get3A_493, %get3A_494] {strides = array<i32>} : memref<64x768xf32, #tpu.memory_space<vmem>>, vector<1x16xf32>,
      %get3A_496 = vector.shape_cast %get3A_495 : vector<1x16xf32> to vector<16xf32>
      %mul3A_497 = arith.mulf %get3A_492, %get3A_101 : vector<16xf32>
      %mul3A_498 = arith.mulf %get3A_496, %get3A_105 : vector<16xf32>
      %add3A_499 = arith.addf %mul3A_497, %mul3A_498 : vector<16xf32>
      %swap3A_500 = arith.index_cast %scan3A_98 : i32 to index
      %swap3A_501 = arith.constant 384 : index
      %swap3A_502 = tpu.vector_load %arg8[%swap3A_500, %swap3A_501] {strides = array<i32>} : memref<64x768xf32, #tpu.memory_space<vmem>>, vector<1x16xf32>,
      %swap3A_503 = vector.shape_cast %swap3A_502 : vector<1x16xf32> to vector<16xf32>
      %swap3A_504 = vector.shape_cast %add3A_499 : vector<16xf32> to vector<1x16xf32>
      tpu.vector_store %arg8[%swap3A_500, %swap3A_501], %swap3A_504 {strides = array<i32>} : memref<64x768xf32, #tpu.memory_space<vmem>>, vector<1x16xf32>,
      %get3A_505 = arith.index_cast %scan3A_98 : i32 to index
      %get3A_506 = arith.constant 400 : index
      %get3A_507 = tpu.vector_load %arg8[%get3A_505, %get3A_506] {strides = array<i32>} : memref<64x768xf32, #tpu.memory_space<vmem>>, vector<1x16xf32>,
      %get3A_508 = vector.shape_cast %get3A_507 : vector<1x16xf32> to vector<16xf32>
      %get3A_509 = arith.index_cast %scan3A_98 : i32 to index
      %get3A_510 = arith.constant 400 : index
      %get3A_511 = tpu.vector_load %arg9[%get3A_509, %get3A_510] {strides = array<i32>} : memref<64x768xf32, #tpu.memory_space<vmem>>, vector<1x16xf32>,
      %get3A_512 = vector.shape_cast %get3A_511 : vector<1x16xf32> to vector<16xf32>
      %mul3A_513 = arith.mulf %get3A_508, %get3A_101 : vector<16xf32>
      %mul3A_514 = arith.mulf %get3A_512, %get3A_105 : vector<16xf32>
      %add3A_515 = arith.addf %mul3A_513, %mul3A_514 : vector<16xf32>
      %swap3A_516 = arith.index_cast %scan3A_98 : i32 to index
      %swap3A_517 = arith.constant 400 : index
      %swap3A_518 = tpu.vector_load %arg8[%swap3A_516, %swap3A_517] {strides = array<i32>} : memref<64x768xf32, #tpu.memory_space<vmem>>, vector<1x16xf32>,
      %swap3A_519 = vector.shape_cast %swap3A_518 : vector<1x16xf32> to vector<16xf32>
      %swap3A_520 = vector.shape_cast %add3A_515 : vector<16xf32> to vector<1x16xf32>
      tpu.vector_store %arg8[%swap3A_516, %swap3A_517], %swap3A_520 {strides = array<i32>} : memref<64x768xf32, #tpu.memory_space<vmem>>, vector<1x16xf32>,
      %get3A_521 = arith.index_cast %scan3A_98 : i32 to index
      %get3A_522 = arith.constant 416 : index
      %get3A_523 = tpu.vector_load %arg8[%get3A_521, %get3A_522] {strides = array<i32>} : memref<64x768xf32, #tpu.memory_space<vmem>>, vector<1x16xf32>,
      %get3A_524 = vector.shape_cast %get3A_523 : vector<1x16xf32> to vector<16xf32>
      %get3A_525 = arith.index_cast %scan3A_98 : i32 to index
      %get3A_526 = arith.constant 416 : index
      %get3A_527 = tpu.vector_load %arg9[%get3A_525, %get3A_526] {strides = array<i32>} : memref<64x768xf32, #tpu.memory_space<vmem>>, vector<1x16xf32>,
      %get3A_528 = vector.shape_cast %get3A_527 : vector<1x16xf32> to vector<16xf32>
      %mul3A_529 = arith.mulf %get3A_524, %get3A_101 : vector<16xf32>
      %mul3A_530 = arith.mulf %get3A_528, %get3A_105 : vector<16xf32>
      %add3A_531 = arith.addf %mul3A_529, %mul3A_530 : vector<16xf32>
      %swap3A_532 = arith.index_cast %scan3A_98 : i32 to index
      %swap3A_533 = arith.constant 416 : index
      %swap3A_534 = tpu.vector_load %arg8[%swap3A_532, %swap3A_533] {strides = array<i32>} : memref<64x768xf32, #tpu.memory_space<vmem>>, vector<1x16xf32>,
      %swap3A_535 = vector.shape_cast %swap3A_534 : vector<1x16xf32> to vector<16xf32>
      %swap3A_536 = vector.shape_cast %add3A_531 : vector<16xf32> to vector<1x16xf32>
      tpu.vector_store %arg8[%swap3A_532, %swap3A_533], %swap3A_536 {strides = array<i32>} : memref<64x768xf32, #tpu.memory_space<vmem>>, vector<1x16xf32>,
      %get3A_537 = arith.index_cast %scan3A_98 : i32 to index
      %get3A_538 = arith.constant 432 : index
      %get3A_539 = tpu.vector_load %arg8[%get3A_537, %get3A_538] {strides = array<i32>} : memref<64x768xf32, #tpu.memory_space<vmem>>, vector<1x16xf32>,
      %get3A_540 = vector.shape_cast %get3A_539 : vector<1x16xf32> to vector<16xf32>
      %get3A_541 = arith.index_cast %scan3A_98 : i32 to index
      %get3A_542 = arith.constant 432 : index
      %get3A_543 = tpu.vector_load %arg9[%get3A_541, %get3A_542] {strides = array<i32>} : memref<64x768xf32, #tpu.memory_space<vmem>>, vector<1x16xf32>,
      %get3A_544 = vector.shape_cast %get3A_543 : vector<1x16xf32> to vector<16xf32>
      %mul3A_545 = arith.mulf %get3A_540, %get3A_101 : vector<16xf32>
      %mul3A_546 = arith.mulf %get3A_544, %get3A_105 : vector<16xf32>
      %add3A_547 = arith.addf %mul3A_545, %mul3A_546 : vector<16xf32>
      %swap3A_548 = arith.index_cast %scan3A_98 : i32 to index
      %swap3A_549 = arith.constant 432 : index
      %swap3A_550 = tpu.vector_load %arg8[%swap3A_548, %swap3A_549] {strides = array<i32>} : memref<64x768xf32, #tpu.memory_space<vmem>>, vector<1x16xf32>,
      %swap3A_551 = vector.shape_cast %swap3A_550 : vector<1x16xf32> to vector<16xf32>
      %swap3A_552 = vector.shape_cast %add3A_547 : vector<16xf32> to vector<1x16xf32>
      tpu.vector_store %arg8[%swap3A_548, %swap3A_549], %swap3A_552 {strides = array<i32>} : memref<64x768xf32, #tpu.memory_space<vmem>>, vector<1x16xf32>,
      %get3A_553 = arith.index_cast %scan3A_98 : i32 to index
      %get3A_554 = arith.constant 448 : index
      %get3A_555 = tpu.vector_load %arg8[%get3A_553, %get3A_554] {strides = array<i32>} : memref<64x768xf32, #tpu.memory_space<vmem>>, vector<1x16xf32>,
      %get3A_556 = vector.shape_cast %get3A_555 : vector<1x16xf32> to vector<16xf32>
      %get3A_557 = arith.index_cast %scan3A_98 : i32 to index
      %get3A_558 = arith.constant 448 : index
      %get3A_559 = tpu.vector_load %arg9[%get3A_557, %get3A_558] {strides = array<i32>} : memref<64x768xf32, #tpu.memory_space<vmem>>, vector<1x16xf32>,
      %get3A_560 = vector.shape_cast %get3A_559 : vector<1x16xf32> to vector<16xf32>
      %mul3A_561 = arith.mulf %get3A_556, %get3A_101 : vector<16xf32>
      %mul3A_562 = arith.mulf %get3A_560, %get3A_105 : vector<16xf32>
      %add3A_563 = arith.addf %mul3A_561, %mul3A_562 : vector<16xf32>
      %swap3A_564 = arith.index_cast %scan3A_98 : i32 to index
      %swap3A_565 = arith.constant 448 : index
      %swap3A_566 = tpu.vector_load %arg8[%swap3A_564, %swap3A_565] {strides = array<i32>} : memref<64x768xf32, #tpu.memory_space<vmem>>, vector<1x16xf32>,
      %swap3A_567 = vector.shape_cast %swap3A_566 : vector<1x16xf32> to vector<16xf32>
      %swap3A_568 = vector.shape_cast %add3A_563 : vector<16xf32> to vector<1x16xf32>
      tpu.vector_store %arg8[%swap3A_564, %swap3A_565], %swap3A_568 {strides = array<i32>} : memref<64x768xf32, #tpu.memory_space<vmem>>, vector<1x16xf32>,
      %get3A_569 = arith.index_cast %scan3A_98 : i32 to index
      %get3A_570 = arith.constant 464 : index
      %get3A_571 = tpu.vector_load %arg8[%get3A_569, %get3A_570] {strides = array<i32>} : memref<64x768xf32, #tpu.memory_space<vmem>>, vector<1x16xf32>,
      %get3A_572 = vector.shape_cast %get3A_571 : vector<1x16xf32> to vector<16xf32>
      %get3A_573 = arith.index_cast %scan3A_98 : i32 to index
      %get3A_574 = arith.constant 464 : index
      %get3A_575 = tpu.vector_load %arg9[%get3A_573, %get3A_574] {strides = array<i32>} : memref<64x768xf32, #tpu.memory_space<vmem>>, vector<1x16xf32>,
      %get3A_576 = vector.shape_cast %get3A_575 : vector<1x16xf32> to vector<16xf32>
      %mul3A_577 = arith.mulf %get3A_572, %get3A_101 : vector<16xf32>
      %mul3A_578 = arith.mulf %get3A_576, %get3A_105 : vector<16xf32>
      %add3A_579 = arith.addf %mul3A_577, %mul3A_578 : vector<16xf32>
      %swap3A_580 = arith.index_cast %scan3A_98 : i32 to index
      %swap3A_581 = arith.constant 464 : index
      %swap3A_582 = tpu.vector_load %arg8[%swap3A_580, %swap3A_581] {strides = array<i32>} : memref<64x768xf32, #tpu.memory_space<vmem>>, vector<1x16xf32>,
      %swap3A_583 = vector.shape_cast %swap3A_582 : vector<1x16xf32> to vector<16xf32>
      %swap3A_584 = vector.shape_cast %add3A_579 : vector<16xf32> to vector<1x16xf32>
      tpu.vector_store %arg8[%swap3A_580, %swap3A_581], %swap3A_584 {strides = array<i32>} : memref<64x768xf32, #tpu.memory_space<vmem>>, vector<1x16xf32>,
      %get3A_585 = arith.index_cast %scan3A_98 : i32 to index
      %get3A_586 = arith.constant 480 : index
      %get3A_587 = tpu.vector_load %arg8[%get3A_585, %get3A_586] {strides = array<i32>} : memref<64x768xf32, #tpu.memory_space<vmem>>, vector<1x16xf32>,
      %get3A_588 = vector.shape_cast %get3A_587 : vector<1x16xf32> to vector<16xf32>
      %get3A_589 = arith.index_cast %scan3A_98 : i32 to index
      %get3A_590 = arith.constant 480 : index
      %get3A_591 = tpu.vector_load %arg9[%get3A_589, %get3A_590] {strides = array<i32>} : memref<64x768xf32, #tpu.memory_space<vmem>>, vector<1x16xf32>,
      %get3A_592 = vector.shape_cast %get3A_591 : vector<1x16xf32> to vector<16xf32>
      %mul3A_593 = arith.mulf %get3A_588, %get3A_101 : vector<16xf32>
      %mul3A_594 = arith.mulf %get3A_592, %get3A_105 : vector<16xf32>
      %add3A_595 = arith.addf %mul3A_593, %mul3A_594 : vector<16xf32>
      %swap3A_596 = arith.index_cast %scan3A_98 : i32 to index
      %swap3A_597 = arith.constant 480 : index
      %swap3A_598 = tpu.vector_load %arg8[%swap3A_596, %swap3A_597] {strides = array<i32>} : memref<64x768xf32, #tpu.memory_space<vmem>>, vector<1x16xf32>,
      %swap3A_599 = vector.shape_cast %swap3A_598 : vector<1x16xf32> to vector<16xf32>
      %swap3A_600 = vector.shape_cast %add3A_595 : vector<16xf32> to vector<1x16xf32>
      tpu.vector_store %arg8[%swap3A_596, %swap3A_597], %swap3A_600 {strides = array<i32>} : memref<64x768xf32, #tpu.memory_space<vmem>>, vector<1x16xf32>,
      %get3A_601 = arith.index_cast %scan3A_98 : i32 to index
      %get3A_602 = arith.constant 496 : index
      %get3A_603 = tpu.vector_load %arg8[%get3A_601, %get3A_602] {strides = array<i32>} : memref<64x768xf32, #tpu.memory_space<vmem>>, vector<1x16xf32>,
      %get3A_604 = vector.shape_cast %get3A_603 : vector<1x16xf32> to vector<16xf32>
      %get3A_605 = arith.index_cast %scan3A_98 : i32 to index
      %get3A_606 = arith.constant 496 : index
      %get3A_607 = tpu.vector_load %arg9[%get3A_605, %get3A_606] {strides = array<i32>} : memref<64x768xf32, #tpu.memory_space<vmem>>, vector<1x16xf32>,
      %get3A_608 = vector.shape_cast %get3A_607 : vector<1x16xf32> to vector<16xf32>
      %mul3A_609 = arith.mulf %get3A_604, %get3A_101 : vector<16xf32>
      %mul3A_610 = arith.mulf %get3A_608, %get3A_105 : vector<16xf32>
      %add3A_611 = arith.addf %mul3A_609, %mul3A_610 : vector<16xf32>
      %swap3A_612 = arith.index_cast %scan3A_98 : i32 to index
      %swap3A_613 = arith.constant 496 : index
      %swap3A_614 = tpu.vector_load %arg8[%swap3A_612, %swap3A_613] {strides = array<i32>} : memref<64x768xf32, #tpu.memory_space<vmem>>, vector<1x16xf32>,
      %swap3A_615 = vector.shape_cast %swap3A_614 : vector<1x16xf32> to vector<16xf32>
      %swap3A_616 = vector.shape_cast %add3A_611 : vector<16xf32> to vector<1x16xf32>
      tpu.vector_store %arg8[%swap3A_612, %swap3A_613], %swap3A_616 {strides = array<i32>} : memref<64x768xf32, #tpu.memory_space<vmem>>, vector<1x16xf32>,
      %get3A_617 = arith.index_cast %scan3A_98 : i32 to index
      %get3A_618 = arith.constant 512 : index
      %get3A_619 = tpu.vector_load %arg8[%get3A_617, %get3A_618] {strides = array<i32>} : memref<64x768xf32, #tpu.memory_space<vmem>>, vector<1x16xf32>,
      %get3A_620 = vector.shape_cast %get3A_619 : vector<1x16xf32> to vector<16xf32>
      %get3A_621 = arith.index_cast %scan3A_98 : i32 to index
      %get3A_622 = arith.constant 512 : index
      %get3A_623 = tpu.vector_load %arg9[%get3A_621, %get3A_622] {strides = array<i32>} : memref<64x768xf32, #tpu.memory_space<vmem>>, vector<1x16xf32>,
      %get3A_624 = vector.shape_cast %get3A_623 : vector<1x16xf32> to vector<16xf32>
      %mul3A_625 = arith.mulf %get3A_620, %get3A_101 : vector<16xf32>
      %mul3A_626 = arith.mulf %get3A_624, %get3A_105 : vector<16xf32>
      %add3A_627 = arith.addf %mul3A_625, %mul3A_626 : vector<16xf32>
      %swap3A_628 = arith.index_cast %scan3A_98 : i32 to index
      %swap3A_629 = arith.constant 512 : index
      %swap3A_630 = tpu.vector_load %arg8[%swap3A_628, %swap3A_629] {strides = array<i32>} : memref<64x768xf32, #tpu.memory_space<vmem>>, vector<1x16xf32>,
      %swap3A_631 = vector.shape_cast %swap3A_630 : vector<1x16xf32> to vector<16xf32>
      %swap3A_632 = vector.shape_cast %add3A_627 : vector<16xf32> to vector<1x16xf32>
      tpu.vector_store %arg8[%swap3A_628, %swap3A_629], %swap3A_632 {strides = array<i32>} : memref<64x768xf32, #tpu.memory_space<vmem>>, vector<1x16xf32>,
      %get3A_633 = arith.index_cast %scan3A_98 : i32 to index
      %get3A_634 = arith.constant 528 : index
      %get3A_635 = tpu.vector_load %arg8[%get3A_633, %get3A_634] {strides = array<i32>} : memref<64x768xf32, #tpu.memory_space<vmem>>, vector<1x16xf32>,
      %get3A_636 = vector.shape_cast %get3A_635 : vector<1x16xf32> to vector<16xf32>
      %get3A_637 = arith.index_cast %scan3A_98 : i32 to index
      %get3A_638 = arith.constant 528 : index
      %get3A_639 = tpu.vector_load %arg9[%get3A_637, %get3A_638] {strides = array<i32>} : memref<64x768xf32, #tpu.memory_space<vmem>>, vector<1x16xf32>,
      %get3A_640 = vector.shape_cast %get3A_639 : vector<1x16xf32> to vector<16xf32>
      %mul3A_641 = arith.mulf %get3A_636, %get3A_101 : vector<16xf32>
      %mul3A_642 = arith.mulf %get3A_640, %get3A_105 : vector<16xf32>
      %add3A_643 = arith.addf %mul3A_641, %mul3A_642 : vector<16xf32>
      %swap3A_644 = arith.index_cast %scan3A_98 : i32 to index
      %swap3A_645 = arith.constant 528 : index
      %swap3A_646 = tpu.vector_load %arg8[%swap3A_644, %swap3A_645] {strides = array<i32>} : memref<64x768xf32, #tpu.memory_space<vmem>>, vector<1x16xf32>,
      %swap3A_647 = vector.shape_cast %swap3A_646 : vector<1x16xf32> to vector<16xf32>
      %swap3A_648 = vector.shape_cast %add3A_643 : vector<16xf32> to vector<1x16xf32>
      tpu.vector_store %arg8[%swap3A_644, %swap3A_645], %swap3A_648 {strides = array<i32>} : memref<64x768xf32, #tpu.memory_space<vmem>>, vector<1x16xf32>,
      %get3A_649 = arith.index_cast %scan3A_98 : i32 to index
      %get3A_650 = arith.constant 544 : index
      %get3A_651 = tpu.vector_load %arg8[%get3A_649, %get3A_650] {strides = array<i32>} : memref<64x768xf32, #tpu.memory_space<vmem>>, vector<1x16xf32>,
      %get3A_652 = vector.shape_cast %get3A_651 : vector<1x16xf32> to vector<16xf32>
      %get3A_653 = arith.index_cast %scan3A_98 : i32 to index
      %get3A_654 = arith.constant 544 : index
      %get3A_655 = tpu.vector_load %arg9[%get3A_653, %get3A_654] {strides = array<i32>} : memref<64x768xf32, #tpu.memory_space<vmem>>, vector<1x16xf32>,
      %get3A_656 = vector.shape_cast %get3A_655 : vector<1x16xf32> to vector<16xf32>
      %mul3A_657 = arith.mulf %get3A_652, %get3A_101 : vector<16xf32>
      %mul3A_658 = arith.mulf %get3A_656, %get3A_105 : vector<16xf32>
      %add3A_659 = arith.addf %mul3A_657, %mul3A_658 : vector<16xf32>
      %swap3A_660 = arith.index_cast %scan3A_98 : i32 to index
      %swap3A_661 = arith.constant 544 : index
      %swap3A_662 = tpu.vector_load %arg8[%swap3A_660, %swap3A_661] {strides = array<i32>} : memref<64x768xf32, #tpu.memory_space<vmem>>, vector<1x16xf32>,
      %swap3A_663 = vector.shape_cast %swap3A_662 : vector<1x16xf32> to vector<16xf32>
      %swap3A_664 = vector.shape_cast %add3A_659 : vector<16xf32> to vector<1x16xf32>
      tpu.vector_store %arg8[%swap3A_660, %swap3A_661], %swap3A_664 {strides = array<i32>} : memref<64x768xf32, #tpu.memory_space<vmem>>, vector<1x16xf32>,
      %get3A_665 = arith.index_cast %scan3A_98 : i32 to index
      %get3A_666 = arith.constant 560 : index
      %get3A_667 = tpu.vector_load %arg8[%get3A_665, %get3A_666] {strides = array<i32>} : memref<64x768xf32, #tpu.memory_space<vmem>>, vector<1x16xf32>,
      %get3A_668 = vector.shape_cast %get3A_667 : vector<1x16xf32> to vector<16xf32>
      %get3A_669 = arith.index_cast %scan3A_98 : i32 to index
      %get3A_670 = arith.constant 560 : index
      %get3A_671 = tpu.vector_load %arg9[%get3A_669, %get3A_670] {strides = array<i32>} : memref<64x768xf32, #tpu.memory_space<vmem>>, vector<1x16xf32>,
      %get3A_672 = vector.shape_cast %get3A_671 : vector<1x16xf32> to vector<16xf32>
      %mul3A_673 = arith.mulf %get3A_668, %get3A_101 : vector<16xf32>
      %mul3A_674 = arith.mulf %get3A_672, %get3A_105 : vector<16xf32>
      %add3A_675 = arith.addf %mul3A_673, %mul3A_674 : vector<16xf32>
      %swap3A_676 = arith.index_cast %scan3A_98 : i32 to index
      %swap3A_677 = arith.constant 560 : index
      %swap3A_678 = tpu.vector_load %arg8[%swap3A_676, %swap3A_677] {strides = array<i32>} : memref<64x768xf32, #tpu.memory_space<vmem>>, vector<1x16xf32>,
      %swap3A_679 = vector.shape_cast %swap3A_678 : vector<1x16xf32> to vector<16xf32>
      %swap3A_680 = vector.shape_cast %add3A_675 : vector<16xf32> to vector<1x16xf32>
      tpu.vector_store %arg8[%swap3A_676, %swap3A_677], %swap3A_680 {strides = array<i32>} : memref<64x768xf32, #tpu.memory_space<vmem>>, vector<1x16xf32>,
      %get3A_681 = arith.index_cast %scan3A_98 : i32 to index
      %get3A_682 = arith.constant 576 : index
      %get3A_683 = tpu.vector_load %arg8[%get3A_681, %get3A_682] {strides = array<i32>} : memref<64x768xf32, #tpu.memory_space<vmem>>, vector<1x16xf32>,
      %get3A_684 = vector.shape_cast %get3A_683 : vector<1x16xf32> to vector<16xf32>
      %get3A_685 = arith.index_cast %scan3A_98 : i32 to index
      %get3A_686 = arith.constant 576 : index
      %get3A_687 = tpu.vector_load %arg9[%get3A_685, %get3A_686] {strides = array<i32>} : memref<64x768xf32, #tpu.memory_space<vmem>>, vector<1x16xf32>,
      %get3A_688 = vector.shape_cast %get3A_687 : vector<1x16xf32> to vector<16xf32>
      %mul3A_689 = arith.mulf %get3A_684, %get3A_101 : vector<16xf32>
      %mul3A_690 = arith.mulf %get3A_688, %get3A_105 : vector<16xf32>
      %add3A_691 = arith.addf %mul3A_689, %mul3A_690 : vector<16xf32>
      %swap3A_692 = arith.index_cast %scan3A_98 : i32 to index
      %swap3A_693 = arith.constant 576 : index
      %swap3A_694 = tpu.vector_load %arg8[%swap3A_692, %swap3A_693] {strides = array<i32>} : memref<64x768xf32, #tpu.memory_space<vmem>>, vector<1x16xf32>,
      %swap3A_695 = vector.shape_cast %swap3A_694 : vector<1x16xf32> to vector<16xf32>
      %swap3A_696 = vector.shape_cast %add3A_691 : vector<16xf32> to vector<1x16xf32>
      tpu.vector_store %arg8[%swap3A_692, %swap3A_693], %swap3A_696 {strides = array<i32>} : memref<64x768xf32, #tpu.memory_space<vmem>>, vector<1x16xf32>,
      %get3A_697 = arith.index_cast %scan3A_98 : i32 to index
      %get3A_698 = arith.constant 592 : index
      %get3A_699 = tpu.vector_load %arg8[%get3A_697, %get3A_698] {strides = array<i32>} : memref<64x768xf32, #tpu.memory_space<vmem>>, vector<1x16xf32>,
      %get3A_700 = vector.shape_cast %get3A_699 : vector<1x16xf32> to vector<16xf32>
      %get3A_701 = arith.index_cast %scan3A_98 : i32 to index
      %get3A_702 = arith.constant 592 : index
      %get3A_703 = tpu.vector_load %arg9[%get3A_701, %get3A_702] {strides = array<i32>} : memref<64x768xf32, #tpu.memory_space<vmem>>, vector<1x16xf32>,
      %get3A_704 = vector.shape_cast %get3A_703 : vector<1x16xf32> to vector<16xf32>
      %mul3A_705 = arith.mulf %get3A_700, %get3A_101 : vector<16xf32>
      %mul3A_706 = arith.mulf %get3A_704, %get3A_105 : vector<16xf32>
      %add3A_707 = arith.addf %mul3A_705, %mul3A_706 : vector<16xf32>
      %swap3A_708 = arith.index_cast %scan3A_98 : i32 to index
      %swap3A_709 = arith.constant 592 : index
      %swap3A_710 = tpu.vector_load %arg8[%swap3A_708, %swap3A_709] {strides = array<i32>} : memref<64x768xf32, #tpu.memory_space<vmem>>, vector<1x16xf32>,
      %swap3A_711 = vector.shape_cast %swap3A_710 : vector<1x16xf32> to vector<16xf32>
      %swap3A_712 = vector.shape_cast %add3A_707 : vector<16xf32> to vector<1x16xf32>
      tpu.vector_store %arg8[%swap3A_708, %swap3A_709], %swap3A_712 {strides = array<i32>} : memref<64x768xf32, #tpu.memory_space<vmem>>, vector<1x16xf32>,
      %get3A_713 = arith.index_cast %scan3A_98 : i32 to index
      %get3A_714 = arith.constant 608 : index
      %get3A_715 = tpu.vector_load %arg8[%get3A_713, %get3A_714] {strides = array<i32>} : memref<64x768xf32, #tpu.memory_space<vmem>>, vector<1x16xf32>,
      %get3A_716 = vector.shape_cast %get3A_715 : vector<1x16xf32> to vector<16xf32>
      %get3A_717 = arith.index_cast %scan3A_98 : i32 to index
      %get3A_718 = arith.constant 608 : index
      %get3A_719 = tpu.vector_load %arg9[%get3A_717, %get3A_718] {strides = array<i32>} : memref<64x768xf32, #tpu.memory_space<vmem>>, vector<1x16xf32>,
      %get3A_720 = vector.shape_cast %get3A_719 : vector<1x16xf32> to vector<16xf32>
      %mul3A_721 = arith.mulf %get3A_716, %get3A_101 : vector<16xf32>
      %mul3A_722 = arith.mulf %get3A_720, %get3A_105 : vector<16xf32>
      %add3A_723 = arith.addf %mul3A_721, %mul3A_722 : vector<16xf32>
      %swap3A_724 = arith.index_cast %scan3A_98 : i32 to index
      %swap3A_725 = arith.constant 608 : index
      %swap3A_726 = tpu.vector_load %arg8[%swap3A_724, %swap3A_725] {strides = array<i32>} : memref<64x768xf32, #tpu.memory_space<vmem>>, vector<1x16xf32>,
      %swap3A_727 = vector.shape_cast %swap3A_726 : vector<1x16xf32> to vector<16xf32>
      %swap3A_728 = vector.shape_cast %add3A_723 : vector<16xf32> to vector<1x16xf32>
      tpu.vector_store %arg8[%swap3A_724, %swap3A_725], %swap3A_728 {strides = array<i32>} : memref<64x768xf32, #tpu.memory_space<vmem>>, vector<1x16xf32>,
      %get3A_729 = arith.index_cast %scan3A_98 : i32 to index
      %get3A_730 = arith.constant 624 : index
      %get3A_731 = tpu.vector_load %arg8[%get3A_729, %get3A_730] {strides = array<i32>} : memref<64x768xf32, #tpu.memory_space<vmem>>, vector<1x16xf32>,
      %get3A_732 = vector.shape_cast %get3A_731 : vector<1x16xf32> to vector<16xf32>
      %get3A_733 = arith.index_cast %scan3A_98 : i32 to index
      %get3A_734 = arith.constant 624 : index
      %get3A_735 = tpu.vector_load %arg9[%get3A_733, %get3A_734] {strides = array<i32>} : memref<64x768xf32, #tpu.memory_space<vmem>>, vector<1x16xf32>,
      %get3A_736 = vector.shape_cast %get3A_735 : vector<1x16xf32> to vector<16xf32>
      %mul3A_737 = arith.mulf %get3A_732, %get3A_101 : vector<16xf32>
      %mul3A_738 = arith.mulf %get3A_736, %get3A_105 : vector<16xf32>
      %add3A_739 = arith.addf %mul3A_737, %mul3A_738 : vector<16xf32>
      %swap3A_740 = arith.index_cast %scan3A_98 : i32 to index
      %swap3A_741 = arith.constant 624 : index
      %swap3A_742 = tpu.vector_load %arg8[%swap3A_740, %swap3A_741] {strides = array<i32>} : memref<64x768xf32, #tpu.memory_space<vmem>>, vector<1x16xf32>,
      %swap3A_743 = vector.shape_cast %swap3A_742 : vector<1x16xf32> to vector<16xf32>
      %swap3A_744 = vector.shape_cast %add3A_739 : vector<16xf32> to vector<1x16xf32>
      tpu.vector_store %arg8[%swap3A_740, %swap3A_741], %swap3A_744 {strides = array<i32>} : memref<64x768xf32, #tpu.memory_space<vmem>>, vector<1x16xf32>,
      %get3A_745 = arith.index_cast %scan3A_98 : i32 to index
      %get3A_746 = arith.constant 640 : index
      %get3A_747 = tpu.vector_load %arg8[%get3A_745, %get3A_746] {strides = array<i32>} : memref<64x768xf32, #tpu.memory_space<vmem>>, vector<1x16xf32>,
      %get3A_748 = vector.shape_cast %get3A_747 : vector<1x16xf32> to vector<16xf32>
      %get3A_749 = arith.index_cast %scan3A_98 : i32 to index
      %get3A_750 = arith.constant 640 : index
      %get3A_751 = tpu.vector_load %arg9[%get3A_749, %get3A_750] {strides = array<i32>} : memref<64x768xf32, #tpu.memory_space<vmem>>, vector<1x16xf32>,
      %get3A_752 = vector.shape_cast %get3A_751 : vector<1x16xf32> to vector<16xf32>
      %mul3A_753 = arith.mulf %get3A_748, %get3A_101 : vector<16xf32>
      %mul3A_754 = arith.mulf %get3A_752, %get3A_105 : vector<16xf32>
      %add3A_755 = arith.addf %mul3A_753, %mul3A_754 : vector<16xf32>
      %swap3A_756 = arith.index_cast %scan3A_98 : i32 to index
      %swap3A_757 = arith.constant 640 : index
      %swap3A_758 = tpu.vector_load %arg8[%swap3A_756, %swap3A_757] {strides = array<i32>} : memref<64x768xf32, #tpu.memory_space<vmem>>, vector<1x16xf32>,
      %swap3A_759 = vector.shape_cast %swap3A_758 : vector<1x16xf32> to vector<16xf32>
      %swap3A_760 = vector.shape_cast %add3A_755 : vector<16xf32> to vector<1x16xf32>
      tpu.vector_store %arg8[%swap3A_756, %swap3A_757], %swap3A_760 {strides = array<i32>} : memref<64x768xf32, #tpu.memory_space<vmem>>, vector<1x16xf32>,
      %get3A_761 = arith.index_cast %scan3A_98 : i32 to index
      %get3A_762 = arith.constant 656 : index
      %get3A_763 = tpu.vector_load %arg8[%get3A_761, %get3A_762] {strides = array<i32>} : memref<64x768xf32, #tpu.memory_space<vmem>>, vector<1x16xf32>,
      %get3A_764 = vector.shape_cast %get3A_763 : vector<1x16xf32> to vector<16xf32>
      %get3A_765 = arith.index_cast %scan3A_98 : i32 to index
      %get3A_766 = arith.constant 656 : index
      %get3A_767 = tpu.vector_load %arg9[%get3A_765, %get3A_766] {strides = array<i32>} : memref<64x768xf32, #tpu.memory_space<vmem>>, vector<1x16xf32>,
      %get3A_768 = vector.shape_cast %get3A_767 : vector<1x16xf32> to vector<16xf32>
      %mul3A_769 = arith.mulf %get3A_764, %get3A_101 : vector<16xf32>
      %mul3A_770 = arith.mulf %get3A_768, %get3A_105 : vector<16xf32>
      %add3A_771 = arith.addf %mul3A_769, %mul3A_770 : vector<16xf32>
      %swap3A_772 = arith.index_cast %scan3A_98 : i32 to index
      %swap3A_773 = arith.constant 656 : index
      %swap3A_774 = tpu.vector_load %arg8[%swap3A_772, %swap3A_773] {strides = array<i32>} : memref<64x768xf32, #tpu.memory_space<vmem>>, vector<1x16xf32>,
      %swap3A_775 = vector.shape_cast %swap3A_774 : vector<1x16xf32> to vector<16xf32>
      %swap3A_776 = vector.shape_cast %add3A_771 : vector<16xf32> to vector<1x16xf32>
      tpu.vector_store %arg8[%swap3A_772, %swap3A_773], %swap3A_776 {strides = array<i32>} : memref<64x768xf32, #tpu.memory_space<vmem>>, vector<1x16xf32>,
      %get3A_777 = arith.index_cast %scan3A_98 : i32 to index
      %get3A_778 = arith.constant 672 : index
      %get3A_779 = tpu.vector_load %arg8[%get3A_777, %get3A_778] {strides = array<i32>} : memref<64x768xf32, #tpu.memory_space<vmem>>, vector<1x16xf32>,
      %get3A_780 = vector.shape_cast %get3A_779 : vector<1x16xf32> to vector<16xf32>
      %get3A_781 = arith.index_cast %scan3A_98 : i32 to index
      %get3A_782 = arith.constant 672 : index
      %get3A_783 = tpu.vector_load %arg9[%get3A_781, %get3A_782] {strides = array<i32>} : memref<64x768xf32, #tpu.memory_space<vmem>>, vector<1x16xf32>,
      %get3A_784 = vector.shape_cast %get3A_783 : vector<1x16xf32> to vector<16xf32>
      %mul3A_785 = arith.mulf %get3A_780, %get3A_101 : vector<16xf32>
      %mul3A_786 = arith.mulf %get3A_784, %get3A_105 : vector<16xf32>
      %add3A_787 = arith.addf %mul3A_785, %mul3A_786 : vector<16xf32>
      %swap3A_788 = arith.index_cast %scan3A_98 : i32 to index
      %swap3A_789 = arith.constant 672 : index
      %swap3A_790 = tpu.vector_load %arg8[%swap3A_788, %swap3A_789] {strides = array<i32>} : memref<64x768xf32, #tpu.memory_space<vmem>>, vector<1x16xf32>,
      %swap3A_791 = vector.shape_cast %swap3A_790 : vector<1x16xf32> to vector<16xf32>
      %swap3A_792 = vector.shape_cast %add3A_787 : vector<16xf32> to vector<1x16xf32>
      tpu.vector_store %arg8[%swap3A_788, %swap3A_789], %swap3A_792 {strides = array<i32>} : memref<64x768xf32, #tpu.memory_space<vmem>>, vector<1x16xf32>,
      %get3A_793 = arith.index_cast %scan3A_98 : i32 to index
      %get3A_794 = arith.constant 688 : index
      %get3A_795 = tpu.vector_load %arg8[%get3A_793, %get3A_794] {strides = array<i32>} : memref<64x768xf32, #tpu.memory_space<vmem>>, vector<1x16xf32>,
      %get3A_796 = vector.shape_cast %get3A_795 : vector<1x16xf32> to vector<16xf32>
      %get3A_797 = arith.index_cast %scan3A_98 : i32 to index
      %get3A_798 = arith.constant 688 : index
      %get3A_799 = tpu.vector_load %arg9[%get3A_797, %get3A_798] {strides = array<i32>} : memref<64x768xf32, #tpu.memory_space<vmem>>, vector<1x16xf32>,
      %get3A_800 = vector.shape_cast %get3A_799 : vector<1x16xf32> to vector<16xf32>
      %mul3A_801 = arith.mulf %get3A_796, %get3A_101 : vector<16xf32>
      %mul3A_802 = arith.mulf %get3A_800, %get3A_105 : vector<16xf32>
      %add3A_803 = arith.addf %mul3A_801, %mul3A_802 : vector<16xf32>
      %swap3A_804 = arith.index_cast %scan3A_98 : i32 to index
      %swap3A_805 = arith.constant 688 : index
      %swap3A_806 = tpu.vector_load %arg8[%swap3A_804, %swap3A_805] {strides = array<i32>} : memref<64x768xf32, #tpu.memory_space<vmem>>, vector<1x16xf32>,
      %swap3A_807 = vector.shape_cast %swap3A_806 : vector<1x16xf32> to vector<16xf32>
      %swap3A_808 = vector.shape_cast %add3A_803 : vector<16xf32> to vector<1x16xf32>
      tpu.vector_store %arg8[%swap3A_804, %swap3A_805], %swap3A_808 {strides = array<i32>} : memref<64x768xf32, #tpu.memory_space<vmem>>, vector<1x16xf32>,
      %get3A_809 = arith.index_cast %scan3A_98 : i32 to index
      %get3A_810 = arith.constant 704 : index
      %get3A_811 = tpu.vector_load %arg8[%get3A_809, %get3A_810] {strides = array<i32>} : memref<64x768xf32, #tpu.memory_space<vmem>>, vector<1x16xf32>,
      %get3A_812 = vector.shape_cast %get3A_811 : vector<1x16xf32> to vector<16xf32>
      %get3A_813 = arith.index_cast %scan3A_98 : i32 to index
      %get3A_814 = arith.constant 704 : index
      %get3A_815 = tpu.vector_load %arg9[%get3A_813, %get3A_814] {strides = array<i32>} : memref<64x768xf32, #tpu.memory_space<vmem>>, vector<1x16xf32>,
      %get3A_816 = vector.shape_cast %get3A_815 : vector<1x16xf32> to vector<16xf32>
      %mul3A_817 = arith.mulf %get3A_812, %get3A_101 : vector<16xf32>
      %mul3A_818 = arith.mulf %get3A_816, %get3A_105 : vector<16xf32>
      %add3A_819 = arith.addf %mul3A_817, %mul3A_818 : vector<16xf32>
      %swap3A_820 = arith.index_cast %scan3A_98 : i32 to index
      %swap3A_821 = arith.constant 704 : index
      %swap3A_822 = tpu.vector_load %arg8[%swap3A_820, %swap3A_821] {strides = array<i32>} : memref<64x768xf32, #tpu.memory_space<vmem>>, vector<1x16xf32>,
      %swap3A_823 = vector.shape_cast %swap3A_822 : vector<1x16xf32> to vector<16xf32>
      %swap3A_824 = vector.shape_cast %add3A_819 : vector<16xf32> to vector<1x16xf32>
      tpu.vector_store %arg8[%swap3A_820, %swap3A_821], %swap3A_824 {strides = array<i32>} : memref<64x768xf32, #tpu.memory_space<vmem>>, vector<1x16xf32>,
      %get3A_825 = arith.index_cast %scan3A_98 : i32 to index
      %get3A_826 = arith.constant 720 : index
      %get3A_827 = tpu.vector_load %arg8[%get3A_825, %get3A_826] {strides = array<i32>} : memref<64x768xf32, #tpu.memory_space<vmem>>, vector<1x16xf32>,
      %get3A_828 = vector.shape_cast %get3A_827 : vector<1x16xf32> to vector<16xf32>
      %get3A_829 = arith.index_cast %scan3A_98 : i32 to index
      %get3A_830 = arith.constant 720 : index
      %get3A_831 = tpu.vector_load %arg9[%get3A_829, %get3A_830] {strides = array<i32>} : memref<64x768xf32, #tpu.memory_space<vmem>>, vector<1x16xf32>,
      %get3A_832 = vector.shape_cast %get3A_831 : vector<1x16xf32> to vector<16xf32>
      %mul3A_833 = arith.mulf %get3A_828, %get3A_101 : vector<16xf32>
      %mul3A_834 = arith.mulf %get3A_832, %get3A_105 : vector<16xf32>
      %add3A_835 = arith.addf %mul3A_833, %mul3A_834 : vector<16xf32>
      %swap3A_836 = arith.index_cast %scan3A_98 : i32 to index
      %swap3A_837 = arith.constant 720 : index
      %swap3A_838 = tpu.vector_load %arg8[%swap3A_836, %swap3A_837] {strides = array<i32>} : memref<64x768xf32, #tpu.memory_space<vmem>>, vector<1x16xf32>,
      %swap3A_839 = vector.shape_cast %swap3A_838 : vector<1x16xf32> to vector<16xf32>
      %swap3A_840 = vector.shape_cast %add3A_835 : vector<16xf32> to vector<1x16xf32>
      tpu.vector_store %arg8[%swap3A_836, %swap3A_837], %swap3A_840 {strides = array<i32>} : memref<64x768xf32, #tpu.memory_space<vmem>>, vector<1x16xf32>,
      %get3A_841 = arith.index_cast %scan3A_98 : i32 to index
      %get3A_842 = arith.constant 736 : index
      %get3A_843 = tpu.vector_load %arg8[%get3A_841, %get3A_842] {strides = array<i32>} : memref<64x768xf32, #tpu.memory_space<vmem>>, vector<1x16xf32>,
      %get3A_844 = vector.shape_cast %get3A_843 : vector<1x16xf32> to vector<16xf32>
      %get3A_845 = arith.index_cast %scan3A_98 : i32 to index
      %get3A_846 = arith.constant 736 : index
      %get3A_847 = tpu.vector_load %arg9[%get3A_845, %get3A_846] {strides = array<i32>} : memref<64x768xf32, #tpu.memory_space<vmem>>, vector<1x16xf32>,
      %get3A_848 = vector.shape_cast %get3A_847 : vector<1x16xf32> to vector<16xf32>
      %mul3A_849 = arith.mulf %get3A_844, %get3A_101 : vector<16xf32>
      %mul3A_850 = arith.mulf %get3A_848, %get3A_105 : vector<16xf32>
      %add3A_851 = arith.addf %mul3A_849, %mul3A_850 : vector<16xf32>
      %swap3A_852 = arith.index_cast %scan3A_98 : i32 to index
      %swap3A_853 = arith.constant 736 : index
      %swap3A_854 = tpu.vector_load %arg8[%swap3A_852, %swap3A_853] {strides = array<i32>} : memref<64x768xf32, #tpu.memory_space<vmem>>, vector<1x16xf32>,
      %swap3A_855 = vector.shape_cast %swap3A_854 : vector<1x16xf32> to vector<16xf32>
      %swap3A_856 = vector.shape_cast %add3A_851 : vector<16xf32> to vector<1x16xf32>
      tpu.vector_store %arg8[%swap3A_852, %swap3A_853], %swap3A_856 {strides = array<i32>} : memref<64x768xf32, #tpu.memory_space<vmem>>, vector<1x16xf32>,
      %get3A_857 = arith.index_cast %scan3A_98 : i32 to index
      %get3A_858 = arith.constant 752 : index
      %get3A_859 = tpu.vector_load %arg8[%get3A_857, %get3A_858] {strides = array<i32>} : memref<64x768xf32, #tpu.memory_space<vmem>>, vector<1x16xf32>,
      %get3A_860 = vector.shape_cast %get3A_859 : vector<1x16xf32> to vector<16xf32>
      %get3A_861 = arith.index_cast %scan3A_98 : i32 to index
      %get3A_862 = arith.constant 752 : index
      %get3A_863 = tpu.vector_load %arg9[%get3A_861, %get3A_862] {strides = array<i32>} : memref<64x768xf32, #tpu.memory_space<vmem>>, vector<1x16xf32>,
      %get3A_864 = vector.shape_cast %get3A_863 : vector<1x16xf32> to vector<16xf32>
      %mul3A_865 = arith.mulf %get3A_860, %get3A_101 : vector<16xf32>
      %mul3A_866 = arith.mulf %get3A_864, %get3A_105 : vector<16xf32>
      %add3A_867 = arith.addf %mul3A_865, %mul3A_866 : vector<16xf32>
      %swap3A_868 = arith.index_cast %scan3A_98 : i32 to index
      %swap3A_869 = arith.constant 752 : index
      %swap3A_870 = tpu.vector_load %arg8[%swap3A_868, %swap3A_869] {strides = array<i32>} : memref<64x768xf32, #tpu.memory_space<vmem>>, vector<1x16xf32>,
      %swap3A_871 = vector.shape_cast %swap3A_870 : vector<1x16xf32> to vector<16xf32>
      %swap3A_872 = vector.shape_cast %add3A_867 : vector<16xf32> to vector<1x16xf32>
      tpu.vector_store %arg8[%swap3A_868, %swap3A_869], %swap3A_872 {strides = array<i32>} : memref<64x768xf32, #tpu.memory_space<vmem>>, vector<1x16xf32>,
    }
    %scan3A_85 = arith.constant 32 : i32
    %dma_wait3A_86 = arith.constant 0 : i32
    %dma_wait3A_87 = arith.constant 0 : i32
    %dma_wait3A_88 = tpu.memref_slice %arg8[%dma_wait3A_86, %dma_wait3A_87] : memref<64x768xf32, #tpu.memory_space<vmem>> -> memref<32x768xf32, #tpu.memory_space<vmem>>
    %dma_wait3A_89 = arith.constant 0 : i32
    %dma_wait3A_90 = tpu.memref_slice %arg7[%mul3A_2, %dma_wait3A_89] : memref<2048x768xf32, #tpu.memory_space<hbm>> -> memref<32x768xf32, #tpu.memory_space<hbm>>
    %dma_wait3A_91 = arith.constant 0 : i32
    %dma_wait3A_92 = tpu.memref_slice %arg7[%mul3A_2, %dma_wait3A_91] : memref<2048x768xf32, #tpu.memory_space<hbm>> -> memref<32x768xf32, #tpu.memory_space<hbm>>
    %dma_wait3A_93 = arith.constant 0 : i32
    %dma_wait3A_94 = arith.constant 0 : i32
    %dma_wait3A_95 = tpu.memref_slice %arg8[%dma_wait3A_93, %dma_wait3A_94] : memref<64x768xf32, #tpu.memory_space<vmem>> -> memref<32x768xf32, #tpu.memory_space<vmem>>
    tpu.wait_dma2 semaphore(%arg14 : memref<!tpu.dma_semaphore, #tpu.memory_space<semaphore_mem>>) src(%dma_wait3A_95 : memref<32x768xf32, #tpu.memory_space<vmem>>) dst(%dma_wait3A_92 : memref<32x768xf32, #tpu.memory_space<hbm>>)
    %add3A_96 = arith.constant 32 : i32
    %add3A_97 = arith.addi %mul3A_2, %add3A_96 : i32
    "tpu.region"() ({
      %run_scoped3A = tpu.sem_alloc : memref<!tpu.dma_semaphore, #tpu.memory_space<semaphore_mem>>
      %dma_start3A_98 = arith.constant 32 : i32
      %dma_start3A_99 = arith.constant 0 : i32
      %dma_start3A_100 = tpu.memref_slice %arg8[%dma_start3A_98, %dma_start3A_99] : memref<64x768xf32, #tpu.memory_space<vmem>> -> memref<32x768xf32, #tpu.memory_space<vmem>>
      %dma_start3A_101 = arith.constant 0 : i32
      %dma_start3A_102 = tpu.memref_slice %arg7[%add3A_97, %dma_start3A_101] : memref<2048x768xf32, #tpu.memory_space<hbm>> -> memref<32x768xf32, #tpu.memory_space<hbm>>
      %dma_start3A_103 = arith.constant 0 : i32
      %dma_start3A_104 = tpu.memref_slice %arg7[%add3A_97, %dma_start3A_103] : memref<2048x768xf32, #tpu.memory_space<hbm>> -> memref<32x768xf32, #tpu.memory_space<hbm>>
      %dma_start3A_105 = arith.constant 32 : i32
      %dma_start3A_106 = arith.constant 0 : i32
      %dma_start3A_107 = tpu.memref_slice %arg8[%dma_start3A_105, %dma_start3A_106] : memref<64x768xf32, #tpu.memory_space<vmem>> -> memref<32x768xf32, #tpu.memory_space<vmem>>
      tpu.enqueue_dma source(%dma_start3A_107 : memref<32x768xf32, #tpu.memory_space<vmem>>) target(%dma_start3A_104 : memref<32x768xf32, #tpu.memory_space<hbm>>) target_semaphore(%run_scoped3A : memref<!tpu.dma_semaphore, #tpu.memory_space<semaphore_mem>>)
      %dma_wait3A_108 = arith.constant 32 : i32
      %dma_wait3A_109 = arith.constant 0 : i32
      %dma_wait3A_110 = tpu.memref_slice %arg8[%dma_wait3A_108, %dma_wait3A_109] : memref<64x768xf32, #tpu.memory_space<vmem>> -> memref<32x768xf32, #tpu.memory_space<vmem>>
      %dma_wait3A_111 = arith.constant 0 : i32
      %dma_wait3A_112 = tpu.memref_slice %arg7[%add3A_97, %dma_wait3A_111] : memref<2048x768xf32, #tpu.memory_space<hbm>> -> memref<32x768xf32, #tpu.memory_space<hbm>>
      %dma_wait3A_113 = arith.constant 0 : i32
      %dma_wait3A_114 = tpu.memref_slice %arg7[%add3A_97, %dma_wait3A_113] : memref<2048x768xf32, #tpu.memory_space<hbm>> -> memref<32x768xf32, #tpu.memory_space<hbm>>
      %dma_wait3A_115 = arith.constant 32 : i32
      %dma_wait3A_116 = arith.constant 0 : i32
      %dma_wait3A_117 = tpu.memref_slice %arg8[%dma_wait3A_115, %dma_wait3A_116] : memref<64x768xf32, #tpu.memory_space<vmem>> -> memref<32x768xf32, #tpu.memory_space<vmem>>
      tpu.wait_dma2 semaphore(%run_scoped3A : memref<!tpu.dma_semaphore, #tpu.memory_space<semaphore_mem>>) src(%dma_wait3A_117 : memref<32x768xf32, #tpu.memory_space<vmem>>) dst(%dma_wait3A_114 : memref<32x768xf32, #tpu.memory_space<hbm>>)
      tpu.yield
    }) : () -> ()
    return
  }
}

#map = affine_map<(d0, d1) -> (0, 0)>
#map1 = affine_map<(d0, d1) -> (0)>
module attributes {stable_mosaic.version = 14 : i64} {
  func.func @dispatch(%arg0: i32, %arg1: i32, %arg2: memref<2048x768xf32, #tpu.memory_space<hbm>>, %arg3: memref<2048xi32, #tpu.memory_space<hbm>>, %arg4: memref<2048xi32, #tpu.memory_space<hbm>>, %arg5: memref<12288x768xf32, #tpu.memory_space<hbm>>, %arg6: memref<64x768xf32, #tpu.memory_space<vmem>>, %arg7: memref<64xi32, #tpu.memory_space<vmem>>, %arg8: memref<64xi32, #tpu.memory_space<vmem>>, %arg9: memref<!tpu.dma_semaphore, #tpu.memory_space<semaphore_mem>>, %arg10: memref<!tpu.dma_semaphore, #tpu.memory_space<semaphore_mem>>) attributes {dimension_semantics = [#tpu.dimension_semantics<core_parallel>, #tpu.dimension_semantics<subcore_parallel>], iteration_bounds = array<i64: 2, 16>, scalar_prefetch = 0 : i64, scratch_operands = 5 : i64, tpu.core_type = #tpu.core_type<sc_vector_subcore>, window_params = [{transform_indices = #map}, {transform_indices = #map1}, {transform_indices = #map1}, {transform_indices = #map}]} {
    %mul3A = arith.constant 2 : i32
    %mul3A_0 = arith.muli %arg1, %mul3A : i32
    %add3A = arith.addi %mul3A_0, %arg0 : i32
    %mul3A_1 = arith.constant 64 : i32
    %mul3A_2 = arith.muli %add3A, %mul3A_1 : i32
    "tpu.region"() ({
      %run_scoped3A = tpu.sem_alloc : memref<!tpu.dma_semaphore, #tpu.memory_space<semaphore_mem>>
      %dma_start3A_13 = arith.constant 0 : i32
      %dma_start3A_14 = tpu.memref_slice %arg2[%mul3A_2, %dma_start3A_13] : memref<2048x768xf32, #tpu.memory_space<hbm>> -> memref<64x768xf32, #tpu.memory_space<hbm>>
      %dma_start3A_15 = arith.constant 0 : i32
      %dma_start3A_16 = tpu.memref_slice %arg2[%mul3A_2, %dma_start3A_15] : memref<2048x768xf32, #tpu.memory_space<hbm>> -> memref<64x768xf32, #tpu.memory_space<hbm>>
      tpu.enqueue_dma source(%dma_start3A_16 : memref<64x768xf32, #tpu.memory_space<hbm>>) target(%arg6 : memref<64x768xf32, #tpu.memory_space<vmem>>) target_semaphore(%run_scoped3A : memref<!tpu.dma_semaphore, #tpu.memory_space<semaphore_mem>>)
      %dma_wait3A_17 = arith.constant 0 : i32
      %dma_wait3A_18 = tpu.memref_slice %arg2[%mul3A_2, %dma_wait3A_17] : memref<2048x768xf32, #tpu.memory_space<hbm>> -> memref<64x768xf32, #tpu.memory_space<hbm>>
      %dma_wait3A_19 = arith.constant 0 : i32
      %dma_wait3A_20 = tpu.memref_slice %arg2[%mul3A_2, %dma_wait3A_19] : memref<2048x768xf32, #tpu.memory_space<hbm>> -> memref<64x768xf32, #tpu.memory_space<hbm>>
      tpu.wait_dma2 semaphore(%run_scoped3A : memref<!tpu.dma_semaphore, #tpu.memory_space<semaphore_mem>>) src(%dma_wait3A_20 : memref<64x768xf32, #tpu.memory_space<hbm>>) dst(%arg6 : memref<64x768xf32, #tpu.memory_space<vmem>>)
      tpu.yield
    }) : () -> ()
    "tpu.region"() ({
      %run_scoped3A = tpu.sem_alloc : memref<!tpu.dma_semaphore, #tpu.memory_space<semaphore_mem>>
      %dma_start3A_13 = tpu.memref_slice %arg3[%mul3A_2] : memref<2048xi32, #tpu.memory_space<hbm>> -> memref<64xi32, #tpu.memory_space<hbm>>
      %dma_start3A_14 = tpu.memref_slice %arg3[%mul3A_2] : memref<2048xi32, #tpu.memory_space<hbm>> -> memref<64xi32, #tpu.memory_space<hbm>>
      tpu.enqueue_dma source(%dma_start3A_14 : memref<64xi32, #tpu.memory_space<hbm>>) target(%arg7 : memref<64xi32, #tpu.memory_space<vmem>>) target_semaphore(%run_scoped3A : memref<!tpu.dma_semaphore, #tpu.memory_space<semaphore_mem>>)
      %dma_wait3A_15 = tpu.memref_slice %arg3[%mul3A_2] : memref<2048xi32, #tpu.memory_space<hbm>> -> memref<64xi32, #tpu.memory_space<hbm>>
      %dma_wait3A_16 = tpu.memref_slice %arg3[%mul3A_2] : memref<2048xi32, #tpu.memory_space<hbm>> -> memref<64xi32, #tpu.memory_space<hbm>>
      tpu.wait_dma2 semaphore(%run_scoped3A : memref<!tpu.dma_semaphore, #tpu.memory_space<semaphore_mem>>) src(%dma_wait3A_16 : memref<64xi32, #tpu.memory_space<hbm>>) dst(%arg7 : memref<64xi32, #tpu.memory_space<vmem>>)
      tpu.yield
    }) : () -> ()
    "tpu.region"() ({
      %run_scoped3A = tpu.sem_alloc : memref<!tpu.dma_semaphore, #tpu.memory_space<semaphore_mem>>
      %dma_start3A_13 = tpu.memref_slice %arg4[%mul3A_2] : memref<2048xi32, #tpu.memory_space<hbm>> -> memref<64xi32, #tpu.memory_space<hbm>>
      %dma_start3A_14 = tpu.memref_slice %arg4[%mul3A_2] : memref<2048xi32, #tpu.memory_space<hbm>> -> memref<64xi32, #tpu.memory_space<hbm>>
      tpu.enqueue_dma source(%dma_start3A_14 : memref<64xi32, #tpu.memory_space<hbm>>) target(%arg8 : memref<64xi32, #tpu.memory_space<vmem>>) target_semaphore(%run_scoped3A : memref<!tpu.dma_semaphore, #tpu.memory_space<semaphore_mem>>)
      %dma_wait3A_15 = tpu.memref_slice %arg4[%mul3A_2] : memref<2048xi32, #tpu.memory_space<hbm>> -> memref<64xi32, #tpu.memory_space<hbm>>
      %dma_wait3A_16 = tpu.memref_slice %arg4[%mul3A_2] : memref<2048xi32, #tpu.memory_space<hbm>> -> memref<64xi32, #tpu.memory_space<hbm>>
      tpu.wait_dma2 semaphore(%run_scoped3A : memref<!tpu.dma_semaphore, #tpu.memory_space<semaphore_mem>>) src(%dma_wait3A_16 : memref<64xi32, #tpu.memory_space<hbm>>) dst(%arg8 : memref<64xi32, #tpu.memory_space<vmem>>)
      tpu.yield
    }) : () -> ()
    %dma_start3A = arith.constant 0 : i32
    %dma_start3A_3 = arith.constant 0 : i32
    %dma_start3A_4 = tpu.memref_slice %arg5[%dma_start3A, %dma_start3A_3] : memref<12288x768xf32, #tpu.memory_space<hbm>> -> memref<12288x768xf32, #tpu.memory_space<hbm>>
    tpu.enqueue_indirect_dma source(%arg6 : memref<64x768xf32, #tpu.memory_space<vmem>>) target(%dma_start3A_4 : memref<12288x768xf32, #tpu.memory_space<hbm>>) offsets(%arg7 : memref<64xi32, #tpu.memory_space<vmem>>) semaphore(%arg9 : memref<!tpu.dma_semaphore, #tpu.memory_space<semaphore_mem>>)
    %dma_start3A_5 = arith.constant 0 : i32
    %dma_start3A_6 = arith.constant 0 : i32
    %dma_start3A_7 = tpu.memref_slice %arg5[%dma_start3A_5, %dma_start3A_6] : memref<12288x768xf32, #tpu.memory_space<hbm>> -> memref<12288x768xf32, #tpu.memory_space<hbm>>
    tpu.enqueue_indirect_dma source(%arg6 : memref<64x768xf32, #tpu.memory_space<vmem>>) target(%dma_start3A_7 : memref<12288x768xf32, #tpu.memory_space<hbm>>) offsets(%arg8 : memref<64xi32, #tpu.memory_space<vmem>>) semaphore(%arg10 : memref<!tpu.dma_semaphore, #tpu.memory_space<semaphore_mem>>)
    %dma_wait3A = arith.constant 0 : i32
    %dma_wait3A_8 = arith.constant 0 : i32
    %dma_wait3A_9 = tpu.memref_slice %arg5[%dma_wait3A, %dma_wait3A_8] : memref<12288x768xf32, #tpu.memory_space<hbm>> -> memref<12288x768xf32, #tpu.memory_space<hbm>>
    tpu.wait_indirect_dma semaphore(%arg9 : memref<!tpu.dma_semaphore, #tpu.memory_space<semaphore_mem>>) src(%arg6 : memref<64x768xf32, #tpu.memory_space<vmem>>) dst(%dma_wait3A_9 : memref<12288x768xf32, #tpu.memory_space<hbm>>)
    %dma_wait3A_10 = arith.constant 0 : i32
    %dma_wait3A_11 = arith.constant 0 : i32
    %dma_wait3A_12 = tpu.memref_slice %arg5[%dma_wait3A_10, %dma_wait3A_11] : memref<12288x768xf32, #tpu.memory_space<hbm>> -> memref<12288x768xf32, #tpu.memory_space<hbm>>
    tpu.wait_indirect_dma semaphore(%arg10 : memref<!tpu.dma_semaphore, #tpu.memory_space<semaphore_mem>>) src(%arg6 : memref<64x768xf32, #tpu.memory_space<vmem>>) dst(%dma_wait3A_12 : memref<12288x768xf32, #tpu.memory_space<hbm>>)
    return
  }
}

module attributes {stable_mosaic.version = 14 : i64} {
  func.func @_gmm_body(%arg0: i32, %arg1: memref<96xi32, #tpu.memory_space<smem>>, %arg2: memref<1xi32, #tpu.memory_space<smem>>, %arg3: memref<128x768xf32, #tpu.memory_space<vmem>>, %arg4: memref<1x768x768xf32, #tpu.memory_space<vmem>>, %arg5: memref<1x768x768xf32, #tpu.memory_space<vmem>>, %arg6: memref<1x768x768xf32, #tpu.memory_space<vmem>>, %arg7: memref<128x768xf32, #tpu.memory_space<vmem>>) attributes {dimension_semantics = [#tpu.dimension_semantics<arbitrary>], iteration_bounds = array<i64: 96>, scalar_prefetch = 2 : i64, scratch_operands = 0 : i64, tpu.core_type = #tpu.core_type<tc>, window_params = [{transform_indices = @transform_0, window_bounds = array<i64: 128, 768>}, {transform_indices = @transform_1, window_bounds = array<i64: 1, 768, 768>}, {transform_indices = @transform_2, window_bounds = array<i64: 1, 768, 768>}, {transform_indices = @transform_3, window_bounds = array<i64: 1, 768, 768>}, {transform_indices = @transform_4, window_bounds = array<i64: 128, 768>}]} {
    %get3A = arith.constant 0 : index
    %get3A_0 = memref.load %arg2[%get3A] : memref<1xi32, #tpu.memory_space<smem>>
    %lt3A = arith.cmpi slt, %arg0, %get3A_0 : i32
    %convert_element_type3A = arith.extui %lt3A : i1 to i32
    %cond3A = arith.constant 0 : i32
    %cond3A_1 = arith.cmpi ne, %convert_element_type3A, %cond3A : i32
    scf.if %cond3A_1 {
      %get3A_2 = arith.constant 0 : index
      %get3A_3 = arith.constant 0 : index
      %get3A_4 = vector.load %arg3[%get3A_2, %get3A_3] : memref<128x768xf32, #tpu.memory_space<vmem>>, vector<128x768xf32>
      %get3A_5 = arith.constant 0 : index
      %get3A_6 = arith.constant 0 : index
      %get3A_7 = arith.constant 0 : index
      %get3A_8 = vector.load %arg4[%get3A_5, %get3A_6, %get3A_7] : memref<1x768x768xf32, #tpu.memory_space<vmem>>, vector<1x768x768xf32>
      %get3A_9 = vector.shape_cast %get3A_8 : vector<1x768x768xf32> to vector<768x768xf32>
      %dot_general3A = arith.constant dense<0.000000e+00> : vector<128x768xf32>
      %dot_general3A_10 = tpu.matmul %get3A_4, %get3A_9, %dot_general3A {dimension_numbers = #tpu.dot_dimension_numbers<[1], [0], [0], [1], [0, 0, 1, 1], [], []>, transpose_lhs_hint = false} : vector<128x768xf32>, vector<768x768xf32>, vector<128x768xf32> -> vector<128x768xf32>
      %get3A_11 = arith.constant 0 : index
      %get3A_12 = arith.constant 0 : index
      %get3A_13 = arith.constant 0 : index
      %get3A_14 = vector.load %arg5[%get3A_11, %get3A_12, %get3A_13] : memref<1x768x768xf32, #tpu.memory_space<vmem>>, vector<1x768x768xf32>
      %get3A_15 = vector.shape_cast %get3A_14 : vector<1x768x768xf32> to vector<768x768xf32>
      %dot_general3A_16 = arith.constant dense<0.000000e+00> : vector<128x768xf32>
      %dot_general3A_17 = tpu.matmul %get3A_4, %get3A_15, %dot_general3A_16 {dimension_numbers = #tpu.dot_dimension_numbers<[1], [0], [0], [1], [0, 0, 1, 1], [], []>, transpose_lhs_hint = false} : vector<128x768xf32>, vector<768x768xf32>, vector<128x768xf32> -> vector<128x768xf32>
      %neg3A = arith.constant 0.000000e+00 : f32
      %neg3A_18 = vector.broadcast %neg3A : f32 to vector<128x768xf32>
      %neg3A_19 = arith.subf %neg3A_18, %dot_general3A_10 : vector<128x768xf32>
      %exp3A = math.exp %neg3A_19 : vector<128x768xf32>
      %add3A = arith.constant 1.000000e+00 : f32
      %add3A_20 = vector.broadcast %add3A : f32 to vector<128x768xf32>
      %add3A_21 = arith.addf %add3A_20, %exp3A : vector<128x768xf32>
      %div3A = arith.divf %dot_general3A_10, %add3A_21 : vector<128x768xf32>
      %mul3A = arith.mulf %div3A, %dot_general3A_17 : vector<128x768xf32>
      %get3A_22 = arith.constant 0 : index
      %get3A_23 = arith.constant 0 : index
      %get3A_24 = arith.constant 0 : index
      %get3A_25 = vector.load %arg6[%get3A_22, %get3A_23, %get3A_24] : memref<1x768x768xf32, #tpu.memory_space<vmem>>, vector<1x768x768xf32>
      %get3A_26 = vector.shape_cast %get3A_25 : vector<1x768x768xf32> to vector<768x768xf32>
      %dot_general3A_27 = arith.constant dense<0.000000e+00> : vector<128x768xf32>
      %dot_general3A_28 = tpu.matmul %mul3A, %get3A_26, %dot_general3A_27 {dimension_numbers = #tpu.dot_dimension_numbers<[1], [0], [0], [1], [0, 0, 1, 1], [], []>, transpose_lhs_hint = false} : vector<128x768xf32>, vector<768x768xf32>, vector<128x768xf32> -> vector<128x768xf32>
      %swap3A = arith.constant 0 : index
      %swap3A_29 = arith.constant 0 : index
      %swap3A_30 = vector.load %arg7[%swap3A, %swap3A_29] : memref<128x768xf32, #tpu.memory_space<vmem>>, vector<128x768xf32>
      tpu.vector_store %arg7[%swap3A, %swap3A_29], %dot_general3A_28 {strides = array<i32>} : memref<128x768xf32, #tpu.memory_space<vmem>>, vector<128x768xf32>,
    } else {
    }
    return
  }
  func.func @transform_0(%arg0: i32, %arg1: memref<96xi32, #tpu.memory_space<smem>>, %arg2: memref<1xi32, #tpu.memory_space<smem>>) -> (i32, i32) {
    %get3A = arith.constant 0 : index
    %get3A_0 = memref.load %arg2[%get3A] : memref<1xi32, #tpu.memory_space<smem>>
    %sub3A = arith.constant 1 : i32
    %sub3A_1 = arith.subi %get3A_0, %sub3A : i32
    %min3A = arith.minsi %arg0, %sub3A_1 : i32
    %c0_i32 = arith.constant 0 : i32
    %c0_i32_2 = arith.constant 0 : i32
    return %min3A, %c0_i32 : i32, i32
  }
  func.func @transform_1(%arg0: i32, %arg1: memref<96xi32, #tpu.memory_space<smem>>, %arg2: memref<1xi32, #tpu.memory_space<smem>>) -> (i32, i32, i32) {
    %get3A = arith.index_cast %arg0 : i32 to index
    %get3A_0 = memref.load %arg1[%get3A] : memref<96xi32, #tpu.memory_space<smem>>
    %c0_i32 = arith.constant 0 : i32
    %c0_i32_1 = arith.constant 0 : i32
    %c0_i32_2 = arith.constant 0 : i32
    return %get3A_0, %c0_i32, %c0_i32_1 : i32, i32, i32
  }
  func.func @transform_2(%arg0: i32, %arg1: memref<96xi32, #tpu.memory_space<smem>>, %arg2: memref<1xi32, #tpu.memory_space<smem>>) -> (i32, i32, i32) {
    %get3A = arith.index_cast %arg0 : i32 to index
    %get3A_0 = memref.load %arg1[%get3A] : memref<96xi32, #tpu.memory_space<smem>>
    %c0_i32 = arith.constant 0 : i32
    %c0_i32_1 = arith.constant 0 : i32
    %c0_i32_2 = arith.constant 0 : i32
    return %get3A_0, %c0_i32, %c0_i32_1 : i32, i32, i32
  }
  func.func @transform_3(%arg0: i32, %arg1: memref<96xi32, #tpu.memory_space<smem>>, %arg2: memref<1xi32, #tpu.memory_space<smem>>) -> (i32, i32, i32) {
    %get3A = arith.index_cast %arg0 : i32 to index
    %get3A_0 = memref.load %arg1[%get3A] : memref<96xi32, #tpu.memory_space<smem>>
    %c0_i32 = arith.constant 0 : i32
    %c0_i32_1 = arith.constant 0 : i32
    %c0_i32_2 = arith.constant 0 : i32
    return %get3A_0, %c0_i32, %c0_i32_1 : i32, i32, i32
  }
  func.func @transform_4(%arg0: i32, %arg1: memref<96xi32, #tpu.memory_space<smem>>, %arg2: memref<1xi32, #tpu.memory_space<smem>>) -> (i32, i32) {
    %get3A = arith.constant 0 : index
    %get3A_0 = memref.load %arg2[%get3A] : memref<1xi32, #tpu.memory_space<smem>>
    %sub3A = arith.constant 1 : i32
    %sub3A_1 = arith.subi %get3A_0, %sub3A : i32
    %min3A = arith.minsi %arg0, %sub3A_1 : i32
    %c0_i32 = arith.constant 0 : i32
    %c0_i32_2 = arith.constant 0 : i32
    return %min3A, %c0_i32 : i32, i32
  }
}

module attributes {stable_mosaic.version = 14 : i64} {
  func.func @_router_body(%arg0: memref<2048x768xf32, #tpu.memory_space<vmem>>, %arg1: memref<768x64xf32, #tpu.memory_space<vmem>>, %arg2: memref<2048x1xi32, #tpu.memory_space<vmem>>, %arg3: memref<2048x1xi32, #tpu.memory_space<vmem>>, %arg4: memref<2048x16xf32, #tpu.memory_space<vmem>>, %arg5: memref<2048x16xf32, #tpu.memory_space<vmem>>, %arg6: memref<96x1xi32, #tpu.memory_space<vmem>>, %arg7: memref<1x1xi32, #tpu.memory_space<vmem>>, %arg8: memref<1x1xf32, #tpu.memory_space<vmem>>) attributes {dimension_semantics = [], scalar_prefetch = 0 : i64, scratch_operands = 0 : i64, tpu.core_type = #tpu.core_type<tc>} {
    %get3A = arith.constant 0 : index
    %get3A_0 = arith.constant 0 : index
    %get3A_1 = vector.load %arg0[%get3A, %get3A_0] : memref<2048x768xf32, #tpu.memory_space<vmem>>, vector<2048x768xf32>
    %get3A_2 = arith.constant 0 : index
    %get3A_3 = arith.constant 0 : index
    %get3A_4 = vector.load %arg1[%get3A_2, %get3A_3] : memref<768x64xf32, #tpu.memory_space<vmem>>, vector<768x64xf32>
    %dot_general3A = arith.constant dense<0.000000e+00> : vector<2048x64xf32>
    %dot_general3A_5 = tpu.matmul %get3A_1, %get3A_4, %dot_general3A {dimension_numbers = #tpu.dot_dimension_numbers<[1], [0], [0], [1], [0, 0, 1, 1], [], []>, transpose_lhs_hint = false} : vector<2048x768xf32>, vector<768x64xf32>, vector<2048x64xf32> -> vector<2048x64xf32>
    %reduce_max3A = arith.constant dense<0xFF800000> : vector<2048xf32>
    %reduce_max3A_6 = vector.multi_reduction <maximumf>, %dot_general3A_5, %reduce_max3A [1] : vector<2048x64xf32> to vector<2048xf32>
    %broadcast_in_dim3A = vector.shape_cast %reduce_max3A_6 : vector<2048xf32> to vector<2048x1xf32>
    %sub3A = vector.broadcast %broadcast_in_dim3A : vector<2048x1xf32> to vector<2048x64xf32>
    %sub3A_7 = arith.subf %dot_general3A_5, %sub3A : vector<2048x64xf32>
    %exp3A = math.exp %sub3A_7 : vector<2048x64xf32>
    %reduce_sum3A = arith.constant dense<0.000000e+00> : vector<2048xf32>
    %reduce_sum3A_8 = vector.multi_reduction <add>, %exp3A, %reduce_sum3A [1] : vector<2048x64xf32> to vector<2048xf32>
    %broadcast_in_dim3A_9 = vector.shape_cast %reduce_sum3A_8 : vector<2048xf32> to vector<2048x1xf32>
    %div3A = vector.broadcast %broadcast_in_dim3A_9 : vector<2048x1xf32> to vector<2048x64xf32>
    %div3A_10 = arith.divf %exp3A, %div3A : vector<2048x64xf32>
    %iota3A = tpu.iota {dimensions = array<i32: 1>} : vector<2048x64xi32>
    %reduce_max3A_11 = arith.constant dense<0xFF800000> : vector<2048xf32>
    %reduce_max3A_12 = vector.multi_reduction <maximumf>, %dot_general3A_5, %reduce_max3A_11 [1] : vector<2048x64xf32> to vector<2048xf32>
    %broadcast_in_dim3A_13 = vector.shape_cast %reduce_max3A_12 : vector<2048xf32> to vector<2048x1xf32>
    %eq3A = vector.broadcast %broadcast_in_dim3A_13 : vector<2048x1xf32> to vector<2048x64xf32>
    %eq3A_14 = arith.cmpf oeq, %dot_general3A_5, %eq3A : vector<2048x64xf32>
    %jit3A = arith.constant 64 : i32
    %broadcast_in_dim3A_15 = vector.broadcast %jit3A : i32 to vector<2048x64xi32>
    %select_n3A = arith.select %eq3A_14, %iota3A, %broadcast_in_dim3A_15 : vector<2048x64xi1>, vector<2048x64xi32>
    %reduce_min3A = arith.constant dense<2147483647> : vector<2048xi32>
    %reduce_min3A_16 = vector.multi_reduction <minsi>, %select_n3A, %reduce_min3A [1] : vector<2048x64xi32> to vector<2048xi32>
    %broadcast_in_dim3A_17 = vector.shape_cast %reduce_min3A_16 : vector<2048xi32> to vector<2048x1xi32>
    %eq3A_18 = vector.broadcast %broadcast_in_dim3A_17 : vector<2048x1xi32> to vector<2048x64xi32>
    %eq3A_19 = arith.cmpi eq, %iota3A, %eq3A_18 : vector<2048x64xi32>
    %jit3A_20 = arith.constant 0xFF800000 : f32
    %broadcast_in_dim3A_21 = vector.broadcast %jit3A_20 : f32 to vector<2048x64xf32>
    %select_n3A_22 = arith.select %eq3A_19, %broadcast_in_dim3A_21, %dot_general3A_5 : vector<2048x64xi1>, vector<2048x64xf32>
    %reduce_max3A_23 = arith.constant dense<0xFF800000> : vector<2048xf32>
    %reduce_max3A_24 = vector.multi_reduction <maximumf>, %select_n3A_22, %reduce_max3A_23 [1] : vector<2048x64xf32> to vector<2048xf32>
    %broadcast_in_dim3A_25 = vector.shape_cast %reduce_max3A_24 : vector<2048xf32> to vector<2048x1xf32>
    %eq3A_26 = vector.broadcast %broadcast_in_dim3A_25 : vector<2048x1xf32> to vector<2048x64xf32>
    %eq3A_27 = arith.cmpf oeq, %select_n3A_22, %eq3A_26 : vector<2048x64xf32>
    %jit3A_28 = arith.constant 64 : i32
    %broadcast_in_dim3A_29 = vector.broadcast %jit3A_28 : i32 to vector<2048x64xi32>
    %select_n3A_30 = arith.select %eq3A_27, %iota3A, %broadcast_in_dim3A_29 : vector<2048x64xi1>, vector<2048x64xi32>
    %reduce_min3A_31 = arith.constant dense<2147483647> : vector<2048xi32>
    %reduce_min3A_32 = vector.multi_reduction <minsi>, %select_n3A_30, %reduce_min3A_31 [1] : vector<2048x64xi32> to vector<2048xi32>
    %broadcast_in_dim3A_33 = vector.shape_cast %reduce_min3A_32 : vector<2048xi32> to vector<2048x1xi32>
    %eq3A_34 = vector.broadcast %broadcast_in_dim3A_17 : vector<2048x1xi32> to vector<2048x64xi32>
    %eq3A_35 = arith.cmpi eq, %iota3A, %eq3A_34 : vector<2048x64xi32>
    %convert_element_type3A = arith.extui %eq3A_35 : vector<2048x64xi1> to vector<2048x64xi32>
    %convert_element_type3A_36 = arith.sitofp %convert_element_type3A : vector<2048x64xi32> to vector<2048x64xf32>
    %eq3A_37 = vector.broadcast %broadcast_in_dim3A_33 : vector<2048x1xi32> to vector<2048x64xi32>
    %eq3A_38 = arith.cmpi eq, %iota3A, %eq3A_37 : vector<2048x64xi32>
    %convert_element_type3A_39 = arith.extui %eq3A_38 : vector<2048x64xi1> to vector<2048x64xi32>
    %convert_element_type3A_40 = arith.sitofp %convert_element_type3A_39 : vector<2048x64xi32> to vector<2048x64xf32>
    %mul3A = arith.mulf %convert_element_type3A_36, %div3A_10 : vector<2048x64xf32>
    %reduce_sum3A_41 = arith.constant dense<0.000000e+00> : vector<2048xf32>
    %reduce_sum3A_42 = vector.multi_reduction <add>, %mul3A, %reduce_sum3A_41 [1] : vector<2048x64xf32> to vector<2048xf32>
    %broadcast_in_dim3A_43 = vector.shape_cast %reduce_sum3A_42 : vector<2048xf32> to vector<2048x1xf32>
    %mul3A_44 = arith.mulf %convert_element_type3A_40, %div3A_10 : vector<2048x64xf32>
    %reduce_sum3A_45 = arith.constant dense<0.000000e+00> : vector<2048xf32>
    %reduce_sum3A_46 = vector.multi_reduction <add>, %mul3A_44, %reduce_sum3A_45 [1] : vector<2048x64xf32> to vector<2048xf32>
    %broadcast_in_dim3A_47 = vector.shape_cast %reduce_sum3A_46 : vector<2048xf32> to vector<2048x1xf32>
    %add3A = arith.addf %broadcast_in_dim3A_43, %broadcast_in_dim3A_47 : vector<2048x1xf32>
    %broadcast_in_dim3A_48 = arith.constant 1.000000e+00 : f32
    %broadcast_in_dim3A_49 = vector.broadcast %broadcast_in_dim3A_48 : f32 to vector<1x16xf32>
    %div3A_50 = arith.divf %broadcast_in_dim3A_43, %add3A : vector<2048x1xf32>
    %mul3A_51 = vector.broadcast %div3A_50 : vector<2048x1xf32> to vector<2048x16xf32>
    %mul3A_52 = vector.broadcast %broadcast_in_dim3A_49 : vector<1x16xf32> to vector<2048x16xf32>
    %mul3A_53 = arith.mulf %mul3A_51, %mul3A_52 : vector<2048x16xf32>
    %swap3A = arith.constant 0 : index
    %swap3A_54 = arith.constant 0 : index
    %swap3A_55 = vector.load %arg4[%swap3A, %swap3A_54] : memref<2048x16xf32, #tpu.memory_space<vmem>>, vector<2048x16xf32>
    tpu.vector_store %arg4[%swap3A, %swap3A_54], %mul3A_53 {strides = array<i32>} : memref<2048x16xf32, #tpu.memory_space<vmem>>, vector<2048x16xf32>,
    %div3A_56 = arith.divf %broadcast_in_dim3A_47, %add3A : vector<2048x1xf32>
    %mul3A_57 = vector.broadcast %div3A_56 : vector<2048x1xf32> to vector<2048x16xf32>
    %mul3A_58 = vector.broadcast %broadcast_in_dim3A_49 : vector<1x16xf32> to vector<2048x16xf32>
    %mul3A_59 = arith.mulf %mul3A_57, %mul3A_58 : vector<2048x16xf32>
    %swap3A_60 = arith.constant 0 : index
    %swap3A_61 = arith.constant 0 : index
    %swap3A_62 = vector.load %arg5[%swap3A_60, %swap3A_61] : memref<2048x16xf32, #tpu.memory_space<vmem>>, vector<2048x16xf32>
    tpu.vector_store %arg5[%swap3A_60, %swap3A_61], %mul3A_59 {strides = array<i32>} : memref<2048x16xf32, #tpu.memory_space<vmem>>, vector<2048x16xf32>,
    %reduce_sum3A_63 = arith.constant dense<0.000000e+00> : vector<64xf32>
    %reduce_sum3A_64 = vector.multi_reduction <add>, %convert_element_type3A_36, %reduce_sum3A_63 [0] : vector<2048x64xf32> to vector<64xf32>
    %broadcast_in_dim3A_65 = vector.shape_cast %reduce_sum3A_64 : vector<64xf32> to vector<1x64xf32>
    %reduce_sum3A_66 = arith.constant dense<0.000000e+00> : vector<64xf32>
    %reduce_sum3A_67 = vector.multi_reduction <add>, %convert_element_type3A_40, %reduce_sum3A_66 [0] : vector<2048x64xf32> to vector<64xf32>
    %broadcast_in_dim3A_68 = vector.shape_cast %reduce_sum3A_67 : vector<64xf32> to vector<1x64xf32>
    %add3A_69 = arith.addf %broadcast_in_dim3A_65, %broadcast_in_dim3A_68 : vector<1x64xf32>
    %add3A_70 = arith.constant 1.270000e+02 : f32
    %add3A_71 = vector.broadcast %add3A_70 : f32 to vector<1x64xf32>
    %add3A_72 = arith.addf %add3A_69, %add3A_71 : vector<1x64xf32>
    %mul3A_73 = arith.constant 7.812500e-03 : f32
    %mul3A_74 = vector.broadcast %mul3A_73 : f32 to vector<1x64xf32>
    %mul3A_75 = arith.mulf %add3A_72, %mul3A_74 : vector<1x64xf32>
    %floor3A = math.floor %mul3A_75 : vector<1x64xf32>
    %mul3A_76 = arith.constant 1.280000e+02 : f32
    %mul3A_77 = vector.broadcast %mul3A_76 : f32 to vector<1x64xf32>
    %mul3A_78 = arith.mulf %floor3A, %mul3A_77 : vector<1x64xf32>
    %broadcast_in_dim3A_79 = arith.constant 0.000000e+00 : f32
    %broadcast_in_dim3A_80 = vector.broadcast %broadcast_in_dim3A_79 : f32 to vector<1x1xf32>
    %slice3A = vector.extract_strided_slice %mul3A_78 {offsets = [0, 0], sizes = [1, 63], strides = [1, 1]} : vector<1x64xf32> to vector<1x63xf32>
    %concatenate3A = tpu.concatenate %broadcast_in_dim3A_80, %slice3A in 1 : vector<1x1xf32>, vector<1x63xf32> -> vector<1x64xf32>
    %add3A_81 = arith.addf %mul3A_78, %concatenate3A : vector<1x64xf32>
    %broadcast_in_dim3A_82 = arith.constant 0.000000e+00 : f32
    %broadcast_in_dim3A_83 = vector.broadcast %broadcast_in_dim3A_82 : f32 to vector<1x2xf32>
    %slice3A_84 = vector.extract_strided_slice %add3A_81 {offsets = [0, 0], sizes = [1, 62], strides = [1, 1]} : vector<1x64xf32> to vector<1x62xf32>
    %concatenate3A_85 = tpu.concatenate %broadcast_in_dim3A_83, %slice3A_84 in 1 : vector<1x2xf32>, vector<1x62xf32> -> vector<1x64xf32>
    %add3A_86 = arith.addf %add3A_81, %concatenate3A_85 : vector<1x64xf32>
    %broadcast_in_dim3A_87 = arith.constant 0.000000e+00 : f32
    %broadcast_in_dim3A_88 = vector.broadcast %broadcast_in_dim3A_87 : f32 to vector<1x4xf32>
    %slice3A_89 = vector.extract_strided_slice %add3A_86 {offsets = [0, 0], sizes = [1, 60], strides = [1, 1]} : vector<1x64xf32> to vector<1x60xf32>
    %concatenate3A_90 = tpu.concatenate %broadcast_in_dim3A_88, %slice3A_89 in 1 : vector<1x4xf32>, vector<1x60xf32> -> vector<1x64xf32>
    %add3A_91 = arith.addf %add3A_86, %concatenate3A_90 : vector<1x64xf32>
    %broadcast_in_dim3A_92 = arith.constant 0.000000e+00 : f32
    %broadcast_in_dim3A_93 = vector.broadcast %broadcast_in_dim3A_92 : f32 to vector<1x8xf32>
    %slice3A_94 = vector.extract_strided_slice %add3A_91 {offsets = [0, 0], sizes = [1, 56], strides = [1, 1]} : vector<1x64xf32> to vector<1x56xf32>
    %concatenate3A_95 = tpu.concatenate %broadcast_in_dim3A_93, %slice3A_94 in 1 : vector<1x8xf32>, vector<1x56xf32> -> vector<1x64xf32>
    %add3A_96 = arith.addf %add3A_91, %concatenate3A_95 : vector<1x64xf32>
    %broadcast_in_dim3A_97 = arith.constant 0.000000e+00 : f32
    %broadcast_in_dim3A_98 = vector.broadcast %broadcast_in_dim3A_97 : f32 to vector<1x16xf32>
    %slice3A_99 = vector.extract_strided_slice %add3A_96 {offsets = [0, 0], sizes = [1, 48], strides = [1, 1]} : vector<1x64xf32> to vector<1x48xf32>
    %concatenate3A_100 = tpu.concatenate %broadcast_in_dim3A_98, %slice3A_99 in 1 : vector<1x16xf32>, vector<1x48xf32> -> vector<1x64xf32>
    %add3A_101 = arith.addf %add3A_96, %concatenate3A_100 : vector<1x64xf32>
    %broadcast_in_dim3A_102 = arith.constant 0.000000e+00 : f32
    %broadcast_in_dim3A_103 = vector.broadcast %broadcast_in_dim3A_102 : f32 to vector<1x32xf32>
    %slice3A_104 = vector.extract_strided_slice %add3A_101 {offsets = [0, 0], sizes = [1, 32], strides = [1, 1]} : vector<1x64xf32> to vector<1x32xf32>
    %concatenate3A_105 = tpu.concatenate %broadcast_in_dim3A_103, %slice3A_104 in 1 : vector<1x32xf32>, vector<1x32xf32> -> vector<1x64xf32>
    %add3A_106 = arith.addf %add3A_101, %concatenate3A_105 : vector<1x64xf32>
    %sub3A_107 = arith.subf %add3A_106, %mul3A_78 : vector<1x64xf32>
    %concatenate3A_108 = tpu.concatenate %convert_element_type3A_36, %convert_element_type3A_40 in 0 : vector<2048x64xf32>, vector<2048x64xf32> -> vector<4096x64xf32>
    %broadcast_in_dim3A_109 = arith.constant 0.000000e+00 : f32
    %broadcast_in_dim3A_110 = vector.broadcast %broadcast_in_dim3A_109 : f32 to vector<1x64xf32>
    %slice3A_111 = vector.extract_strided_slice %concatenate3A_108 {offsets = [0, 0], sizes = [4095, 64], strides = [1, 1]} : vector<4096x64xf32> to vector<4095x64xf32>
    %concatenate3A_112 = tpu.concatenate %broadcast_in_dim3A_110, %slice3A_111 in 0 : vector<1x64xf32>, vector<4095x64xf32> -> vector<4096x64xf32>
    %add3A_113 = arith.addf %concatenate3A_108, %concatenate3A_112 : vector<4096x64xf32>
    %broadcast_in_dim3A_114 = arith.constant 0.000000e+00 : f32
    %broadcast_in_dim3A_115 = vector.broadcast %broadcast_in_dim3A_114 : f32 to vector<2x64xf32>
    %slice3A_116 = vector.extract_strided_slice %add3A_113 {offsets = [0, 0], sizes = [4094, 64], strides = [1, 1]} : vector<4096x64xf32> to vector<4094x64xf32>
    %concatenate3A_117 = tpu.concatenate %broadcast_in_dim3A_115, %slice3A_116 in 0 : vector<2x64xf32>, vector<4094x64xf32> -> vector<4096x64xf32>
    %add3A_118 = arith.addf %add3A_113, %concatenate3A_117 : vector<4096x64xf32>
    %broadcast_in_dim3A_119 = arith.constant 0.000000e+00 : f32
    %broadcast_in_dim3A_120 = vector.broadcast %broadcast_in_dim3A_119 : f32 to vector<4x64xf32>
    %slice3A_121 = vector.extract_strided_slice %add3A_118 {offsets = [0, 0], sizes = [4092, 64], strides = [1, 1]} : vector<4096x64xf32> to vector<4092x64xf32>
    %concatenate3A_122 = tpu.concatenate %broadcast_in_dim3A_120, %slice3A_121 in 0 : vector<4x64xf32>, vector<4092x64xf32> -> vector<4096x64xf32>
    %add3A_123 = arith.addf %add3A_118, %concatenate3A_122 : vector<4096x64xf32>
    %broadcast_in_dim3A_124 = arith.constant 0.000000e+00 : f32
    %broadcast_in_dim3A_125 = vector.broadcast %broadcast_in_dim3A_124 : f32 to vector<8x64xf32>
    %slice3A_126 = vector.extract_strided_slice %add3A_123 {offsets = [0, 0], sizes = [4088, 64], strides = [1, 1]} : vector<4096x64xf32> to vector<4088x64xf32>
    %concatenate3A_127 = tpu.concatenate %broadcast_in_dim3A_125, %slice3A_126 in 0 : vector<8x64xf32>, vector<4088x64xf32> -> vector<4096x64xf32>
    %add3A_128 = arith.addf %add3A_123, %concatenate3A_127 : vector<4096x64xf32>
    %broadcast_in_dim3A_129 = arith.constant 0.000000e+00 : f32
    %broadcast_in_dim3A_130 = vector.broadcast %broadcast_in_dim3A_129 : f32 to vector<16x64xf32>
    %slice3A_131 = vector.extract_strided_slice %add3A_128 {offsets = [0, 0], sizes = [4080, 64], strides = [1, 1]} : vector<4096x64xf32> to vector<4080x64xf32>
    %concatenate3A_132 = tpu.concatenate %broadcast_in_dim3A_130, %slice3A_131 in 0 : vector<16x64xf32>, vector<4080x64xf32> -> vector<4096x64xf32>
    %add3A_133 = arith.addf %add3A_128, %concatenate3A_132 : vector<4096x64xf32>
    %broadcast_in_dim3A_134 = arith.constant 0.000000e+00 : f32
    %broadcast_in_dim3A_135 = vector.broadcast %broadcast_in_dim3A_134 : f32 to vector<32x64xf32>
    %slice3A_136 = vector.extract_strided_slice %add3A_133 {offsets = [0, 0], sizes = [4064, 64], strides = [1, 1]} : vector<4096x64xf32> to vector<4064x64xf32>
    %concatenate3A_137 = tpu.concatenate %broadcast_in_dim3A_135, %slice3A_136 in 0 : vector<32x64xf32>, vector<4064x64xf32> -> vector<4096x64xf32>
    %add3A_138 = arith.addf %add3A_133, %concatenate3A_137 : vector<4096x64xf32>
    %broadcast_in_dim3A_139 = arith.constant 0.000000e+00 : f32
    %broadcast_in_dim3A_140 = vector.broadcast %broadcast_in_dim3A_139 : f32 to vector<64x64xf32>
    %slice3A_141 = vector.extract_strided_slice %add3A_138 {offsets = [0, 0], sizes = [4032, 64], strides = [1, 1]} : vector<4096x64xf32> to vector<4032x64xf32>
    %concatenate3A_142 = tpu.concatenate %broadcast_in_dim3A_140, %slice3A_141 in 0 : vector<64x64xf32>, vector<4032x64xf32> -> vector<4096x64xf32>
    %add3A_143 = arith.addf %add3A_138, %concatenate3A_142 : vector<4096x64xf32>
    %broadcast_in_dim3A_144 = arith.constant 0.000000e+00 : f32
    %broadcast_in_dim3A_145 = vector.broadcast %broadcast_in_dim3A_144 : f32 to vector<128x64xf32>
    %slice3A_146 = vector.extract_strided_slice %add3A_143 {offsets = [0, 0], sizes = [3968, 64], strides = [1, 1]} : vector<4096x64xf32> to vector<3968x64xf32>
    %concatenate3A_147 = tpu.concatenate %broadcast_in_dim3A_145, %slice3A_146 in 0 : vector<128x64xf32>, vector<3968x64xf32> -> vector<4096x64xf32>
    %add3A_148 = arith.addf %add3A_143, %concatenate3A_147 : vector<4096x64xf32>
    %broadcast_in_dim3A_149 = arith.constant 0.000000e+00 : f32
    %broadcast_in_dim3A_150 = vector.broadcast %broadcast_in_dim3A_149 : f32 to vector<256x64xf32>
    %slice3A_151 = vector.extract_strided_slice %add3A_148 {offsets = [0, 0], sizes = [3840, 64], strides = [1, 1]} : vector<4096x64xf32> to vector<3840x64xf32>
    %concatenate3A_152 = tpu.concatenate %broadcast_in_dim3A_150, %slice3A_151 in 0 : vector<256x64xf32>, vector<3840x64xf32> -> vector<4096x64xf32>
    %add3A_153 = arith.addf %add3A_148, %concatenate3A_152 : vector<4096x64xf32>
    %broadcast_in_dim3A_154 = arith.constant 0.000000e+00 : f32
    %broadcast_in_dim3A_155 = vector.broadcast %broadcast_in_dim3A_154 : f32 to vector<512x64xf32>
    %slice3A_156 = vector.extract_strided_slice %add3A_153 {offsets = [0, 0], sizes = [3584, 64], strides = [1, 1]} : vector<4096x64xf32> to vector<3584x64xf32>
    %concatenate3A_157 = tpu.concatenate %broadcast_in_dim3A_155, %slice3A_156 in 0 : vector<512x64xf32>, vector<3584x64xf32> -> vector<4096x64xf32>
    %add3A_158 = arith.addf %add3A_153, %concatenate3A_157 : vector<4096x64xf32>
    %broadcast_in_dim3A_159 = arith.constant 0.000000e+00 : f32
    %broadcast_in_dim3A_160 = vector.broadcast %broadcast_in_dim3A_159 : f32 to vector<1024x64xf32>
    %slice3A_161 = vector.extract_strided_slice %add3A_158 {offsets = [0, 0], sizes = [3072, 64], strides = [1, 1]} : vector<4096x64xf32> to vector<3072x64xf32>
    %concatenate3A_162 = tpu.concatenate %broadcast_in_dim3A_160, %slice3A_161 in 0 : vector<1024x64xf32>, vector<3072x64xf32> -> vector<4096x64xf32>
    %add3A_163 = arith.addf %add3A_158, %concatenate3A_162 : vector<4096x64xf32>
    %broadcast_in_dim3A_164 = arith.constant 0.000000e+00 : f32
    %broadcast_in_dim3A_165 = vector.broadcast %broadcast_in_dim3A_164 : f32 to vector<2048x64xf32>
    %slice3A_166 = vector.extract_strided_slice %add3A_163 {offsets = [0, 0], sizes = [2048, 64], strides = [1, 1]} : vector<4096x64xf32> to vector<2048x64xf32>
    %concatenate3A_167 = tpu.concatenate %broadcast_in_dim3A_165, %slice3A_166 in 0 : vector<2048x64xf32>, vector<2048x64xf32> -> vector<4096x64xf32>
    %add3A_168 = arith.addf %add3A_163, %concatenate3A_167 : vector<4096x64xf32>
    %sub3A_169 = arith.subf %add3A_168, %concatenate3A_108 : vector<4096x64xf32>
    %add3A_170 = vector.broadcast %sub3A_107 : vector<1x64xf32> to vector<4096x64xf32>
    %add3A_171 = arith.addf %sub3A_169, %add3A_170 : vector<4096x64xf32>
    %mul3A_172 = arith.mulf %add3A_171, %concatenate3A_108 : vector<4096x64xf32>
    %reduce_sum3A_173 = arith.constant dense<0.000000e+00> : vector<4096xf32>
    %reduce_sum3A_174 = vector.multi_reduction <add>, %mul3A_172, %reduce_sum3A_173 [1] : vector<4096x64xf32> to vector<4096xf32>
    %broadcast_in_dim3A_175 = vector.shape_cast %reduce_sum3A_174 : vector<4096xf32> to vector<4096x1xf32>
    %convert_element_type3A_176 = arith.fptosi %broadcast_in_dim3A_175 : vector<4096x1xf32> to vector<4096x1xi32>
    %slice3A_177 = vector.extract_strided_slice %convert_element_type3A_176 {offsets = [0, 0], sizes = [2048, 1], strides = [1, 1]} : vector<4096x1xi32> to vector<2048x1xi32>
    %swap3A_178 = arith.constant 0 : index
    %swap3A_179 = arith.constant 0 : index
    %swap3A_180 = vector.load %arg2[%swap3A_178, %swap3A_179] : memref<2048x1xi32, #tpu.memory_space<vmem>>, vector<2048x1xi32>
    tpu.vector_store %arg2[%swap3A_178, %swap3A_179], %slice3A_177 {strides = array<i32>} : memref<2048x1xi32, #tpu.memory_space<vmem>>, vector<2048x1xi32>,
    %slice3A_181 = vector.extract_strided_slice %convert_element_type3A_176 {offsets = [2048, 0], sizes = [2048, 1], strides = [1, 1]} : vector<4096x1xi32> to vector<2048x1xi32>
    %swap3A_182 = arith.constant 0 : index
    %swap3A_183 = arith.constant 0 : index
    %swap3A_184 = vector.load %arg3[%swap3A_182, %swap3A_183] : memref<2048x1xi32, #tpu.memory_space<vmem>>, vector<2048x1xi32>
    tpu.vector_store %arg3[%swap3A_182, %swap3A_183], %slice3A_181 {strides = array<i32>} : memref<2048x1xi32, #tpu.memory_space<vmem>>, vector<2048x1xi32>,
    %iota3A_185 = tpu.iota {dimensions = array<i32: 0>} : vector<96x64xi32>
    %convert_element_type3A_186 = arith.sitofp %iota3A_185 : vector<96x64xi32> to vector<96x64xf32>
    %mul3A_187 = arith.constant 1.280000e+02 : f32
    %mul3A_188 = vector.broadcast %mul3A_187 : f32 to vector<96x64xf32>
    %mul3A_189 = arith.mulf %convert_element_type3A_186, %mul3A_188 : vector<96x64xf32>
    %ge3A = vector.broadcast %sub3A_107 : vector<1x64xf32> to vector<96x64xf32>
    %ge3A_190 = arith.cmpf oge, %mul3A_189, %ge3A : vector<96x64xf32>
    %add3A_191 = arith.addf %sub3A_107, %mul3A_78 : vector<1x64xf32>
    %lt3A = vector.broadcast %add3A_191 : vector<1x64xf32> to vector<96x64xf32>
    %lt3A_192 = arith.cmpf olt, %mul3A_189, %lt3A : vector<96x64xf32>
    %and3A = arith.andi %ge3A_190, %lt3A_192 : vector<96x64xi1>
    %iota3A_193 = tpu.iota {dimensions = array<i32: 1>} : vector<96x64xi32>
    %convert_element_type3A_194 = arith.sitofp %iota3A_193 : vector<96x64xi32> to vector<96x64xf32>
    %jit3A_195 = arith.constant 0.000000e+00 : f32
    %broadcast_in_dim3A_196 = vector.broadcast %jit3A_195 : f32 to vector<96x64xf32>
    %select_n3A_197 = arith.select %and3A, %convert_element_type3A_194, %broadcast_in_dim3A_196 : vector<96x64xi1>, vector<96x64xf32>
    %reduce_sum3A_198 = arith.constant dense<0.000000e+00> : vector<96xf32>
    %reduce_sum3A_199 = vector.multi_reduction <add>, %select_n3A_197, %reduce_sum3A_198 [1] : vector<96x64xf32> to vector<96xf32>
    %broadcast_in_dim3A_200 = vector.shape_cast %reduce_sum3A_199 : vector<96xf32> to vector<96x1xf32>
    %convert_element_type3A_201 = arith.extui %and3A : vector<96x64xi1> to vector<96x64xi32>
    %convert_element_type3A_202 = arith.sitofp %convert_element_type3A_201 : vector<96x64xi32> to vector<96x64xf32>
    %reduce_sum3A_203 = arith.constant dense<0.000000e+00> : vector<96xf32>
    %reduce_sum3A_204 = vector.multi_reduction <add>, %convert_element_type3A_202, %reduce_sum3A_203 [1] : vector<96x64xf32> to vector<96xf32>
    %broadcast_in_dim3A_205 = vector.shape_cast %reduce_sum3A_204 : vector<96xf32> to vector<96x1xf32>
    %gt3A = arith.constant 0.000000e+00 : f32
    %gt3A_206 = vector.broadcast %gt3A : f32 to vector<96x1xf32>
    %gt3A_207 = arith.cmpf ogt, %broadcast_in_dim3A_205, %gt3A_206 : vector<96x1xf32>
    %gt3A_208 = arith.constant 0.000000e+00 : f32
    %gt3A_209 = vector.broadcast %gt3A_208 : f32 to vector<1x64xf32>
    %gt3A_210 = arith.cmpf ogt, %add3A_69, %gt3A_209 : vector<1x64xf32>
    %iota3A_211 = tpu.iota {dimensions = array<i32: 1>} : vector<1x64xi32>
    %convert_element_type3A_212 = arith.sitofp %iota3A_211 : vector<1x64xi32> to vector<1x64xf32>
    %jit3A_213 = arith.constant -1.000000e+00 : f32
    %broadcast_in_dim3A_214 = vector.broadcast %jit3A_213 : f32 to vector<1x64xf32>
    %select_n3A_215 = arith.select %gt3A_210, %convert_element_type3A_212, %broadcast_in_dim3A_214 : vector<1x64xi1>, vector<1x64xf32>
    %reduce_max3A_216 = vector.shape_cast %select_n3A_215 : vector<1x64xf32> to vector<1x1x64xf32>
    %reduce_max3A_217 = arith.constant dense<0xFF800000> : vector<1xf32>
    %reduce_max3A_218 = vector.multi_reduction <maximumf>, %reduce_max3A_216, %reduce_max3A_217 [1, 2] : vector<1x1x64xf32> to vector<1xf32>
    %reduce_max3A_219 = vector.shape_cast %reduce_max3A_218 : vector<1xf32> to vector<1x1x1xf32>
    %reduce_max3A_220 = vector.extract %reduce_max3A_219[0, 0, 0] : f32 from vector<1x1x1xf32>
    %broadcast_in_dim3A_221 = vector.broadcast %reduce_max3A_220 : f32 to vector<96x1xf32>
    %select_n3A_222 = arith.select %gt3A_207, %broadcast_in_dim3A_200, %broadcast_in_dim3A_221 : vector<96x1xi1>, vector<96x1xf32>
    %convert_element_type3A_223 = arith.fptosi %select_n3A_222 : vector<96x1xf32> to vector<96x1xi32>
    %swap3A_224 = arith.constant 0 : index
    %swap3A_225 = arith.constant 0 : index
    %swap3A_226 = vector.load %arg6[%swap3A_224, %swap3A_225] : memref<96x1xi32, #tpu.memory_space<vmem>>, vector<96x1xi32>
    tpu.vector_store %arg6[%swap3A_224, %swap3A_225], %convert_element_type3A_223 {strides = array<i32>} : memref<96x1xi32, #tpu.memory_space<vmem>>, vector<96x1xi32>,
    %reduce_sum3A_227 = arith.constant dense<0.000000e+00> : vector<1xf32>
    %reduce_sum3A_228 = vector.multi_reduction <add>, %mul3A_78, %reduce_sum3A_227 [1] : vector<1x64xf32> to vector<1xf32>
    %broadcast_in_dim3A_229 = vector.shape_cast %reduce_sum3A_228 : vector<1xf32> to vector<1x1xf32>
    %mul3A_230 = arith.constant 7.812500e-03 : f32
    %mul3A_231 = vector.broadcast %mul3A_230 : f32 to vector<1x1xf32>
    %mul3A_232 = arith.mulf %broadcast_in_dim3A_229, %mul3A_231 : vector<1x1xf32>
    %convert_element_type3A_233 = arith.fptosi %mul3A_232 : vector<1x1xf32> to vector<1x1xi32>
    %swap3A_234 = arith.constant 0 : index
    %swap3A_235 = arith.constant 0 : index
    %swap3A_236 = vector.load %arg7[%swap3A_234, %swap3A_235] : memref<1x1xi32, #tpu.memory_space<vmem>>, vector<1x1xi32>
    tpu.vector_store %arg7[%swap3A_234, %swap3A_235], %convert_element_type3A_233 {strides = array<i32>} : memref<1x1xi32, #tpu.memory_space<vmem>>, vector<1x1xi32>,
    %log3A = math.log %broadcast_in_dim3A_9 : vector<2048x1xf32>
    %add3A_237 = arith.addf %broadcast_in_dim3A, %log3A : vector<2048x1xf32>
    %mul3A_238 = arith.mulf %add3A_237, %add3A_237 : vector<2048x1xf32>
    %reduce_sum3A_239 = vector.shape_cast %mul3A_238 : vector<2048x1xf32> to vector<1x2048x1xf32>
    %reduce_sum3A_240 = arith.constant dense<0.000000e+00> : vector<1xf32>
    %reduce_sum3A_241 = vector.multi_reduction <add>, %reduce_sum3A_239, %reduce_sum3A_240 [1, 2] : vector<1x2048x1xf32> to vector<1xf32>
    %reduce_sum3A_242 = vector.shape_cast %reduce_sum3A_241 : vector<1xf32> to vector<1x1x1xf32>
    %reduce_sum3A_243 = vector.extract %reduce_sum3A_242[0, 0, 0] : f32 from vector<1x1x1xf32>
    %div3A_244 = arith.constant 2.048000e+03 : f32
    %div3A_245 = arith.divf %reduce_sum3A_243, %div3A_244 : f32
    %mul3A_246 = arith.constant 1.000000e-03 : f32
    %mul3A_247 = arith.mulf %mul3A_246, %div3A_245 : f32
    %mul3A_248 = arith.constant 4.8828125E-4 : f32
    %mul3A_249 = vector.broadcast %mul3A_248 : f32 to vector<1x64xf32>
    %mul3A_250 = arith.mulf %add3A_69, %mul3A_249 : vector<1x64xf32>
    %reduce_sum3A_251 = arith.constant dense<0.000000e+00> : vector<64xf32>
    %reduce_sum3A_252 = vector.multi_reduction <add>, %div3A_10, %reduce_sum3A_251 [0] : vector<2048x64xf32> to vector<64xf32>
    %broadcast_in_dim3A_253 = vector.shape_cast %reduce_sum3A_252 : vector<64xf32> to vector<1x64xf32>
    %mul3A_254 = arith.constant 4.8828125E-4 : f32
    %mul3A_255 = vector.broadcast %mul3A_254 : f32 to vector<1x64xf32>
    %mul3A_256 = arith.mulf %broadcast_in_dim3A_253, %mul3A_255 : vector<1x64xf32>
    %mul3A_257 = arith.mulf %mul3A_250, %mul3A_256 : vector<1x64xf32>
    %reduce_sum3A_258 = vector.shape_cast %mul3A_257 : vector<1x64xf32> to vector<1x1x64xf32>
    %reduce_sum3A_259 = arith.constant dense<0.000000e+00> : vector<1xf32>
    %reduce_sum3A_260 = vector.multi_reduction <add>, %reduce_sum3A_258, %reduce_sum3A_259 [1, 2] : vector<1x1x64xf32> to vector<1xf32>
    %reduce_sum3A_261 = vector.shape_cast %reduce_sum3A_260 : vector<1xf32> to vector<1x1x1xf32>
    %reduce_sum3A_262 = vector.extract %reduce_sum3A_261[0, 0, 0] : f32 from vector<1x1x1xf32>
    %mul3A_263 = arith.constant 0.00999999977 : f32
    %mul3A_264 = arith.mulf %mul3A_263, %reduce_sum3A_262 : f32
    %broadcast_in_dim3A_265 = arith.constant 0.000000e+00 : f32
    %broadcast_in_dim3A_266 = vector.broadcast %broadcast_in_dim3A_265 : f32 to vector<1x1xf32>
    %add3A_267 = vector.broadcast %mul3A_247 : f32 to vector<1x1xf32>
    %add3A_268 = arith.addf %broadcast_in_dim3A_266, %add3A_267 : vector<1x1xf32>
    %add3A_269 = vector.broadcast %mul3A_264 : f32 to vector<1x1xf32>
    %add3A_270 = arith.addf %add3A_268, %add3A_269 : vector<1x1xf32>
    %swap3A_271 = arith.constant 0 : index
    %swap3A_272 = arith.constant 0 : index
    %swap3A_273 = vector.load %arg8[%swap3A_271, %swap3A_272] : memref<1x1xf32, #tpu.memory_space<vmem>>, vector<1x1xf32>
    tpu.vector_store %arg8[%swap3A_271, %swap3A_272], %add3A_270 {strides = array<i32>} : memref<1x1xf32, #tpu.memory_space<vmem>>, vector<1x1xf32>,
    return
  }
}

</mosaic_0001>

<sc_bundles>
// kernel: kernel.6.cloned.1.call-start
scs
__scs_entry_jumppad:
0x0: {  	(pc) =	sbr.rel $0x88, $3  }
0x1: {  	(tag) =	ssettag $0x0;
	lr =	simm.s32 $0x1  }
0x2: {  	[smem:$0x3F9C] =	sst lr;
	_ =	strace $0xD0000000  }
0x3: {  	_ = 	snop  }
0x4: {  	_ = 	snop  }
0x5: {  	_ = 	snop  }
0x6: {  	_ = 	snop  }
0x7: {  	_ = 	snop  }
__scs_overlays_trampoline_lowered:
0x8: {  	[smem:$0x3FAB] =	sst s0  }
0x9: {  	[smem:$0x3FAC] =	sst s1  }
0xa: {  	[smem:$0x3FAD] =	sst s2  }
0xb: {  	[smem:$0x3FAE] =	sst s3  }
0xc: {  	[smem:$0x3FAF] =	sst s4  }
0xd: {  	[smem:$0x3FB0] =	sst s5  }
0xe: {  	[smem:$0x3FB1] =	sst s6  }
0xf: {  	[smem:$0x3FB2] =	sst s7  }
0x10: {  	[smem:$0x3FB3] =	sst s8  }
0x11: {  	[smem:$0x3FB4] =	sst s9;
	s0 =	simm.s32 @!p0 $0x0  }
0x12: {  	s1 =	sld [smem:$0x3F9A];
	s0 =	simm.s32 @p0 $0x1  }
0x13: {  	[smem:$0x3FB5] =	sst s0;
	s0 =	simm.s32 @!p1 $0x0  }
0x14: {  	s2 =	sld [smem:$0x3F99];
	s0 =	simm.s32 @p1 $0x1  }
0x15: {  	[smem:$0x3FB6] =	sst s0;
	s0 =	simm.s32 @!p2 $0x0  }
0x16: {  	s3 =	sld [smem:$0x3FDB];
	s0 =	simm.s32 @p2 $0x1  }
0x17: {  	s4 =	simm.s32 $0x1BF5;
	[smem:$0x3FB8] =	sst s0  }
0x18: {  	s0 =	sld [smem:$0x3F9B];
	_ =	swait.ge [sflag:s4], $0x0  }
0x19: {  	s7 =	sld [smem:$0x3F9C]  }
0x1a: {  	s8 =	sadd.s32 $0xFFFFE003, lr  }
0x1b: {  	s9 =	sadd.s32 $0xFFFFFEF7, lr;
	s5 =	simm.s32 $0xFFFFFFFF;
	p2 =	slt.u32 s8, $0xFFFFF086  }
0x1c: {  	p1 =	slt.u32 s9, $0xF7A;
	s5 =	simm.s32 @!p2 $0x0  }
0x1d: {  	s5 =	simm.s32 @p1 $0x1;
	p0 =	seq.s32 s7, s2  }
0x1e: {  	s7 =	smul.u32 @!p0 $0xF7A, s2;
	p2 =	seq.s32 @!p0 s5, $0x0  }
0x1f: {  	s9 =	smul.u32 $0xF7A, s1;
	s8 =	simm.s32 @!p0 $0x1BF5;
	p2 =	por !p2, p0  }
0x20: {  	[sflag:s8] =	ssyncset.s32 @!p0 $0xFFFFF086;
	s6 =	sadd.s32 @!p0 s3, s7;
	s7 =	simm.s32 @!p0 $0x108  }
0x21: {  	s3 =	sadd.s32 s3, s9;
	s6 =	sadd.s32 @!p0 $0x88, s6;
	s7 =	simm.s32 @p2 $0x1082  }
0x22: {  	[simem:s7], [sflag:s8] =	dma.local @!p0 [hbm:s6], $0xF7A  }
0x23: {  	s9 =	sor.u32 $0xD0000000, s2;
	s6 =	simm.s32 $0x108;
	_ =	swait.ge @!p0 [sflag:s8], $0x0  }
0x24: {  	s3 =	sadd.s32 $0x88, s3;
	s6 =	simm.s32 @!p1 $0x1082;
	[sflag:s4] =	ssyncset.s32 $0xFFFFF086  }
0x25: {  	[simem:s6], [sflag:s4] =	dma.local [hbm:s3], $0xF7A  }
0x26: {  	[smem:$0x3F9C] =	sst s1;
	(tag) =	ssettag s2;
	_ =	strace s9  }
0x27: {  	s1 =	sld [smem:$0x3FAC]  }
0x28: {  	s2 =	sld [smem:$0x3FAD]  }
0x29: {  	s4 =	sld [smem:$0x3FAF]  }
0x2a: {  	p0 =	seq.s32 s5, $0x0;
	s5 =	sld [smem:$0x3FB0]  }
0x2b: {  	s6 =	sld [smem:$0x3FB1]  }
0x2c: {  	s7 =	sld [smem:$0x3FB2]  }
0x2d: {  	s3 =	simm.s32 $0x108;
	s8 =	sld [smem:$0x3FB3]  }
0x2e: {  	s3 =	simm.s32 @!p0 $0x1082;
	s9 =	sld [smem:$0x3FB4]  }
0x2f: {  	lr =	sadd.s32 s0, s3;
	s0 =	sld [smem:$0x3FAB]  }
0x30: {  	s3 =	sld [smem:$0x3FAE]  }
0x31: {  	[smem:$0x3FB7] =	sst s10  }
0x32: {  	s10 =	sld [smem:$0x3FB5];
	_ =	sdelay $0x3  }
0x33: {  	p0 =	seq.s32 s10, $0x1;
	s10 =	sld [smem:$0x3FB7];
	_ =	sdelay $0x3  }
0x34: {  	[smem:$0x3FB7] =	sst s10  }
0x35: {  	s10 =	sld [smem:$0x3FB6];
	_ =	sdelay $0x3  }
0x36: {  	p1 =	seq.s32 s10, $0x1;
	s10 =	sld [smem:$0x3FB7];
	_ =	sdelay $0x3  }
0x37: {  	[smem:$0x3FB7] =	sst s10  }
0x38: {  	s10 =	sld [smem:$0x3FB8]  }
0x39: {  	_ = 	snop;
	(pc) =	sbr.ind lr, $3  }
0x3a: {  	_ = 	snop  }
0x3b: {  	_ = 	snop  }
0x3c: {  	p2 =	seq.s32 s10, $0x1;
	s10 =	sld [smem:$0x3FB7]  }
0x3d: {  	_ =	shalt  }
0x3e: {  	_ =	shalt  }
0x3f: {  	_ =	shalt  }
0x40: {  	_ =	shalt  }
0x41: {  	_ =	shalt  }
0x42: {  	_ =	shalt  }
0x43: {  	_ =	shalt  }
0x44: {  	_ =	shalt  }
0x45: {  	_ =	shalt  }
0x46: {  	_ =	shalt  }
0x47: {  	_ =	shalt  }
0x48: {  	_ =	shalt  }
0x49: {  	_ =	shalt  }
0x4a: {  	_ =	shalt  }
0x4b: {  	_ =	shalt  }
0x4c: {  	_ =	shalt  }
0x4d: {  	_ =	shalt  }
0x4e: {  	_ =	shalt  }
0x4f: {  	_ =	shalt  }
0x50: {  	_ =	shalt  }
0x51: {  	_ =	shalt  }
0x52: {  	_ =	shalt  }
0x53: {  	_ =	shalt  }
0x54: {  	_ =	shalt  }
0x55: {  	_ =	shalt  }
0x56: {  	_ =	shalt  }
0x57: {  	_ =	shalt  }
0x58: {  	_ =	shalt  }
0x59: {  	_ =	shalt  }
0x5a: {  	_ =	shalt  }
0x5b: {  	_ =	shalt  }
0x5c: {  	_ =	shalt  }
0x5d: {  	_ =	shalt  }
0x5e: {  	_ =	shalt  }
0x5f: {  	_ =	shalt  }
0x60: {  	_ =	shalt  }
0x61: {  	_ =	shalt  }
0x62: {  	_ =	shalt  }
0x63: {  	_ =	shalt  }
0x64: {  	_ =	shalt  }
0x65: {  	_ =	shalt  }
0x66: {  	_ =	shalt  }
0x67: {  	_ =	shalt  }
0x68: {  	_ =	shalt  }
0x69: {  	_ =	shalt  }
0x6a: {  	_ =	shalt  }
0x6b: {  	_ =	shalt  }
0x6c: {  	_ =	shalt  }
0x6d: {  	_ =	shalt  }
0x6e: {  	_ =	shalt  }
0x6f: {  	_ =	shalt  }
0x70: {  	_ =	shalt  }
0x71: {  	_ =	shalt  }
0x72: {  	_ =	shalt  }
0x73: {  	_ =	shalt  }
0x74: {  	_ =	shalt  }
0x75: {  	_ =	shalt  }
0x76: {  	_ =	shalt  }
0x77: {  	_ =	shalt  }
0x78: {  	_ =	shalt  }
0x79: {  	_ =	shalt  }
0x7a: {  	_ =	shalt  }
0x7b: {  	_ =	shalt  }
0x7c: {  	_ =	shalt  }
0x7d: {  	_ =	shalt  }
0x7e: {  	_ =	shalt  }
0x7f: {  	_ =	shalt  }
0x80: {  	_ =	shalt  }
0x81: {  	_ =	shalt  }
0x82: {  	_ =	shalt  }
0x83: {  	_ =	shalt  }
0x84: {  	_ =	shalt  }
0x85: {  	_ =	shalt  }
0x86: {  	_ =	shalt  }
0x87: {  	_ =	shalt  }
.Lfunc_end0:
.L_simem_size_0:
called_computation_lowered:
.L_overlay_start_0:
0x88: {  	s2 =	sld [smem:$0x3FD9]  }
0x89: {  	s3 =	sld [smem:$0x3FFE];
	_ =	sdelay $0x1  }
0x8a: {  	s1 =	srdreg.scid  }
0x8b: {  	s0 =	sand.u32 $0x1, s1  }
0x8c: {  	s17 =	sshll.u32 s0, $0xA;
	s2 =	sadd.s32 s3, s2  }
0x8d: {  	s2 =	sadd.s32 s2, s17  }
0x8e: {  	[smem:$0x3FC3] =	sst s2  }
0x8f: {  	_ = 	snop  }
0x90: {  	s2 =	sld [smem:$0x3FC9];
	(tm) =	ssettm $0x1  }
0x91: {  	s18 =	sld [smem:$0x3FFB];
	_ =	sdelay $0x3  }
0x92: {  	_ =	strace s18  }
0x93: {  	s3 =	sld [smem:$0x3FFC];
	_ =	sdelay $0x3  }
0x94: {  	_ =	strace s3  }
0x95: {  	s3 =	sld [smem:$0x3FFD];
	_ =	sdelay $0x3  }
0x96: {  	_ =	strace s3  }
0x97: {  	_ =	strace $0x8FFFFFFF  }
0x98: {  	s19 =	sld [smem:$0x3FDB];
	_ =	sdelay $0x1  }
0x99: {  	s4 =	simm.s32 $_scs_section_size  }
0x9a: {  	s5 =	simm.s32 $_size__tile_overlayer_lowered;
	s6 =	simm.s32 $_tile_overlayer_lowered  }
0x9b: {  	s22 =	simm.s32 $0x1BFF;
	s21 =	sshll.u32 s6, $0x1;
	s3 =	sadd.s32 s4, s19  }
0x9c: {  	s7 =	simm.s32 $0x0;
	s20 =	sshll.u32 s5, $0x1;
	s5 =	sadd.s32 s21, s3  }
0x9d: {  	[timem:s7], [sflag:s22] =	dma.local [hbm:s5], s20  }
0x9e: {  	_ =	swait.ge [sflag:s22], s20  }
0x9f: {  	s4 =	ssub.s32 $0x0, s20;
	[sflag:s22] =	ssyncset.done $0x0  }
0xa0: {  	[sflag:s22] =	ssyncadd.s32 s4;
	_ =	sdelay $0x1  }
0xa1: {  	s23 =	simm.s32 $0x1B8B  }
0xa2: {  	_ =	swait.ge [sflag:s23], $0x1  }
0xa3: {  	[sflag:s23] =	ssyncset.done $0x0  }
0xa4: {  	s25 =	simm.s32 $0x1B8E;
	s24 =	sld [smem:$0x3FFE];
	[sflag:s23] =	ssyncadd.s32 $0xFFFFFFFF  }
0xa5: {  	s26 =	simm.s32 $execute0_lowered;
	[smem:$0x3FD2] =	sst s25  }
0xa6: {  	s5 =	sshll.u32 s26, $0x1;
	_ =	strace $0x80000046;
	[dreg:$0x1] =	wrdreg $0xFFFFFFFF  }
0xa7: {  	s28 =	simm.s32 $_size_execute0_lowered;
	s3 =	sadd.s32 s3, s5;
	[dreg:$0x0] =	wrdreg $0x0  }
0xa8: {  	s5 =	sshll.u32 s28, $0x1;
	[dreg:$0x2] =	wrdreg s3  }
0xa9: {  	[dreg:$0x3] =	wrdreg s5  }
0xaa: {  	[dreg:$0x4] =	wrdreg $0xC0  }
0xab: {  	_ =	task [dreg:s7], $0x5FFFF  }
0xac: {  	[dreg:$0x1] =	wrdreg $0xFFFFFFFF  }
0xad: {  	[dreg:$0x0] =	wrdreg $0x60  }
0xae: {  	[dreg:$0x2] =	wrdreg s2  }
0xaf: {  	[dreg:$0x3] =	wrdreg s24  }
0xb0: {  	[dreg:$0x4] =	wrdreg $0x9  }
0xb1: {  	_ =	task.clear_ibuf [dreg:s7], $0x5FFFF;
	_ =	strace $0x90000046  }
0xb2: {  	s29 =	simm.s32 $0x9;
	_ =	strace $0x80000048  }
0xb3: {  	_ =	swait.ge [sflag:s29], $0x1  }
0xb4: {  	[sflag:s29] =	ssyncadd.s32 $0xFFFFFFFF  }
0xb5: {  	_ =	strace $0x90000048  }
0xb6: {  	_ =	sfence  }
0xb7: {  	s30 =	sld [smem:$0x0];
	_ =	sdelay $0x2  }
0xb8: {  	s31 =	sshll.u32 s1, $0xD;
	s1 =	sshrl.u32 s1, $0x2  }
0xb9: {  	s3 =	sand.u32 $0x4000, s31;
	s1 =	sadd.s32 s1, s30  }
0xba: {  	s0 =	sor.u32 s3, s0;
	s1 =	sshll.u32 s1, $0x11  }
0xbb: {  	s0 =	sor.u32 s1, s0  }
0xbc: {  	s0 =	sadd.s32 $0x8F2B, s0  }
0xbd: {  	[sflag:s0] =	ssyncadd.remote.s32 $0x1  }
0xbe: {  	_ =	sfence.sel $0xFFFF  }
0xbf: {  	[dreg:$0x0] =	wrdreg $0xFFFFFFFF;
	(pc) =	sbr.abs _section_cstart, $3  }
0xc0: {  	[dreg:$0x1] =	wrdreg $0xFFFFFFFF  }
0xc1: {  	_ =	task.clear_ibuf [dreg:s7], $0x2FFFF;
	_ =	strace $0x9FFFFFFF  }
0xc2: {  	(tm) =	ssettm $0x7FFFFFFF  }
0xc3: {  	_ =	shalt  }
tec
execute0_lowered:
.L_overlay_start_1:
0x0: {  	(tag) =	ssettag $0x1  }
0x1: {  	s0 =	srdreg.scid  }
0x2: {  	s2 =	stileid.u32;
	s1 =	rddreg [dreg:$0x0]  }
0x3: {  	s5 =	rddreg [dreg:$0x1];
	s25 =	simm.s32 $0xC000;
	s26 =	simm.s32 $0xC080  }
0x4: {  	s7 =	simm.s32 $0x3;
	s10 =	simm.s32 $0x1800;
	s11 =	simm.s32 $0x2000  }
0x5: {  	s12 =	simm.s32 $0x2800;
	s13 =	simm.s32 $0x3000;
	s14 =	simm.s32 $0x3800  }
0x6: {  	s15 =	simm.s32 $0x4000;
	s16 =	simm.s32 $0x4800;
	s17 =	simm.s32 $0x5000  }
0x7: {  	s18 =	simm.s32 $0x5800;
	s19 =	simm.s32 $0x6000;
	s20 =	simm.s32 $0x6800  }
0x8: {  	s21 =	simm.s32 $0x7000;
	s28 =	simm.s32 $0xA000;
	s29 =	simm.s32 $0xA800  }
0x9: {  	s30 =	simm.s32 $0xB000;
	s31 =	simm.s32 $0xB800;
	s0 =	sand.u32 $0x1, s0  }
0xa: {  	s2 =	sshll.u32 s2, $0x4;
	s3 =	sshll.u32 s0, $0x3;
	s0 =	ssub.s32 $0x2, s0  }
0xb: {  	s3 =	sor.u32 s3, s2;
	s2 =	simm.s32 $0x0;
	s23 =	sshrl.u32 s0, $0x1  }
0xc: {  	s4 =	smul.u32 $0x300, s3;
	[smem:$0x7FF] =	sst s2;
	s3 =	sadd.s32 s3, s5  }
0xd: {  	s0 =	ssub.s32 s0, s23;
	s23 =	simm.s32 $0x8000;
	_ =	strace $0x80000047  }
0xe: {  	s22 =	sadd.s32 $0x10000, s3;
	s24 =	sadd.s32 $0x10200, s3;
	[dreg:$0x6] =	wrdreg s25  }
0xf: {  	s3 =	sadd.s32 $0x10400, s5;
	s6 =	smax.u32 s0, $0x1;
	[dreg:$0x7] =	wrdreg s26  }
0x10: {  	s25 =	simm.s32 $0x9000;
	s26 =	simm.s32 $0x9800;
	[dreg:$0x4] =	wrdreg s22  }
0x11: {  	v2 =	vlaneseq.u32;
	s0 =	simm.s32 $0x2;
	s1 =	sadd.s32 s1, s4;
	[dreg:$0x5] =	wrdreg s24  }
0x12: {  	vm0 =	vmmov $0xffff;
	v1 =	vshrl.u32 v2, $0x3;
	s4 =	sadd.s32 $0x10500, s5;
	s5 =	sadd.s32 $0x10600, s5;
	s22 =	simm.s32 $0x7800  }
0x13: {  	v0 =	vand.u32 $0x7, v2;
	v2 =	vor.u32 $0x8, v2;
	v1 =	vmul.u32 $0x8, v1;
	s24 =	simm.s32 $0x8800;
	[dreg:$0x3] =	wrdreg s1;
	s1 =	simm.s32 $0x1  }
.LBB2_1:
0x14: {  	s8 =	rddreg [dreg:$0x3]  }
0x15: {  	[tilespmem:s2], [sflag:$0x3] =	stream.linear.gather [hbm4b:s8+s2], $0xC000, $0x38;
	[tilespmem:$0xC100] =	vst v63  }
0x16: {  	_ =	swait.ge [sflag:s7], $0xC000  }
0x17: {  	s8 =	rddreg [dreg:$0x4];
	[sflag:s7] =	ssyncset.done $0x0  }
0x18: {  	s9 =	rddreg [dreg:$0x6];
	[sflag:s7] =	ssyncadd.s32 $0xFFFF4000  }
0x19: {  	[tilespmem:s9], [sflag:$0x3] =	stream.linear.gather [hbm4b:s8+s2], $0x40, $0x38;
	[tilespmem:$0xC100] =	vst v63  }
0x1a: {  	_ =	swait.ge [sflag:s7], $0x40  }
0x1b: {  	s8 =	rddreg [dreg:$0x5];
	[sflag:s7] =	ssyncset.done $0x0  }
0x1c: {  	s9 =	rddreg [dreg:$0x7];
	[sflag:s7] =	ssyncadd.s32 $0xFFFFFFC0  }
0x1d: {  	[tilespmem:s9], [sflag:$0x3] =	stream.linear.gather [hbm4b:s8+s2], $0x40, $0x38;
	[tilespmem:$0xC100] =	vst v63  }
0x1e: {  	_ =	swait.ge [sflag:s7], $0x40  }
0x1f: {  	[sflag:s7] =	ssyncset.done $0x0  }
0x20: {  	[sflag:s7] =	ssyncadd.s32 $0xFFFFFFC0  }
0x21: {  	v3 =	vld [tilespmem:$0xC000];
	_ =	sdelay $0x4  }
0x22: {  	v4 =	vshrl.u32 v3, $0x3  }
0x23: {  	v4 =	vmul.u32 $0x30, v4  }
0x24: {  	v3 =	vand.u32 $0x7, v3  }
0x25: {  	v3 =	vor.u32 v3, v4  }
0x26: {  	v4 =	vperm.xlane v3, v0;
	_ =	sdelay $0x1  }
0x27: {  	v4 =	vadd.s32 v1, v4;
	_ =	sdelay $0x3  }
0x28: {  	v3 =	vperm.xlane v3, v2  }
0x29: {  	[hbm4b:s3+s2] =	stream.indirect_vreg.scatter [tilespmem:s2], [sflag:$0x1], $0x80, v4, vm0, $0xb8;
	[tilespmem:$0xC100] =	vst v63  }
0x2a: {  	s8 =	simm.s32 $0x800;
	v3 =	vadd.s32 v1, v3  }
0x2b: {  	[hbm4b:s4+s2] =	stream.indirect_vreg.scatter [tilespmem:s8], [sflag:$0x1], $0x80, v4, vm0, $0xb8;
	[tilespmem:$0xC100] =	vst v63  }
0x2c: {  	s9 =	simm.s32 $0x1000  }
0x2d: {  	[hbm4b:s5+s2] =	stream.indirect_vreg.scatter [tilespmem:s9], [sflag:$0x1], $0x80, v4, vm0, $0xb8;
	[tilespmem:$0xC100] =	vst v63  }
0x2e: {  	_ = 	snop  }
0x2f: {  	[hbm4b:s3+s2] =	stream.indirect_vreg.scatter [tilespmem:s10], [sflag:$0x1], $0x80, v3, vm0, $0xb8;
	[tilespmem:$0xC100] =	vst v63  }
0x30: {  	_ = 	snop  }
0x31: {  	[hbm4b:s4+s2] =	stream.indirect_vreg.scatter [tilespmem:s11], [sflag:$0x1], $0x80, v3, vm0, $0xb8;
	[tilespmem:$0xC100] =	vst v63  }
0x32: {  	_ = 	snop  }
0x33: {  	[hbm4b:s5+s2] =	stream.indirect_vreg.scatter [tilespmem:s12], [sflag:$0x1], $0x80, v3, vm0, $0xb8;
	[tilespmem:$0xC100] =	vst v63  }
0x34: {  	v3 =	vld [tilespmem:$0xC010];
	_ =	sdelay $0x4  }
0x35: {  	v57 =	vshrl.u32 v3, $0x3  }
0x36: {  	v4 =	vmul.u32 $0x30, v57  }
0x37: {  	v3 =	vand.u32 $0x7, v3  }
0x38: {  	v3 =	vor.u32 v3, v4  }
0x39: {  	v4 =	vperm.xlane v3, v0;
	_ =	sdelay $0x1  }
0x3a: {  	v4 =	vadd.s32 v1, v4;
	_ =	sdelay $0x3  }
0x3b: {  	v3 =	vperm.xlane v3, v2  }
0x3c: {  	[hbm4b:s3+s2] =	stream.indirect_vreg.scatter [tilespmem:s13], [sflag:$0x1], $0x80, v4, vm0, $0xb8;
	[tilespmem:$0xC100] =	vst v63  }
0x3d: {  	v3 =	vadd.s32 v1, v3  }
0x3e: {  	[hbm4b:s4+s2] =	stream.indirect_vreg.scatter [tilespmem:s14], [sflag:$0x1], $0x80, v4, vm0, $0xb8;
	[tilespmem:$0xC100] =	vst v63  }
0x3f: {  	_ = 	snop  }
0x40: {  	[hbm4b:s5+s2] =	stream.indirect_vreg.scatter [tilespmem:s15], [sflag:$0x1], $0x80, v4, vm0, $0xb8;
	[tilespmem:$0xC100] =	vst v63  }
0x41: {  	_ = 	snop  }
0x42: {  	[hbm4b:s3+s2] =	stream.indirect_vreg.scatter [tilespmem:s16], [sflag:$0x1], $0x80, v3, vm0, $0xb8;
	[tilespmem:$0xC100] =	vst v63  }
0x43: {  	_ = 	snop  }
0x44: {  	[hbm4b:s4+s2] =	stream.indirect_vreg.scatter [tilespmem:s17], [sflag:$0x1], $0x80, v3, vm0, $0xb8;
	[tilespmem:$0xC100] =	vst v63  }
0x45: {  	_ = 	snop  }
0x46: {  	[hbm4b:s5+s2] =	stream.indirect_vreg.scatter [tilespmem:s18], [sflag:$0x1], $0x80, v3, vm0, $0xb8;
	[tilespmem:$0xC100] =	vst v63  }
0x47: {  	v3 =	vld [tilespmem:$0xC020];
	_ =	sdelay $0x4  }
0x48: {  	v58 =	vshrl.u32 v3, $0x3  }
0x49: {  	v4 =	vmul.u32 $0x30, v58  }
0x4a: {  	v3 =	vand.u32 $0x7, v3  }
0x4b: {  	v3 =	vor.u32 v3, v4  }
0x4c: {  	v4 =	vperm.xlane v3, v0;
	_ =	sdelay $0x1  }
0x4d: {  	v4 =	vadd.s32 v1, v4;
	_ =	sdelay $0x3  }
0x4e: {  	v3 =	vperm.xlane v3, v2  }
0x4f: {  	[hbm4b:s3+s2] =	stream.indirect_vreg.scatter [tilespmem:s19], [sflag:$0x1], $0x80, v4, vm0, $0xb8;
	[tilespmem:$0xC100] =	vst v63  }
0x50: {  	v3 =	vadd.s32 v1, v3  }
0x51: {  	[hbm4b:s4+s2] =	stream.indirect_vreg.scatter [tilespmem:s20], [sflag:$0x1], $0x80, v4, vm0, $0xb8;
	[tilespmem:$0xC100] =	vst v63  }
0x52: {  	_ = 	snop  }
0x53: {  	[hbm4b:s5+s2] =	stream.indirect_vreg.scatter [tilespmem:s21], [sflag:$0x1], $0x80, v4, vm0, $0xb8;
	[tilespmem:$0xC100] =	vst v63  }
0x54: {  	_ = 	snop  }
0x55: {  	[hbm4b:s3+s2] =	stream.indirect_vreg.scatter [tilespmem:s22], [sflag:$0x1], $0x80, v3, vm0, $0xb8;
	[tilespmem:$0xC100] =	vst v63  }
0x56: {  	_ = 	snop  }
0x57: {  	[hbm4b:s4+s2] =	stream.indirect_vreg.scatter [tilespmem:s23], [sflag:$0x1], $0x80, v3, vm0, $0xb8;
	[tilespmem:$0xC100] =	vst v63  }
0x58: {  	_ = 	snop  }
0x59: {  	[hbm4b:s5+s2] =	stream.indirect_vreg.scatter [tilespmem:s24], [sflag:$0x1], $0x80, v3, vm0, $0xb8;
	[tilespmem:$0xC100] =	vst v63  }
0x5a: {  	v3 =	vld [tilespmem:$0xC030];
	_ =	sdelay $0x4  }
0x5b: {  	v59 =	vshrl.u32 v3, $0x3  }
0x5c: {  	v4 =	vmul.u32 $0x30, v59  }
0x5d: {  	v3 =	vand.u32 $0x7, v3  }
0x5e: {  	v3 =	vor.u32 v3, v4  }
0x5f: {  	v4 =	vperm.xlane v3, v0;
	_ =	sdelay $0x1  }
0x60: {  	v4 =	vadd.s32 v1, v4;
	_ =	sdelay $0x3  }
0x61: {  	v3 =	vperm.xlane v3, v2  }
0x62: {  	[hbm4b:s3+s2] =	stream.indirect_vreg.scatter [tilespmem:s25], [sflag:$0x1], $0x80, v4, vm0, $0xb8;
	[tilespmem:$0xC100] =	vst v63  }
0x63: {  	v3 =	vadd.s32 v1, v3  }
0x64: {  	[hbm4b:s4+s2] =	stream.indirect_vreg.scatter [tilespmem:s26], [sflag:$0x1], $0x80, v4, vm0, $0xb8;
	[tilespmem:$0xC100] =	vst v63  }
0x65: {  	_ = 	snop  }
0x66: {  	[hbm4b:s5+s2] =	stream.indirect_vreg.scatter [tilespmem:s28], [sflag:$0x1], $0x80, v4, vm0, $0xb8;
	[tilespmem:$0xC100] =	vst v63  }
0x67: {  	_ = 	snop  }
0x68: {  	[hbm4b:s3+s2] =	stream.indirect_vreg.scatter [tilespmem:s29], [sflag:$0x1], $0x80, v3, vm0, $0xb8;
	[tilespmem:$0xC100] =	vst v63  }
0x69: {  	_ = 	snop  }
0x6a: {  	[hbm4b:s4+s2] =	stream.indirect_vreg.scatter [tilespmem:s30], [sflag:$0x1], $0x80, v3, vm0, $0xb8;
	[tilespmem:$0xC100] =	vst v63  }
0x6b: {  	_ = 	snop  }
0x6c: {  	[hbm4b:s5+s2] =	stream.indirect_vreg.scatter [tilespmem:s31], [sflag:$0x1], $0x80, v3, vm0, $0xb8;
	[tilespmem:$0xC100] =	vst v63  }
0x6d: {  	v3 =	vld [tilespmem:$0xC080];
	_ =	sdelay $0x4  }
0x6e: {  	v60 =	vshrl.u32 v3, $0x3  }
0x6f: {  	v4 =	vmul.u32 $0x30, v60  }
0x70: {  	v3 =	vand.u32 $0x7, v3  }
0x71: {  	v3 =	vor.u32 v3, v4  }
0x72: {  	v4 =	vperm.xlane v3, v0;
	_ =	sdelay $0x1  }
0x73: {  	v4 =	vadd.s32 v1, v4;
	_ =	sdelay $0x3  }
0x74: {  	v3 =	vperm.xlane v3, v2  }
0x75: {  	[hbm4b:s3+s2] =	stream.indirect_vreg.scatter [tilespmem:s2], [sflag:$0x2], $0x80, v4, vm0, $0xb8;
	[tilespmem:$0xC100] =	vst v63  }
0x76: {  	v3 =	vadd.s32 v1, v3  }
0x77: {  	[hbm4b:s4+s2] =	stream.indirect_vreg.scatter [tilespmem:s8], [sflag:$0x2], $0x80, v4, vm0, $0xb8;
	[tilespmem:$0xC100] =	vst v63  }
0x78: {  	_ = 	snop  }
0x79: {  	[hbm4b:s5+s2] =	stream.indirect_vreg.scatter [tilespmem:s9], [sflag:$0x2], $0x80, v4, vm0, $0xb8;
	[tilespmem:$0xC100] =	vst v63  }
0x7a: {  	_ = 	snop  }
0x7b: {  	[hbm4b:s3+s2] =	stream.indirect_vreg.scatter [tilespmem:s10], [sflag:$0x2], $0x80, v3, vm0, $0xb8;
	[tilespmem:$0xC100] =	vst v63  }
0x7c: {  	_ = 	snop  }
0x7d: {  	[hbm4b:s4+s2] =	stream.indirect_vreg.scatter [tilespmem:s11], [sflag:$0x2], $0x80, v3, vm0, $0xb8;
	[tilespmem:$0xC100] =	vst v63  }
0x7e: {  	_ = 	snop  }
0x7f: {  	[hbm4b:s5+s2] =	stream.indirect_vreg.scatter [tilespmem:s12], [sflag:$0x2], $0x80, v3, vm0, $0xb8;
	[tilespmem:$0xC100] =	vst v63  }
0x80: {  	v3 =	vld [tilespmem:$0xC090];
	_ =	sdelay $0x4  }
0x81: {  	v61 =	vshrl.u32 v3, $0x3  }
0x82: {  	v4 =	vmul.u32 $0x30, v61  }
0x83: {  	v3 =	vand.u32 $0x7, v3  }
0x84: {  	v3 =	vor.u32 v3, v4  }
0x85: {  	v4 =	vperm.xlane v3, v0;
	_ =	sdelay $0x1  }
0x86: {  	v4 =	vadd.s32 v1, v4;
	_ =	sdelay $0x3  }
0x87: {  	v3 =	vperm.xlane v3, v2  }
0x88: {  	[hbm4b:s3+s2] =	stream.indirect_vreg.scatter [tilespmem:s13], [sflag:$0x2], $0x80, v4, vm0, $0xb8;
	[tilespmem:$0xC100] =	vst v63  }
0x89: {  	v3 =	vadd.s32 v1, v3  }
0x8a: {  	[hbm4b:s4+s2] =	stream.indirect_vreg.scatter [tilespmem:s14], [sflag:$0x2], $0x80, v4, vm0, $0xb8;
	[tilespmem:$0xC100] =	vst v63  }
0x8b: {  	_ = 	snop  }
0x8c: {  	[hbm4b:s5+s2] =	stream.indirect_vreg.scatter [tilespmem:s15], [sflag:$0x2], $0x80, v4, vm0, $0xb8;
	[tilespmem:$0xC100] =	vst v63  }
0x8d: {  	_ = 	snop  }
0x8e: {  	[hbm4b:s3+s2] =	stream.indirect_vreg.scatter [tilespmem:s16], [sflag:$0x2], $0x80, v3, vm0, $0xb8;
	[tilespmem:$0xC100] =	vst v63  }
0x8f: {  	_ = 	snop  }
0x90: {  	[hbm4b:s4+s2] =	stream.indirect_vreg.scatter [tilespmem:s17], [sflag:$0x2], $0x80, v3, vm0, $0xb8;
	[tilespmem:$0xC100] =	vst v63  }
0x91: {  	_ = 	snop  }
0x92: {  	[hbm4b:s5+s2] =	stream.indirect_vreg.scatter [tilespmem:s18], [sflag:$0x2], $0x80, v3, vm0, $0xb8;
	[tilespmem:$0xC100] =	vst v63  }
0x93: {  	v3 =	vld [tilespmem:$0xC0A0];
	_ =	sdelay $0x4  }
0x94: {  	v62 =	vshrl.u32 v3, $0x3  }
0x95: {  	v4 =	vmul.u32 $0x30, v62  }
0x96: {  	v3 =	vand.u32 $0x7, v3  }
0x97: {  	v3 =	vor.u32 v3, v4  }
0x98: {  	v4 =	vperm.xlane v3, v0;
	_ =	sdelay $0x1  }
0x99: {  	v4 =	vadd.s32 v1, v4;
	_ =	sdelay $0x3  }
0x9a: {  	v3 =	vperm.xlane v3, v2  }
0x9b: {  	[hbm4b:s3+s2] =	stream.indirect_vreg.scatter [tilespmem:s19], [sflag:$0x2], $0x80, v4, vm0, $0xb8;
	[tilespmem:$0xC100] =	vst v63  }
0x9c: {  	v3 =	vadd.s32 v1, v3  }
0x9d: {  	[hbm4b:s4+s2] =	stream.indirect_vreg.scatter [tilespmem:s20], [sflag:$0x2], $0x80, v4, vm0, $0xb8;
	[tilespmem:$0xC100] =	vst v63  }
0x9e: {  	_ = 	snop  }
0x9f: {  	[hbm4b:s5+s2] =	stream.indirect_vreg.scatter [tilespmem:s21], [sflag:$0x2], $0x80, v4, vm0, $0xb8;
	[tilespmem:$0xC100] =	vst v63  }
0xa0: {  	_ = 	snop  }
0xa1: {  	[hbm4b:s3+s2] =	stream.indirect_vreg.scatter [tilespmem:s22], [sflag:$0x2], $0x80, v3, vm0, $0xb8;
	[tilespmem:$0xC100] =	vst v63  }
0xa2: {  	_ = 	snop  }
0xa3: {  	[hbm4b:s4+s2] =	stream.indirect_vreg.scatter [tilespmem:s23], [sflag:$0x2], $0x80, v3, vm0, $0xb8;
	[tilespmem:$0xC100] =	vst v63  }
0xa4: {  	_ = 	snop  }
0xa5: {  	[hbm4b:s5+s2] =	stream.indirect_vreg.scatter [tilespmem:s24], [sflag:$0x2], $0x80, v3, vm0, $0xb8;
	[tilespmem:$0xC100] =	vst v63  }
0xa6: {  	v3 =	vld [tilespmem:$0xC0B0];
	_ =	sdelay $0x4  }
0xa7: {  	v63 =	vshrl.u32 v3, $0x3  }
0xa8: {  	v4 =	vmul.u32 $0x30, v63  }
0xa9: {  	v3 =	vand.u32 $0x7, v3  }
0xaa: {  	v3 =	vor.u32 v3, v4  }
0xab: {  	v4 =	vperm.xlane v3, v0;
	_ =	sdelay $0x1  }
0xac: {  	v4 =	vadd.s32 v1, v4;
	_ =	sdelay $0x3  }
0xad: {  	v3 =	vperm.xlane v3, v2  }
0xae: {  	[hbm4b:s3+s2] =	stream.indirect_vreg.scatter [tilespmem:s25], [sflag:$0x2], $0x80, v4, vm0, $0xb8;
	[tilespmem:$0xC100] =	vst v63  }
0xaf: {  	v3 =	vadd.s32 v1, v3  }
0xb0: {  	[hbm4b:s4+s2] =	stream.indirect_vreg.scatter [tilespmem:s26], [sflag:$0x2], $0x80, v4, vm0, $0xb8;
	[tilespmem:$0xC100] =	vst v63  }
0xb1: {  	_ = 	snop  }
0xb2: {  	[hbm4b:s5+s2] =	stream.indirect_vreg.scatter [tilespmem:s28], [sflag:$0x2], $0x80, v4, vm0, $0xb8;
	[tilespmem:$0xC100] =	vst v63  }
0xb3: {  	_ = 	snop  }
0xb4: {  	[hbm4b:s3+s2] =	stream.indirect_vreg.scatter [tilespmem:s29], [sflag:$0x2], $0x80, v3, vm0, $0xb8;
	[tilespmem:$0xC100] =	vst v63  }
0xb5: {  	_ = 	snop  }
0xb6: {  	[hbm4b:s4+s2] =	stream.indirect_vreg.scatter [tilespmem:s30], [sflag:$0x2], $0x80, v3, vm0, $0xb8;
	[tilespmem:$0xC100] =	vst v63  }
0xb7: {  	_ = 	snop  }
0xb8: {  	[hbm4b:s5+s2] =	stream.indirect_vreg.scatter [tilespmem:s31], [sflag:$0x2], $0x80, v3, vm0, $0xb8;
	[tilespmem:$0xC100] =	vst v63  }
0xb9: {  	p0 =	sne.s32 s6, $0x1;
	_ =	swait.ge [sflag:s1], $0xC000  }
.Ltmp0:
0xba: {  	[sflag:s1] =	ssyncset.done $0x0;
	(pc) =	sbr.rel @p0 .LBB2_1-.Ltmp0, $4  }
0xbb: {  	[sflag:s1] =	ssyncadd.s32 $0xFFFF4000  }
0xbc: {  	_ =	swait.ge [sflag:s0], $0xC000  }
0xbd: {  	[sflag:s0] =	ssyncset.done $0x0  }
0xbe: {  	s6 =	sadd.s32 $0xFFFFFFFF, s6;
	[sflag:s0] =	ssyncadd.s32 $0xFFFF4000  }
0xbf: {  	_ =	sfence.sel $0x180000  }
0xc0: {  	[bflag:$0x0] =	sbarrier.arrive $0xFFFF  }
0xc1: {  	_ =	strace $0x90000047  }
0xc2: {  	s0 =	stileid.u32;
	[bflag:$0x2] =	sbarrier.arrive $0xFFFF  }
0xc3: {  	p0 =	sne.s32 s0, $0x0;
	s0 =	rddreg [dreg:$0x2]  }
0xc4: {  	s0 =	sadd.s32 @!p0 $0x100000, s0  }
0xc5: {  	[sflag:s0] =	ssyncadd.tile.s32 @!p0 $0x1;
	_ =	shalt  }
.Lfunc_end2:
_tile_overlayer_lowered:
.L_overlay_start_2:
0xc6: {  	(tag) =	ssettag $0x2  }
0xc7: {  	s0 =	rddreg [dreg:$0x0];
	s2 =	stileid.u32  }
0xc8: {  	s1 =	rddreg [dreg:$0x1];
	p0 =	sne.s32 s2, $0x0  }
0xc9: {  	s3 =	rddreg [dreg:$0x2];
	[bflag:$0x3] =	sbarrier.arrive $0xFFFF;
	s2 =	simm.s32 @!p0 $0x1C03  }
0xca: {  	[timem:s3], [sflag:s2] =	dma.local @!p0 [hbm:s0], s1  }
0xcb: {  	s0 =	simm.s32 @!p0 $0x3  }
0xcc: {  	_ =	swait.ge @!p0 [sflag:s0], s1  }
0xcd: {  	s1 =	ssub.s32 @!p0 $0x0, s1;
	[sflag:s0] =	ssyncset.done @!p0 $0x0  }
0xce: {  	[sflag:s0] =	ssyncadd.s32 @!p0 s1  }
0xcf: {  	[bflag:$0x3] =	sbarrier.arrive $0xFFFF  }
0xd0: {  	_ =	shalt  }

// kernel: kernel.9.cloned.1.call-start
scs
__scs_entry_jumppad:
0x0: {  	(pc) =	sbr.rel $0x88, $3  }
0x1: {  	(tag) =	ssettag $0x0;
	lr =	simm.s32 $0x1  }
0x2: {  	[smem:$0x3F9C] =	sst lr;
	_ =	strace $0xD0000000  }
0x3: {  	_ = 	snop  }
0x4: {  	_ = 	snop  }
0x5: {  	_ = 	snop  }
0x6: {  	_ = 	snop  }
0x7: {  	_ = 	snop  }
__scs_overlays_trampoline_lowered:
0x8: {  	[smem:$0x3FAB] =	sst s0  }
0x9: {  	[smem:$0x3FAC] =	sst s1  }
0xa: {  	[smem:$0x3FAD] =	sst s2  }
0xb: {  	[smem:$0x3FAE] =	sst s3  }
0xc: {  	[smem:$0x3FAF] =	sst s4  }
0xd: {  	[smem:$0x3FB0] =	sst s5  }
0xe: {  	[smem:$0x3FB1] =	sst s6  }
0xf: {  	[smem:$0x3FB2] =	sst s7  }
0x10: {  	[smem:$0x3FB3] =	sst s8  }
0x11: {  	[smem:$0x3FB4] =	sst s9;
	s0 =	simm.s32 @!p0 $0x0  }
0x12: {  	s1 =	sld [smem:$0x3F9A];
	s0 =	simm.s32 @p0 $0x1  }
0x13: {  	[smem:$0x3FB5] =	sst s0;
	s0 =	simm.s32 @!p1 $0x0  }
0x14: {  	s2 =	sld [smem:$0x3F99];
	s0 =	simm.s32 @p1 $0x1  }
0x15: {  	[smem:$0x3FB6] =	sst s0;
	s0 =	simm.s32 @!p2 $0x0  }
0x16: {  	s3 =	sld [smem:$0x3FDB];
	s0 =	simm.s32 @p2 $0x1  }
0x17: {  	s4 =	simm.s32 $0x1BF5;
	[smem:$0x3FB8] =	sst s0  }
0x18: {  	s0 =	sld [smem:$0x3F9B];
	_ =	swait.ge [sflag:s4], $0x0  }
0x19: {  	s7 =	sld [smem:$0x3F9C]  }
0x1a: {  	s8 =	sadd.s32 $0xFFFFE003, lr  }
0x1b: {  	s9 =	sadd.s32 $0xFFFFFEF7, lr;
	s5 =	simm.s32 $0xFFFFFFFF;
	p2 =	slt.u32 s8, $0xFFFFF086  }
0x1c: {  	p1 =	slt.u32 s9, $0xF7A;
	s5 =	simm.s32 @!p2 $0x0  }
0x1d: {  	s5 =	simm.s32 @p1 $0x1;
	p0 =	seq.s32 s7, s2  }
0x1e: {  	s7 =	smul.u32 @!p0 $0xF7A, s2;
	p2 =	seq.s32 @!p0 s5, $0x0  }
0x1f: {  	s9 =	smul.u32 $0xF7A, s1;
	s8 =	simm.s32 @!p0 $0x1BF5;
	p2 =	por !p2, p0  }
0x20: {  	[sflag:s8] =	ssyncset.s32 @!p0 $0xFFFFF086;
	s6 =	sadd.s32 @!p0 s3, s7;
	s7 =	simm.s32 @!p0 $0x108  }
0x21: {  	s3 =	sadd.s32 s3, s9;
	s6 =	sadd.s32 @!p0 $0x88, s6;
	s7 =	simm.s32 @p2 $0x1082  }
0x22: {  	[simem:s7], [sflag:s8] =	dma.local @!p0 [hbm:s6], $0xF7A  }
0x23: {  	s9 =	sor.u32 $0xD0000000, s2;
	s6 =	simm.s32 $0x108;
	_ =	swait.ge @!p0 [sflag:s8], $0x0  }
0x24: {  	s3 =	sadd.s32 $0x88, s3;
	s6 =	simm.s32 @!p1 $0x1082;
	[sflag:s4] =	ssyncset.s32 $0xFFFFF086  }
0x25: {  	[simem:s6], [sflag:s4] =	dma.local [hbm:s3], $0xF7A  }
0x26: {  	[smem:$0x3F9C] =	sst s1;
	(tag) =	ssettag s2;
	_ =	strace s9  }
0x27: {  	s1 =	sld [smem:$0x3FAC]  }
0x28: {  	s2 =	sld [smem:$0x3FAD]  }
0x29: {  	s4 =	sld [smem:$0x3FAF]  }
0x2a: {  	p0 =	seq.s32 s5, $0x0;
	s5 =	sld [smem:$0x3FB0]  }
0x2b: {  	s6 =	sld [smem:$0x3FB1]  }
0x2c: {  	s7 =	sld [smem:$0x3FB2]  }
0x2d: {  	s3 =	simm.s32 $0x108;
	s8 =	sld [smem:$0x3FB3]  }
0x2e: {  	s3 =	simm.s32 @!p0 $0x1082;
	s9 =	sld [smem:$0x3FB4]  }
0x2f: {  	lr =	sadd.s32 s0, s3;
	s0 =	sld [smem:$0x3FAB]  }
0x30: {  	s3 =	sld [smem:$0x3FAE]  }
0x31: {  	[smem:$0x3FB7] =	sst s10  }
0x32: {  	s10 =	sld [smem:$0x3FB5];
	_ =	sdelay $0x3  }
0x33: {  	p0 =	seq.s32 s10, $0x1;
	s10 =	sld [smem:$0x3FB7];
	_ =	sdelay $0x3  }
0x34: {  	[smem:$0x3FB7] =	sst s10  }
0x35: {  	s10 =	sld [smem:$0x3FB6];
	_ =	sdelay $0x3  }
0x36: {  	p1 =	seq.s32 s10, $0x1;
	s10 =	sld [smem:$0x3FB7];
	_ =	sdelay $0x3  }
0x37: {  	[smem:$0x3FB7] =	sst s10  }
0x38: {  	s10 =	sld [smem:$0x3FB8]  }
0x39: {  	_ = 	snop;
	(pc) =	sbr.ind lr, $3  }
0x3a: {  	_ = 	snop  }
0x3b: {  	_ = 	snop  }
0x3c: {  	p2 =	seq.s32 s10, $0x1;
	s10 =	sld [smem:$0x3FB7]  }
0x3d: {  	_ =	shalt  }
0x3e: {  	_ =	shalt  }
0x3f: {  	_ =	shalt  }
0x40: {  	_ =	shalt  }
0x41: {  	_ =	shalt  }
0x42: {  	_ =	shalt  }
0x43: {  	_ =	shalt  }
0x44: {  	_ =	shalt  }
0x45: {  	_ =	shalt  }
0x46: {  	_ =	shalt  }
0x47: {  	_ =	shalt  }
0x48: {  	_ =	shalt  }
0x49: {  	_ =	shalt  }
0x4a: {  	_ =	shalt  }
0x4b: {  	_ =	shalt  }
0x4c: {  	_ =	shalt  }
0x4d: {  	_ =	shalt  }
0x4e: {  	_ =	shalt  }
0x4f: {  	_ =	shalt  }
0x50: {  	_ =	shalt  }
0x51: {  	_ =	shalt  }
0x52: {  	_ =	shalt  }
0x53: {  	_ =	shalt  }
0x54: {  	_ =	shalt  }
0x55: {  	_ =	shalt  }
0x56: {  	_ =	shalt  }
0x57: {  	_ =	shalt  }
0x58: {  	_ =	shalt  }
0x59: {  	_ =	shalt  }
0x5a: {  	_ =	shalt  }
0x5b: {  	_ =	shalt  }
0x5c: {  	_ =	shalt  }
0x5d: {  	_ =	shalt  }
0x5e: {  	_ =	shalt  }
0x5f: {  	_ =	shalt  }
0x60: {  	_ =	shalt  }
0x61: {  	_ =	shalt  }
0x62: {  	_ =	shalt  }
0x63: {  	_ =	shalt  }
0x64: {  	_ =	shalt  }
0x65: {  	_ =	shalt  }
0x66: {  	_ =	shalt  }
0x67: {  	_ =	shalt  }
0x68: {  	_ =	shalt  }
0x69: {  	_ =	shalt  }
0x6a: {  	_ =	shalt  }
0x6b: {  	_ =	shalt  }
0x6c: {  	_ =	shalt  }
0x6d: {  	_ =	shalt  }
0x6e: {  	_ =	shalt  }
0x6f: {  	_ =	shalt  }
0x70: {  	_ =	shalt  }
0x71: {  	_ =	shalt  }
0x72: {  	_ =	shalt  }
0x73: {  	_ =	shalt  }
0x74: {  	_ =	shalt  }
0x75: {  	_ =	shalt  }
0x76: {  	_ =	shalt  }
0x77: {  	_ =	shalt  }
0x78: {  	_ =	shalt  }
0x79: {  	_ =	shalt  }
0x7a: {  	_ =	shalt  }
0x7b: {  	_ =	shalt  }
0x7c: {  	_ =	shalt  }
0x7d: {  	_ =	shalt  }
0x7e: {  	_ =	shalt  }
0x7f: {  	_ =	shalt  }
0x80: {  	_ =	shalt  }
0x81: {  	_ =	shalt  }
0x82: {  	_ =	shalt  }
0x83: {  	_ =	shalt  }
0x84: {  	_ =	shalt  }
0x85: {  	_ =	shalt  }
0x86: {  	_ =	shalt  }
0x87: {  	_ =	shalt  }
.Lfunc_end0:
.L_simem_size_0:
called_computation.1_lowered:
.L_overlay_start_0:
0x88: {  	s2 =	sld [smem:$0x3FD9]  }
0x89: {  	s3 =	sld [smem:$0x3FFE];
	_ =	sdelay $0x1  }
0x8a: {  	s1 =	srdreg.scid  }
0x8b: {  	s0 =	sand.u32 $0x1, s1  }
0x8c: {  	s14 =	sshll.u32 s0, $0xA;
	s2 =	sadd.s32 s3, s2  }
0x8d: {  	s2 =	sadd.s32 s2, s14  }
0x8e: {  	[smem:$0x3FC3] =	sst s2  }
0x8f: {  	_ = 	snop  }
0x90: {  	s2 =	sld [smem:$0x3FD0];
	_ =	sdelay $0x2  }
0x91: {  	s15 =	simm.s32 $0xA;
	s4 =	simm.s32 $0x10  }
0x92: {  	[smem:s4], [sflag:s15] =	dma.local [hbm:s2], $0x1  }
0x93: {  	_ =	swait.eq [sflag:s15], $0x1  }
0x94: {  	[sflag:s15] =	ssyncset.done $0x0  }
0x95: {  	[sflag:s15] =	ssyncadd.s32 $0xFFFFFFFF  }
0x96: {  	s16 =	sld [smem:$0x10];
	(tm) =	ssettm $0x1  }
0x97: {  	s17 =	sld [smem:$0x3FFB];
	_ =	sdelay $0x3  }
0x98: {  	_ =	strace s17  }
0x99: {  	s3 =	sld [smem:$0x3FFC];
	_ =	sdelay $0x3  }
0x9a: {  	_ =	strace s3  }
0x9b: {  	s3 =	sld [smem:$0x3FFD];
	_ =	sdelay $0x3  }
0x9c: {  	_ =	strace s3  }
0x9d: {  	_ =	strace $0x8FFFFFFF  }
0x9e: {  	s18 =	sld [smem:$0x3FDB];
	_ =	sdelay $0x1  }
0x9f: {  	s19 =	simm.s32 $_scs_section_size  }
0xa0: {  	s5 =	simm.s32 $_size__tile_overlayer_lowered;
	s6 =	simm.s32 $_tile_overlayer_lowered  }
0xa1: {  	s22 =	simm.s32 $0x1BFF;
	s21 =	sshll.u32 s6, $0x1;
	s3 =	sadd.s32 s19, s18  }
0xa2: {  	s7 =	simm.s32 $0x0;
	s20 =	sshll.u32 s5, $0x1;
	s5 =	sadd.s32 s21, s3  }
0xa3: {  	[timem:s7], [sflag:s22] =	dma.local [hbm:s5], s20  }
0xa4: {  	_ =	swait.ge [sflag:s22], s20  }
0xa5: {  	s4 =	ssub.s32 $0x0, s20;
	[sflag:s22] =	ssyncset.done $0x0  }
0xa6: {  	[sflag:s22] =	ssyncadd.s32 s4;
	_ =	sdelay $0x1  }
0xa7: {  	s23 =	simm.s32 $0x1B8B  }
0xa8: {  	_ =	swait.ge [sflag:s23], $0x1  }
0xa9: {  	[sflag:s23] =	ssyncset.done $0x0  }
0xaa: {  	s25 =	simm.s32 $0x1B8E;
	s24 =	sld [smem:$0x3FFE];
	[sflag:s23] =	ssyncadd.s32 $0xFFFFFFFF  }
0xab: {  	s26 =	simm.s32 $execute0_lowered;
	[smem:$0x3FD2] =	sst s25  }
0xac: {  	s5 =	sshll.u32 s26, $0x1;
	_ =	strace $0x80000049;
	[dreg:$0x1] =	wrdreg $0xFFFFFFFF  }
0xad: {  	s28 =	simm.s32 $_size_execute0_lowered;
	s3 =	sadd.s32 s3, s5;
	[dreg:$0x0] =	wrdreg $0x0  }
0xae: {  	s5 =	sshll.u32 s28, $0x1;
	[dreg:$0x2] =	wrdreg s3  }
0xaf: {  	[dreg:$0x3] =	wrdreg s5  }
0xb0: {  	[dreg:$0x4] =	wrdreg $0xC0  }
0xb1: {  	_ =	task [dreg:s7], $0x5FFFF  }
0xb2: {  	[dreg:$0x1] =	wrdreg $0xFFFFFFFF  }
0xb3: {  	[dreg:$0x0] =	wrdreg $0x60  }
0xb4: {  	[dreg:$0x2] =	wrdreg s24  }
0xb5: {  	[dreg:$0x3] =	wrdreg s16  }
0xb6: {  	[dreg:$0x4] =	wrdreg $0x9  }
0xb7: {  	_ =	task.clear_ibuf [dreg:s7], $0x5FFFF;
	_ =	strace $0x90000049  }
0xb8: {  	s29 =	simm.s32 $0x9;
	_ =	strace $0x8000004B  }
0xb9: {  	_ =	swait.ge [sflag:s29], $0x1  }
0xba: {  	[sflag:s29] =	ssyncadd.s32 $0xFFFFFFFF  }
0xbb: {  	_ =	strace $0x9000004B  }
0xbc: {  	_ =	sfence  }
0xbd: {  	s30 =	sld [smem:$0x0];
	_ =	sdelay $0x2  }
0xbe: {  	s31 =	sshll.u32 s1, $0xD;
	s1 =	sshrl.u32 s1, $0x2  }
0xbf: {  	s3 =	sand.u32 $0x4000, s31;
	s1 =	sadd.s32 s1, s30  }
0xc0: {  	s0 =	sor.u32 s3, s0;
	s1 =	sshll.u32 s1, $0x11  }
0xc1: {  	s0 =	sor.u32 s1, s0  }
0xc2: {  	s0 =	sadd.s32 $0x8F2B, s0  }
0xc3: {  	[sflag:s0] =	ssyncadd.remote.s32 $0x1  }
0xc4: {  	_ =	sfence.sel $0xFFFF  }
0xc5: {  	[dreg:$0x0] =	wrdreg $0xFFFFFFFF;
	(pc) =	sbr.abs _section_cstart, $3  }
0xc6: {  	[dreg:$0x1] =	wrdreg $0xFFFFFFFF  }
0xc7: {  	_ =	task.clear_ibuf [dreg:s7], $0x2FFFF;
	_ =	strace $0x9FFFFFFF  }
0xc8: {  	(tm) =	ssettm $0x7FFFFFFF  }
0xc9: {  	_ =	shalt  }
tec
execute0_lowered:
.L_overlay_start_1:
0x0: {  	(tag) =	ssettag $0x1  }
0x1: {  	s0 =	rddreg [dreg:$0x0]  }
0x2: {  	s1 =	rddreg [dreg:$0x1]  }
0x3: {  	s3 =	srdreg.scid;
	s2 =	simm.s32 $0x0;
	s4 =	stileid.u32  }
0x4: {  	s14 =	simm.s32 $0x3;
	s20 =	simm.s32 $0x6000;
	s17 =	simm.s32 $0x14000  }
0x5: {  	s18 =	simm.s32 $0x14800;
	s19 =	simm.s32 $0x15000;
	s21 =	simm.s32 $0x15800  }
0x6: {  	s22 =	simm.s32 $0x16000;
	s23 =	simm.s32 $0x16800;
	s24 =	simm.s32 $0x17000  }
0x7: {  	s25 =	simm.s32 $0x17800;
	s26 =	simm.s32 $0x1;
	s28 =	simm.s32 $0x2  }
0x8: {  	s29 =	simm.s32 $0x0;
	s3 =	sand.u32 $0x1, s3;
	[smem:$0x7FF] =	sst s2  }
0x9: {  	s4 =	sshll.u32 s4, $0x7;
	s5 =	sshll.u32 s3, $0x6;
	s30 =	ssub.s32 $0x2, s3  }
0xa: {  	_ =	strace $0x8000004A;
	s6 =	sor.u32 s5, s4;
	s31 =	sshrl.u32 s30, $0x1  }
0xb: {  	s3 =	sadd.s32 $0x130400, s0;
	s7 =	sshrl.u32 s6, $0x3;
	s12 =	ssub.s32 s30, s31  }
0xc: {  	s6 =	sshll.u32 s6, $0x4;
	s8 =	sadd.s32 s7, s0;
	s9 =	smul.u32 $0x1800, s7  }
0xd: {  	s6 =	sadd.s32 s0, s6;
	s10 =	smul.u32 $0x300, s7;
	s12 =	smax.u32 s12, $0x1  }
0xe: {  	v2 =	vlaneseq.u32;
	s4 =	sadd.s32 $0x10000, s8;
	s5 =	sadd.s32 $0x10200, s8;
	s9 =	sshrl.u32 s9, $0x3  }
0xf: {  	vm0 =	vmmov $0xffff;
	v1 =	vshrl.u32 v2, $0x3;
	s7 =	sadd.s32 $0x8000, s6;
	s8 =	sadd.s32 $0x130500, s0;
	s11 =	sadd.s32 s1, s9  }
0x10: {  	v0 =	vand.u32 $0x7, v2;
	v2 =	vor.u32 $0x8, v2;
	v1 =	vmul.u32 $0x8, v1;
	s10 =	sadd.s32 s1, s10;
	s9 =	sadd.s32 $0x130600, s0;
	s11 =	sadd.s32 $0xC00, s11  }
.LBB2_1:
0x11: {  	s0 =	simm.s32 $0x18000  }
0x12: {  	[tilespmem:s0], [sflag:$0x3] =	stream.linear.gather [hbm4b:s4+s2], $0x40, $0x38;
	[tilespmem:$0x1C100] =	vst v63  }
0x13: {  	_ =	swait.ge [sflag:s14], $0x40  }
0x14: {  	[sflag:s14] =	ssyncset.done $0x0  }
0x15: {  	s16 =	simm.s32 $0x18080;
	[sflag:s14] =	ssyncadd.s32 $0xFFFFFFC0  }
0x16: {  	[tilespmem:s16], [sflag:$0x3] =	stream.linear.gather [hbm4b:s5+s2], $0x40, $0x38;
	[tilespmem:$0x1C100] =	vst v63  }
0x17: {  	_ =	swait.ge [sflag:s14], $0x40  }
0x18: {  	[sflag:s14] =	ssyncset.done $0x0  }
0x19: {  	s30 =	simm.s32 $0x18100;
	[sflag:s14] =	ssyncadd.s32 $0xFFFFFFC0  }
0x1a: {  	[tilespmem:s30], [sflag:$0x3] =	stream.linear.gather [hbm4b:s6+s2], $0x2000, $0x38;
	[tilespmem:$0x1C100] =	vst v63  }
0x1b: {  	_ =	swait.ge [sflag:s14], $0x2000  }
0x1c: {  	[sflag:s14] =	ssyncset.done $0x0  }
0x1d: {  	s31 =	simm.s32 $0x1A100;
	[sflag:s14] =	ssyncadd.s32 $0xFFFFE000  }
0x1e: {  	[tilespmem:s31], [sflag:$0x3] =	stream.linear.gather [hbm4b:s7+s2], $0x2000, $0x38;
	[tilespmem:$0x1C100] =	vst v63  }
0x1f: {  	_ =	swait.ge [sflag:s14], $0x2000  }
0x20: {  	[sflag:s14] =	ssyncset.done $0x0  }
0x21: {  	[sflag:s14] =	ssyncadd.s32 $0xFFFFE000  }
0x22: {  	v3 =	vld [tilespmem:$0x18000];
	_ =	sdelay $0x4  }
0x23: {  	v4 =	vshrl.u32 v3, $0x3  }
0x24: {  	v4 =	vmul.u32 $0x30, v4  }
0x25: {  	v3 =	vand.u32 $0x7, v3  }
0x26: {  	v3 =	vor.u32 v3, v4  }
0x27: {  	v4 =	vperm.xlane v3, v0;
	_ =	sdelay $0x1  }
0x28: {  	v4 =	vadd.s32 v1, v4;
	_ =	sdelay $0x3  }
0x29: {  	v3 =	vperm.xlane v3, v2  }
0x2a: {  	[tilespmem:s2], [sflag:$0x1] =	stream.indirect_vreg.gather [hbm4b:s3+s2], $0x80, v4, vm0, $0xb8;
	[tilespmem:$0x1C100] =	vst v63  }
0x2b: {  	s1 =	simm.s32 $0x800;
	v3 =	vadd.s32 v1, v3  }
0x2c: {  	[tilespmem:s1], [sflag:$0x1] =	stream.indirect_vreg.gather [hbm4b:s8+s2], $0x80, v4, vm0, $0xb8;
	[tilespmem:$0x1C100] =	vst v63  }
0x2d: {  	s13 =	simm.s32 $0x1000  }
0x2e: {  	[tilespmem:s13], [sflag:$0x1] =	stream.indirect_vreg.gather [hbm4b:s9+s2], $0x80, v4, vm0, $0xb8;
	[tilespmem:$0x1C100] =	vst v63  }
0x2f: {  	s15 =	simm.s32 $0x1800  }
0x30: {  	[tilespmem:s15], [sflag:$0x1] =	stream.indirect_vreg.gather [hbm4b:s3+s2], $0x80, v3, vm0, $0xb8;
	[tilespmem:$0x1C100] =	vst v63  }
0x31: {  	s16 =	simm.s32 $0x2000  }
0x32: {  	[tilespmem:s16], [sflag:$0x1] =	stream.indirect_vreg.gather [hbm4b:s8+s2], $0x80, v3, vm0, $0xb8;
	[tilespmem:$0x1C100] =	vst v63  }
0x33: {  	s1 =	simm.s32 $0x2800  }
0x34: {  	[tilespmem:s1], [sflag:$0x1] =	stream.indirect_vreg.gather [hbm4b:s9+s2], $0x80, v3, vm0, $0xb8;
	[tilespmem:$0x1C100] =	vst v63  }
0x35: {  	v3 =	vld [tilespmem:$0x18010];
	_ =	sdelay $0x4  }
0x36: {  	v4 =	vshrl.u32 v3, $0x3  }
0x37: {  	v4 =	vmul.u32 $0x30, v4  }
0x38: {  	v3 =	vand.u32 $0x7, v3  }
0x39: {  	v3 =	vor.u32 v3, v4  }
0x3a: {  	v4 =	vperm.xlane v3, v0;
	_ =	sdelay $0x1  }
0x3b: {  	v4 =	vadd.s32 v1, v4;
	_ =	sdelay $0x3  }
0x3c: {  	s13 =	simm.s32 $0x3000;
	v3 =	vperm.xlane v3, v2  }
0x3d: {  	[tilespmem:s13], [sflag:$0x1] =	stream.indirect_vreg.gather [hbm4b:s3+s2], $0x80, v4, vm0, $0xb8;
	[tilespmem:$0x1C100] =	vst v63  }
0x3e: {  	s15 =	simm.s32 $0x3800;
	v3 =	vadd.s32 v1, v3  }
0x3f: {  	[tilespmem:s15], [sflag:$0x1] =	stream.indirect_vreg.gather [hbm4b:s8+s2], $0x80, v4, vm0, $0xb8;
	[tilespmem:$0x1C100] =	vst v63  }
0x40: {  	s16 =	simm.s32 $0x4000  }
0x41: {  	[tilespmem:s16], [sflag:$0x1] =	stream.indirect_vreg.gather [hbm4b:s9+s2], $0x80, v4, vm0, $0xb8;
	[tilespmem:$0x1C100] =	vst v63  }
0x42: {  	s1 =	simm.s32 $0x4800  }
0x43: {  	[tilespmem:s1], [sflag:$0x1] =	stream.indirect_vreg.gather [hbm4b:s3+s2], $0x80, v3, vm0, $0xb8;
	[tilespmem:$0x1C100] =	vst v63  }
0x44: {  	s13 =	simm.s32 $0x5000  }
0x45: {  	[tilespmem:s13], [sflag:$0x1] =	stream.indirect_vreg.gather [hbm4b:s8+s2], $0x80, v3, vm0, $0xb8;
	[tilespmem:$0x1C100] =	vst v63  }
0x46: {  	s15 =	simm.s32 $0x5800  }
0x47: {  	[tilespmem:s15], [sflag:$0x1] =	stream.indirect_vreg.gather [hbm4b:s9+s2], $0x80, v3, vm0, $0xb8;
	[tilespmem:$0x1C100] =	vst v63  }
0x48: {  	v3 =	vld [tilespmem:$0x18080];
	_ =	sdelay $0x4  }
0x49: {  	v4 =	vshrl.u32 v3, $0x3  }
0x4a: {  	v4 =	vmul.u32 $0x30, v4  }
0x4b: {  	v3 =	vand.u32 $0x7, v3  }
0x4c: {  	v3 =	vor.u32 v3, v4  }
0x4d: {  	v4 =	vperm.xlane v3, v0;
	_ =	sdelay $0x1  }
0x4e: {  	v4 =	vadd.s32 v1, v4;
	_ =	sdelay $0x3  }
0x4f: {  	s16 =	simm.s32 $0xC000;
	v3 =	vperm.xlane v3, v2  }
0x50: {  	[tilespmem:s16], [sflag:$0x1] =	stream.indirect_vreg.gather [hbm4b:s3+s2], $0x80, v4, vm0, $0xb8;
	[tilespmem:$0x1C100] =	vst v63  }
0x51: {  	s1 =	simm.s32 $0xC800;
	v3 =	vadd.s32 v1, v3  }
0x52: {  	[tilespmem:s1], [sflag:$0x1] =	stream.indirect_vreg.gather [hbm4b:s8+s2], $0x80, v4, vm0, $0xb8;
	[tilespmem:$0x1C100] =	vst v63  }
0x53: {  	s13 =	simm.s32 $0xD000  }
0x54: {  	[tilespmem:s13], [sflag:$0x1] =	stream.indirect_vreg.gather [hbm4b:s9+s2], $0x80, v4, vm0, $0xb8;
	[tilespmem:$0x1C100] =	vst v63  }
0x55: {  	s15 =	simm.s32 $0xD800  }
0x56: {  	[tilespmem:s15], [sflag:$0x1] =	stream.indirect_vreg.gather [hbm4b:s3+s2], $0x80, v3, vm0, $0xb8;
	[tilespmem:$0x1C100] =	vst v63  }
0x57: {  	s16 =	simm.s32 $0xE000  }
0x58: {  	[tilespmem:s16], [sflag:$0x1] =	stream.indirect_vreg.gather [hbm4b:s8+s2], $0x80, v3, vm0, $0xb8;
	[tilespmem:$0x1C100] =	vst v63  }
0x59: {  	s1 =	simm.s32 $0xE800  }
0x5a: {  	[tilespmem:s1], [sflag:$0x1] =	stream.indirect_vreg.gather [hbm4b:s9+s2], $0x80, v3, vm0, $0xb8;
	[tilespmem:$0x1C100] =	vst v63  }
0x5b: {  	v3 =	vld [tilespmem:$0x18090];
	_ =	sdelay $0x4  }
0x5c: {  	v4 =	vshrl.u32 v3, $0x3  }
0x5d: {  	v4 =	vmul.u32 $0x30, v4  }
0x5e: {  	v3 =	vand.u32 $0x7, v3  }
0x5f: {  	v3 =	vor.u32 v3, v4  }
0x60: {  	v4 =	vperm.xlane v3, v0;
	_ =	sdelay $0x1  }
0x61: {  	v4 =	vadd.s32 v1, v4;
	_ =	sdelay $0x3  }
0x62: {  	s13 =	simm.s32 $0xF000;
	v3 =	vperm.xlane v3, v2  }
0x63: {  	[tilespmem:s13], [sflag:$0x1] =	stream.indirect_vreg.gather [hbm4b:s3+s2], $0x80, v4, vm0, $0xb8;
	[tilespmem:$0x1C100] =	vst v63  }
0x64: {  	s15 =	simm.s32 $0xF800;
	v3 =	vadd.s32 v1, v3  }
0x65: {  	[tilespmem:s15], [sflag:$0x1] =	stream.indirect_vreg.gather [hbm4b:s8+s2], $0x80, v4, vm0, $0xb8;
	[tilespmem:$0x1C100] =	vst v63  }
0x66: {  	s16 =	simm.s32 $0x10000  }
0x67: {  	[tilespmem:s16], [sflag:$0x1] =	stream.indirect_vreg.gather [hbm4b:s9+s2], $0x80, v4, vm0, $0xb8;
	[tilespmem:$0x1C100] =	vst v63  }
0x68: {  	s1 =	simm.s32 $0x10800  }
0x69: {  	[tilespmem:s1], [sflag:$0x1] =	stream.indirect_vreg.gather [hbm4b:s3+s2], $0x80, v3, vm0, $0xb8;
	[tilespmem:$0x1C100] =	vst v63  }
0x6a: {  	s13 =	simm.s32 $0x11000  }
0x6b: {  	[tilespmem:s13], [sflag:$0x1] =	stream.indirect_vreg.gather [hbm4b:s8+s2], $0x80, v3, vm0, $0xb8;
	[tilespmem:$0x1C100] =	vst v63  }
0x6c: {  	s15 =	simm.s32 $0x11800  }
0x6d: {  	[tilespmem:s15], [sflag:$0x1] =	stream.indirect_vreg.gather [hbm4b:s9+s2], $0x80, v3, vm0, $0xb8;
	[tilespmem:$0x1C100] =	vst v63  }
0x6e: {  	v3 =	vld [tilespmem:$0x18020];
	_ =	sdelay $0x4  }
0x6f: {  	v4 =	vshrl.u32 v3, $0x3  }
0x70: {  	v4 =	vmul.u32 $0x30, v4  }
0x71: {  	v3 =	vand.u32 $0x7, v3  }
0x72: {  	v3 =	vor.u32 v3, v4  }
0x73: {  	v4 =	vperm.xlane v3, v0;
	_ =	sdelay $0x1  }
0x74: {  	v4 =	vadd.s32 v1, v4;
	_ =	sdelay $0x3  }
0x75: {  	v3 =	vperm.xlane v3, v2  }
0x76: {  	[tilespmem:s20], [sflag:$0x2] =	stream.indirect_vreg.gather [hbm4b:s3+s2], $0x80, v4, vm0, $0xb8;
	[tilespmem:$0x1C100] =	vst v63  }
0x77: {  	s16 =	simm.s32 $0x6800;
	v3 =	vadd.s32 v1, v3  }
0x78: {  	[tilespmem:s16], [sflag:$0x2] =	stream.indirect_vreg.gather [hbm4b:s8+s2], $0x80, v4, vm0, $0xb8;
	[tilespmem:$0x1C100] =	vst v63  }
0x79: {  	s1 =	simm.s32 $0x7000  }
0x7a: {  	[tilespmem:s1], [sflag:$0x2] =	stream.indirect_vreg.gather [hbm4b:s9+s2], $0x80, v4, vm0, $0xb8;
	[tilespmem:$0x1C100] =	vst v63  }
0x7b: {  	s13 =	simm.s32 $0x7800  }
0x7c: {  	[tilespmem:s13], [sflag:$0x2] =	stream.indirect_vreg.gather [hbm4b:s3+s2], $0x80, v3, vm0, $0xb8;
	[tilespmem:$0x1C100] =	vst v63  }
0x7d: {  	s15 =	simm.s32 $0x8000  }
0x7e: {  	[tilespmem:s15], [sflag:$0x2] =	stream.indirect_vreg.gather [hbm4b:s8+s2], $0x80, v3, vm0, $0xb8;
	[tilespmem:$0x1C100] =	vst v63  }
0x7f: {  	s16 =	simm.s32 $0x8800  }
0x80: {  	[tilespmem:s16], [sflag:$0x2] =	stream.indirect_vreg.gather [hbm4b:s9+s2], $0x80, v3, vm0, $0xb8;
	[tilespmem:$0x1C100] =	vst v63  }
0x81: {  	v3 =	vld [tilespmem:$0x18030];
	_ =	sdelay $0x4  }
0x82: {  	v4 =	vshrl.u32 v3, $0x3  }
0x83: {  	v4 =	vmul.u32 $0x30, v4  }
0x84: {  	v3 =	vand.u32 $0x7, v3  }
0x85: {  	v3 =	vor.u32 v3, v4  }
0x86: {  	v4 =	vperm.xlane v3, v0;
	_ =	sdelay $0x1  }
0x87: {  	v4 =	vadd.s32 v1, v4;
	_ =	sdelay $0x3  }
0x88: {  	s1 =	simm.s32 $0x9000;
	v3 =	vperm.xlane v3, v2  }
0x89: {  	[tilespmem:s1], [sflag:$0x2] =	stream.indirect_vreg.gather [hbm4b:s3+s2], $0x80, v4, vm0, $0xb8;
	[tilespmem:$0x1C100] =	vst v63  }
0x8a: {  	s13 =	simm.s32 $0x9800;
	v3 =	vadd.s32 v1, v3  }
0x8b: {  	[tilespmem:s13], [sflag:$0x2] =	stream.indirect_vreg.gather [hbm4b:s8+s2], $0x80, v4, vm0, $0xb8;
	[tilespmem:$0x1C100] =	vst v63  }
0x8c: {  	s15 =	simm.s32 $0xA000  }
0x8d: {  	[tilespmem:s15], [sflag:$0x2] =	stream.indirect_vreg.gather [hbm4b:s9+s2], $0x80, v4, vm0, $0xb8;
	[tilespmem:$0x1C100] =	vst v63  }
0x8e: {  	s16 =	simm.s32 $0xA800  }
0x8f: {  	[tilespmem:s16], [sflag:$0x2] =	stream.indirect_vreg.gather [hbm4b:s3+s2], $0x80, v3, vm0, $0xb8;
	[tilespmem:$0x1C100] =	vst v63  }
0x90: {  	s1 =	simm.s32 $0xB000  }
0x91: {  	[tilespmem:s1], [sflag:$0x2] =	stream.indirect_vreg.gather [hbm4b:s8+s2], $0x80, v3, vm0, $0xb8;
	[tilespmem:$0x1C100] =	vst v63  }
0x92: {  	s13 =	simm.s32 $0xB800  }
0x93: {  	[tilespmem:s13], [sflag:$0x2] =	stream.indirect_vreg.gather [hbm4b:s9+s2], $0x80, v3, vm0, $0xb8;
	[tilespmem:$0x1C100] =	vst v63  }
0x94: {  	v3 =	vld [tilespmem:$0x180A0];
	_ =	sdelay $0x4  }
0x95: {  	v4 =	vshrl.u32 v3, $0x3  }
0x96: {  	v4 =	vmul.u32 $0x30, v4  }
0x97: {  	v3 =	vand.u32 $0x7, v3  }
0x98: {  	v3 =	vor.u32 v3, v4  }
0x99: {  	v4 =	vperm.xlane v3, v0;
	_ =	sdelay $0x1  }
0x9a: {  	v4 =	vadd.s32 v1, v4;
	_ =	sdelay $0x3  }
0x9b: {  	s15 =	simm.s32 $0x12000;
	v3 =	vperm.xlane v3, v2  }
0x9c: {  	[tilespmem:s15], [sflag:$0x2] =	stream.indirect_vreg.gather [hbm4b:s3+s2], $0x80, v4, vm0, $0xb8;
	[tilespmem:$0x1C100] =	vst v63  }
0x9d: {  	s16 =	simm.s32 $0x12800;
	v3 =	vadd.s32 v1, v3  }
0x9e: {  	[tilespmem:s16], [sflag:$0x2] =	stream.indirect_vreg.gather [hbm4b:s8+s2], $0x80, v4, vm0, $0xb8;
	[tilespmem:$0x1C100] =	vst v63  }
0x9f: {  	s1 =	simm.s32 $0x13000  }
0xa0: {  	[tilespmem:s1], [sflag:$0x2] =	stream.indirect_vreg.gather [hbm4b:s9+s2], $0x80, v4, vm0, $0xb8;
	[tilespmem:$0x1C100] =	vst v63  }
0xa1: {  	s13 =	simm.s32 $0x13800  }
0xa2: {  	[tilespmem:s13], [sflag:$0x2] =	stream.indirect_vreg.gather [hbm4b:s3+s2], $0x80, v3, vm0, $0xb8;
	[tilespmem:$0x1C100] =	vst v63  }
0xa3: {  	_ = 	snop  }
0xa4: {  	[tilespmem:s17], [sflag:$0x2] =	stream.indirect_vreg.gather [hbm4b:s8+s2], $0x80, v3, vm0, $0xb8;
	[tilespmem:$0x1C100] =	vst v63  }
0xa5: {  	_ = 	snop  }
0xa6: {  	[tilespmem:s18], [sflag:$0x2] =	stream.indirect_vreg.gather [hbm4b:s9+s2], $0x80, v3, vm0, $0xb8;
	[tilespmem:$0x1C100] =	vst v63  }
0xa7: {  	v3 =	vld [tilespmem:$0x180B0];
	_ =	sdelay $0x4  }
0xa8: {  	v4 =	vshrl.u32 v3, $0x3  }
0xa9: {  	v4 =	vmul.u32 $0x30, v4  }
0xaa: {  	v3 =	vand.u32 $0x7, v3  }
0xab: {  	v3 =	vor.u32 v3, v4  }
0xac: {  	v4 =	vperm.xlane v3, v0;
	_ =	sdelay $0x1  }
0xad: {  	v4 =	vadd.s32 v1, v4;
	_ =	sdelay $0x3  }
0xae: {  	v3 =	vperm.xlane v3, v2  }
0xaf: {  	[tilespmem:s19], [sflag:$0x2] =	stream.indirect_vreg.gather [hbm4b:s3+s2], $0x80, v4, vm0, $0xb8;
	[tilespmem:$0x1C100] =	vst v63  }
0xb0: {  	v3 =	vadd.s32 v1, v3  }
0xb1: {  	[tilespmem:s21], [sflag:$0x2] =	stream.indirect_vreg.gather [hbm4b:s8+s2], $0x80, v4, vm0, $0xb8;
	[tilespmem:$0x1C100] =	vst v63  }
0xb2: {  	_ = 	snop  }
0xb3: {  	[tilespmem:s22], [sflag:$0x2] =	stream.indirect_vreg.gather [hbm4b:s9+s2], $0x80, v4, vm0, $0xb8;
	[tilespmem:$0x1C100] =	vst v63  }
0xb4: {  	_ = 	snop  }
0xb5: {  	[tilespmem:s23], [sflag:$0x2] =	stream.indirect_vreg.gather [hbm4b:s3+s2], $0x80, v3, vm0, $0xb8;
	[tilespmem:$0x1C100] =	vst v63  }
0xb6: {  	_ = 	snop  }
0xb7: {  	[tilespmem:s24], [sflag:$0x2] =	stream.indirect_vreg.gather [hbm4b:s8+s2], $0x80, v3, vm0, $0xb8;
	[tilespmem:$0x1C100] =	vst v63  }
0xb8: {  	_ = 	snop  }
0xb9: {  	[tilespmem:s25], [sflag:$0x2] =	stream.indirect_vreg.gather [hbm4b:s9+s2], $0x80, v3, vm0, $0xb8;
	[tilespmem:$0x1C100] =	vst v63  }
0xba: {  	_ =	swait.ge [sflag:s26], $0x6000  }
0xbb: {  	[sflag:s26] =	ssyncset.done $0x0  }
0xbc: {  	s15 =	simm.s32 $0x0;
	[sflag:s26] =	ssyncadd.s32 $0xFFFFA000  }
0xbd: {  	s0 =	smul.u32 $0x1800, s15;
	_ =	swait.ge [sflag:s26], $0x6000  }
0xbe: {  	s1 =	sand.u32 $0x380, s2;
	[sflag:s26] =	ssyncset.done $0x0  }
0xbf: {  	s13 =	sor.u32 s1, s0;
	[sflag:s26] =	ssyncadd.s32 $0xFFFFA000  }
0xc0: {  	v4 =	vld [tilespmem:s13+$0x10]  }
0xc1: {  	v3 =	vld [tilespmem:s13+$0xC010]  }
0xc2: {  	v6 =	vld [tilespmem:s13+$0x20]  }
0xc3: {  	v5 =	vld [tilespmem:s13+$0xC020]  }
0xc4: {  	v10 =	vld [tilespmem:s13+$0x30]  }
0xc5: {  	v9 =	vld [tilespmem:s13+$0xC030]  }
0xc6: {  	v12 =	vld [tilespmem:s13+$0x40]  }
0xc7: {  	v11 =	vld [tilespmem:s13+$0xC040]  }
0xc8: {  	v13 =	vld [tilespmem:s13+$0x60]  }
0xc9: {  	v14 =	vld [tilespmem:s13+$0x70]  }
0xca: {  	v15 =	vld [tilespmem:s13+$0x400]  }
0xcb: {  	v16 =	vld [tilespmem:s13+$0x410]  }
0xcc: {  	v17 =	vld [tilespmem:s13+$0x420]  }
0xcd: {  	v18 =	vld [tilespmem:s13+$0x430]  }
0xce: {  	v19 =	vld [tilespmem:s13+$0x440]  }
0xcf: {  	v20 =	vld [tilespmem:s13+$0x450]  }
0xd0: {  	v21 =	vld [tilespmem:s13+$0x460]  }
0xd1: {  	v22 =	vld [tilespmem:s13+$0x470]  }
0xd2: {  	v23 =	vld [tilespmem:s13+$0x800]  }
0xd3: {  	v24 =	vld [tilespmem:s13+$0x810]  }
0xd4: {  	v25 =	vld [tilespmem:s13+$0x820]  }
0xd5: {  	v26 =	vld [tilespmem:s13+$0x830]  }
0xd6: {  	v27 =	vld [tilespmem:s13+$0x840]  }
0xd7: {  	v28 =	vld [tilespmem:s13+$0x850]  }
0xd8: {  	v29 =	vld [tilespmem:s13+$0x860]  }
0xd9: {  	v30 =	vld [tilespmem:s13+$0x870]  }
0xda: {  	v31 =	vld [tilespmem:s13+$0xC00]  }
0xdb: {  	v32 =	vld [tilespmem:s13+$0xC10]  }
0xdc: {  	v33 =	vld [tilespmem:s13+$0xC20]  }
0xdd: {  	v34 =	vld [tilespmem:s13+$0xC30]  }
0xde: {  	v35 =	vld [tilespmem:s13+$0xC40]  }
0xdf: {  	v36 =	vld [tilespmem:s13+$0xC50]  }
0xe0: {  	v37 =	vld [tilespmem:s13+$0xC60]  }
0xe1: {  	v38 =	vld [tilespmem:s13+$0xC70]  }
0xe2: {  	v39 =	vld [tilespmem:s13+$0x1000]  }
0xe3: {  	v40 =	vld [tilespmem:s13+$0x1010]  }
0xe4: {  	v41 =	vld [tilespmem:s13+$0x1020]  }
0xe5: {  	v42 =	vld [tilespmem:s13+$0x1030]  }
0xe6: {  	v43 =	vld [tilespmem:s13+$0x1040]  }
0xe7: {  	v44 =	vld [tilespmem:s13+$0x1050]  }
0xe8: {  	v45 =	vld [tilespmem:s13+$0x1060]  }
0xe9: {  	v46 =	vld [tilespmem:s13+$0x1400]  }
0xea: {  	v47 =	vld [tilespmem:s13+$0x1410]  }
0xeb: {  	v48 =	vld [tilespmem:s13+$0xD410]  }
0xec: {  	v49 =	vld [tilespmem:s13+$0xD430]  }
0xed: {  	v50 =	vld [tilespmem:s13+$0x1430]  }
0xee: {  	v51 =	vld [tilespmem:s13+$0x1420]  }
0xef: {  	v7 =	vld [tilespmem:s30+$0x0]  }
0xf0: {  	v8 =	vld [tilespmem:s31+$0x0]  }
0xf1: {  	v52 =	vld [tilespmem:s13+$0xD420]  }
0xf2: {  	v53 =	vld [tilespmem:s13+$0xD400]  }
0xf3: {  	v54 =	vld [tilespmem:s13+$0x1070]  }
0xf4: {  	v55 =	vld [tilespmem:s13+$0xD070];
	v50 =	vmul.f32 v50, v7  }
0xf5: {  	v56 =	vld [tilespmem:s13+$0xD060];
	v49 =	vmul.f32 v49, v8;
	v51 =	vmul.f32 v51, v7  }
0xf6: {  	v57 =	vld [tilespmem:s13+$0xD050];
	v52 =	vmul.f32 v52, v8;
	v47 =	vmul.f32 v47, v7  }
0xf7: {  	v61 =	vld [tilespmem:s13+$0xD000];
	v48 =	vmul.f32 v48, v8;
	v46 =	vmul.f32 v46, v7  }
0xf8: {  	v58 =	vld [tilespmem:s13+$0xD040];
	v62 =	vmul.f32 v53, v8;
	v63 =	vmul.f32 v54, v7;
	v49 =	vadd.f32 v49, v50  }
0xf9: {  	v53 =	vld [tilespmem:s13+$0xD030];
	v59 =	vmul.f32 v55, v8;
	v45 =	vmul.f32 v45, v7;
	v51 =	vadd.f32 v52, v51  }
0xfa: {  	v60 =	vmul.f32 v56, v8;
	v44 =	vmul.f32 v44, v7;
	v56 =	vld [tilespmem:s13+$0xCC60];
	v47 =	vadd.f32 v48, v47;
	[tilespmem:s13+$0x1430] =	vst v49  }
0xfb: {  	v43 =	vmul.f32 v43, v7;
	v39 =	vmul.f32 v39, v7;
	v55 =	vld [tilespmem:s13+$0xC870];
	v46 =	vadd.f32 v62, v46;
	[tilespmem:s13+$0x1420] =	vst v51  }
0xfc: {  	v61 =	vmul.f32 v61, v8;
	v12 =	vmul.f32 v12, v7;
	v48 =	vld [tilespmem:s13+$0xD020];
	v52 =	vadd.f32 v59, v63;
	[tilespmem:s13+$0x1410] =	vst v47  }
0xfd: {  	v11 =	vmul.f32 v11, v8;
	v63 =	vmul.f32 v58, v8;
	v45 =	vadd.f32 v60, v45;
	v58 =	vld [tilespmem:s13+$0xCC50];
	[tilespmem:s13+$0x1400] =	vst v46  }
0xfe: {  	v42 =	vmul.f32 v42, v7;
	v62 =	vmul.f32 v57, v8;
	v59 =	vld [tilespmem:s13+$0xCC40];
	v39 =	vadd.f32 v61, v39;
	[tilespmem:s13+$0x1070] =	vst v52  }
0xff: {  	v41 =	vmul.f32 v41, v7;
	v40 =	vmul.f32 v40, v7;
	v60 =	vld [tilespmem:s13+$0xCC30];
	v11 =	vadd.f32 v11, v12;
	[tilespmem:s13+$0x1060] =	vst v45  }
0x100: {  	v38 =	vmul.f32 v38, v7;
	v61 =	vld [tilespmem:s13+$0xC810];
	v44 =	vadd.f32 v62, v44;
	[tilespmem:s13+$0x1000] =	vst v39;
	v57 =	vmul.f32 v53, v8  }
0x101: {  	v37 =	vmul.f32 v37, v7;
	v49 =	vld [tilespmem:s13+$0xD010];
	v43 =	vadd.f32 v63, v43;
	[tilespmem:s13+$0x40] =	vst v11;
	v46 =	vmul.f32 v56, v8  }
0x102: {  	v36 =	vmul.f32 v36, v7;
	v47 =	vld [tilespmem:s13+$0xCC70];
	[tilespmem:s13+$0x1050] =	vst v44;
	v48 =	vmul.f32 v48, v8;
	v42 =	vadd.f32 v57, v42  }
0x103: {  	v35 =	vmul.f32 v35, v7;
	v62 =	vld [tilespmem:s13+$0xCC20];
	[tilespmem:s13+$0x1040] =	vst v43;
	v54 =	vmul.f32 v58, v8;
	v37 =	vadd.f32 v46, v37  }
0x104: {  	v34 =	vmul.f32 v34, v7;
	v63 =	vld [tilespmem:s13+$0xCC10];
	v45 =	vmul.f32 v59, v8;
	v41 =	vadd.f32 v48, v41;
	[tilespmem:s13+$0x1030] =	vst v42  }
0x105: {  	v33 =	vmul.f32 v33, v7;
	v56 =	vld [tilespmem:s13+$0xC860];
	v44 =	vmul.f32 v60, v8;
	v36 =	vadd.f32 v54, v36;
	[tilespmem:s13+$0xC60] =	vst v37  }
0x106: {  	v32 =	vmul.f32 v32, v7;
	v53 =	vld [tilespmem:s13+$0xCC00];
	v49 =	vmul.f32 v49, v8;
	v35 =	vadd.f32 v45, v35;
	[tilespmem:s13+$0x1020] =	vst v41  }
0x107: {  	v6 =	vmul.f32 v6, v7;
	v12 =	vld [tilespmem:s13+$0x1460];
	v47 =	vmul.f32 v47, v8;
	v34 =	vadd.f32 v44, v34;
	[tilespmem:s13+$0xC50] =	vst v36  }
0x108: {  	v5 =	vmul.f32 v5, v8;
	v58 =	vld [tilespmem:s13+$0xC840];
	v43 =	vmul.f32 v62, v8;
	v40 =	vadd.f32 v49, v40;
	[tilespmem:s13+$0xC40] =	vst v35  }
0x109: {  	v29 =	vmul.f32 v29, v7;
	v59 =	vld [tilespmem:s13+$0xC830];
	v42 =	vmul.f32 v63, v8;
	v38 =	vadd.f32 v47, v38;
	[tilespmem:s13+$0xC30] =	vst v34  }
0x10a: {  	v5 =	vadd.f32 v5, v6;
	v6 =	vld [tilespmem:s13+$0x0];
	v39 =	vmul.f32 v56, v8;
	v33 =	vadd.f32 v43, v33;
	[tilespmem:s13+$0x1010] =	vst v40  }
0x10b: {  	v31 =	vmul.f32 v31, v7;
	v60 =	vld [tilespmem:s13+$0xC820];
	v41 =	vmul.f32 v53, v8;
	v32 =	vadd.f32 v42, v32;
	[tilespmem:s13+$0xC70] =	vst v38  }
0x10c: {  	v24 =	vmul.f32 v24, v7;
	v57 =	vld [tilespmem:s13+$0xC850];
	v34 =	vmul.f32 v61, v8;
	v29 =	vadd.f32 v39, v29;
	[tilespmem:s13+$0xC20] =	vst v33  }
0x10d: {  	v27 =	vmul.f32 v27, v7;
	v62 =	vld [tilespmem:s13+$0xC800];
	v37 =	vmul.f32 v58, v8;
	v31 =	vadd.f32 v41, v31;
	[tilespmem:s13+$0xC10] =	vst v32  }
0x10e: {  	v26 =	vmul.f32 v26, v7;
	v63 =	vld [tilespmem:s13+$0xC470];
	v36 =	vmul.f32 v59, v8;
	v24 =	vadd.f32 v34, v24;
	[tilespmem:s13+$0x860] =	vst v29  }
0x10f: {  	v30 =	vmul.f32 v30, v7;
	v40 =	vmul.f32 v55, v8;
	v27 =	vadd.f32 v37, v27;
	v29 =	vld [tilespmem:s13+$0xC440];
	[tilespmem:s13+$0xC00] =	vst v31  }
0x110: {  	v25 =	vmul.f32 v25, v7;
	v35 =	vmul.f32 v60, v8;
	v26 =	vadd.f32 v36, v26;
	v31 =	vld [tilespmem:s13+$0xC460];
	[tilespmem:s13+$0x810] =	vst v24  }
0x111: {  	v28 =	vmul.f32 v28, v7;
	v38 =	vmul.f32 v57, v8;
	v30 =	vadd.f32 v40, v30;
	v24 =	vld [tilespmem:s13+$0xC070];
	[tilespmem:s13+$0x840] =	vst v27  }
0x112: {  	v23 =	vmul.f32 v23, v7;
	v33 =	vmul.f32 v62, v8;
	v25 =	vadd.f32 v35, v25;
	v27 =	vld [tilespmem:s13+$0xC420];
	[tilespmem:s13+$0x830] =	vst v26  }
0x113: {  	v22 =	vmul.f32 v22, v7;
	v32 =	vmul.f32 v63, v8;
	v28 =	vadd.f32 v38, v28;
	[tilespmem:s13+$0x870] =	vst v30;
	v30 =	vld [tilespmem:s13+$0xC450]  }
0x114: {  	v19 =	vmul.f32 v19, v7;
	v23 =	vadd.f32 v33, v23;
	[tilespmem:s13+$0x820] =	vst v25;
	v25 =	vld [tilespmem:s13+$0xC400];
	v29 =	vmul.f32 v29, v8  }
0x115: {  	v21 =	vmul.f32 v21, v7;
	v22 =	vadd.f32 v32, v22;
	[tilespmem:s13+$0x850] =	vst v28;
	v28 =	vld [tilespmem:s13+$0xC430];
	v31 =	vmul.f32 v31, v8  }
0x116: {  	v14 =	vmul.f32 v14, v7;
	[tilespmem:s13+$0x800] =	vst v23;
	v23 =	vld [tilespmem:s13+$0xC060];
	v24 =	vmul.f32 v24, v8;
	v19 =	vadd.f32 v29, v19  }
0x117: {  	v17 =	vmul.f32 v17, v7;
	v26 =	vld [tilespmem:s13+$0xC410];
	[tilespmem:s13+$0x470] =	vst v22;
	v27 =	vmul.f32 v27, v8;
	v21 =	vadd.f32 v31, v21  }
0x118: {  	v20 =	vmul.f32 v20, v7;
	v22 =	vld [tilespmem:s13+$0x50];
	v30 =	vmul.f32 v30, v8;
	v14 =	vadd.f32 v24, v14;
	[tilespmem:s13+$0x440] =	vst v19  }
0x119: {  	v15 =	vmul.f32 v15, v7;
	v25 =	vmul.f32 v25, v8;
	v17 =	vadd.f32 v27, v17;
	v19 =	vld [tilespmem:s13+$0xD450];
	[tilespmem:s13+$0x460] =	vst v21  }
0x11a: {  	v18 =	vmul.f32 v18, v7;
	v28 =	vmul.f32 v28, v8;
	v20 =	vadd.f32 v30, v20;
	v21 =	vld [tilespmem:s13+$0xC050];
	[tilespmem:s13+$0x70] =	vst v14  }
0x11b: {  	v13 =	vmul.f32 v13, v7;
	v23 =	vmul.f32 v23, v8;
	v15 =	vadd.f32 v25, v15;
	[tilespmem:s13+$0x420] =	vst v17;
	v17 =	vld [tilespmem:s13+$0x1440]  }
0x11c: {  	v16 =	vmul.f32 v16, v7;
	v26 =	vmul.f32 v26, v8;
	v18 =	vadd.f32 v28, v18;
	[tilespmem:s13+$0x450] =	vst v20;
	v20 =	vld [tilespmem:s13+$0xD440]  }
0x11d: {  	v10 =	vmul.f32 v10, v7;
	v9 =	vmul.f32 v9, v8;
	v13 =	vadd.f32 v23, v13;
	[tilespmem:s13+$0x400] =	vst v15;
	v15 =	vld [tilespmem:s13+$0x1450]  }
0x11e: {  	v4 =	vmul.f32 v4, v7;
	v3 =	vmul.f32 v3, v8;
	v16 =	vadd.f32 v26, v16;
	[tilespmem:s13+$0x430] =	vst v18;
	v18 =	vld [tilespmem:s13+$0xD460]  }
0x11f: {  	v9 =	vadd.f32 v9, v10;
	v10 =	vmul.f32 v22, v7;
	v14 =	vld [tilespmem:s13+$0x1470];
	[tilespmem:s13+$0x60] =	vst v13;
	v13 =	vmul.f32 v21, v8  }
0x120: {  	v3 =	vadd.f32 v3, v4;
	[tilespmem:s13+$0x410] =	vst v16;
	v16 =	vld [tilespmem:s13+$0xD470]  }
0x121: {  	s16 =	simm.s32 $0x0;
	[tilespmem:s13+$0x30] =	vst v9;
	v9 =	vld [tilespmem:s13+$0xC000];
	v11 =	vmul.f32 v17, v7;
	v17 =	vmul.f32 v20, v8;
	v4 =	vadd.f32 v13, v10  }
0x122: {  	s0 =	smul.u32 $0x1800, s16;
	s1 =	simm.s32 $0x80;
	[tilespmem:s13+$0x20] =	vst v5;
	v5 =	vmul.f32 v15, v7;
	v10 =	vmul.f32 v19, v8  }
0x123: {  	s15 =	sand.u32 $0x380, s1;
	v11 =	vadd.f32 v17, v11;
	[tilespmem:s13+$0x50] =	vst v4;
	v4 =	vmul.f32 v12, v7;
	v12 =	vmul.f32 v18, v8  }
0x124: {  	s0 =	sor.u32 s15, s0;
	[tilespmem:s13+$0x10] =	vst v3;
	v5 =	vadd.f32 v10, v5  }
0x125: {  	v3 =	vld [tilespmem:s0+$0x10];
	v10 =	vmul.f32 v14, v7;
	[tilespmem:s13+$0x1440] =	vst v11;
	v11 =	vmul.f32 v16, v8;
	v12 =	vadd.f32 v12, v4  }
0x126: {  	v7 =	vmul.f32 v6, v7;
	v8 =	vmul.f32 v9, v8;
	v4 =	vld [tilespmem:s0+$0xC010];
	[tilespmem:s13+$0x1450] =	vst v5  }
0x127: {  	v9 =	vadd.f32 v11, v10;
	v6 =	vld [tilespmem:s0+$0x20];
	[tilespmem:s13+$0x1460] =	vst v12  }
0x128: {  	v7 =	vadd.f32 v8, v7;
	v5 =	vld [tilespmem:s0+$0xC020]  }
0x129: {  	v8 =	vld [tilespmem:s0+$0x30];
	[tilespmem:s13+$0x1470] =	vst v9  }
0x12a: {  	v18 =	vld [tilespmem:s0+$0x430];
	[tilespmem:s13+$0x0] =	vst v7  }
0x12b: {  	v7 =	vld [tilespmem:s0+$0xC030]  }
0x12c: {  	v10 =	vld [tilespmem:s0+$0x40]  }
0x12d: {  	v9 =	vld [tilespmem:s0+$0xC040]  }
0x12e: {  	v12 =	vld [tilespmem:s0+$0x50]  }
0x12f: {  	v11 =	vld [tilespmem:s0+$0xC050]  }
0x130: {  	v13 =	vld [tilespmem:s0+$0x60]  }
0x131: {  	v14 =	vld [tilespmem:s0+$0x70]  }
0x132: {  	v15 =	vld [tilespmem:s0+$0x400]  }
0x133: {  	v16 =	vld [tilespmem:s0+$0x410]  }
0x134: {  	v17 =	vld [tilespmem:s0+$0x420]  }
0x135: {  	v19 =	vld [tilespmem:s0+$0x440]  }
0x136: {  	v20 =	vld [tilespmem:s0+$0x450]  }
0x137: {  	v21 =	vld [tilespmem:s0+$0x460]  }
0x138: {  	v22 =	vld [tilespmem:s0+$0x470]  }
0x139: {  	v23 =	vld [tilespmem:s0+$0x800]  }
0x13a: {  	v24 =	vld [tilespmem:s0+$0x810]  }
0x13b: {  	v25 =	vld [tilespmem:s0+$0x820]  }
0x13c: {  	v26 =	vld [tilespmem:s0+$0x830]  }
0x13d: {  	v27 =	vld [tilespmem:s0+$0x840]  }
0x13e: {  	v28 =	vld [tilespmem:s0+$0x850]  }
0x13f: {  	v29 =	vld [tilespmem:s0+$0x860]  }
0x140: {  	v30 =	vld [tilespmem:s0+$0x870]  }
0x141: {  	v31 =	vld [tilespmem:s0+$0xC00]  }
0x142: {  	v34 =	vld [tilespmem:s0+$0xC10]  }
0x143: {  	v35 =	vld [tilespmem:s0+$0xC20]  }
0x144: {  	v36 =	vld [tilespmem:s0+$0xC30]  }
0x145: {  	v37 =	vld [tilespmem:s0+$0xC40]  }
0x146: {  	v38 =	vld [tilespmem:s0+$0xC50]  }
0x147: {  	v39 =	vld [tilespmem:s0+$0xC60]  }
0x148: {  	v40 =	vld [tilespmem:s0+$0xC70]  }
0x149: {  	v41 =	vld [tilespmem:s0+$0x1000]  }
0x14a: {  	v42 =	vld [tilespmem:s0+$0x1010]  }
0x14b: {  	v43 =	vld [tilespmem:s0+$0x1020]  }
0x14c: {  	v44 =	vld [tilespmem:s0+$0x1030]  }
0x14d: {  	v45 =	vld [tilespmem:s0+$0x1040]  }
0x14e: {  	v46 =	vld [tilespmem:s0+$0x1050]  }
0x14f: {  	v47 =	vld [tilespmem:s0+$0x1060]  }
0x150: {  	v48 =	vld [tilespmem:s0+$0x1400]  }
0x151: {  	v50 =	vld [tilespmem:s0+$0x1410]  }
0x152: {  	v49 =	vld [tilespmem:s0+$0xD410]  }
0x153: {  	s13 =	simm.s32 $0x2;
	v51 =	vld [tilespmem:s0+$0xD430]  }
.LBB2_2:
0x154: {  	p0 =	sne.s32 s13, $0x1F;
	v52 =	vld [tilespmem:s0+$0x1430]  }
0x155: {  	s30 =	sadd.s32 $0x80, s30;
	v53 =	vld [tilespmem:s0+$0x1420]  }
0x156: {  	s31 =	sadd.s32 $0x80, s31;
	v33 =	vld [tilespmem:s30+$0x0]  }
0x157: {  	v32 =	vld [tilespmem:s31+$0x0]  }
0x158: {  	v54 =	vld [tilespmem:s0+$0xD420]  }
0x159: {  	v55 =	vld [tilespmem:s0+$0xD400]  }
0x15a: {  	v56 =	vld [tilespmem:s0+$0x1070]  }
0x15b: {  	v57 =	vld [tilespmem:s0+$0xD070];
	v50 =	vmul.f32 v50, v33;
	v53 =	vmul.f32 v53, v33  }
0x15c: {  	v52 =	vmul.f32 v52, v33;
	v58 =	vld [tilespmem:s0+$0xD060];
	v51 =	vmul.f32 v51, v32  }
0x15d: {  	v49 =	vmul.f32 v49, v32;
	v59 =	vld [tilespmem:s0+$0xD050];
	v54 =	vmul.f32 v54, v32  }
0x15e: {  	v48 =	vmul.f32 v48, v33;
	v60 =	vld [tilespmem:s0+$0xD040];
	v55 =	vmul.f32 v55, v32;
	v51 =	vadd.f32 v51, v52  }
0x15f: {  	v49 =	vadd.f32 v49, v50;
	v52 =	vld [tilespmem:s0+$0xD030];
	v56 =	vmul.f32 v56, v33;
	v50 =	vadd.f32 v54, v53  }
0x160: {  	v47 =	vmul.f32 v47, v33;
	v53 =	vld [tilespmem:s0+$0xD020];
	v54 =	vmul.f32 v57, v32;
	v48 =	vadd.f32 v55, v48;
	[tilespmem:s0+$0x1430] =	vst v51  }
0x161: {  	v46 =	vmul.f32 v46, v33;
	v51 =	vld [tilespmem:s0+$0xD010];
	v55 =	vmul.f32 v58, v32;
	[tilespmem:s0+$0x1420] =	vst v50  }
0x162: {  	v45 =	vmul.f32 v45, v33;
	v50 =	vld [tilespmem:s0+$0xD000];
	v57 =	vmul.f32 v59, v32;
	v54 =	vadd.f32 v54, v56;
	[tilespmem:s0+$0x1410] =	vst v49  }
0x163: {  	v44 =	vmul.f32 v44, v33;
	v49 =	vld [tilespmem:s0+$0xCC70];
	v56 =	vmul.f32 v60, v32;
	v47 =	vadd.f32 v55, v47;
	[tilespmem:s0+$0x1400] =	vst v48  }
0x164: {  	v43 =	vmul.f32 v43, v33;
	v48 =	vld [tilespmem:s0+$0xCC60];
	v52 =	vmul.f32 v52, v32;
	v46 =	vadd.f32 v57, v46;
	[tilespmem:s0+$0x1070] =	vst v54  }
0x165: {  	v42 =	vmul.f32 v42, v33;
	v54 =	vld [tilespmem:s0+$0xCC50];
	v53 =	vmul.f32 v53, v32;
	v45 =	vadd.f32 v56, v45;
	[tilespmem:s0+$0x1060] =	vst v47  }
0x166: {  	v41 =	vmul.f32 v41, v33;
	v47 =	vld [tilespmem:s0+$0xCC40];
	v51 =	vmul.f32 v51, v32;
	v44 =	vadd.f32 v52, v44;
	[tilespmem:s0+$0x1050] =	vst v46  }
0x167: {  	v40 =	vmul.f32 v40, v33;
	v46 =	vld [tilespmem:s0+$0xCC30];
	v50 =	vmul.f32 v50, v32;
	v43 =	vadd.f32 v53, v43;
	[tilespmem:s0+$0x1040] =	vst v45  }
0x168: {  	v39 =	vmul.f32 v39, v33;
	v45 =	vld [tilespmem:s0+$0xCC20];
	v49 =	vmul.f32 v49, v32;
	v42 =	vadd.f32 v51, v42;
	[tilespmem:s0+$0x1030] =	vst v44  }
0x169: {  	v38 =	vmul.f32 v38, v33;
	v44 =	vld [tilespmem:s0+$0xCC10];
	v48 =	vmul.f32 v48, v32;
	v41 =	vadd.f32 v50, v41;
	[tilespmem:s0+$0x1020] =	vst v43  }
0x16a: {  	v37 =	vmul.f32 v37, v33;
	v43 =	vld [tilespmem:s0+$0xCC00];
	v50 =	vmul.f32 v54, v32;
	v40 =	vadd.f32 v49, v40;
	[tilespmem:s0+$0x1010] =	vst v42  }
0x16b: {  	v36 =	vmul.f32 v36, v33;
	v42 =	vld [tilespmem:s0+$0xC870];
	v47 =	vmul.f32 v47, v32;
	v39 =	vadd.f32 v48, v39;
	[tilespmem:s0+$0x1000] =	vst v41  }
0x16c: {  	v35 =	vmul.f32 v35, v33;
	v41 =	vld [tilespmem:s0+$0xC860];
	v46 =	vmul.f32 v46, v32;
	v38 =	vadd.f32 v50, v38;
	[tilespmem:s0+$0xC70] =	vst v40  }
0x16d: {  	v34 =	vmul.f32 v34, v33;
	v40 =	vld [tilespmem:s0+$0xC850];
	v45 =	vmul.f32 v45, v32;
	v37 =	vadd.f32 v47, v37;
	[tilespmem:s0+$0xC60] =	vst v39  }
0x16e: {  	v31 =	vmul.f32 v31, v33;
	v39 =	vld [tilespmem:s0+$0xC840];
	v44 =	vmul.f32 v44, v32;
	v36 =	vadd.f32 v46, v36;
	[tilespmem:s0+$0xC50] =	vst v38  }
0x16f: {  	v30 =	vmul.f32 v30, v33;
	v38 =	vld [tilespmem:s0+$0xC830];
	v43 =	vmul.f32 v43, v32;
	v35 =	vadd.f32 v45, v35;
	[tilespmem:s0+$0xC40] =	vst v37  }
0x170: {  	v29 =	vmul.f32 v29, v33;
	v37 =	vld [tilespmem:s0+$0xC820];
	v42 =	vmul.f32 v42, v32;
	v34 =	vadd.f32 v44, v34;
	[tilespmem:s0+$0xC30] =	vst v36  }
0x171: {  	v28 =	vmul.f32 v28, v33;
	v36 =	vld [tilespmem:s0+$0xC810];
	v41 =	vmul.f32 v41, v32;
	v31 =	vadd.f32 v43, v31;
	[tilespmem:s0+$0xC20] =	vst v35  }
0x172: {  	v27 =	vmul.f32 v27, v33;
	v35 =	vld [tilespmem:s0+$0xC800];
	v40 =	vmul.f32 v40, v32;
	v30 =	vadd.f32 v42, v30;
	[tilespmem:s0+$0xC10] =	vst v34  }
0x173: {  	v26 =	vmul.f32 v26, v33;
	v34 =	vld [tilespmem:s0+$0xC470];
	v39 =	vmul.f32 v39, v32;
	v29 =	vadd.f32 v41, v29;
	[tilespmem:s0+$0xC00] =	vst v31  }
0x174: {  	v25 =	vmul.f32 v25, v33;
	v31 =	vld [tilespmem:s0+$0xC460];
	v38 =	vmul.f32 v38, v32;
	v28 =	vadd.f32 v40, v28;
	[tilespmem:s0+$0x870] =	vst v30  }
0x175: {  	v24 =	vmul.f32 v24, v33;
	v30 =	vld [tilespmem:s0+$0xC450];
	v37 =	vmul.f32 v37, v32;
	v27 =	vadd.f32 v39, v27;
	[tilespmem:s0+$0x860] =	vst v29  }
0x176: {  	v23 =	vmul.f32 v23, v33;
	v29 =	vld [tilespmem:s0+$0xC440];
	v36 =	vmul.f32 v36, v32;
	v26 =	vadd.f32 v38, v26;
	[tilespmem:s0+$0x850] =	vst v28  }
0x177: {  	v22 =	vmul.f32 v22, v33;
	v28 =	vld [tilespmem:s0+$0xC430];
	v35 =	vmul.f32 v35, v32;
	v25 =	vadd.f32 v37, v25;
	[tilespmem:s0+$0x840] =	vst v27  }
0x178: {  	v21 =	vmul.f32 v21, v33;
	v27 =	vld [tilespmem:s0+$0xC420];
	v34 =	vmul.f32 v34, v32;
	v24 =	vadd.f32 v36, v24;
	[tilespmem:s0+$0x830] =	vst v26  }
0x179: {  	v20 =	vmul.f32 v20, v33;
	v26 =	vld [tilespmem:s0+$0xC410];
	v31 =	vmul.f32 v31, v32;
	v23 =	vadd.f32 v35, v23;
	[tilespmem:s0+$0x820] =	vst v25  }
0x17a: {  	v19 =	vmul.f32 v19, v33;
	v25 =	vld [tilespmem:s0+$0xC400];
	v30 =	vmul.f32 v30, v32;
	v22 =	vadd.f32 v34, v22;
	[tilespmem:s0+$0x810] =	vst v24  }
0x17b: {  	v18 =	vmul.f32 v18, v33;
	v24 =	vld [tilespmem:s0+$0xC070];
	v29 =	vmul.f32 v29, v32;
	v21 =	vadd.f32 v31, v21;
	[tilespmem:s0+$0x800] =	vst v23  }
0x17c: {  	v17 =	vmul.f32 v17, v33;
	v23 =	vld [tilespmem:s0+$0xC060];
	v28 =	vmul.f32 v28, v32;
	v20 =	vadd.f32 v30, v20;
	[tilespmem:s0+$0x470] =	vst v22  }
0x17d: {  	v16 =	vmul.f32 v16, v33;
	v22 =	vmul.f32 v27, v32;
	v19 =	vadd.f32 v29, v19;
	[tilespmem:s0+$0x460] =	vst v21;
	v21 =	vld [tilespmem:s0+$0xD440]  }
0x17e: {  	v15 =	vmul.f32 v15, v33;
	v26 =	vmul.f32 v26, v32;
	v18 =	vadd.f32 v28, v18;
	[tilespmem:s0+$0x450] =	vst v20;
	v20 =	vld [tilespmem:s0+$0xD450]  }
0x17f: {  	v14 =	vmul.f32 v14, v33;
	v25 =	vmul.f32 v25, v32;
	v17 =	vadd.f32 v22, v17;
	[tilespmem:s0+$0x440] =	vst v19;
	v19 =	vld [tilespmem:s0+$0xD460]  }
0x180: {  	v13 =	vmul.f32 v13, v33;
	v22 =	vmul.f32 v24, v32;
	v16 =	vadd.f32 v26, v16;
	[tilespmem:s0+$0x430] =	vst v18;
	v18 =	vld [tilespmem:s0+$0xD470]  }
0x181: {  	v12 =	vmul.f32 v12, v33;
	v23 =	vmul.f32 v23, v32;
	v15 =	vadd.f32 v25, v15;
	[tilespmem:s0+$0x420] =	vst v17;
	v17 =	vld [tilespmem:s0+$0x1440]  }
0x182: {  	v10 =	vmul.f32 v10, v33;
	v11 =	vmul.f32 v11, v32;
	v14 =	vadd.f32 v22, v14;
	[tilespmem:s0+$0x410] =	vst v16;
	v16 =	vld [tilespmem:s0+$0x1450]  }
0x183: {  	v8 =	vmul.f32 v8, v33;
	v9 =	vmul.f32 v9, v32;
	v13 =	vadd.f32 v23, v13;
	[tilespmem:s0+$0x400] =	vst v15;
	v15 =	vld [tilespmem:s0+$0x1460]  }
0x184: {  	v6 =	vmul.f32 v6, v33;
	v7 =	vmul.f32 v7, v32;
	v11 =	vadd.f32 v11, v12;
	[tilespmem:s0+$0x70] =	vst v14;
	v12 =	vld [tilespmem:s0+$0x1470]  }
0x185: {  	v3 =	vmul.f32 v3, v33;
	v5 =	vmul.f32 v5, v32;
	v9 =	vadd.f32 v9, v10;
	v14 =	vld [tilespmem:s0+$0x0];
	[tilespmem:s0+$0x60] =	vst v13  }
0x186: {  	v4 =	vmul.f32 v4, v32;
	v7 =	vadd.f32 v7, v8;
	v10 =	vld [tilespmem:s0+$0xC000];
	[tilespmem:s0+$0x50] =	vst v11;
	v8 =	vmul.f32 v17, v33  }
0x187: {  	s15 =	sshrl.u32 s13, $0x3;
	v5 =	vadd.f32 v5, v6;
	v6 =	vmul.f32 v21, v32;
	[tilespmem:s0+$0x40] =	vst v9;
	v9 =	vmul.f32 v16, v33  }
0x188: {  	s1 =	sadd.s32 $0x80, s1;
	s15 =	smul.u32 $0x1800, s15;
	v3 =	vadd.f32 v4, v3;
	v4 =	vmul.f32 v20, v32;
	[tilespmem:s0+$0x30] =	vst v7;
	v7 =	vmul.f32 v15, v33  }
0x189: {  	s16 =	sand.u32 $0x380, s1;
	[tilespmem:s0+$0x20] =	vst v5;
	v5 =	vadd.f32 v6, v8;
	v6 =	vmul.f32 v19, v32;
	v8 =	vmul.f32 v12, v33  }
0x18a: {  	s15 =	sor.u32 s16, s15;
	v9 =	vadd.f32 v4, v9;
	v12 =	vmul.f32 v18, v32;
	v11 =	vmul.f32 v14, v33;
	[tilespmem:s0+$0x10] =	vst v3  }
0x18b: {  	v3 =	vld [tilespmem:s15+$0x10];
	v10 =	vmul.f32 v10, v32;
	[tilespmem:s0+$0x1440] =	vst v5;
	v5 =	vadd.f32 v6, v7  }
0x18c: {  	v7 =	vadd.f32 v12, v8;
	v4 =	vld [tilespmem:s15+$0xC010];
	[tilespmem:s0+$0x1450] =	vst v9  }
0x18d: {  	v6 =	vld [tilespmem:s15+$0x20];
	v9 =	vadd.f32 v10, v11;
	[tilespmem:s0+$0x1460] =	vst v5  }
0x18e: {  	v5 =	vld [tilespmem:s15+$0xC020];
	[tilespmem:s0+$0x1470] =	vst v7  }
0x18f: {  	v8 =	vld [tilespmem:s15+$0x30];
	[tilespmem:s0+$0x0] =	vst v9;
	s0 =	smov.u32 s15  }
0x190: {  	v7 =	vld [tilespmem:s0+$0xC030]  }
0x191: {  	v10 =	vld [tilespmem:s0+$0x40]  }
0x192: {  	v9 =	vld [tilespmem:s0+$0xC040]  }
0x193: {  	v12 =	vld [tilespmem:s0+$0x50]  }
0x194: {  	v11 =	vld [tilespmem:s0+$0xC050]  }
0x195: {  	v13 =	vld [tilespmem:s0+$0x60]  }
0x196: {  	v14 =	vld [tilespmem:s0+$0x70]  }
0x197: {  	v15 =	vld [tilespmem:s0+$0x400]  }
0x198: {  	v16 =	vld [tilespmem:s0+$0x410]  }
0x199: {  	v17 =	vld [tilespmem:s0+$0x420]  }
0x19a: {  	v18 =	vld [tilespmem:s0+$0x430]  }
0x19b: {  	v19 =	vld [tilespmem:s0+$0x440]  }
0x19c: {  	v20 =	vld [tilespmem:s0+$0x450]  }
0x19d: {  	v21 =	vld [tilespmem:s0+$0x460]  }
0x19e: {  	v22 =	vld [tilespmem:s0+$0x470]  }
0x19f: {  	v23 =	vld [tilespmem:s0+$0x800]  }
0x1a0: {  	v24 =	vld [tilespmem:s0+$0x810]  }
0x1a1: {  	v25 =	vld [tilespmem:s0+$0x820]  }
0x1a2: {  	v26 =	vld [tilespmem:s0+$0x830]  }
0x1a3: {  	v27 =	vld [tilespmem:s0+$0x840]  }
0x1a4: {  	v28 =	vld [tilespmem:s0+$0x850]  }
0x1a5: {  	v29 =	vld [tilespmem:s0+$0x860]  }
0x1a6: {  	v30 =	vld [tilespmem:s0+$0x870]  }
0x1a7: {  	v31 =	vld [tilespmem:s0+$0xC00]  }
0x1a8: {  	v34 =	vld [tilespmem:s0+$0xC10]  }
0x1a9: {  	v35 =	vld [tilespmem:s0+$0xC20]  }
0x1aa: {  	v36 =	vld [tilespmem:s0+$0xC30]  }
0x1ab: {  	v37 =	vld [tilespmem:s0+$0xC40]  }
0x1ac: {  	v38 =	vld [tilespmem:s0+$0xC50]  }
0x1ad: {  	v39 =	vld [tilespmem:s0+$0xC60]  }
0x1ae: {  	v40 =	vld [tilespmem:s0+$0xC70]  }
0x1af: {  	v41 =	vld [tilespmem:s0+$0x1000]  }
0x1b0: {  	v42 =	vld [tilespmem:s0+$0x1010]  }
0x1b1: {  	v43 =	vld [tilespmem:s0+$0x1020]  }
0x1b2: {  	v44 =	vld [tilespmem:s0+$0x1030]  }
0x1b3: {  	v45 =	vld [tilespmem:s0+$0x1040]  }
0x1b4: {  	v46 =	vld [tilespmem:s0+$0x1050]  }
.Ltmp0:
0x1b5: {  	v47 =	vld [tilespmem:s0+$0x1060];
	(pc) =	sbr.rel @p0 .LBB2_2-.Ltmp0, $4  }
0x1b6: {  	v48 =	vld [tilespmem:s0+$0x1400]  }
0x1b7: {  	v50 =	vld [tilespmem:s0+$0x1410]  }
0x1b8: {  	v49 =	vld [tilespmem:s0+$0xD410]  }
0x1b9: {  	s13 =	sadd.s32 $0x1, s13;
	v51 =	vld [tilespmem:s0+$0xD430]  }
0x1ba: {  	v52 =	vld [tilespmem:s0+$0x1430]  }
0x1bb: {  	v53 =	vld [tilespmem:s0+$0x1420];
	s1 =	sadd.s32 $0x80, s30  }
0x1bc: {  	s16 =	sadd.s32 $0x80, s31;
	v32 =	vld [tilespmem:s1+$0x0]  }
0x1bd: {  	v33 =	vld [tilespmem:s16+$0x0]  }
0x1be: {  	v54 =	vld [tilespmem:s0+$0xD420]  }
0x1bf: {  	v55 =	vld [tilespmem:s0+$0xD400]  }
0x1c0: {  	v56 =	vld [tilespmem:s0+$0x1070]  }
0x1c1: {  	v57 =	vld [tilespmem:s0+$0xD070]  }
0x1c2: {  	v58 =	vld [tilespmem:s0+$0xD060];
	v52 =	vmul.f32 v52, v32;
	v51 =	vmul.f32 v51, v33  }
0x1c3: {  	v53 =	vmul.f32 v53, v32;
	v54 =	vmul.f32 v54, v33  }
0x1c4: {  	v59 =	vld [tilespmem:s0+$0xD050];
	v50 =	vmul.f32 v50, v32;
	v49 =	vmul.f32 v49, v33  }
0x1c5: {  	v61 =	vld [tilespmem:s0+$0xD020];
	v48 =	vmul.f32 v48, v32;
	v62 =	vmul.f32 v55, v33;
	v51 =	vadd.f32 v51, v52  }
0x1c6: {  	v60 =	vld [tilespmem:s0+$0xD040];
	v63 =	vmul.f32 v56, v32;
	v57 =	vmul.f32 v57, v33;
	v53 =	vadd.f32 v54, v53  }
0x1c7: {  	v47 =	vmul.f32 v47, v32;
	v58 =	vmul.f32 v58, v33;
	v52 =	vld [tilespmem:s0+$0xD030];
	v49 =	vadd.f32 v49, v50;
	[tilespmem:s0+$0x1430] =	vst v51  }
0x1c8: {  	v46 =	vmul.f32 v46, v32;
	v45 =	vmul.f32 v45, v32;
	v50 =	vld [tilespmem:s0+$0xD000];
	v48 =	vadd.f32 v62, v48;
	[tilespmem:s0+$0x1420] =	vst v53  }
0x1c9: {  	v44 =	vmul.f32 v44, v32;
	v62 =	vmul.f32 v59, v33;
	v47 =	vadd.f32 v58, v47;
	v58 =	vld [tilespmem:s0+$0xCC30];
	[tilespmem:s0+$0x1410] =	vst v49  }
0x1ca: {  	v43 =	vmul.f32 v43, v32;
	v59 =	vmul.f32 v61, v33;
	v51 =	vld [tilespmem:s0+$0xD010];
	v53 =	vadd.f32 v57, v63;
	[tilespmem:s0+$0x1400] =	vst v48  }
0x1cb: {  	v42 =	vmul.f32 v42, v32;
	v49 =	vld [tilespmem:s0+$0xCC70];
	v63 =	vmul.f32 v60, v33;
	v46 =	vadd.f32 v62, v46;
	[tilespmem:s0+$0x1060] =	vst v47  }
0x1cc: {  	v41 =	vmul.f32 v41, v32;
	v48 =	vld [tilespmem:s0+$0xCC60];
	v43 =	vadd.f32 v59, v43;
	[tilespmem:s0+$0x1070] =	vst v53;
	v52 =	vmul.f32 v52, v33  }
0x1cd: {  	v40 =	vmul.f32 v40, v32;
	v57 =	vld [tilespmem:s0+$0xCC40];
	v45 =	vadd.f32 v63, v45;
	[tilespmem:s0+$0x1050] =	vst v46;
	v50 =	vmul.f32 v50, v33  }
0x1ce: {  	v36 =	vmul.f32 v36, v32;
	v60 =	vld [tilespmem:s0+$0xCC20];
	[tilespmem:s0+$0x1020] =	vst v43;
	v46 =	vmul.f32 v58, v33;
	v44 =	vadd.f32 v52, v44  }
0x1cf: {  	v39 =	vmul.f32 v39, v32;
	v62 =	vld [tilespmem:s0+$0xCC00];
	[tilespmem:s0+$0x1040] =	vst v45;
	v51 =	vmul.f32 v51, v33;
	v41 =	vadd.f32 v50, v41  }
0x1d0: {  	v38 =	vmul.f32 v38, v32;
	v53 =	vld [tilespmem:s0+$0xCC50];
	v49 =	vmul.f32 v49, v33;
	v36 =	vadd.f32 v46, v36;
	[tilespmem:s0+$0x1030] =	vst v44  }
0x1d1: {  	v37 =	vmul.f32 v37, v32;
	v61 =	vld [tilespmem:s0+$0xCC10];
	v48 =	vmul.f32 v48, v33;
	v42 =	vadd.f32 v51, v42;
	[tilespmem:s0+$0x1000] =	vst v41  }
0x1d2: {  	v35 =	vmul.f32 v35, v32;
	v59 =	vld [tilespmem:s0+$0xC810];
	v47 =	vmul.f32 v57, v33;
	v40 =	vadd.f32 v49, v40;
	[tilespmem:s0+$0xC30] =	vst v36  }
0x1d3: {  	v34 =	vmul.f32 v34, v32;
	v63 =	vld [tilespmem:s0+$0xC870];
	v45 =	vmul.f32 v60, v33;
	v39 =	vadd.f32 v48, v39;
	[tilespmem:s0+$0x1010] =	vst v42  }
0x1d4: {  	v55 =	vld [tilespmem:s0+$0xC850];
	v31 =	vmul.f32 v31, v32;
	v43 =	vmul.f32 v62, v33;
	v37 =	vadd.f32 v47, v37;
	[tilespmem:s0+$0xC70] =	vst v40  }
0x1d5: {  	v30 =	vmul.f32 v30, v32;
	v52 =	vld [tilespmem:s0+$0xC860];
	v54 =	vmul.f32 v53, v33;
	v35 =	vadd.f32 v45, v35;
	[tilespmem:s0+$0xC60] =	vst v39  }
0x1d6: {  	v56 =	vld [tilespmem:s0+$0xC840];
	v29 =	vmul.f32 v29, v32;
	v44 =	vmul.f32 v61, v33;
	v31 =	vadd.f32 v43, v31;
	[tilespmem:s0+$0xC40] =	vst v37  }
0x1d7: {  	v24 =	vmul.f32 v24, v32;
	v58 =	vld [tilespmem:s0+$0xC820];
	v36 =	vmul.f32 v59, v33;
	v38 =	vadd.f32 v54, v38;
	[tilespmem:s0+$0xC20] =	vst v35  }
0x1d8: {  	v28 =	vmul.f32 v28, v32;
	v60 =	vld [tilespmem:s0+$0xC800];
	v34 =	vadd.f32 v44, v34;
	v42 =	vmul.f32 v63, v33;
	[tilespmem:s0+$0xC00] =	vst v31  }
0x1d9: {  	v27 =	vmul.f32 v27, v32;
	v57 =	vld [tilespmem:s0+$0xC830];
	v40 =	vmul.f32 v55, v33;
	v24 =	vadd.f32 v36, v24;
	[tilespmem:s0+$0xC50] =	vst v38  }
0x1da: {  	v26 =	vmul.f32 v26, v32;
	v61 =	vld [tilespmem:s0+$0xC470];
	v41 =	vmul.f32 v52, v33;
	[tilespmem:s0+$0xC10] =	vst v34;
	v30 =	vadd.f32 v42, v30  }
0x1db: {  	v25 =	vmul.f32 v25, v32;
	v39 =	vmul.f32 v56, v33;
	v28 =	vadd.f32 v40, v28;
	[tilespmem:s0+$0x810] =	vst v24  }
0x1dc: {  	v23 =	vmul.f32 v23, v32;
	v31 =	vld [tilespmem:s0+$0xC460];
	v37 =	vmul.f32 v58, v33;
	v29 =	vadd.f32 v41, v29;
	[tilespmem:s0+$0x870] =	vst v30  }
0x1dd: {  	v22 =	vmul.f32 v22, v32;
	v35 =	vmul.f32 v60, v33;
	v27 =	vadd.f32 v39, v27;
	v30 =	vld [tilespmem:s0+$0xC450];
	[tilespmem:s0+$0x850] =	vst v28  }
0x1de: {  	v10 =	vmul.f32 v10, v32;
	v38 =	vmul.f32 v57, v33;
	v25 =	vadd.f32 v37, v25;
	[tilespmem:s0+$0x860] =	vst v29;
	v29 =	vld [tilespmem:s0+$0xC440]  }
0x1df: {  	v9 =	vmul.f32 v9, v33;
	v34 =	vmul.f32 v61, v33;
	v23 =	vadd.f32 v35, v23;
	v28 =	vld [tilespmem:s0+$0xC430];
	[tilespmem:s0+$0x840] =	vst v27  }
0x1e0: {  	v21 =	vmul.f32 v21, v32;
	v26 =	vadd.f32 v38, v26;
	v27 =	vld [tilespmem:s0+$0xC420];
	[tilespmem:s0+$0x820] =	vst v25  }
0x1e1: {  	v9 =	vadd.f32 v9, v10;
	v10 =	vld [tilespmem:s0+$0xC000];
	v24 =	vmul.f32 v31, v33;
	v22 =	vadd.f32 v34, v22;
	[tilespmem:s0+$0x800] =	vst v23  }
0x1e2: {  	v20 =	vmul.f32 v20, v32;
	[tilespmem:s0+$0x830] =	vst v26;
	v26 =	vld [tilespmem:s0+$0xC410];
	v23 =	vmul.f32 v30, v33  }
0x1e3: {  	v19 =	vmul.f32 v19, v32;
	v25 =	vld [tilespmem:s0+$0xC400];
	v21 =	vadd.f32 v24, v21;
	[tilespmem:s0+$0x470] =	vst v22;
	v22 =	vmul.f32 v29, v33  }
0x1e4: {  	v18 =	vmul.f32 v18, v32;
	v31 =	vld [tilespmem:s0+$0xC070];
	v20 =	vadd.f32 v23, v20;
	v23 =	vmul.f32 v28, v33  }
0x1e5: {  	v17 =	vmul.f32 v17, v32;
	v24 =	vld [tilespmem:s0+$0xC060];
	[tilespmem:s0+$0x460] =	vst v21;
	v19 =	vadd.f32 v22, v19;
	v22 =	vmul.f32 v27, v33  }
0x1e6: {  	v12 =	vmul.f32 v12, v32;
	v11 =	vmul.f32 v11, v33;
	v21 =	vld [tilespmem:s0+$0xD440];
	[tilespmem:s0+$0x450] =	vst v20;
	v18 =	vadd.f32 v23, v18  }
0x1e7: {  	v16 =	vmul.f32 v16, v32;
	v20 =	vld [tilespmem:s0+$0xD450];
	v23 =	vmul.f32 v26, v33;
	[tilespmem:s0+$0x440] =	vst v19;
	v17 =	vadd.f32 v22, v17  }
0x1e8: {  	v15 =	vmul.f32 v15, v32;
	v11 =	vadd.f32 v11, v12;
	v19 =	vld [tilespmem:s0+$0xD460];
	[tilespmem:s0+$0x430] =	vst v18;
	v18 =	vmul.f32 v25, v33  }
0x1e9: {  	v14 =	vmul.f32 v14, v32;
	v22 =	vld [tilespmem:s0+$0xD470];
	v16 =	vadd.f32 v23, v16;
	[tilespmem:s0+$0x420] =	vst v17;
	v17 =	vmul.f32 v31, v33  }
0x1ea: {  	[tilespmem:s0+$0x50] =	vst v11;
	v15 =	vadd.f32 v18, v15;
	v18 =	vld [tilespmem:s0+$0x1440]  }
0x1eb: {  	v8 =	vmul.f32 v8, v32;
	v7 =	vmul.f32 v7, v33;
	[tilespmem:s0+$0x410] =	vst v16;
	v16 =	vld [tilespmem:s0+$0x1450];
	v14 =	vadd.f32 v17, v14  }
0x1ec: {  	v6 =	vmul.f32 v6, v32;
	v5 =	vmul.f32 v5, v33;
	[tilespmem:s0+$0x400] =	vst v15;
	v15 =	vld [tilespmem:s0+$0x1460]  }
0x1ed: {  	v3 =	vmul.f32 v3, v32;
	v4 =	vmul.f32 v4, v33;
	v7 =	vadd.f32 v7, v8;
	[tilespmem:s0+$0x70] =	vst v14;
	v14 =	vld [tilespmem:s0+$0x1470]  }
0x1ee: {  	v13 =	vmul.f32 v13, v32;
	v12 =	vld [tilespmem:s0+$0x0];
	v5 =	vadd.f32 v5, v6;
	[tilespmem:s0+$0x40] =	vst v9;
	v23 =	vmul.f32 v24, v33  }
0x1ef: {  	v3 =	vadd.f32 v4, v3;
	[tilespmem:s0+$0x30] =	vst v7;
	v6 =	vmul.f32 v21, v33;
	v8 =	vmul.f32 v18, v32  }
0x1f0: {  	[tilespmem:s0+$0x20] =	vst v5;
	v13 =	vadd.f32 v23, v13;
	v4 =	vmul.f32 v20, v33;
	v9 =	vmul.f32 v16, v32  }
0x1f1: {  	[tilespmem:s0+$0x10] =	vst v3;
	v7 =	vmul.f32 v15, v32;
	v5 =	vadd.f32 v6, v8;
	v6 =	vmul.f32 v19, v33  }
0x1f2: {  	[tilespmem:s0+$0x60] =	vst v13;
	v3 =	vadd.f32 v4, v9;
	v4 =	vmul.f32 v22, v33;
	v8 =	vmul.f32 v14, v32  }
0x1f3: {  	v10 =	vmul.f32 v10, v33;
	v9 =	vmul.f32 v12, v32;
	[tilespmem:s0+$0x1440] =	vst v5;
	v5 =	vadd.f32 v6, v7  }
0x1f4: {  	[tilespmem:s0+$0x1450] =	vst v3;
	v3 =	vadd.f32 v4, v8  }
0x1f5: {  	v4 =	vadd.f32 v10, v9;
	[tilespmem:s0+$0x1460] =	vst v5  }
0x1f6: {  	[tilespmem:s0+$0x1470] =	vst v3  }
0x1f7: {  	[tilespmem:s0+$0x0] =	vst v4  }
0x1f8: {  	[hbm4b:s10+s2] =	stream.linear.scatter [tilespmem:s2], [sflag:$0x1], $0x6000, $0x38;
	[tilespmem:$0x1C100] =	vst v63  }
0x1f9: {  	_ =	swait.ge [sflag:s28], $0x6000  }
0x1fa: {  	[sflag:s28] =	ssyncset.done $0x0  }
0x1fb: {  	s13 =	simm.s32 $0x4;
	[sflag:s28] =	ssyncadd.s32 $0xFFFFA000  }
0x1fc: {  	s15 =	simm.s32 $0x1000;
	s0 =	smul.u32 $0x1800, s13;
	_ =	swait.ge [sflag:s28], $0x6000  }
0x1fd: {  	s1 =	sand.u32 $0x380, s15;
	[sflag:s28] =	ssyncset.done $0x0  }
0x1fe: {  	s1 =	sor.u32 s1, s0;
	[sflag:s28] =	ssyncadd.s32 $0xFFFFA000  }
0x1ff: {  	v4 =	vld [tilespmem:s1+$0x10]  }
0x200: {  	v3 =	vld [tilespmem:s1+$0xC010]  }
0x201: {  	v6 =	vld [tilespmem:s1+$0x20]  }
0x202: {  	v5 =	vld [tilespmem:s1+$0xC020]  }
0x203: {  	v10 =	vld [tilespmem:s1+$0x30]  }
0x204: {  	v7 =	vld [tilespmem:s1+$0xC030]  }
0x205: {  	v12 =	vld [tilespmem:s1+$0x40]  }
0x206: {  	v11 =	vld [tilespmem:s1+$0xC040]  }
0x207: {  	v13 =	vld [tilespmem:s1+$0x60]  }
0x208: {  	v14 =	vld [tilespmem:s1+$0x70]  }
0x209: {  	v15 =	vld [tilespmem:s1+$0x400]  }
0x20a: {  	v16 =	vld [tilespmem:s1+$0x410]  }
0x20b: {  	v17 =	vld [tilespmem:s1+$0x420]  }
0x20c: {  	v18 =	vld [tilespmem:s1+$0x430]  }
0x20d: {  	v19 =	vld [tilespmem:s1+$0x440]  }
0x20e: {  	v20 =	vld [tilespmem:s1+$0x450]  }
0x20f: {  	v21 =	vld [tilespmem:s1+$0x460]  }
0x210: {  	v22 =	vld [tilespmem:s1+$0x470]  }
0x211: {  	v23 =	vld [tilespmem:s1+$0x800]  }
0x212: {  	v24 =	vld [tilespmem:s1+$0x810]  }
0x213: {  	v25 =	vld [tilespmem:s1+$0x820]  }
0x214: {  	v26 =	vld [tilespmem:s1+$0x830]  }
0x215: {  	v27 =	vld [tilespmem:s1+$0x840]  }
0x216: {  	v28 =	vld [tilespmem:s1+$0x850]  }
0x217: {  	v29 =	vld [tilespmem:s1+$0x860]  }
0x218: {  	v30 =	vld [tilespmem:s1+$0x870]  }
0x219: {  	v31 =	vld [tilespmem:s1+$0xC00]  }
0x21a: {  	v32 =	vld [tilespmem:s1+$0xC10]  }
0x21b: {  	v33 =	vld [tilespmem:s1+$0xC20]  }
0x21c: {  	v34 =	vld [tilespmem:s1+$0xC30]  }
0x21d: {  	v35 =	vld [tilespmem:s1+$0xC40]  }
0x21e: {  	v36 =	vld [tilespmem:s1+$0xC50]  }
0x21f: {  	v37 =	vld [tilespmem:s1+$0xC60]  }
0x220: {  	v38 =	vld [tilespmem:s1+$0xC70]  }
0x221: {  	v39 =	vld [tilespmem:s1+$0x1000]  }
0x222: {  	v40 =	vld [tilespmem:s1+$0x1010]  }
0x223: {  	v41 =	vld [tilespmem:s1+$0x1020]  }
0x224: {  	v42 =	vld [tilespmem:s1+$0x1030]  }
0x225: {  	v43 =	vld [tilespmem:s1+$0x1040]  }
0x226: {  	v44 =	vld [tilespmem:s1+$0x1050]  }
0x227: {  	v45 =	vld [tilespmem:s1+$0x1060]  }
0x228: {  	v46 =	vld [tilespmem:s1+$0x1400]  }
0x229: {  	v47 =	vld [tilespmem:s1+$0x1410]  }
0x22a: {  	v48 =	vld [tilespmem:s1+$0xD410]  }
0x22b: {  	v49 =	vld [tilespmem:s1+$0xD430]  }
0x22c: {  	v50 =	vld [tilespmem:s1+$0x1430]  }
0x22d: {  	s30 =	simm.s32 $0x19100;
	v51 =	vld [tilespmem:s1+$0x1420]  }
0x22e: {  	s31 =	simm.s32 $0x1B100;
	v8 =	vld [tilespmem:s30+$0x0]  }
0x22f: {  	v9 =	vld [tilespmem:s31+$0x0]  }
0x230: {  	v52 =	vld [tilespmem:s1+$0xD420]  }
0x231: {  	v62 =	vld [tilespmem:s1+$0xD400]  }
0x232: {  	v63 =	vld [tilespmem:s1+$0x1070]  }
0x233: {  	v60 =	vld [tilespmem:s1+$0xD070];
	v50 =	vmul.f32 v50, v8  }
0x234: {  	v61 =	vld [tilespmem:s1+$0xD060];
	v49 =	vmul.f32 v49, v9;
	v51 =	vmul.f32 v51, v8  }
0x235: {  	v57 =	vld [tilespmem:s1+$0xD050];
	v52 =	vmul.f32 v52, v9;
	v47 =	vmul.f32 v47, v8  }
0x236: {  	v58 =	vld [tilespmem:s1+$0xD040];
	v48 =	vmul.f32 v48, v9;
	v46 =	vmul.f32 v46, v8;
	v49 =	vadd.f32 v49, v50  }
0x237: {  	v53 =	vld [tilespmem:s1+$0xD030];
	v62 =	vmul.f32 v62, v9;
	v63 =	vmul.f32 v63, v8;
	v51 =	vadd.f32 v52, v51  }
0x238: {  	v56 =	vld [tilespmem:s1+$0xCC60];
	v59 =	vmul.f32 v60, v9;
	v45 =	vmul.f32 v45, v8;
	v47 =	vadd.f32 v48, v47;
	[tilespmem:s1+$0x1430] =	vst v49  }
0x239: {  	v55 =	vld [tilespmem:s1+$0xC870];
	v60 =	vmul.f32 v61, v9;
	v44 =	vmul.f32 v44, v8;
	v46 =	vadd.f32 v62, v46;
	[tilespmem:s1+$0x1420] =	vst v51  }
0x23a: {  	v61 =	vld [tilespmem:s1+$0xD000];
	v12 =	vmul.f32 v12, v8;
	v11 =	vmul.f32 v11, v9;
	v52 =	vadd.f32 v59, v63;
	[tilespmem:s1+$0x1410] =	vst v47  }
0x23b: {  	v10 =	vmul.f32 v10, v8;
	v7 =	vmul.f32 v7, v9;
	v48 =	vld [tilespmem:s1+$0xD020];
	v45 =	vadd.f32 v60, v45;
	[tilespmem:s1+$0x1400] =	vst v46  }
0x23c: {  	v62 =	vmul.f32 v57, v9;
	v63 =	vmul.f32 v58, v9;
	v58 =	vld [tilespmem:s1+$0xCC50];
	v11 =	vadd.f32 v11, v12;
	[tilespmem:s1+$0x1070] =	vst v52  }
0x23d: {  	v43 =	vmul.f32 v43, v8;
	v59 =	vld [tilespmem:s1+$0xCC40];
	v7 =	vadd.f32 v7, v10;
	[tilespmem:s1+$0x1060] =	vst v45  }
0x23e: {  	v42 =	vmul.f32 v42, v8;
	v57 =	vmul.f32 v53, v9;
	v60 =	vld [tilespmem:s1+$0xCC30];
	v44 =	vadd.f32 v62, v44;
	[tilespmem:s1+$0x40] =	vst v11  }
0x23f: {  	v37 =	vmul.f32 v37, v8;
	v53 =	vld [tilespmem:s1+$0xCC00];
	v43 =	vadd.f32 v63, v43;
	v46 =	vmul.f32 v56, v9;
	[tilespmem:s1+$0x30] =	vst v7  }
0x240: {  	v39 =	vmul.f32 v39, v8;
	v49 =	vld [tilespmem:s1+$0xD010];
	v42 =	vadd.f32 v57, v42;
	v61 =	vmul.f32 v61, v9;
	[tilespmem:s1+$0x1050] =	vst v44  }
0x241: {  	v41 =	vmul.f32 v41, v8;
	v47 =	vld [tilespmem:s1+$0xCC70];
	[tilespmem:s1+$0x1040] =	vst v43;
	v37 =	vadd.f32 v46, v37;
	v48 =	vmul.f32 v48, v9  }
0x242: {  	v36 =	vmul.f32 v36, v8;
	v62 =	vld [tilespmem:s1+$0xCC20];
	[tilespmem:s1+$0x1030] =	vst v42;
	v39 =	vadd.f32 v61, v39;
	v54 =	vmul.f32 v58, v9  }
0x243: {  	v35 =	vmul.f32 v35, v8;
	v63 =	vld [tilespmem:s1+$0xCC10];
	v45 =	vmul.f32 v59, v9;
	[tilespmem:s1+$0xC60] =	vst v37;
	v41 =	vadd.f32 v48, v41  }
0x244: {  	v34 =	vmul.f32 v34, v8;
	v56 =	vld [tilespmem:s1+$0xC860];
	v44 =	vmul.f32 v60, v9;
	[tilespmem:s1+$0x1000] =	vst v39;
	v36 =	vadd.f32 v54, v36  }
0x245: {  	v40 =	vmul.f32 v40, v8;
	v12 =	vld [tilespmem:s1+$0x1460];
	v49 =	vmul.f32 v49, v9;
	v35 =	vadd.f32 v45, v35;
	[tilespmem:s1+$0x1020] =	vst v41  }
0x246: {  	v38 =	vmul.f32 v38, v8;
	v58 =	vld [tilespmem:s1+$0xC840];
	v47 =	vmul.f32 v47, v9;
	v34 =	vadd.f32 v44, v34;
	[tilespmem:s1+$0xC50] =	vst v36  }
0x247: {  	v33 =	vmul.f32 v33, v8;
	v59 =	vld [tilespmem:s1+$0xC830];
	v43 =	vmul.f32 v62, v9;
	v40 =	vadd.f32 v49, v40;
	[tilespmem:s1+$0xC40] =	vst v35  }
0x248: {  	v32 =	vmul.f32 v32, v8;
	v57 =	vld [tilespmem:s1+$0xC850];
	v42 =	vmul.f32 v63, v9;
	v38 =	vadd.f32 v47, v38;
	[tilespmem:s1+$0xC30] =	vst v34  }
0x249: {  	v29 =	vmul.f32 v29, v8;
	v60 =	vld [tilespmem:s1+$0xC820];
	v39 =	vmul.f32 v56, v9;
	v33 =	vadd.f32 v43, v33;
	[tilespmem:s1+$0x1010] =	vst v40  }
0x24a: {  	v31 =	vmul.f32 v31, v8;
	v61 =	vld [tilespmem:s1+$0xC810];
	v41 =	vmul.f32 v53, v9;
	v32 =	vadd.f32 v42, v32;
	[tilespmem:s1+$0xC70] =	vst v38  }
0x24b: {  	v27 =	vmul.f32 v27, v8;
	v62 =	vld [tilespmem:s1+$0xC800];
	v29 =	vadd.f32 v39, v29;
	v37 =	vmul.f32 v58, v9;
	[tilespmem:s1+$0xC20] =	vst v33  }
0x24c: {  	v26 =	vmul.f32 v26, v8;
	v63 =	vld [tilespmem:s1+$0xC470];
	v36 =	vmul.f32 v59, v9;
	v31 =	vadd.f32 v41, v31;
	[tilespmem:s1+$0xC10] =	vst v32  }
0x24d: {  	v30 =	vmul.f32 v30, v8;
	v40 =	vmul.f32 v55, v9;
	[tilespmem:s1+$0x860] =	vst v29;
	v29 =	vld [tilespmem:s1+$0xC440];
	v27 =	vadd.f32 v37, v27  }
0x24e: {  	v25 =	vmul.f32 v25, v8;
	v35 =	vmul.f32 v60, v9;
	v26 =	vadd.f32 v36, v26;
	[tilespmem:s1+$0xC00] =	vst v31;
	v31 =	vld [tilespmem:s1+$0xC460]  }
0x24f: {  	v28 =	vmul.f32 v28, v8;
	v38 =	vmul.f32 v57, v9;
	v30 =	vadd.f32 v40, v30;
	[tilespmem:s1+$0x840] =	vst v27;
	v27 =	vld [tilespmem:s1+$0xC420]  }
0x250: {  	v23 =	vmul.f32 v23, v8;
	v33 =	vmul.f32 v62, v9;
	v25 =	vadd.f32 v35, v25;
	[tilespmem:s1+$0x830] =	vst v26;
	v26 =	vld [tilespmem:s1+$0xC410]  }
0x251: {  	v24 =	vmul.f32 v24, v8;
	v34 =	vmul.f32 v61, v9;
	v28 =	vadd.f32 v38, v28;
	[tilespmem:s1+$0x870] =	vst v30;
	v30 =	vld [tilespmem:s1+$0xC450]  }
0x252: {  	v22 =	vmul.f32 v22, v8;
	v32 =	vmul.f32 v63, v9;
	v23 =	vadd.f32 v33, v23;
	[tilespmem:s1+$0x820] =	vst v25;
	v25 =	vld [tilespmem:s1+$0xC400]  }
0x253: {  	v19 =	vmul.f32 v19, v8;
	v24 =	vadd.f32 v34, v24;
	[tilespmem:s1+$0x850] =	vst v28;
	v28 =	vld [tilespmem:s1+$0xC430];
	v29 =	vmul.f32 v29, v9  }
0x254: {  	v21 =	vmul.f32 v21, v8;
	v22 =	vadd.f32 v32, v22;
	[tilespmem:s1+$0x800] =	vst v23;
	v23 =	vld [tilespmem:s1+$0xC060];
	v31 =	vmul.f32 v31, v9  }
0x255: {  	v17 =	vmul.f32 v17, v8;
	[tilespmem:s1+$0x810] =	vst v24;
	v24 =	vld [tilespmem:s1+$0xC070];
	v19 =	vadd.f32 v29, v19;
	v27 =	vmul.f32 v27, v9  }
0x256: {  	v20 =	vmul.f32 v20, v8;
	[tilespmem:s1+$0x470] =	vst v22;
	v22 =	vld [tilespmem:s1+$0x50];
	v30 =	vmul.f32 v30, v9;
	v21 =	vadd.f32 v31, v21  }
0x257: {  	v15 =	vmul.f32 v15, v8;
	v25 =	vmul.f32 v25, v9;
	[tilespmem:s1+$0x440] =	vst v19;
	v19 =	vld [tilespmem:s1+$0xD450];
	v17 =	vadd.f32 v27, v17  }
0x258: {  	v18 =	vmul.f32 v18, v8;
	v28 =	vmul.f32 v28, v9;
	v20 =	vadd.f32 v30, v20;
	[tilespmem:s1+$0x460] =	vst v21;
	v21 =	vld [tilespmem:s1+$0xC050]  }
0x259: {  	v13 =	vmul.f32 v13, v8;
	v23 =	vmul.f32 v23, v9;
	v15 =	vadd.f32 v25, v15;
	[tilespmem:s1+$0x420] =	vst v17;
	v17 =	vld [tilespmem:s1+$0x1440]  }
0x25a: {  	v6 =	vmul.f32 v6, v8;
	v5 =	vmul.f32 v5, v9;
	v18 =	vadd.f32 v28, v18;
	[tilespmem:s1+$0x450] =	vst v20;
	v20 =	vld [tilespmem:s1+$0xD440]  }
0x25b: {  	v14 =	vmul.f32 v14, v8;
	v24 =	vmul.f32 v24, v9;
	v13 =	vadd.f32 v23, v13;
	[tilespmem:s1+$0x400] =	vst v15;
	v15 =	vld [tilespmem:s1+$0x1450]  }
0x25c: {  	v4 =	vmul.f32 v4, v8;
	v3 =	vmul.f32 v3, v9;
	v5 =	vadd.f32 v5, v6;
	[tilespmem:s1+$0x430] =	vst v18;
	v18 =	vld [tilespmem:s1+$0xD460]  }
0x25d: {  	v6 =	vld [tilespmem:s1+$0x0];
	v14 =	vadd.f32 v24, v14;
	v10 =	vmul.f32 v22, v8;
	[tilespmem:s1+$0x60] =	vst v13;
	v13 =	vmul.f32 v21, v9  }
0x25e: {  	s16 =	simm.s32 $0x4;
	v16 =	vmul.f32 v16, v8;
	v3 =	vadd.f32 v3, v4;
	v7 =	vld [tilespmem:s1+$0xC000];
	[tilespmem:s1+$0x20] =	vst v5;
	v26 =	vmul.f32 v26, v9  }
0x25f: {  	s13 =	simm.s32 $0x1080;
	s0 =	smul.u32 $0x1800, s16;
	[tilespmem:s1+$0x70] =	vst v14;
	v14 =	vld [tilespmem:s1+$0x1470];
	v11 =	vmul.f32 v17, v8;
	v17 =	vmul.f32 v20, v9;
	v4 =	vadd.f32 v13, v10  }
0x260: {  	s13 =	sand.u32 $0x380, s13;
	[tilespmem:s1+$0x10] =	vst v3;
	v16 =	vadd.f32 v26, v16;
	v5 =	vmul.f32 v15, v8;
	v10 =	vmul.f32 v19, v9  }
0x261: {  	s0 =	sor.u32 s13, s0;
	v11 =	vadd.f32 v17, v11;
	[tilespmem:s1+$0x50] =	vst v4;
	v4 =	vmul.f32 v12, v8;
	v12 =	vmul.f32 v18, v9  }
0x262: {  	v3 =	vld [tilespmem:s0+$0x10];
	[tilespmem:s1+$0x410] =	vst v16;
	v5 =	vadd.f32 v10, v5  }
0x263: {  	v7 =	vmul.f32 v7, v9;
	v16 =	vld [tilespmem:s1+$0xD470];
	[tilespmem:s1+$0x1440] =	vst v11;
	v12 =	vadd.f32 v12, v4  }
0x264: {  	v10 =	vmul.f32 v14, v8;
	v8 =	vmul.f32 v6, v8;
	v4 =	vld [tilespmem:s0+$0xC010];
	[tilespmem:s1+$0x1450] =	vst v5  }
0x265: {  	v6 =	vld [tilespmem:s0+$0x20];
	[tilespmem:s1+$0x1460] =	vst v12  }
0x266: {  	v7 =	vadd.f32 v7, v8;
	v5 =	vld [tilespmem:s0+$0xC020]  }
0x267: {  	v8 =	vld [tilespmem:s0+$0x30]  }
0x268: {  	[tilespmem:s1+$0x0] =	vst v7;
	v18 =	vld [tilespmem:s0+$0x430]  }
0x269: {  	v11 =	vmul.f32 v16, v9;
	v26 =	vld [tilespmem:s0+$0x830]  }
0x26a: {  	v36 =	vld [tilespmem:s0+$0xC30]  }
0x26b: {  	v9 =	vadd.f32 v11, v10;
	v44 =	vld [tilespmem:s0+$0x1030]  }
0x26c: {  	v48 =	vld [tilespmem:s0+$0x1400]  }
0x26d: {  	[tilespmem:s1+$0x1470] =	vst v9;
	v50 =	vld [tilespmem:s0+$0x1410]  }
0x26e: {  	v7 =	vld [tilespmem:s0+$0xC030]  }
0x26f: {  	v10 =	vld [tilespmem:s0+$0x40]  }
0x270: {  	v9 =	vld [tilespmem:s0+$0xC040]  }
0x271: {  	v12 =	vld [tilespmem:s0+$0x50]  }
0x272: {  	v11 =	vld [tilespmem:s0+$0xC050]  }
0x273: {  	v13 =	vld [tilespmem:s0+$0x60]  }
0x274: {  	v14 =	vld [tilespmem:s0+$0x70]  }
0x275: {  	v15 =	vld [tilespmem:s0+$0x400]  }
0x276: {  	v16 =	vld [tilespmem:s0+$0x410]  }
0x277: {  	v17 =	vld [tilespmem:s0+$0x420]  }
0x278: {  	v19 =	vld [tilespmem:s0+$0x440]  }
0x279: {  	v20 =	vld [tilespmem:s0+$0x450]  }
0x27a: {  	v21 =	vld [tilespmem:s0+$0x460]  }
0x27b: {  	v22 =	vld [tilespmem:s0+$0x470]  }
0x27c: {  	v23 =	vld [tilespmem:s0+$0x800]  }
0x27d: {  	v24 =	vld [tilespmem:s0+$0x810]  }
0x27e: {  	v25 =	vld [tilespmem:s0+$0x820]  }
0x27f: {  	v27 =	vld [tilespmem:s0+$0x840]  }
0x280: {  	v28 =	vld [tilespmem:s0+$0x850]  }
0x281: {  	v29 =	vld [tilespmem:s0+$0x860]  }
0x282: {  	v30 =	vld [tilespmem:s0+$0x870]  }
0x283: {  	v31 =	vld [tilespmem:s0+$0xC00]  }
0x284: {  	v34 =	vld [tilespmem:s0+$0xC10]  }
0x285: {  	v35 =	vld [tilespmem:s0+$0xC20]  }
0x286: {  	v37 =	vld [tilespmem:s0+$0xC40]  }
0x287: {  	v38 =	vld [tilespmem:s0+$0xC50]  }
0x288: {  	v39 =	vld [tilespmem:s0+$0xC60]  }
0x289: {  	v40 =	vld [tilespmem:s0+$0xC70]  }
0x28a: {  	v41 =	vld [tilespmem:s0+$0x1000]  }
0x28b: {  	v42 =	vld [tilespmem:s0+$0x1010]  }
0x28c: {  	v43 =	vld [tilespmem:s0+$0x1020]  }
0x28d: {  	v45 =	vld [tilespmem:s0+$0x1040]  }
0x28e: {  	v46 =	vld [tilespmem:s0+$0x1050]  }
0x28f: {  	v47 =	vld [tilespmem:s0+$0x1060]  }
0x290: {  	v49 =	vld [tilespmem:s0+$0xD410]  }
0x291: {  	s13 =	simm.s32 $0x1100;
	s1 =	simm.s32 $0x21;
	v51 =	vld [tilespmem:s0+$0xD430]  }
.LBB2_4:
0x292: {  	p0 =	sne.s32 s13, $0x1F80;
	v52 =	vld [tilespmem:s0+$0x1430]  }
0x293: {  	s30 =	sadd.s32 $0x80, s30;
	v53 =	vld [tilespmem:s0+$0x1420]  }
0x294: {  	s31 =	sadd.s32 $0x80, s31;
	v33 =	vld [tilespmem:s30+$0x0]  }
0x295: {  	v32 =	vld [tilespmem:s31+$0x0]  }
0x296: {  	v54 =	vld [tilespmem:s0+$0xD420]  }
0x297: {  	v55 =	vld [tilespmem:s0+$0xD400]  }
0x298: {  	v56 =	vld [tilespmem:s0+$0x1070]  }
0x299: {  	v57 =	vld [tilespmem:s0+$0xD070];
	v50 =	vmul.f32 v50, v33;
	v53 =	vmul.f32 v53, v33  }
0x29a: {  	v52 =	vmul.f32 v52, v33;
	v58 =	vld [tilespmem:s0+$0xD060];
	v51 =	vmul.f32 v51, v32  }
0x29b: {  	v49 =	vmul.f32 v49, v32;
	v59 =	vld [tilespmem:s0+$0xD050];
	v54 =	vmul.f32 v54, v32  }
0x29c: {  	v48 =	vmul.f32 v48, v33;
	v60 =	vld [tilespmem:s0+$0xD040];
	v55 =	vmul.f32 v55, v32;
	v51 =	vadd.f32 v51, v52  }
0x29d: {  	v49 =	vadd.f32 v49, v50;
	v52 =	vld [tilespmem:s0+$0xD030];
	v56 =	vmul.f32 v56, v33;
	v50 =	vadd.f32 v54, v53  }
0x29e: {  	v47 =	vmul.f32 v47, v33;
	v53 =	vld [tilespmem:s0+$0xD020];
	v54 =	vmul.f32 v57, v32;
	v48 =	vadd.f32 v55, v48;
	[tilespmem:s0+$0x1430] =	vst v51  }
0x29f: {  	v46 =	vmul.f32 v46, v33;
	v51 =	vld [tilespmem:s0+$0xD010];
	v55 =	vmul.f32 v58, v32;
	[tilespmem:s0+$0x1420] =	vst v50  }
0x2a0: {  	v45 =	vmul.f32 v45, v33;
	v50 =	vld [tilespmem:s0+$0xD000];
	v57 =	vmul.f32 v59, v32;
	v54 =	vadd.f32 v54, v56;
	[tilespmem:s0+$0x1410] =	vst v49  }
0x2a1: {  	v44 =	vmul.f32 v44, v33;
	v49 =	vld [tilespmem:s0+$0xCC70];
	v56 =	vmul.f32 v60, v32;
	v47 =	vadd.f32 v55, v47;
	[tilespmem:s0+$0x1400] =	vst v48  }
0x2a2: {  	v43 =	vmul.f32 v43, v33;
	v48 =	vld [tilespmem:s0+$0xCC60];
	v52 =	vmul.f32 v52, v32;
	v46 =	vadd.f32 v57, v46;
	[tilespmem:s0+$0x1070] =	vst v54  }
0x2a3: {  	v42 =	vmul.f32 v42, v33;
	v54 =	vld [tilespmem:s0+$0xCC50];
	v53 =	vmul.f32 v53, v32;
	v45 =	vadd.f32 v56, v45;
	[tilespmem:s0+$0x1060] =	vst v47  }
0x2a4: {  	v41 =	vmul.f32 v41, v33;
	v47 =	vld [tilespmem:s0+$0xCC40];
	v51 =	vmul.f32 v51, v32;
	v44 =	vadd.f32 v52, v44;
	[tilespmem:s0+$0x1050] =	vst v46  }
0x2a5: {  	v40 =	vmul.f32 v40, v33;
	v46 =	vld [tilespmem:s0+$0xCC30];
	v50 =	vmul.f32 v50, v32;
	v43 =	vadd.f32 v53, v43;
	[tilespmem:s0+$0x1040] =	vst v45  }
0x2a6: {  	v39 =	vmul.f32 v39, v33;
	v45 =	vld [tilespmem:s0+$0xCC20];
	v49 =	vmul.f32 v49, v32;
	v42 =	vadd.f32 v51, v42;
	[tilespmem:s0+$0x1030] =	vst v44  }
0x2a7: {  	v38 =	vmul.f32 v38, v33;
	v44 =	vld [tilespmem:s0+$0xCC10];
	v48 =	vmul.f32 v48, v32;
	v41 =	vadd.f32 v50, v41;
	[tilespmem:s0+$0x1020] =	vst v43  }
0x2a8: {  	v37 =	vmul.f32 v37, v33;
	v43 =	vld [tilespmem:s0+$0xCC00];
	v50 =	vmul.f32 v54, v32;
	v40 =	vadd.f32 v49, v40;
	[tilespmem:s0+$0x1010] =	vst v42  }
0x2a9: {  	v36 =	vmul.f32 v36, v33;
	v42 =	vld [tilespmem:s0+$0xC870];
	v47 =	vmul.f32 v47, v32;
	v39 =	vadd.f32 v48, v39;
	[tilespmem:s0+$0x1000] =	vst v41  }
0x2aa: {  	v35 =	vmul.f32 v35, v33;
	v41 =	vld [tilespmem:s0+$0xC860];
	v46 =	vmul.f32 v46, v32;
	v38 =	vadd.f32 v50, v38;
	[tilespmem:s0+$0xC70] =	vst v40  }
0x2ab: {  	v34 =	vmul.f32 v34, v33;
	v40 =	vld [tilespmem:s0+$0xC850];
	v45 =	vmul.f32 v45, v32;
	v37 =	vadd.f32 v47, v37;
	[tilespmem:s0+$0xC60] =	vst v39  }
0x2ac: {  	v31 =	vmul.f32 v31, v33;
	v39 =	vld [tilespmem:s0+$0xC840];
	v44 =	vmul.f32 v44, v32;
	v36 =	vadd.f32 v46, v36;
	[tilespmem:s0+$0xC50] =	vst v38  }
0x2ad: {  	v30 =	vmul.f32 v30, v33;
	v38 =	vld [tilespmem:s0+$0xC830];
	v43 =	vmul.f32 v43, v32;
	v35 =	vadd.f32 v45, v35;
	[tilespmem:s0+$0xC40] =	vst v37  }
0x2ae: {  	v29 =	vmul.f32 v29, v33;
	v37 =	vld [tilespmem:s0+$0xC820];
	v42 =	vmul.f32 v42, v32;
	v34 =	vadd.f32 v44, v34;
	[tilespmem:s0+$0xC30] =	vst v36  }
0x2af: {  	v28 =	vmul.f32 v28, v33;
	v36 =	vld [tilespmem:s0+$0xC810];
	v41 =	vmul.f32 v41, v32;
	v31 =	vadd.f32 v43, v31;
	[tilespmem:s0+$0xC20] =	vst v35  }
0x2b0: {  	v27 =	vmul.f32 v27, v33;
	v35 =	vld [tilespmem:s0+$0xC800];
	v40 =	vmul.f32 v40, v32;
	v30 =	vadd.f32 v42, v30;
	[tilespmem:s0+$0xC10] =	vst v34  }
0x2b1: {  	v26 =	vmul.f32 v26, v33;
	v34 =	vld [tilespmem:s0+$0xC470];
	v39 =	vmul.f32 v39, v32;
	v29 =	vadd.f32 v41, v29;
	[tilespmem:s0+$0xC00] =	vst v31  }
0x2b2: {  	v25 =	vmul.f32 v25, v33;
	v31 =	vld [tilespmem:s0+$0xC460];
	v38 =	vmul.f32 v38, v32;
	v28 =	vadd.f32 v40, v28;
	[tilespmem:s0+$0x870] =	vst v30  }
0x2b3: {  	v24 =	vmul.f32 v24, v33;
	v30 =	vld [tilespmem:s0+$0xC450];
	v37 =	vmul.f32 v37, v32;
	v27 =	vadd.f32 v39, v27;
	[tilespmem:s0+$0x860] =	vst v29  }
0x2b4: {  	v23 =	vmul.f32 v23, v33;
	v29 =	vld [tilespmem:s0+$0xC440];
	v36 =	vmul.f32 v36, v32;
	v26 =	vadd.f32 v38, v26;
	[tilespmem:s0+$0x850] =	vst v28  }
0x2b5: {  	v22 =	vmul.f32 v22, v33;
	v28 =	vld [tilespmem:s0+$0xC430];
	v35 =	vmul.f32 v35, v32;
	v25 =	vadd.f32 v37, v25;
	[tilespmem:s0+$0x840] =	vst v27  }
0x2b6: {  	v21 =	vmul.f32 v21, v33;
	v27 =	vld [tilespmem:s0+$0xC420];
	v34 =	vmul.f32 v34, v32;
	v24 =	vadd.f32 v36, v24;
	[tilespmem:s0+$0x830] =	vst v26  }
0x2b7: {  	v20 =	vmul.f32 v20, v33;
	v26 =	vld [tilespmem:s0+$0xC410];
	v31 =	vmul.f32 v31, v32;
	v23 =	vadd.f32 v35, v23;
	[tilespmem:s0+$0x820] =	vst v25  }
0x2b8: {  	v19 =	vmul.f32 v19, v33;
	v25 =	vld [tilespmem:s0+$0xC400];
	v30 =	vmul.f32 v30, v32;
	v22 =	vadd.f32 v34, v22;
	[tilespmem:s0+$0x810] =	vst v24  }
0x2b9: {  	v18 =	vmul.f32 v18, v33;
	v24 =	vld [tilespmem:s0+$0xC070];
	v29 =	vmul.f32 v29, v32;
	v21 =	vadd.f32 v31, v21;
	[tilespmem:s0+$0x800] =	vst v23  }
0x2ba: {  	v17 =	vmul.f32 v17, v33;
	v23 =	vld [tilespmem:s0+$0xC060];
	v28 =	vmul.f32 v28, v32;
	v20 =	vadd.f32 v30, v20;
	[tilespmem:s0+$0x470] =	vst v22  }
0x2bb: {  	v16 =	vmul.f32 v16, v33;
	v22 =	vmul.f32 v27, v32;
	v19 =	vadd.f32 v29, v19;
	[tilespmem:s0+$0x460] =	vst v21;
	v21 =	vld [tilespmem:s0+$0xD440]  }
0x2bc: {  	v15 =	vmul.f32 v15, v33;
	v26 =	vmul.f32 v26, v32;
	v18 =	vadd.f32 v28, v18;
	[tilespmem:s0+$0x450] =	vst v20;
	v20 =	vld [tilespmem:s0+$0xD450]  }
0x2bd: {  	v14 =	vmul.f32 v14, v33;
	v25 =	vmul.f32 v25, v32;
	v17 =	vadd.f32 v22, v17;
	[tilespmem:s0+$0x440] =	vst v19;
	v19 =	vld [tilespmem:s0+$0xD460]  }
0x2be: {  	v13 =	vmul.f32 v13, v33;
	v22 =	vmul.f32 v24, v32;
	v16 =	vadd.f32 v26, v16;
	[tilespmem:s0+$0x430] =	vst v18;
	v18 =	vld [tilespmem:s0+$0xD470]  }
0x2bf: {  	v12 =	vmul.f32 v12, v33;
	v23 =	vmul.f32 v23, v32;
	v15 =	vadd.f32 v25, v15;
	[tilespmem:s0+$0x420] =	vst v17;
	v17 =	vld [tilespmem:s0+$0x1440]  }
0x2c0: {  	v10 =	vmul.f32 v10, v33;
	v11 =	vmul.f32 v11, v32;
	v14 =	vadd.f32 v22, v14;
	[tilespmem:s0+$0x410] =	vst v16;
	v16 =	vld [tilespmem:s0+$0x1450]  }
0x2c1: {  	v8 =	vmul.f32 v8, v33;
	v9 =	vmul.f32 v9, v32;
	v13 =	vadd.f32 v23, v13;
	[tilespmem:s0+$0x400] =	vst v15;
	v15 =	vld [tilespmem:s0+$0x1460]  }
0x2c2: {  	v6 =	vmul.f32 v6, v33;
	v7 =	vmul.f32 v7, v32;
	v11 =	vadd.f32 v11, v12;
	[tilespmem:s0+$0x70] =	vst v14;
	v12 =	vld [tilespmem:s0+$0x1470]  }
0x2c3: {  	v3 =	vmul.f32 v3, v33;
	v5 =	vmul.f32 v5, v32;
	v9 =	vadd.f32 v9, v10;
	v14 =	vld [tilespmem:s0+$0x0];
	[tilespmem:s0+$0x60] =	vst v13  }
0x2c4: {  	s1 =	sadd.s32 $0x1, s1;
	v4 =	vmul.f32 v4, v32;
	v7 =	vadd.f32 v7, v8;
	v10 =	vld [tilespmem:s0+$0xC000];
	[tilespmem:s0+$0x50] =	vst v11;
	v8 =	vmul.f32 v17, v33  }
0x2c5: {  	s15 =	sshrl.u32 s1, $0x3;
	v5 =	vadd.f32 v5, v6;
	v6 =	vmul.f32 v21, v32;
	[tilespmem:s0+$0x40] =	vst v9;
	v9 =	vmul.f32 v16, v33  }
0x2c6: {  	s15 =	smul.u32 $0x1800, s15;
	v3 =	vadd.f32 v4, v3;
	v4 =	vmul.f32 v20, v32;
	[tilespmem:s0+$0x30] =	vst v7;
	v7 =	vmul.f32 v15, v33  }
0x2c7: {  	s16 =	sand.u32 $0x380, s13;
	[tilespmem:s0+$0x20] =	vst v5;
	v5 =	vadd.f32 v6, v8;
	v6 =	vmul.f32 v19, v32;
	v8 =	vmul.f32 v12, v33  }
0x2c8: {  	s15 =	sor.u32 s16, s15;
	v9 =	vadd.f32 v4, v9;
	v12 =	vmul.f32 v18, v32;
	v11 =	vmul.f32 v14, v33;
	[tilespmem:s0+$0x10] =	vst v3  }
0x2c9: {  	v3 =	vld [tilespmem:s15+$0x10];
	v10 =	vmul.f32 v10, v32;
	[tilespmem:s0+$0x1440] =	vst v5;
	v5 =	vadd.f32 v6, v7  }
0x2ca: {  	v7 =	vadd.f32 v12, v8;
	v4 =	vld [tilespmem:s15+$0xC010];
	[tilespmem:s0+$0x1450] =	vst v9  }
0x2cb: {  	v6 =	vld [tilespmem:s15+$0x20];
	v9 =	vadd.f32 v10, v11;
	[tilespmem:s0+$0x1460] =	vst v5  }
0x2cc: {  	v5 =	vld [tilespmem:s15+$0xC020];
	[tilespmem:s0+$0x1470] =	vst v7  }
0x2cd: {  	v8 =	vld [tilespmem:s15+$0x30];
	[tilespmem:s0+$0x0] =	vst v9;
	s0 =	smov.u32 s15  }
0x2ce: {  	v7 =	vld [tilespmem:s0+$0xC030]  }
0x2cf: {  	v10 =	vld [tilespmem:s0+$0x40]  }
0x2d0: {  	v9 =	vld [tilespmem:s0+$0xC040]  }
0x2d1: {  	v12 =	vld [tilespmem:s0+$0x50]  }
0x2d2: {  	v11 =	vld [tilespmem:s0+$0xC050]  }
0x2d3: {  	v13 =	vld [tilespmem:s0+$0x60]  }
0x2d4: {  	v14 =	vld [tilespmem:s0+$0x70]  }
0x2d5: {  	v15 =	vld [tilespmem:s0+$0x400]  }
0x2d6: {  	v16 =	vld [tilespmem:s0+$0x410]  }
0x2d7: {  	v17 =	vld [tilespmem:s0+$0x420]  }
0x2d8: {  	v18 =	vld [tilespmem:s0+$0x430]  }
0x2d9: {  	v19 =	vld [tilespmem:s0+$0x440]  }
0x2da: {  	v20 =	vld [tilespmem:s0+$0x450]  }
0x2db: {  	v21 =	vld [tilespmem:s0+$0x460]  }
0x2dc: {  	v22 =	vld [tilespmem:s0+$0x470]  }
0x2dd: {  	v23 =	vld [tilespmem:s0+$0x800]  }
0x2de: {  	v24 =	vld [tilespmem:s0+$0x810]  }
0x2df: {  	v25 =	vld [tilespmem:s0+$0x820]  }
0x2e0: {  	v26 =	vld [tilespmem:s0+$0x830]  }
0x2e1: {  	v27 =	vld [tilespmem:s0+$0x840]  }
0x2e2: {  	v28 =	vld [tilespmem:s0+$0x850]  }
0x2e3: {  	v29 =	vld [tilespmem:s0+$0x860]  }
0x2e4: {  	v30 =	vld [tilespmem:s0+$0x870]  }
0x2e5: {  	v31 =	vld [tilespmem:s0+$0xC00]  }
0x2e6: {  	v34 =	vld [tilespmem:s0+$0xC10]  }
0x2e7: {  	v35 =	vld [tilespmem:s0+$0xC20]  }
0x2e8: {  	v36 =	vld [tilespmem:s0+$0xC30]  }
0x2e9: {  	v37 =	vld [tilespmem:s0+$0xC40]  }
0x2ea: {  	v38 =	vld [tilespmem:s0+$0xC50]  }
0x2eb: {  	v39 =	vld [tilespmem:s0+$0xC60]  }
0x2ec: {  	v40 =	vld [tilespmem:s0+$0xC70]  }
0x2ed: {  	v41 =	vld [tilespmem:s0+$0x1000]  }
0x2ee: {  	v42 =	vld [tilespmem:s0+$0x1010]  }
0x2ef: {  	v43 =	vld [tilespmem:s0+$0x1020]  }
0x2f0: {  	v44 =	vld [tilespmem:s0+$0x1030]  }
0x2f1: {  	v45 =	vld [tilespmem:s0+$0x1040]  }
0x2f2: {  	v46 =	vld [tilespmem:s0+$0x1050]  }
.Ltmp1:
0x2f3: {  	v47 =	vld [tilespmem:s0+$0x1060];
	(pc) =	sbr.rel @p0 .LBB2_4-.Ltmp1, $4  }
0x2f4: {  	v48 =	vld [tilespmem:s0+$0x1400]  }
0x2f5: {  	v50 =	vld [tilespmem:s0+$0x1410]  }
0x2f6: {  	v49 =	vld [tilespmem:s0+$0xD410]  }
0x2f7: {  	s13 =	sadd.s32 $0x80, s13;
	v51 =	vld [tilespmem:s0+$0xD430]  }
0x2f8: {  	v52 =	vld [tilespmem:s0+$0x1430]  }
0x2f9: {  	v53 =	vld [tilespmem:s0+$0x1420];
	s1 =	sadd.s32 $0x80, s30  }
0x2fa: {  	s31 =	sadd.s32 $0x80, s31;
	v32 =	vld [tilespmem:s1+$0x0]  }
0x2fb: {  	v33 =	vld [tilespmem:s31+$0x0]  }
0x2fc: {  	v54 =	vld [tilespmem:s0+$0xD420];
	_ =	sdelay $0x1  }
0x2fd: {  	v55 =	vld [tilespmem:s0+$0xD400]  }
0x2fe: {  	v56 =	vld [tilespmem:s0+$0x1070]  }
0x2ff: {  	v58 =	vld [tilespmem:s0+$0xD060];
	v52 =	vmul.f32 v52, v32;
	v51 =	vmul.f32 v51, v33  }
0x300: {  	v57 =	vld [tilespmem:s0+$0xD070];
	v53 =	vmul.f32 v53, v32;
	v54 =	vmul.f32 v54, v33  }
0x301: {  	v59 =	vld [tilespmem:s0+$0xD050];
	v50 =	vmul.f32 v50, v32;
	v49 =	vmul.f32 v49, v33  }
0x302: {  	v60 =	vld [tilespmem:s0+$0xD040];
	v48 =	vmul.f32 v48, v32;
	v62 =	vmul.f32 v55, v33;
	v51 =	vadd.f32 v51, v52  }
0x303: {  	v61 =	vld [tilespmem:s0+$0xD020];
	v63 =	vmul.f32 v56, v32;
	v47 =	vmul.f32 v47, v32;
	v53 =	vadd.f32 v54, v53  }
0x304: {  	v58 =	vmul.f32 v58, v33;
	v55 =	vld [tilespmem:s0+$0xC460];
	v12 =	vmul.f32 v12, v32;
	v49 =	vadd.f32 v49, v50;
	[tilespmem:s0+$0x1430] =	vst v51  }
0x305: {  	v56 =	vld [tilespmem:s0+$0xC450];
	v11 =	vmul.f32 v11, v33;
	v10 =	vmul.f32 v10, v32;
	v48 =	vadd.f32 v62, v48;
	[tilespmem:s0+$0x1420] =	vst v53  }
0x306: {  	v9 =	vmul.f32 v9, v33;
	v8 =	vmul.f32 v8, v32;
	v52 =	vld [tilespmem:s0+$0xD030];
	v47 =	vadd.f32 v58, v47;
	[tilespmem:s0+$0x1410] =	vst v49  }
0x307: {  	v7 =	vmul.f32 v7, v33;
	v6 =	vmul.f32 v6, v32;
	v50 =	vld [tilespmem:s0+$0xD000];
	v11 =	vadd.f32 v11, v12;
	[tilespmem:s0+$0x1400] =	vst v48  }
0x308: {  	v5 =	vmul.f32 v5, v33;
	v3 =	vmul.f32 v3, v32;
	v58 =	vld [tilespmem:s0+$0xCC20];
	v9 =	vadd.f32 v9, v10;
	[tilespmem:s0+$0x1060] =	vst v47  }
0x309: {  	v4 =	vmul.f32 v4, v33;
	v62 =	vmul.f32 v59, v33;
	v59 =	vld [tilespmem:s0+$0xCC10];
	v7 =	vadd.f32 v7, v8;
	[tilespmem:s0+$0x50] =	vst v11  }
0x30a: {  	v57 =	vmul.f32 v57, v33;
	v54 =	vld [tilespmem:s0+$0xC470];
	v5 =	vadd.f32 v5, v6;
	[tilespmem:s0+$0x40] =	vst v9  }
0x30b: {  	v46 =	vmul.f32 v46, v32;
	v3 =	vadd.f32 v4, v3;
	v51 =	vld [tilespmem:s0+$0xD010];
	[tilespmem:s0+$0x30] =	vst v7  }
0x30c: {  	v45 =	vmul.f32 v45, v32;
	v49 =	vld [tilespmem:s0+$0xCC70];
	v53 =	vadd.f32 v57, v63;
	v63 =	vmul.f32 v60, v33;
	[tilespmem:s0+$0x20] =	vst v5  }
0x30d: {  	v43 =	vmul.f32 v43, v32;
	v48 =	vld [tilespmem:s0+$0xCC60];
	v46 =	vadd.f32 v62, v46;
	v57 =	vmul.f32 v61, v33;
	[tilespmem:s0+$0x10] =	vst v3  }
0x30e: {  	v44 =	vmul.f32 v44, v32;
	v47 =	vld [tilespmem:s0+$0xCC40];
	[tilespmem:s0+$0x1070] =	vst v53;
	v45 =	vadd.f32 v63, v45;
	v52 =	vmul.f32 v52, v33  }
0x30f: {  	v41 =	vmul.f32 v41, v32;
	v60 =	vld [tilespmem:s0+$0xCC00];
	[tilespmem:s0+$0x1050] =	vst v46;
	v43 =	vadd.f32 v57, v43;
	v50 =	vmul.f32 v50, v33  }
0x310: {  	v35 =	vmul.f32 v35, v32;
	v61 =	vld [tilespmem:s0+$0xC870];
	[tilespmem:s0+$0x1040] =	vst v45;
	v45 =	vmul.f32 v58, v33;
	v44 =	vadd.f32 v52, v44  }
0x311: {  	v42 =	vmul.f32 v42, v32;
	v53 =	vld [tilespmem:s0+$0xCC50];
	[tilespmem:s0+$0x1020] =	vst v43;
	v51 =	vmul.f32 v51, v33;
	v41 =	vadd.f32 v50, v41  }
0x312: {  	v40 =	vmul.f32 v40, v32;
	v46 =	vld [tilespmem:s0+$0xCC30];
	v49 =	vmul.f32 v49, v33;
	v35 =	vadd.f32 v45, v35;
	[tilespmem:s0+$0x1030] =	vst v44  }
0x313: {  	v39 =	vmul.f32 v39, v32;
	v62 =	vld [tilespmem:s0+$0xC860];
	v48 =	vmul.f32 v48, v33;
	v42 =	vadd.f32 v51, v42;
	[tilespmem:s0+$0x1000] =	vst v41  }
0x314: {  	v37 =	vmul.f32 v37, v32;
	v57 =	vld [tilespmem:s0+$0xC440];
	v47 =	vmul.f32 v47, v33;
	v40 =	vadd.f32 v49, v40;
	[tilespmem:s0+$0xC20] =	vst v35  }
0x315: {  	v31 =	vmul.f32 v31, v32;
	v58 =	vld [tilespmem:s0+$0xC430];
	v43 =	vmul.f32 v60, v33;
	v39 =	vadd.f32 v48, v39;
	[tilespmem:s0+$0x1010] =	vst v42  }
0x316: {  	v38 =	vmul.f32 v38, v32;
	v50 =	vld [tilespmem:s0+$0xC830];
	v63 =	vmul.f32 v53, v33;
	v37 =	vadd.f32 v47, v37;
	[tilespmem:s0+$0xC70] =	vst v40  }
0x317: {  	v36 =	vmul.f32 v36, v32;
	v60 =	vld [tilespmem:s0+$0xC410];
	v46 =	vmul.f32 v46, v33;
	v31 =	vadd.f32 v43, v31;
	[tilespmem:s0+$0xC60] =	vst v39  }
0x318: {  	v34 =	vmul.f32 v34, v32;
	v52 =	vld [tilespmem:s0+$0xC810];
	v44 =	vmul.f32 v59, v33;
	v38 =	vadd.f32 v63, v38;
	[tilespmem:s0+$0xC40] =	vst v37  }
0x319: {  	v29 =	vmul.f32 v29, v32;
	v45 =	vld [tilespmem:s0+$0x1440];
	v41 =	vmul.f32 v62, v33;
	v36 =	vadd.f32 v46, v36;
	[tilespmem:s0+$0xC00] =	vst v31  }
0x31a: {  	v21 =	vmul.f32 v21, v32;
	v48 =	vld [tilespmem:s0+$0xC850];
	v62 =	vmul.f32 v55, v33;
	v34 =	vadd.f32 v44, v34;
	[tilespmem:s0+$0xC50] =	vst v38  }
0x31b: {  	v30 =	vmul.f32 v30, v32;
	v49 =	vld [tilespmem:s0+$0xC840];
	v42 =	vmul.f32 v61, v33;
	v29 =	vadd.f32 v41, v29;
	[tilespmem:s0+$0xC30] =	vst v36  }
0x31c: {  	v16 =	vmul.f32 v16, v32;
	v51 =	vld [tilespmem:s0+$0xC820];
	v21 =	vadd.f32 v62, v21;
	v41 =	vmul.f32 v60, v33;
	[tilespmem:s0+$0xC10] =	vst v34  }
0x31d: {  	v26 =	vmul.f32 v26, v32;
	v53 =	vld [tilespmem:s0+$0xC800];
	v30 =	vadd.f32 v42, v30;
	[tilespmem:s0+$0x860] =	vst v29;
	v38 =	vmul.f32 v50, v33  }
0x31e: {  	v24 =	vmul.f32 v24, v32;
	v59 =	vld [tilespmem:s0+$0xC420];
	v36 =	vmul.f32 v52, v33;
	[tilespmem:s0+$0x460] =	vst v21;
	v16 =	vadd.f32 v41, v16  }
0x31f: {  	v22 =	vmul.f32 v22, v32;
	v43 =	vld [tilespmem:s0+$0xD470];
	v34 =	vmul.f32 v54, v33;
	[tilespmem:s0+$0x870] =	vst v30;
	v26 =	vadd.f32 v38, v26  }
0x320: {  	v28 =	vmul.f32 v28, v32;
	v61 =	vld [tilespmem:s0+$0xC400];
	v40 =	vmul.f32 v48, v33;
	v24 =	vadd.f32 v36, v24;
	[tilespmem:s0+$0x410] =	vst v16  }
0x321: {  	v27 =	vmul.f32 v27, v32;
	v63 =	vld [tilespmem:s0+$0xC070];
	v39 =	vmul.f32 v49, v33;
	v22 =	vadd.f32 v34, v22;
	[tilespmem:s0+$0x830] =	vst v26  }
0x322: {  	v25 =	vmul.f32 v25, v32;
	v46 =	vld [tilespmem:s0+$0x1450];
	v37 =	vmul.f32 v51, v33;
	v28 =	vadd.f32 v40, v28;
	[tilespmem:s0+$0x810] =	vst v24  }
0x323: {  	v23 =	vmul.f32 v23, v32;
	v50 =	vld [tilespmem:s0+$0xC000];
	v35 =	vmul.f32 v53, v33;
	v27 =	vadd.f32 v39, v27;
	[tilespmem:s0+$0x470] =	vst v22  }
0x324: {  	v20 =	vmul.f32 v20, v32;
	v48 =	vld [tilespmem:s0+$0x1460];
	v30 =	vmul.f32 v56, v33;
	v25 =	vadd.f32 v37, v25;
	[tilespmem:s0+$0x850] =	vst v28  }
0x325: {  	v19 =	vmul.f32 v19, v32;
	v51 =	vld [tilespmem:s0+$0x0];
	v23 =	vadd.f32 v35, v23;
	v35 =	vmul.f32 v57, v33;
	[tilespmem:s0+$0x840] =	vst v27  }
0x326: {  	v18 =	vmul.f32 v18, v32;
	v34 =	vld [tilespmem:s0+$0xC060];
	v37 =	vmul.f32 v58, v33;
	v20 =	vadd.f32 v30, v20;
	[tilespmem:s0+$0x820] =	vst v25  }
0x327: {  	v17 =	vmul.f32 v17, v32;
	v36 =	vld [tilespmem:s0+$0xD440];
	v39 =	vmul.f32 v59, v33;
	[tilespmem:s0+$0x800] =	vst v23;
	v19 =	vadd.f32 v35, v19  }
0x328: {  	v15 =	vmul.f32 v15, v32;
	v38 =	vld [tilespmem:s0+$0xD450];
	v42 =	vmul.f32 v61, v33;
	v18 =	vadd.f32 v37, v18;
	[tilespmem:s0+$0x450] =	vst v20  }
0x329: {  	v14 =	vmul.f32 v14, v32;
	v40 =	vld [tilespmem:s0+$0xD460];
	v44 =	vmul.f32 v63, v33;
	v17 =	vadd.f32 v39, v17;
	[tilespmem:s0+$0x440] =	vst v19  }
0x32a: {  	v49 =	vld [tilespmem:s0+$0x1470];
	v15 =	vadd.f32 v42, v15;
	v10 =	vmul.f32 v50, v33;
	v61 =	vmul.f32 v51, v32;
	[tilespmem:s0+$0x430] =	vst v18  }
0x32b: {  	v13 =	vmul.f32 v13, v32;
	v14 =	vadd.f32 v44, v14;
	[tilespmem:s0+$0x420] =	vst v17;
	v47 =	vmul.f32 v34, v33  }
0x32c: {  	v52 =	vmul.f32 v45, v32;
	[tilespmem:s0+$0x400] =	vst v15;
	v53 =	vmul.f32 v36, v33;
	v63 =	vadd.f32 v10, v61  }
0x32d: {  	v54 =	vmul.f32 v46, v32;
	[tilespmem:s0+$0x70] =	vst v14;
	v55 =	vmul.f32 v38, v33;
	v13 =	vadd.f32 v47, v13  }
0x32e: {  	v56 =	vmul.f32 v48, v32;
	v58 =	vmul.f32 v40, v33;
	v57 =	vadd.f32 v53, v52;
	[tilespmem:s0+$0x0] =	vst v63  }
0x32f: {  	v60 =	vmul.f32 v43, v33;
	v59 =	vmul.f32 v49, v32;
	v3 =	vadd.f32 v55, v54;
	[tilespmem:s0+$0x60] =	vst v13  }
0x330: {  	v62 =	vadd.f32 v58, v56;
	[tilespmem:s0+$0x1440] =	vst v57  }
0x331: {  	[tilespmem:s0+$0x1450] =	vst v3;
	v3 =	vadd.f32 v60, v59  }
0x332: {  	[tilespmem:s0+$0x1460] =	vst v62  }
0x333: {  	[tilespmem:s0+$0x1470] =	vst v3  }
0x334: {  	s29 =	sadd.s32 $0x1, s29;
	_ =	swait.ge [sflag:s26], $0x6000  }
0x335: {  	p0 =	sne.s32 s29, s12;
	[sflag:s26] =	ssyncset.done $0x0  }
.Ltmp2:
0x336: {  	[sflag:s26] =	ssyncadd.s32 $0xFFFFA000;
	(pc) =	sbr.rel @p0 .LBB2_1-.Ltmp2, $4  }
0x337: {  	[hbm4b:s11+s2] =	stream.linear.scatter [tilespmem:s20], [sflag:$0x3], $0x6000, $0x38;
	[tilespmem:$0x1C100] =	vst v63  }
0x338: {  	_ =	swait.ge [sflag:s14], $0x6000  }
0x339: {  	[sflag:s14] =	ssyncset.done $0x0  }
0x33a: {  	[sflag:s14] =	ssyncadd.s32 $0xFFFFA000  }
0x33b: {  	_ =	sfence.sel $0x180000  }
0x33c: {  	[bflag:$0x0] =	sbarrier.arrive $0xFFFF  }
0x33d: {  	_ =	strace $0x9000004A  }
0x33e: {  	s0 =	stileid.u32;
	[bflag:$0x2] =	sbarrier.arrive $0xFFFF  }
0x33f: {  	p0 =	sne.s32 s0, $0x0;
	s0 =	rddreg [dreg:$0x2]  }
0x340: {  	s0 =	sadd.s32 @!p0 $0x100000, s0  }
0x341: {  	[sflag:s0] =	ssyncadd.tile.s32 @!p0 $0x1;
	_ =	shalt  }
.Lfunc_end2:
_tile_overlayer_lowered:
.L_overlay_start_2:
0x342: {  	(tag) =	ssettag $0x2  }
0x343: {  	s0 =	rddreg [dreg:$0x0];
	s2 =	stileid.u32  }
0x344: {  	s1 =	rddreg [dreg:$0x1];
	p0 =	sne.s32 s2, $0x0  }
0x345: {  	s3 =	rddreg [dreg:$0x2];
	[bflag:$0x3] =	sbarrier.arrive $0xFFFF;
	s2 =	simm.s32 @!p0 $0x1C03  }
0x346: {  	[timem:s3], [sflag:s2] =	dma.local @!p0 [hbm:s0], s1  }
0x347: {  	s0 =	simm.s32 @!p0 $0x3  }
0x348: {  	_ =	swait.ge @!p0 [sflag:s0], s1  }
0x349: {  	s1 =	ssub.s32 @!p0 $0x0, s1;
	[sflag:s0] =	ssyncset.done @!p0 $0x0  }
0x34a: {  	[sflag:s0] =	ssyncadd.s32 @!p0 s1  }
0x34b: {  	[bflag:$0x3] =	sbarrier.arrive $0xFFFF  }
0x34c: {  	_ =	shalt  }

</sc_bundles>
